<compile_context>
chip_gen: v7x
topology: tpu7x:2x2x1
jax: 0.10.2.dev20260603
libtpu: 0.0.44.dev20260713+nightly
codegen_flags: <defaults>
</compile_context>

<pallas_src>
import functools

import jax
import jax.numpy as jnp
from jax import lax
from jax.experimental import pallas as pl
from jax.experimental.pallas import tpu as pltpu
from jax.experimental.pallas import tpu_sc as plsc

N, H, W, C = 2048, 32, 32, 16
NUM_WORKERS = 32
IMGS_PER_WORKER = N // NUM_WORKERS
IMG_WORDS = H * W * C


def _body(
    x_hbm,
    crd_hbm,
    out_hbm,
    img0,
    img1,
    out0,
    out1,
    crd_v,
    tabi_s,
    tabf_s,
    sin0,
    sin1,
    sout0,
    sout1,
):
    wid = lax.axis_index("s") * 2 + lax.axis_index("c")
    base = wid * IMGS_PER_WORKER

    imgs = (img0, img1)
    outs = (out0, out1)
    sins = (sin0, sin1)
    souts = (sout0, sout1)

    pltpu.sync_copy(crd_hbm.at[pl.ds(base * 64, IMGS_PER_WORKER * 64)], crd_v)
    pltpu.async_copy(x_hbm.at[base], img0, sin0)
    pltpu.async_copy(x_hbm.at[base + 1], img1, sin1)

    def pair_body(p, carry):
        for half in range(2):
            k = 2 * p + half
            n = base + k
            img_v = imgs[half]
            out_v = outs[half]
            sin = sins[half]
            sout = souts[half]

            pltpu.make_async_copy(x_hbm.at[n], img_v, sin).wait()

            @pl.when(p > 0)
            def _():
                pltpu.make_async_copy(out_v, out_hbm.at[n - 2], sout).wait()

            for axis in range(2):
                for ck in range(2):
                    v = crd_v[pl.ds(k * 64 + 32 * axis + 16 * ck, 16)]
                    Xc = (v + 1.0) * 16.0
                    ti = Xc.astype(jnp.int32)
                    x0 = jnp.where(ti.astype(jnp.float32) > Xc, ti - 1, ti)
                    x0c = jnp.clip(x0, 0, 31)
                    x1c = jnp.clip(x0 + 1, 0, 31)
                    w0 = x1c.astype(jnp.float32) - Xc
                    w1 = Xc - x0c.astype(jnp.float32)
                    if axis == 0:
                        x0c = x0c * C
                        x1c = x1c * C
                    else:
                        x0c = x0c * (W * C)
                        x1c = x1c * (W * C)
                    r0, r1 = (0, 1) if axis == 0 else (2, 3)
                    for lane in range(16):
                        col = 16 * ck + lane
                        tabi_s[r0, col] = x0c[lane]
                        tabi_s[r1, col] = x1c[lane]
                        tabf_s[r0, col] = w0[lane]
                        tabf_s[r1, col] = w1[lane]

            def row_body(i, rcarry):
                y0r = tabi_s[2, i]
                y1r = tabi_s[3, i]
                wy0 = tabf_s[2, i]
                wy1 = tabf_s[3, i]
                rowbase = i * (W * C)

                @plsc.parallel_loop(0, W, unroll=8)
                def col_body(j):
                    x0 = tabi_s[0, j]
                    x1 = tabi_s[1, j]
                    wx0 = tabf_s[0, j]
                    wx1 = tabf_s[1, j]
                    a = img_v[pl.ds(y0r + x0, C)]
                    b = img_v[pl.ds(y1r + x0, C)]
                    c = img_v[pl.ds(y0r + x1, C)]
                    d = img_v[pl.ds(y1r + x1, C)]
                    out_v[pl.ds(rowbase + j * C, C)] = wy0 * (
                        wx0 * a + wx1 * c
                    ) + wy1 * (wx0 * b + wx1 * d)

                return rcarry

            lax.fori_loop(0, H, row_body, 0, unroll=2)

            pltpu.async_copy(out_v, out_hbm.at[n], sout)

            @pl.when(p < IMGS_PER_WORKER // 2 - 1)
            def _():
                pltpu.async_copy(x_hbm.at[n + 2], img_v, sin)

        return carry

    lax.fori_loop(0, IMGS_PER_WORKER // 2, pair_body, 0)

    last = base + IMGS_PER_WORKER - 2
    pltpu.make_async_copy(out0, out_hbm.at[last], sout0).wait()
    pltpu.make_async_copy(out1, out_hbm.at[last + 1], sout1).wait()


@jax.jit
def kernel(X, theta):
    x2 = X.reshape(N, IMG_WORDS)

    t0, t1, t2 = theta[:, 0], theta[:, 1], theta[:, 2]
    zr = jnp.zeros_like(t0)
    Ts = jnp.stack(
        [jnp.stack([t0, zr, t1], -1), jnp.stack([zr, t0, t2], -1)], -2
    )
    Xt, Yt = jnp.meshgrid(jnp.linspace(-1, 1, W), jnp.linspace(-1, 1, H))
    Gt = jnp.vstack([Xt.flatten(), Yt.flatten(), jnp.ones(Xt.size)])
    Gs = jax.vmap(lambda A: A @ Gt)(Ts)
    xs = Gs[:, 0, :W]
    ys = Gs[:, 1, ::W]
    coords = jnp.concatenate([xs, ys], axis=1).reshape(N * 64)

    mesh = plsc.VectorSubcoreMesh(core_axis_name="c", subcore_axis_name="s")
    run = pl.kernel(
        _body,
        out_type=jax.ShapeDtypeStruct((N, IMG_WORDS), jnp.float32),
        mesh=mesh,
        scratch_types=[
            pltpu.VMEM((IMG_WORDS,), jnp.float32),
            pltpu.VMEM((IMG_WORDS,), jnp.float32),
            pltpu.VMEM((IMG_WORDS,), jnp.float32),
            pltpu.VMEM((IMG_WORDS,), jnp.float32),
            pltpu.VMEM((IMGS_PER_WORKER * 64,), jnp.float32),
            pltpu.SMEM((4, 32), jnp.int32),
            pltpu.SMEM((4, 32), jnp.float32),
            pltpu.SemaphoreType.DMA,
            pltpu.SemaphoreType.DMA,
            pltpu.SemaphoreType.DMA,
            pltpu.SemaphoreType.DMA,
        ],
    )
    out = run(x2, coords)
    return out.reshape(N, H, W, C)

# --- scband reference (transcript-rebuilt; emitter-appended) ---
"""Pipeline reference for scband-inducing-locations-spatial-transform-85323820303216 (READ-ONLY COPY).

The authoritative reference and input builder live on the scoring server;
editing this copy changes nothing except your own understanding.
"""

import jax, jax.numpy as jnp
import numpy as np

N, H, W, C = 2048, 32, 32, 16


def grid_sample(S, G):
    w, h, c = S.shape
    X, Y = G
    X = w * (X + 1) / 2
    Y = h * (Y + 1) / 2
    X0 = jnp.floor(X).astype(jnp.int32)
    Y0 = jnp.floor(Y).astype(jnp.int32)
    X1 = X0 + 1
    Y1 = Y0 + 1
    Xmax = w - 1
    Ymax = h - 1
    X0 = jnp.clip(X0, 0, Xmax)
    X1 = jnp.clip(X1, 0, Xmax)
    Y0 = jnp.clip(Y0, 0, Ymax)
    Y1 = jnp.clip(Y1, 0, Ymax)
    wa = (X1 - X) * (Y1 - Y)
    wb = (X1 - X) * (Y - Y0)
    wc = (X - X0) * (Y1 - Y)
    wd = (X - X0) * (Y - Y0)
    S_flat = S.reshape(h * w, c)
    Sa = S_flat[jnp.ravel_multi_index((Y0, X0), dims=(h, w), mode='wrap'), ...]
    Sb = S_flat[jnp.ravel_multi_index((Y1, X0), dims=(h, w), mode='wrap'), ...]
    Sc = S_flat[jnp.ravel_multi_index((Y0, X1), dims=(h, w), mode='wrap'), ...]
    Sd = S_flat[jnp.ravel_multi_index((Y1, X1), dims=(h, w), mode='wrap'), ...]
    T = wa[..., jnp.newaxis] * Sa + wb[..., jnp.newaxis] * Sb + wc[..., jnp.newaxis] * Sc + wd[..., jnp.newaxis] * Sd
    return T


def homogeneous_grid(height, width):
    Xt, Yt = jnp.meshgrid(jnp.linspace(-1, 1, width), jnp.linspace(-1, 1, height))
    ones = jnp.ones(Xt.size)
    grid = jnp.vstack([Xt.flatten(), Yt.flatten(), ones])
    return grid


def spatial_transform(A, S, Tsize):
    height, width = Tsize
    Gt = homogeneous_grid(height, width)
    Gs = A @ Gt
    Xs_flat = Gs[0, :]
    Ys_flat = Gs[1, :]
    Xs = Xs_flat.reshape(height, width)
    Ys = Ys_flat.reshape(height, width)
    T = grid_sample(S, (Xs, Ys))
    return T


def param_to_transform_one(t):
    # trans_type == '3': uniform scaling + translation
    T = jnp.zeros((2, 3), dtype=jnp.float32)
    ind = (jnp.array([0, 1, 0, 1]), jnp.array([0, 1, 2, 2]))
    T = T.at[ind].set(jnp.array([t[0], t[0], t[1], t[2]]))
    return T


def setup_inputs(seed: int = 0) -> dict:
    key = jax.random.key(seed)
    k1, k2 = jax.random.split(key)
    X = jax.random.normal(k1, (N, H, W, C), dtype=jnp.float32)
    base = jnp.tile(jnp.array([1.0, 0.0, 0.0], dtype=jnp.float32), (N, 1))
    theta = base + 0.1 * jax.random.normal(k2, (N, 3), dtype=jnp.float32)
    return {"X": X, "theta": theta}


def reference(X, theta):
    Ts = jax.vmap(param_to_transform_one)(theta)
    out = jax.vmap(spatial_transform, (0, 0, None), 0)(Ts, X, (H, W))
    return out

if __name__ == "__main__":
    import jax
    _d = setup_inputs()
    print(jax.jit(kernel)(*tuple(_d.values())))

</pallas_src>

<mosaic_0001>
#map = affine_map<(d0, d1) -> (0, 0)>
#map1 = affine_map<(d0, d1) -> (0)>
module attributes {stable_mosaic.version = 14 : i64} {
  func.func @_body(%arg0: i32, %arg1: i32, %arg2: memref<2048x16384xf32, #tpu.memory_space<hbm>>, %arg3: memref<131072xf32, #tpu.memory_space<hbm>>, %arg4: memref<2048x16384xf32, #tpu.memory_space<hbm>>, %arg5: memref<16384xf32, #tpu.memory_space<vmem>>, %arg6: memref<16384xf32, #tpu.memory_space<vmem>>, %arg7: memref<16384xf32, #tpu.memory_space<vmem>>, %arg8: memref<16384xf32, #tpu.memory_space<vmem>>, %arg9: memref<4096xf32, #tpu.memory_space<vmem>>, %arg10: memref<4x32xi32, #tpu.memory_space<smem>>, %arg11: memref<4x32xf32, #tpu.memory_space<smem>>, %arg12: memref<!tpu.dma_semaphore, #tpu.memory_space<semaphore_mem>>, %arg13: memref<!tpu.dma_semaphore, #tpu.memory_space<semaphore_mem>>, %arg14: memref<!tpu.dma_semaphore, #tpu.memory_space<semaphore_mem>>, %arg15: memref<!tpu.dma_semaphore, #tpu.memory_space<semaphore_mem>>) attributes {dimension_semantics = [#tpu.dimension_semantics<core_parallel>, #tpu.dimension_semantics<subcore_parallel>], iteration_bounds = array<i64: 2, 16>, scalar_prefetch = 0 : i64, scratch_operands = 11 : i64, tpu.core_type = #tpu.core_type<sc_vector_subcore>, window_params = [{transform_indices = #map}, {transform_indices = #map1}, {transform_indices = #map}]} {
    %mul3A = arith.constant 2 : i32
    %mul3A_0 = arith.muli %arg1, %mul3A : i32
    %add3A = arith.addi %mul3A_0, %arg0 : i32
    %mul3A_1 = arith.constant 64 : i32
    %mul3A_2 = arith.muli %add3A, %mul3A_1 : i32
    %mul3A_3 = arith.constant 64 : i32
    %mul3A_4 = arith.muli %mul3A_2, %mul3A_3 : i32
    "tpu.region"() ({
      %run_scoped3A = tpu.sem_alloc : memref<!tpu.dma_semaphore, #tpu.memory_space<semaphore_mem>>
      %dma_start3A_39 = tpu.memref_slice %arg3[%mul3A_4] : memref<131072xf32, #tpu.memory_space<hbm>> -> memref<4096xf32, #tpu.memory_space<hbm>>
      %dma_start3A_40 = tpu.memref_slice %arg3[%mul3A_4] : memref<131072xf32, #tpu.memory_space<hbm>> -> memref<4096xf32, #tpu.memory_space<hbm>>
      tpu.enqueue_dma source(%dma_start3A_40 : memref<4096xf32, #tpu.memory_space<hbm>>) target(%arg9 : memref<4096xf32, #tpu.memory_space<vmem>>) target_semaphore(%run_scoped3A : memref<!tpu.dma_semaphore, #tpu.memory_space<semaphore_mem>>)
      %dma_wait3A_41 = tpu.memref_slice %arg3[%mul3A_4] : memref<131072xf32, #tpu.memory_space<hbm>> -> memref<4096xf32, #tpu.memory_space<hbm>>
      %dma_wait3A_42 = tpu.memref_slice %arg3[%mul3A_4] : memref<131072xf32, #tpu.memory_space<hbm>> -> memref<4096xf32, #tpu.memory_space<hbm>>
      tpu.wait_dma2 semaphore(%run_scoped3A : memref<!tpu.dma_semaphore, #tpu.memory_space<semaphore_mem>>) src(%dma_wait3A_42 : memref<4096xf32, #tpu.memory_space<hbm>>) dst(%arg9 : memref<4096xf32, #tpu.memory_space<vmem>>)
      tpu.yield
    }) : () -> ()
    %dma_start3A = arith.constant 0 : i32
    %dma_start3A_5 = tpu.memref_slice %arg2[%mul3A_2, %dma_start3A] : memref<2048x16384xf32, #tpu.memory_space<hbm>> -> memref<1x16384xf32, #tpu.memory_space<hbm>>
    %dma_start3A_6 = tpu.memref_squeeze %dma_start3A_5 : memref<1x16384xf32, #tpu.memory_space<hbm>> -> memref<16384xf32, #tpu.memory_space<hbm>>
    %dma_start3A_7 = arith.constant 0 : i32
    %dma_start3A_8 = tpu.memref_slice %arg2[%mul3A_2, %dma_start3A_7] : memref<2048x16384xf32, #tpu.memory_space<hbm>> -> memref<1x16384xf32, #tpu.memory_space<hbm>>
    %dma_start3A_9 = tpu.memref_squeeze %dma_start3A_8 : memref<1x16384xf32, #tpu.memory_space<hbm>> -> memref<16384xf32, #tpu.memory_space<hbm>>
    tpu.enqueue_dma source(%dma_start3A_9 : memref<16384xf32, #tpu.memory_space<hbm>>) target(%arg5 : memref<16384xf32, #tpu.memory_space<vmem>>) target_semaphore(%arg12 : memref<!tpu.dma_semaphore, #tpu.memory_space<semaphore_mem>>)
    %add3A_10 = arith.constant 1 : i32
    %add3A_11 = arith.addi %mul3A_2, %add3A_10 : i32
    %dma_start3A_12 = arith.constant 0 : i32
    %dma_start3A_13 = tpu.memref_slice %arg2[%add3A_11, %dma_start3A_12] : memref<2048x16384xf32, #tpu.memory_space<hbm>> -> memref<1x16384xf32, #tpu.memory_space<hbm>>
    %dma_start3A_14 = tpu.memref_squeeze %dma_start3A_13 : memref<1x16384xf32, #tpu.memory_space<hbm>> -> memref<16384xf32, #tpu.memory_space<hbm>>
    %dma_start3A_15 = arith.constant 0 : i32
    %dma_start3A_16 = tpu.memref_slice %arg2[%add3A_11, %dma_start3A_15] : memref<2048x16384xf32, #tpu.memory_space<hbm>> -> memref<1x16384xf32, #tpu.memory_space<hbm>>
    %dma_start3A_17 = tpu.memref_squeeze %dma_start3A_16 : memref<1x16384xf32, #tpu.memory_space<hbm>> -> memref<16384xf32, #tpu.memory_space<hbm>>
    tpu.enqueue_dma source(%dma_start3A_17 : memref<16384xf32, #tpu.memory_space<hbm>>) target(%arg6 : memref<16384xf32, #tpu.memory_space<vmem>>) target_semaphore(%arg13 : memref<!tpu.dma_semaphore, #tpu.memory_space<semaphore_mem>>)
    %scan3A = arith.constant 0 : i32
    %scan3A_18 = arith.constant 0 : i32
    %scan3A_19 = arith.constant 32 : i32
    %scan3A_20 = arith.addi %scan3A_18, %scan3A_19 : i32
    %scan3A_21 = arith.constant 1 : i32
    scf.for %scan3A_39 = %scan3A_18 to %scan3A_20 step %scan3A_21  : i32 {
      %mul3A_40 = arith.constant 2 : i32
      %mul3A_41 = arith.muli %mul3A_40, %scan3A_39 : i32
      %add3A_42 = arith.constant 0 : i32
      %add3A_43 = arith.addi %mul3A_41, %add3A_42 : i32
      %add3A_44 = arith.addi %mul3A_2, %add3A_43 : i32
      %dma_wait3A_45 = arith.constant 0 : i32
      %dma_wait3A_46 = tpu.memref_slice %arg2[%add3A_44, %dma_wait3A_45] : memref<2048x16384xf32, #tpu.memory_space<hbm>> -> memref<1x16384xf32, #tpu.memory_space<hbm>>
      %dma_wait3A_47 = tpu.memref_squeeze %dma_wait3A_46 : memref<1x16384xf32, #tpu.memory_space<hbm>> -> memref<16384xf32, #tpu.memory_space<hbm>>
      %dma_wait3A_48 = arith.constant 0 : i32
      %dma_wait3A_49 = tpu.memref_slice %arg2[%add3A_44, %dma_wait3A_48] : memref<2048x16384xf32, #tpu.memory_space<hbm>> -> memref<1x16384xf32, #tpu.memory_space<hbm>>
      %dma_wait3A_50 = tpu.memref_squeeze %dma_wait3A_49 : memref<1x16384xf32, #tpu.memory_space<hbm>> -> memref<16384xf32, #tpu.memory_space<hbm>>
      tpu.wait_dma2 semaphore(%arg12 : memref<!tpu.dma_semaphore, #tpu.memory_space<semaphore_mem>>) src(%dma_wait3A_50 : memref<16384xf32, #tpu.memory_space<hbm>>) dst(%arg5 : memref<16384xf32, #tpu.memory_space<vmem>>)
      %gt3A = arith.constant 0 : i32
      %gt3A_51 = arith.cmpi sgt, %scan3A_39, %gt3A : i32
      %convert_element_type3A = arith.extui %gt3A_51 : i1 to i32
      %cond3A = arith.constant 0 : i32
      %cond3A_52 = arith.cmpi ne, %convert_element_type3A, %cond3A : i32
      scf.if %cond3A_52 {
        %sub3A_4054 = arith.constant 2 : i32
        %sub3A_4055 = arith.subi %add3A_44, %sub3A_4054 : i32
        %dma_wait3A_4056 = arith.constant 0 : i32
        %dma_wait3A_4057 = tpu.memref_slice %arg4[%sub3A_4055, %dma_wait3A_4056] : memref<2048x16384xf32, #tpu.memory_space<hbm>> -> memref<1x16384xf32, #tpu.memory_space<hbm>>
        %dma_wait3A_4058 = tpu.memref_squeeze %dma_wait3A_4057 : memref<1x16384xf32, #tpu.memory_space<hbm>> -> memref<16384xf32, #tpu.memory_space<hbm>>
        %dma_wait3A_4059 = arith.constant 0 : i32
        %dma_wait3A_4060 = tpu.memref_slice %arg4[%sub3A_4055, %dma_wait3A_4059] : memref<2048x16384xf32, #tpu.memory_space<hbm>> -> memref<1x16384xf32, #tpu.memory_space<hbm>>
        %dma_wait3A_4061 = tpu.memref_squeeze %dma_wait3A_4060 : memref<1x16384xf32, #tpu.memory_space<hbm>> -> memref<16384xf32, #tpu.memory_space<hbm>>
        tpu.wait_dma2 semaphore(%arg14 : memref<!tpu.dma_semaphore, #tpu.memory_space<semaphore_mem>>) src(%arg7 : memref<16384xf32, #tpu.memory_space<vmem>>) dst(%dma_wait3A_4061 : memref<16384xf32, #tpu.memory_space<hbm>>)
      } else {
      }
      %mul3A_53 = arith.constant 64 : i32
      %mul3A_54 = arith.muli %add3A_43, %mul3A_53 : i32
      %add3A_55 = arith.constant 0 : i32
      %add3A_56 = arith.addi %mul3A_54, %add3A_55 : i32
      %add3A_57 = arith.constant 0 : i32
      %add3A_58 = arith.addi %add3A_56, %add3A_57 : i32
      %get3A = arith.index_cast %add3A_58 : i32 to index
      %get3A_59 = tpu.vector_load %arg9[%get3A] {strides = array<i32>} : memref<4096xf32, #tpu.memory_space<vmem>>, vector<16xf32>,
      %get3A_60 = vector.shape_cast %get3A_59 : vector<16xf32> to vector<16xf32>
      %add3A_61 = arith.constant 1.000000e+00 : f32
      %add3A_62 = vector.broadcast %add3A_61 : f32 to vector<16xf32>
      %add3A_63 = arith.addf %get3A_60, %add3A_62 : vector<16xf32>
      %mul3A_64 = arith.constant 1.600000e+01 : f32
      %mul3A_65 = vector.broadcast %mul3A_64 : f32 to vector<16xf32>
      %mul3A_66 = arith.mulf %add3A_63, %mul3A_65 : vector<16xf32>
      %convert_element_type3A_67 = arith.fptosi %mul3A_66 : vector<16xf32> to vector<16xi32>
      %convert_element_type3A_68 = arith.sitofp %convert_element_type3A_67 : vector<16xi32> to vector<16xf32>
      %gt3A_69 = arith.cmpf ogt, %convert_element_type3A_68, %mul3A_66 : vector<16xf32>
      %sub3A_70 = arith.constant 1 : i32
      %sub3A_71 = vector.broadcast %sub3A_70 : i32 to vector<16xi32>
      %sub3A_72 = arith.subi %convert_element_type3A_67, %sub3A_71 : vector<16xi32>
      %select_n3A = arith.select %gt3A_69, %sub3A_72, %convert_element_type3A_67 : vector<16xi1>, vector<16xi32>
      %jit3A = arith.constant 0 : i32
      %jit3A_73 = arith.constant 31 : i32
      %max3A = vector.broadcast %jit3A : i32 to vector<16xi32>
      %max3A_74 = arith.maxsi %max3A, %select_n3A : vector<16xi32>
      %min3A = vector.broadcast %jit3A_73 : i32 to vector<16xi32>
      %min3A_75 = arith.minsi %min3A, %max3A_74 : vector<16xi32>
      %add3A_76 = arith.constant 1 : i32
      %add3A_77 = vector.broadcast %add3A_76 : i32 to vector<16xi32>
      %add3A_78 = arith.addi %select_n3A, %add3A_77 : vector<16xi32>
      %jit3A_79 = arith.constant 0 : i32
      %jit3A_80 = arith.constant 31 : i32
      %max3A_81 = vector.broadcast %jit3A_79 : i32 to vector<16xi32>
      %max3A_82 = arith.maxsi %max3A_81, %add3A_78 : vector<16xi32>
      %min3A_83 = vector.broadcast %jit3A_80 : i32 to vector<16xi32>
      %min3A_84 = arith.minsi %min3A_83, %max3A_82 : vector<16xi32>
      %convert_element_type3A_85 = arith.sitofp %min3A_84 : vector<16xi32> to vector<16xf32>
      %sub3A_86 = arith.subf %convert_element_type3A_85, %mul3A_66 : vector<16xf32>
      %convert_element_type3A_87 = arith.sitofp %min3A_75 : vector<16xi32> to vector<16xf32>
      %sub3A_88 = arith.subf %mul3A_66, %convert_element_type3A_87 : vector<16xf32>
      %mul3A_89 = arith.constant 16 : i32
      %mul3A_90 = vector.broadcast %mul3A_89 : i32 to vector<16xi32>
      %mul3A_91 = arith.muli %min3A_75, %mul3A_90 : vector<16xi32>
      %mul3A_92 = arith.constant 16 : i32
      %mul3A_93 = vector.broadcast %mul3A_92 : i32 to vector<16xi32>
      %mul3A_94 = arith.muli %min3A_84, %mul3A_93 : vector<16xi32>
      %slice3A = vector.extract_strided_slice %mul3A_91 {offsets = [0], sizes = [1], strides = [1]} : vector<16xi32> to vector<1xi32>
      %squeeze3A = vector.extract %slice3A[0] : i32 from vector<1xi32>
      %swap3A = arith.constant 0 : i32
      %swap3A_95 = arith.constant 0 : i32
      %swap3A_96 = arith.index_cast %swap3A : i32 to index
      %swap3A_97 = arith.index_cast %swap3A_95 : i32 to index
      %swap3A_98 = memref.load %arg10[%swap3A_96, %swap3A_97] : memref<4x32xi32, #tpu.memory_space<smem>>
      memref.store %squeeze3A, %arg10[%swap3A_96, %swap3A_97] : memref<4x32xi32, #tpu.memory_space<smem>>
      %slice3A_99 = vector.extract_strided_slice %mul3A_94 {offsets = [0], sizes = [1], strides = [1]} : vector<16xi32> to vector<1xi32>
      %squeeze3A_100 = vector.extract %slice3A_99[0] : i32 from vector<1xi32>
      %swap3A_101 = arith.constant 1 : i32
      %swap3A_102 = arith.constant 0 : i32
      %swap3A_103 = arith.index_cast %swap3A_101 : i32 to index
      %swap3A_104 = arith.index_cast %swap3A_102 : i32 to index
      %swap3A_105 = memref.load %arg10[%swap3A_103, %swap3A_104] : memref<4x32xi32, #tpu.memory_space<smem>>
      memref.store %squeeze3A_100, %arg10[%swap3A_103, %swap3A_104] : memref<4x32xi32, #tpu.memory_space<smem>>
      %slice3A_106 = vector.extract_strided_slice %sub3A_86 {offsets = [0], sizes = [1], strides = [1]} : vector<16xf32> to vector<1xf32>
      %squeeze3A_107 = vector.extract %slice3A_106[0] : f32 from vector<1xf32>
      %swap3A_108 = arith.constant 0 : i32
      %swap3A_109 = arith.constant 0 : i32
      %swap3A_110 = arith.index_cast %swap3A_108 : i32 to index
      %swap3A_111 = arith.index_cast %swap3A_109 : i32 to index
      %swap3A_112 = memref.load %arg11[%swap3A_110, %swap3A_111] : memref<4x32xf32, #tpu.memory_space<smem>>
      memref.store %squeeze3A_107, %arg11[%swap3A_110, %swap3A_111] : memref<4x32xf32, #tpu.memory_space<smem>>
      %slice3A_113 = vector.extract_strided_slice %sub3A_88 {offsets = [0], sizes = [1], strides = [1]} : vector<16xf32> to vector<1xf32>
      %squeeze3A_114 = vector.extract %slice3A_113[0] : f32 from vector<1xf32>
      %swap3A_115 = arith.constant 1 : i32
      %swap3A_116 = arith.constant 0 : i32
      %swap3A_117 = arith.index_cast %swap3A_115 : i32 to index
      %swap3A_118 = arith.index_cast %swap3A_116 : i32 to index
      %swap3A_119 = memref.load %arg11[%swap3A_117, %swap3A_118] : memref<4x32xf32, #tpu.memory_space<smem>>
      memref.store %squeeze3A_114, %arg11[%swap3A_117, %swap3A_118] : memref<4x32xf32, #tpu.memory_space<smem>>
      %slice3A_120 = vector.extract_strided_slice %mul3A_91 {offsets = [1], sizes = [1], strides = [1]} : vector<16xi32> to vector<1xi32>
      %squeeze3A_121 = vector.extract %slice3A_120[0] : i32 from vector<1xi32>
      %swap3A_122 = arith.constant 0 : i32
      %swap3A_123 = arith.constant 1 : i32
      %swap3A_124 = arith.index_cast %swap3A_122 : i32 to index
      %swap3A_125 = arith.index_cast %swap3A_123 : i32 to index
      %swap3A_126 = memref.load %arg10[%swap3A_124, %swap3A_125] : memref<4x32xi32, #tpu.memory_space<smem>>
      memref.store %squeeze3A_121, %arg10[%swap3A_124, %swap3A_125] : memref<4x32xi32, #tpu.memory_space<smem>>
      %slice3A_127 = vector.extract_strided_slice %mul3A_94 {offsets = [1], sizes = [1], strides = [1]} : vector<16xi32> to vector<1xi32>
      %squeeze3A_128 = vector.extract %slice3A_127[0] : i32 from vector<1xi32>
      %swap3A_129 = arith.constant 1 : i32
      %swap3A_130 = arith.constant 1 : i32
      %swap3A_131 = arith.index_cast %swap3A_129 : i32 to index
      %swap3A_132 = arith.index_cast %swap3A_130 : i32 to index
      %swap3A_133 = memref.load %arg10[%swap3A_131, %swap3A_132] : memref<4x32xi32, #tpu.memory_space<smem>>
      memref.store %squeeze3A_128, %arg10[%swap3A_131, %swap3A_132] : memref<4x32xi32, #tpu.memory_space<smem>>
      %slice3A_134 = vector.extract_strided_slice %sub3A_86 {offsets = [1], sizes = [1], strides = [1]} : vector<16xf32> to vector<1xf32>
      %squeeze3A_135 = vector.extract %slice3A_134[0] : f32 from vector<1xf32>
      %swap3A_136 = arith.constant 0 : i32
      %swap3A_137 = arith.constant 1 : i32
      %swap3A_138 = arith.index_cast %swap3A_136 : i32 to index
      %swap3A_139 = arith.index_cast %swap3A_137 : i32 to index
      %swap3A_140 = memref.load %arg11[%swap3A_138, %swap3A_139] : memref<4x32xf32, #tpu.memory_space<smem>>
      memref.store %squeeze3A_135, %arg11[%swap3A_138, %swap3A_139] : memref<4x32xf32, #tpu.memory_space<smem>>
      %slice3A_141 = vector.extract_strided_slice %sub3A_88 {offsets = [1], sizes = [1], strides = [1]} : vector<16xf32> to vector<1xf32>
      %squeeze3A_142 = vector.extract %slice3A_141[0] : f32 from vector<1xf32>
      %swap3A_143 = arith.constant 1 : i32
      %swap3A_144 = arith.constant 1 : i32
      %swap3A_145 = arith.index_cast %swap3A_143 : i32 to index
      %swap3A_146 = arith.index_cast %swap3A_144 : i32 to index
      %swap3A_147 = memref.load %arg11[%swap3A_145, %swap3A_146] : memref<4x32xf32, #tpu.memory_space<smem>>
      memref.store %squeeze3A_142, %arg11[%swap3A_145, %swap3A_146] : memref<4x32xf32, #tpu.memory_space<smem>>
      %slice3A_148 = vector.extract_strided_slice %mul3A_91 {offsets = [2], sizes = [1], strides = [1]} : vector<16xi32> to vector<1xi32>
      %squeeze3A_149 = vector.extract %slice3A_148[0] : i32 from vector<1xi32>
      %swap3A_150 = arith.constant 0 : i32
      %swap3A_151 = arith.constant 2 : i32
      %swap3A_152 = arith.index_cast %swap3A_150 : i32 to index
      %swap3A_153 = arith.index_cast %swap3A_151 : i32 to index
      %swap3A_154 = memref.load %arg10[%swap3A_152, %swap3A_153] : memref<4x32xi32, #tpu.memory_space<smem>>
      memref.store %squeeze3A_149, %arg10[%swap3A_152, %swap3A_153] : memref<4x32xi32, #tpu.memory_space<smem>>
      %slice3A_155 = vector.extract_strided_slice %mul3A_94 {offsets = [2], sizes = [1], strides = [1]} : vector<16xi32> to vector<1xi32>
      %squeeze3A_156 = vector.extract %slice3A_155[0] : i32 from vector<1xi32>
      %swap3A_157 = arith.constant 1 : i32
      %swap3A_158 = arith.constant 2 : i32
      %swap3A_159 = arith.index_cast %swap3A_157 : i32 to index
      %swap3A_160 = arith.index_cast %swap3A_158 : i32 to index
      %swap3A_161 = memref.load %arg10[%swap3A_159, %swap3A_160] : memref<4x32xi32, #tpu.memory_space<smem>>
      memref.store %squeeze3A_156, %arg10[%swap3A_159, %swap3A_160] : memref<4x32xi32, #tpu.memory_space<smem>>
      %slice3A_162 = vector.extract_strided_slice %sub3A_86 {offsets = [2], sizes = [1], strides = [1]} : vector<16xf32> to vector<1xf32>
      %squeeze3A_163 = vector.extract %slice3A_162[0] : f32 from vector<1xf32>
      %swap3A_164 = arith.constant 0 : i32
      %swap3A_165 = arith.constant 2 : i32
      %swap3A_166 = arith.index_cast %swap3A_164 : i32 to index
      %swap3A_167 = arith.index_cast %swap3A_165 : i32 to index
      %swap3A_168 = memref.load %arg11[%swap3A_166, %swap3A_167] : memref<4x32xf32, #tpu.memory_space<smem>>
      memref.store %squeeze3A_163, %arg11[%swap3A_166, %swap3A_167] : memref<4x32xf32, #tpu.memory_space<smem>>
      %slice3A_169 = vector.extract_strided_slice %sub3A_88 {offsets = [2], sizes = [1], strides = [1]} : vector<16xf32> to vector<1xf32>
      %squeeze3A_170 = vector.extract %slice3A_169[0] : f32 from vector<1xf32>
      %swap3A_171 = arith.constant 1 : i32
      %swap3A_172 = arith.constant 2 : i32
      %swap3A_173 = arith.index_cast %swap3A_171 : i32 to index
      %swap3A_174 = arith.index_cast %swap3A_172 : i32 to index
      %swap3A_175 = memref.load %arg11[%swap3A_173, %swap3A_174] : memref<4x32xf32, #tpu.memory_space<smem>>
      memref.store %squeeze3A_170, %arg11[%swap3A_173, %swap3A_174] : memref<4x32xf32, #tpu.memory_space<smem>>
      %slice3A_176 = vector.extract_strided_slice %mul3A_91 {offsets = [3], sizes = [1], strides = [1]} : vector<16xi32> to vector<1xi32>
      %squeeze3A_177 = vector.extract %slice3A_176[0] : i32 from vector<1xi32>
      %swap3A_178 = arith.constant 0 : i32
      %swap3A_179 = arith.constant 3 : i32
      %swap3A_180 = arith.index_cast %swap3A_178 : i32 to index
      %swap3A_181 = arith.index_cast %swap3A_179 : i32 to index
      %swap3A_182 = memref.load %arg10[%swap3A_180, %swap3A_181] : memref<4x32xi32, #tpu.memory_space<smem>>
      memref.store %squeeze3A_177, %arg10[%swap3A_180, %swap3A_181] : memref<4x32xi32, #tpu.memory_space<smem>>
      %slice3A_183 = vector.extract_strided_slice %mul3A_94 {offsets = [3], sizes = [1], strides = [1]} : vector<16xi32> to vector<1xi32>
      %squeeze3A_184 = vector.extract %slice3A_183[0] : i32 from vector<1xi32>
      %swap3A_185 = arith.constant 1 : i32
      %swap3A_186 = arith.constant 3 : i32
      %swap3A_187 = arith.index_cast %swap3A_185 : i32 to index
      %swap3A_188 = arith.index_cast %swap3A_186 : i32 to index
      %swap3A_189 = memref.load %arg10[%swap3A_187, %swap3A_188] : memref<4x32xi32, #tpu.memory_space<smem>>
      memref.store %squeeze3A_184, %arg10[%swap3A_187, %swap3A_188] : memref<4x32xi32, #tpu.memory_space<smem>>
      %slice3A_190 = vector.extract_strided_slice %sub3A_86 {offsets = [3], sizes = [1], strides = [1]} : vector<16xf32> to vector<1xf32>
      %squeeze3A_191 = vector.extract %slice3A_190[0] : f32 from vector<1xf32>
      %swap3A_192 = arith.constant 0 : i32
      %swap3A_193 = arith.constant 3 : i32
      %swap3A_194 = arith.index_cast %swap3A_192 : i32 to index
      %swap3A_195 = arith.index_cast %swap3A_193 : i32 to index
      %swap3A_196 = memref.load %arg11[%swap3A_194, %swap3A_195] : memref<4x32xf32, #tpu.memory_space<smem>>
      memref.store %squeeze3A_191, %arg11[%swap3A_194, %swap3A_195] : memref<4x32xf32, #tpu.memory_space<smem>>
      %slice3A_197 = vector.extract_strided_slice %sub3A_88 {offsets = [3], sizes = [1], strides = [1]} : vector<16xf32> to vector<1xf32>
      %squeeze3A_198 = vector.extract %slice3A_197[0] : f32 from vector<1xf32>
      %swap3A_199 = arith.constant 1 : i32
      %swap3A_200 = arith.constant 3 : i32
      %swap3A_201 = arith.index_cast %swap3A_199 : i32 to index
      %swap3A_202 = arith.index_cast %swap3A_200 : i32 to index
      %swap3A_203 = memref.load %arg11[%swap3A_201, %swap3A_202] : memref<4x32xf32, #tpu.memory_space<smem>>
      memref.store %squeeze3A_198, %arg11[%swap3A_201, %swap3A_202] : memref<4x32xf32, #tpu.memory_space<smem>>
      %slice3A_204 = vector.extract_strided_slice %mul3A_91 {offsets = [4], sizes = [1], strides = [1]} : vector<16xi32> to vector<1xi32>
      %squeeze3A_205 = vector.extract %slice3A_204[0] : i32 from vector<1xi32>
      %swap3A_206 = arith.constant 0 : i32
      %swap3A_207 = arith.constant 4 : i32
      %swap3A_208 = arith.index_cast %swap3A_206 : i32 to index
      %swap3A_209 = arith.index_cast %swap3A_207 : i32 to index
      %swap3A_210 = memref.load %arg10[%swap3A_208, %swap3A_209] : memref<4x32xi32, #tpu.memory_space<smem>>
      memref.store %squeeze3A_205, %arg10[%swap3A_208, %swap3A_209] : memref<4x32xi32, #tpu.memory_space<smem>>
      %slice3A_211 = vector.extract_strided_slice %mul3A_94 {offsets = [4], sizes = [1], strides = [1]} : vector<16xi32> to vector<1xi32>
      %squeeze3A_212 = vector.extract %slice3A_211[0] : i32 from vector<1xi32>
      %swap3A_213 = arith.constant 1 : i32
      %swap3A_214 = arith.constant 4 : i32
      %swap3A_215 = arith.index_cast %swap3A_213 : i32 to index
      %swap3A_216 = arith.index_cast %swap3A_214 : i32 to index
      %swap3A_217 = memref.load %arg10[%swap3A_215, %swap3A_216] : memref<4x32xi32, #tpu.memory_space<smem>>
      memref.store %squeeze3A_212, %arg10[%swap3A_215, %swap3A_216] : memref<4x32xi32, #tpu.memory_space<smem>>
      %slice3A_218 = vector.extract_strided_slice %sub3A_86 {offsets = [4], sizes = [1], strides = [1]} : vector<16xf32> to vector<1xf32>
      %squeeze3A_219 = vector.extract %slice3A_218[0] : f32 from vector<1xf32>
      %swap3A_220 = arith.constant 0 : i32
      %swap3A_221 = arith.constant 4 : i32
      %swap3A_222 = arith.index_cast %swap3A_220 : i32 to index
      %swap3A_223 = arith.index_cast %swap3A_221 : i32 to index
      %swap3A_224 = memref.load %arg11[%swap3A_222, %swap3A_223] : memref<4x32xf32, #tpu.memory_space<smem>>
      memref.store %squeeze3A_219, %arg11[%swap3A_222, %swap3A_223] : memref<4x32xf32, #tpu.memory_space<smem>>
      %slice3A_225 = vector.extract_strided_slice %sub3A_88 {offsets = [4], sizes = [1], strides = [1]} : vector<16xf32> to vector<1xf32>
      %squeeze3A_226 = vector.extract %slice3A_225[0] : f32 from vector<1xf32>
      %swap3A_227 = arith.constant 1 : i32
      %swap3A_228 = arith.constant 4 : i32
      %swap3A_229 = arith.index_cast %swap3A_227 : i32 to index
      %swap3A_230 = arith.index_cast %swap3A_228 : i32 to index
      %swap3A_231 = memref.load %arg11[%swap3A_229, %swap3A_230] : memref<4x32xf32, #tpu.memory_space<smem>>
      memref.store %squeeze3A_226, %arg11[%swap3A_229, %swap3A_230] : memref<4x32xf32, #tpu.memory_space<smem>>
      %slice3A_232 = vector.extract_strided_slice %mul3A_91 {offsets = [5], sizes = [1], strides = [1]} : vector<16xi32> to vector<1xi32>
      %squeeze3A_233 = vector.extract %slice3A_232[0] : i32 from vector<1xi32>
      %swap3A_234 = arith.constant 0 : i32
      %swap3A_235 = arith.constant 5 : i32
      %swap3A_236 = arith.index_cast %swap3A_234 : i32 to index
      %swap3A_237 = arith.index_cast %swap3A_235 : i32 to index
      %swap3A_238 = memref.load %arg10[%swap3A_236, %swap3A_237] : memref<4x32xi32, #tpu.memory_space<smem>>
      memref.store %squeeze3A_233, %arg10[%swap3A_236, %swap3A_237] : memref<4x32xi32, #tpu.memory_space<smem>>
      %slice3A_239 = vector.extract_strided_slice %mul3A_94 {offsets = [5], sizes = [1], strides = [1]} : vector<16xi32> to vector<1xi32>
      %squeeze3A_240 = vector.extract %slice3A_239[0] : i32 from vector<1xi32>
      %swap3A_241 = arith.constant 1 : i32
      %swap3A_242 = arith.constant 5 : i32
      %swap3A_243 = arith.index_cast %swap3A_241 : i32 to index
      %swap3A_244 = arith.index_cast %swap3A_242 : i32 to index
      %swap3A_245 = memref.load %arg10[%swap3A_243, %swap3A_244] : memref<4x32xi32, #tpu.memory_space<smem>>
      memref.store %squeeze3A_240, %arg10[%swap3A_243, %swap3A_244] : memref<4x32xi32, #tpu.memory_space<smem>>
      %slice3A_246 = vector.extract_strided_slice %sub3A_86 {offsets = [5], sizes = [1], strides = [1]} : vector<16xf32> to vector<1xf32>
      %squeeze3A_247 = vector.extract %slice3A_246[0] : f32 from vector<1xf32>
      %swap3A_248 = arith.constant 0 : i32
      %swap3A_249 = arith.constant 5 : i32
      %swap3A_250 = arith.index_cast %swap3A_248 : i32 to index
      %swap3A_251 = arith.index_cast %swap3A_249 : i32 to index
      %swap3A_252 = memref.load %arg11[%swap3A_250, %swap3A_251] : memref<4x32xf32, #tpu.memory_space<smem>>
      memref.store %squeeze3A_247, %arg11[%swap3A_250, %swap3A_251] : memref<4x32xf32, #tpu.memory_space<smem>>
      %slice3A_253 = vector.extract_strided_slice %sub3A_88 {offsets = [5], sizes = [1], strides = [1]} : vector<16xf32> to vector<1xf32>
      %squeeze3A_254 = vector.extract %slice3A_253[0] : f32 from vector<1xf32>
      %swap3A_255 = arith.constant 1 : i32
      %swap3A_256 = arith.constant 5 : i32
      %swap3A_257 = arith.index_cast %swap3A_255 : i32 to index
      %swap3A_258 = arith.index_cast %swap3A_256 : i32 to index
      %swap3A_259 = memref.load %arg11[%swap3A_257, %swap3A_258] : memref<4x32xf32, #tpu.memory_space<smem>>
      memref.store %squeeze3A_254, %arg11[%swap3A_257, %swap3A_258] : memref<4x32xf32, #tpu.memory_space<smem>>
      %slice3A_260 = vector.extract_strided_slice %mul3A_91 {offsets = [6], sizes = [1], strides = [1]} : vector<16xi32> to vector<1xi32>
      %squeeze3A_261 = vector.extract %slice3A_260[0] : i32 from vector<1xi32>
      %swap3A_262 = arith.constant 0 : i32
      %swap3A_263 = arith.constant 6 : i32
      %swap3A_264 = arith.index_cast %swap3A_262 : i32 to index
      %swap3A_265 = arith.index_cast %swap3A_263 : i32 to index
      %swap3A_266 = memref.load %arg10[%swap3A_264, %swap3A_265] : memref<4x32xi32, #tpu.memory_space<smem>>
      memref.store %squeeze3A_261, %arg10[%swap3A_264, %swap3A_265] : memref<4x32xi32, #tpu.memory_space<smem>>
      %slice3A_267 = vector.extract_strided_slice %mul3A_94 {offsets = [6], sizes = [1], strides = [1]} : vector<16xi32> to vector<1xi32>
      %squeeze3A_268 = vector.extract %slice3A_267[0] : i32 from vector<1xi32>
      %swap3A_269 = arith.constant 1 : i32
      %swap3A_270 = arith.constant 6 : i32
      %swap3A_271 = arith.index_cast %swap3A_269 : i32 to index
      %swap3A_272 = arith.index_cast %swap3A_270 : i32 to index
      %swap3A_273 = memref.load %arg10[%swap3A_271, %swap3A_272] : memref<4x32xi32, #tpu.memory_space<smem>>
      memref.store %squeeze3A_268, %arg10[%swap3A_271, %swap3A_272] : memref<4x32xi32, #tpu.memory_space<smem>>
      %slice3A_274 = vector.extract_strided_slice %sub3A_86 {offsets = [6], sizes = [1], strides = [1]} : vector<16xf32> to vector<1xf32>
      %squeeze3A_275 = vector.extract %slice3A_274[0] : f32 from vector<1xf32>
      %swap3A_276 = arith.constant 0 : i32
      %swap3A_277 = arith.constant 6 : i32
      %swap3A_278 = arith.index_cast %swap3A_276 : i32 to index
      %swap3A_279 = arith.index_cast %swap3A_277 : i32 to index
      %swap3A_280 = memref.load %arg11[%swap3A_278, %swap3A_279] : memref<4x32xf32, #tpu.memory_space<smem>>
      memref.store %squeeze3A_275, %arg11[%swap3A_278, %swap3A_279] : memref<4x32xf32, #tpu.memory_space<smem>>
      %slice3A_281 = vector.extract_strided_slice %sub3A_88 {offsets = [6], sizes = [1], strides = [1]} : vector<16xf32> to vector<1xf32>
      %squeeze3A_282 = vector.extract %slice3A_281[0] : f32 from vector<1xf32>
      %swap3A_283 = arith.constant 1 : i32
      %swap3A_284 = arith.constant 6 : i32
      %swap3A_285 = arith.index_cast %swap3A_283 : i32 to index
      %swap3A_286 = arith.index_cast %swap3A_284 : i32 to index
      %swap3A_287 = memref.load %arg11[%swap3A_285, %swap3A_286] : memref<4x32xf32, #tpu.memory_space<smem>>
      memref.store %squeeze3A_282, %arg11[%swap3A_285, %swap3A_286] : memref<4x32xf32, #tpu.memory_space<smem>>
      %slice3A_288 = vector.extract_strided_slice %mul3A_91 {offsets = [7], sizes = [1], strides = [1]} : vector<16xi32> to vector<1xi32>
      %squeeze3A_289 = vector.extract %slice3A_288[0] : i32 from vector<1xi32>
      %swap3A_290 = arith.constant 0 : i32
      %swap3A_291 = arith.constant 7 : i32
      %swap3A_292 = arith.index_cast %swap3A_290 : i32 to index
      %swap3A_293 = arith.index_cast %swap3A_291 : i32 to index
      %swap3A_294 = memref.load %arg10[%swap3A_292, %swap3A_293] : memref<4x32xi32, #tpu.memory_space<smem>>
      memref.store %squeeze3A_289, %arg10[%swap3A_292, %swap3A_293] : memref<4x32xi32, #tpu.memory_space<smem>>
      %slice3A_295 = vector.extract_strided_slice %mul3A_94 {offsets = [7], sizes = [1], strides = [1]} : vector<16xi32> to vector<1xi32>
      %squeeze3A_296 = vector.extract %slice3A_295[0] : i32 from vector<1xi32>
      %swap3A_297 = arith.constant 1 : i32
      %swap3A_298 = arith.constant 7 : i32
      %swap3A_299 = arith.index_cast %swap3A_297 : i32 to index
      %swap3A_300 = arith.index_cast %swap3A_298 : i32 to index
      %swap3A_301 = memref.load %arg10[%swap3A_299, %swap3A_300] : memref<4x32xi32, #tpu.memory_space<smem>>
      memref.store %squeeze3A_296, %arg10[%swap3A_299, %swap3A_300] : memref<4x32xi32, #tpu.memory_space<smem>>
      %slice3A_302 = vector.extract_strided_slice %sub3A_86 {offsets = [7], sizes = [1], strides = [1]} : vector<16xf32> to vector<1xf32>
      %squeeze3A_303 = vector.extract %slice3A_302[0] : f32 from vector<1xf32>
      %swap3A_304 = arith.constant 0 : i32
      %swap3A_305 = arith.constant 7 : i32
      %swap3A_306 = arith.index_cast %swap3A_304 : i32 to index
      %swap3A_307 = arith.index_cast %swap3A_305 : i32 to index
      %swap3A_308 = memref.load %arg11[%swap3A_306, %swap3A_307] : memref<4x32xf32, #tpu.memory_space<smem>>
      memref.store %squeeze3A_303, %arg11[%swap3A_306, %swap3A_307] : memref<4x32xf32, #tpu.memory_space<smem>>
      %slice3A_309 = vector.extract_strided_slice %sub3A_88 {offsets = [7], sizes = [1], strides = [1]} : vector<16xf32> to vector<1xf32>
      %squeeze3A_310 = vector.extract %slice3A_309[0] : f32 from vector<1xf32>
      %swap3A_311 = arith.constant 1 : i32
      %swap3A_312 = arith.constant 7 : i32
      %swap3A_313 = arith.index_cast %swap3A_311 : i32 to index
      %swap3A_314 = arith.index_cast %swap3A_312 : i32 to index
      %swap3A_315 = memref.load %arg11[%swap3A_313, %swap3A_314] : memref<4x32xf32, #tpu.memory_space<smem>>
      memref.store %squeeze3A_310, %arg11[%swap3A_313, %swap3A_314] : memref<4x32xf32, #tpu.memory_space<smem>>
      %slice3A_316 = vector.extract_strided_slice %mul3A_91 {offsets = [8], sizes = [1], strides = [1]} : vector<16xi32> to vector<1xi32>
      %squeeze3A_317 = vector.extract %slice3A_316[0] : i32 from vector<1xi32>
      %swap3A_318 = arith.constant 0 : i32
      %swap3A_319 = arith.constant 8 : i32
      %swap3A_320 = arith.index_cast %swap3A_318 : i32 to index
      %swap3A_321 = arith.index_cast %swap3A_319 : i32 to index
      %swap3A_322 = memref.load %arg10[%swap3A_320, %swap3A_321] : memref<4x32xi32, #tpu.memory_space<smem>>
      memref.store %squeeze3A_317, %arg10[%swap3A_320, %swap3A_321] : memref<4x32xi32, #tpu.memory_space<smem>>
      %slice3A_323 = vector.extract_strided_slice %mul3A_94 {offsets = [8], sizes = [1], strides = [1]} : vector<16xi32> to vector<1xi32>
      %squeeze3A_324 = vector.extract %slice3A_323[0] : i32 from vector<1xi32>
      %swap3A_325 = arith.constant 1 : i32
      %swap3A_326 = arith.constant 8 : i32
      %swap3A_327 = arith.index_cast %swap3A_325 : i32 to index
      %swap3A_328 = arith.index_cast %swap3A_326 : i32 to index
      %swap3A_329 = memref.load %arg10[%swap3A_327, %swap3A_328] : memref<4x32xi32, #tpu.memory_space<smem>>
      memref.store %squeeze3A_324, %arg10[%swap3A_327, %swap3A_328] : memref<4x32xi32, #tpu.memory_space<smem>>
      %slice3A_330 = vector.extract_strided_slice %sub3A_86 {offsets = [8], sizes = [1], strides = [1]} : vector<16xf32> to vector<1xf32>
      %squeeze3A_331 = vector.extract %slice3A_330[0] : f32 from vector<1xf32>
      %swap3A_332 = arith.constant 0 : i32
      %swap3A_333 = arith.constant 8 : i32
      %swap3A_334 = arith.index_cast %swap3A_332 : i32 to index
      %swap3A_335 = arith.index_cast %swap3A_333 : i32 to index
      %swap3A_336 = memref.load %arg11[%swap3A_334, %swap3A_335] : memref<4x32xf32, #tpu.memory_space<smem>>
      memref.store %squeeze3A_331, %arg11[%swap3A_334, %swap3A_335] : memref<4x32xf32, #tpu.memory_space<smem>>
      %slice3A_337 = vector.extract_strided_slice %sub3A_88 {offsets = [8], sizes = [1], strides = [1]} : vector<16xf32> to vector<1xf32>
      %squeeze3A_338 = vector.extract %slice3A_337[0] : f32 from vector<1xf32>
      %swap3A_339 = arith.constant 1 : i32
      %swap3A_340 = arith.constant 8 : i32
      %swap3A_341 = arith.index_cast %swap3A_339 : i32 to index
      %swap3A_342 = arith.index_cast %swap3A_340 : i32 to index
      %swap3A_343 = memref.load %arg11[%swap3A_341, %swap3A_342] : memref<4x32xf32, #tpu.memory_space<smem>>
      memref.store %squeeze3A_338, %arg11[%swap3A_341, %swap3A_342] : memref<4x32xf32, #tpu.memory_space<smem>>
      %slice3A_344 = vector.extract_strided_slice %mul3A_91 {offsets = [9], sizes = [1], strides = [1]} : vector<16xi32> to vector<1xi32>
      %squeeze3A_345 = vector.extract %slice3A_344[0] : i32 from vector<1xi32>
      %swap3A_346 = arith.constant 0 : i32
      %swap3A_347 = arith.constant 9 : i32
      %swap3A_348 = arith.index_cast %swap3A_346 : i32 to index
      %swap3A_349 = arith.index_cast %swap3A_347 : i32 to index
      %swap3A_350 = memref.load %arg10[%swap3A_348, %swap3A_349] : memref<4x32xi32, #tpu.memory_space<smem>>
      memref.store %squeeze3A_345, %arg10[%swap3A_348, %swap3A_349] : memref<4x32xi32, #tpu.memory_space<smem>>
      %slice3A_351 = vector.extract_strided_slice %mul3A_94 {offsets = [9], sizes = [1], strides = [1]} : vector<16xi32> to vector<1xi32>
      %squeeze3A_352 = vector.extract %slice3A_351[0] : i32 from vector<1xi32>
      %swap3A_353 = arith.constant 1 : i32
      %swap3A_354 = arith.constant 9 : i32
      %swap3A_355 = arith.index_cast %swap3A_353 : i32 to index
      %swap3A_356 = arith.index_cast %swap3A_354 : i32 to index
      %swap3A_357 = memref.load %arg10[%swap3A_355, %swap3A_356] : memref<4x32xi32, #tpu.memory_space<smem>>
      memref.store %squeeze3A_352, %arg10[%swap3A_355, %swap3A_356] : memref<4x32xi32, #tpu.memory_space<smem>>
      %slice3A_358 = vector.extract_strided_slice %sub3A_86 {offsets = [9], sizes = [1], strides = [1]} : vector<16xf32> to vector<1xf32>
      %squeeze3A_359 = vector.extract %slice3A_358[0] : f32 from vector<1xf32>
      %swap3A_360 = arith.constant 0 : i32
      %swap3A_361 = arith.constant 9 : i32
      %swap3A_362 = arith.index_cast %swap3A_360 : i32 to index
      %swap3A_363 = arith.index_cast %swap3A_361 : i32 to index
      %swap3A_364 = memref.load %arg11[%swap3A_362, %swap3A_363] : memref<4x32xf32, #tpu.memory_space<smem>>
      memref.store %squeeze3A_359, %arg11[%swap3A_362, %swap3A_363] : memref<4x32xf32, #tpu.memory_space<smem>>
      %slice3A_365 = vector.extract_strided_slice %sub3A_88 {offsets = [9], sizes = [1], strides = [1]} : vector<16xf32> to vector<1xf32>
      %squeeze3A_366 = vector.extract %slice3A_365[0] : f32 from vector<1xf32>
      %swap3A_367 = arith.constant 1 : i32
      %swap3A_368 = arith.constant 9 : i32
      %swap3A_369 = arith.index_cast %swap3A_367 : i32 to index
      %swap3A_370 = arith.index_cast %swap3A_368 : i32 to index
      %swap3A_371 = memref.load %arg11[%swap3A_369, %swap3A_370] : memref<4x32xf32, #tpu.memory_space<smem>>
      memref.store %squeeze3A_366, %arg11[%swap3A_369, %swap3A_370] : memref<4x32xf32, #tpu.memory_space<smem>>
      %slice3A_372 = vector.extract_strided_slice %mul3A_91 {offsets = [10], sizes = [1], strides = [1]} : vector<16xi32> to vector<1xi32>
      %squeeze3A_373 = vector.extract %slice3A_372[0] : i32 from vector<1xi32>
      %swap3A_374 = arith.constant 0 : i32
      %swap3A_375 = arith.constant 10 : i32
      %swap3A_376 = arith.index_cast %swap3A_374 : i32 to index
      %swap3A_377 = arith.index_cast %swap3A_375 : i32 to index
      %swap3A_378 = memref.load %arg10[%swap3A_376, %swap3A_377] : memref<4x32xi32, #tpu.memory_space<smem>>
      memref.store %squeeze3A_373, %arg10[%swap3A_376, %swap3A_377] : memref<4x32xi32, #tpu.memory_space<smem>>
      %slice3A_379 = vector.extract_strided_slice %mul3A_94 {offsets = [10], sizes = [1], strides = [1]} : vector<16xi32> to vector<1xi32>
      %squeeze3A_380 = vector.extract %slice3A_379[0] : i32 from vector<1xi32>
      %swap3A_381 = arith.constant 1 : i32
      %swap3A_382 = arith.constant 10 : i32
      %swap3A_383 = arith.index_cast %swap3A_381 : i32 to index
      %swap3A_384 = arith.index_cast %swap3A_382 : i32 to index
      %swap3A_385 = memref.load %arg10[%swap3A_383, %swap3A_384] : memref<4x32xi32, #tpu.memory_space<smem>>
      memref.store %squeeze3A_380, %arg10[%swap3A_383, %swap3A_384] : memref<4x32xi32, #tpu.memory_space<smem>>
      %slice3A_386 = vector.extract_strided_slice %sub3A_86 {offsets = [10], sizes = [1], strides = [1]} : vector<16xf32> to vector<1xf32>
      %squeeze3A_387 = vector.extract %slice3A_386[0] : f32 from vector<1xf32>
      %swap3A_388 = arith.constant 0 : i32
      %swap3A_389 = arith.constant 10 : i32
      %swap3A_390 = arith.index_cast %swap3A_388 : i32 to index
      %swap3A_391 = arith.index_cast %swap3A_389 : i32 to index
      %swap3A_392 = memref.load %arg11[%swap3A_390, %swap3A_391] : memref<4x32xf32, #tpu.memory_space<smem>>
      memref.store %squeeze3A_387, %arg11[%swap3A_390, %swap3A_391] : memref<4x32xf32, #tpu.memory_space<smem>>
      %slice3A_393 = vector.extract_strided_slice %sub3A_88 {offsets = [10], sizes = [1], strides = [1]} : vector<16xf32> to vector<1xf32>
      %squeeze3A_394 = vector.extract %slice3A_393[0] : f32 from vector<1xf32>
      %swap3A_395 = arith.constant 1 : i32
      %swap3A_396 = arith.constant 10 : i32
      %swap3A_397 = arith.index_cast %swap3A_395 : i32 to index
      %swap3A_398 = arith.index_cast %swap3A_396 : i32 to index
      %swap3A_399 = memref.load %arg11[%swap3A_397, %swap3A_398] : memref<4x32xf32, #tpu.memory_space<smem>>
      memref.store %squeeze3A_394, %arg11[%swap3A_397, %swap3A_398] : memref<4x32xf32, #tpu.memory_space<smem>>
      %slice3A_400 = vector.extract_strided_slice %mul3A_91 {offsets = [11], sizes = [1], strides = [1]} : vector<16xi32> to vector<1xi32>
      %squeeze3A_401 = vector.extract %slice3A_400[0] : i32 from vector<1xi32>
      %swap3A_402 = arith.constant 0 : i32
      %swap3A_403 = arith.constant 11 : i32
      %swap3A_404 = arith.index_cast %swap3A_402 : i32 to index
      %swap3A_405 = arith.index_cast %swap3A_403 : i32 to index
      %swap3A_406 = memref.load %arg10[%swap3A_404, %swap3A_405] : memref<4x32xi32, #tpu.memory_space<smem>>
      memref.store %squeeze3A_401, %arg10[%swap3A_404, %swap3A_405] : memref<4x32xi32, #tpu.memory_space<smem>>
      %slice3A_407 = vector.extract_strided_slice %mul3A_94 {offsets = [11], sizes = [1], strides = [1]} : vector<16xi32> to vector<1xi32>
      %squeeze3A_408 = vector.extract %slice3A_407[0] : i32 from vector<1xi32>
      %swap3A_409 = arith.constant 1 : i32
      %swap3A_410 = arith.constant 11 : i32
      %swap3A_411 = arith.index_cast %swap3A_409 : i32 to index
      %swap3A_412 = arith.index_cast %swap3A_410 : i32 to index
      %swap3A_413 = memref.load %arg10[%swap3A_411, %swap3A_412] : memref<4x32xi32, #tpu.memory_space<smem>>
      memref.store %squeeze3A_408, %arg10[%swap3A_411, %swap3A_412] : memref<4x32xi32, #tpu.memory_space<smem>>
      %slice3A_414 = vector.extract_strided_slice %sub3A_86 {offsets = [11], sizes = [1], strides = [1]} : vector<16xf32> to vector<1xf32>
      %squeeze3A_415 = vector.extract %slice3A_414[0] : f32 from vector<1xf32>
      %swap3A_416 = arith.constant 0 : i32
      %swap3A_417 = arith.constant 11 : i32
      %swap3A_418 = arith.index_cast %swap3A_416 : i32 to index
      %swap3A_419 = arith.index_cast %swap3A_417 : i32 to index
      %swap3A_420 = memref.load %arg11[%swap3A_418, %swap3A_419] : memref<4x32xf32, #tpu.memory_space<smem>>
      memref.store %squeeze3A_415, %arg11[%swap3A_418, %swap3A_419] : memref<4x32xf32, #tpu.memory_space<smem>>
      %slice3A_421 = vector.extract_strided_slice %sub3A_88 {offsets = [11], sizes = [1], strides = [1]} : vector<16xf32> to vector<1xf32>
      %squeeze3A_422 = vector.extract %slice3A_421[0] : f32 from vector<1xf32>
      %swap3A_423 = arith.constant 1 : i32
      %swap3A_424 = arith.constant 11 : i32
      %swap3A_425 = arith.index_cast %swap3A_423 : i32 to index
      %swap3A_426 = arith.index_cast %swap3A_424 : i32 to index
      %swap3A_427 = memref.load %arg11[%swap3A_425, %swap3A_426] : memref<4x32xf32, #tpu.memory_space<smem>>
      memref.store %squeeze3A_422, %arg11[%swap3A_425, %swap3A_426] : memref<4x32xf32, #tpu.memory_space<smem>>
      %slice3A_428 = vector.extract_strided_slice %mul3A_91 {offsets = [12], sizes = [1], strides = [1]} : vector<16xi32> to vector<1xi32>
      %squeeze3A_429 = vector.extract %slice3A_428[0] : i32 from vector<1xi32>
      %swap3A_430 = arith.constant 0 : i32
      %swap3A_431 = arith.constant 12 : i32
      %swap3A_432 = arith.index_cast %swap3A_430 : i32 to index
      %swap3A_433 = arith.index_cast %swap3A_431 : i32 to index
      %swap3A_434 = memref.load %arg10[%swap3A_432, %swap3A_433] : memref<4x32xi32, #tpu.memory_space<smem>>
      memref.store %squeeze3A_429, %arg10[%swap3A_432, %swap3A_433] : memref<4x32xi32, #tpu.memory_space<smem>>
      %slice3A_435 = vector.extract_strided_slice %mul3A_94 {offsets = [12], sizes = [1], strides = [1]} : vector<16xi32> to vector<1xi32>
      %squeeze3A_436 = vector.extract %slice3A_435[0] : i32 from vector<1xi32>
      %swap3A_437 = arith.constant 1 : i32
      %swap3A_438 = arith.constant 12 : i32
      %swap3A_439 = arith.index_cast %swap3A_437 : i32 to index
      %swap3A_440 = arith.index_cast %swap3A_438 : i32 to index
      %swap3A_441 = memref.load %arg10[%swap3A_439, %swap3A_440] : memref<4x32xi32, #tpu.memory_space<smem>>
      memref.store %squeeze3A_436, %arg10[%swap3A_439, %swap3A_440] : memref<4x32xi32, #tpu.memory_space<smem>>
      %slice3A_442 = vector.extract_strided_slice %sub3A_86 {offsets = [12], sizes = [1], strides = [1]} : vector<16xf32> to vector<1xf32>
      %squeeze3A_443 = vector.extract %slice3A_442[0] : f32 from vector<1xf32>
      %swap3A_444 = arith.constant 0 : i32
      %swap3A_445 = arith.constant 12 : i32
      %swap3A_446 = arith.index_cast %swap3A_444 : i32 to index
      %swap3A_447 = arith.index_cast %swap3A_445 : i32 to index
      %swap3A_448 = memref.load %arg11[%swap3A_446, %swap3A_447] : memref<4x32xf32, #tpu.memory_space<smem>>
      memref.store %squeeze3A_443, %arg11[%swap3A_446, %swap3A_447] : memref<4x32xf32, #tpu.memory_space<smem>>
      %slice3A_449 = vector.extract_strided_slice %sub3A_88 {offsets = [12], sizes = [1], strides = [1]} : vector<16xf32> to vector<1xf32>
      %squeeze3A_450 = vector.extract %slice3A_449[0] : f32 from vector<1xf32>
      %swap3A_451 = arith.constant 1 : i32
      %swap3A_452 = arith.constant 12 : i32
      %swap3A_453 = arith.index_cast %swap3A_451 : i32 to index
      %swap3A_454 = arith.index_cast %swap3A_452 : i32 to index
      %swap3A_455 = memref.load %arg11[%swap3A_453, %swap3A_454] : memref<4x32xf32, #tpu.memory_space<smem>>
      memref.store %squeeze3A_450, %arg11[%swap3A_453, %swap3A_454] : memref<4x32xf32, #tpu.memory_space<smem>>
      %slice3A_456 = vector.extract_strided_slice %mul3A_91 {offsets = [13], sizes = [1], strides = [1]} : vector<16xi32> to vector<1xi32>
      %squeeze3A_457 = vector.extract %slice3A_456[0] : i32 from vector<1xi32>
      %swap3A_458 = arith.constant 0 : i32
      %swap3A_459 = arith.constant 13 : i32
      %swap3A_460 = arith.index_cast %swap3A_458 : i32 to index
      %swap3A_461 = arith.index_cast %swap3A_459 : i32 to index
      %swap3A_462 = memref.load %arg10[%swap3A_460, %swap3A_461] : memref<4x32xi32, #tpu.memory_space<smem>>
      memref.store %squeeze3A_457, %arg10[%swap3A_460, %swap3A_461] : memref<4x32xi32, #tpu.memory_space<smem>>
      %slice3A_463 = vector.extract_strided_slice %mul3A_94 {offsets = [13], sizes = [1], strides = [1]} : vector<16xi32> to vector<1xi32>
      %squeeze3A_464 = vector.extract %slice3A_463[0] : i32 from vector<1xi32>
      %swap3A_465 = arith.constant 1 : i32
      %swap3A_466 = arith.constant 13 : i32
      %swap3A_467 = arith.index_cast %swap3A_465 : i32 to index
      %swap3A_468 = arith.index_cast %swap3A_466 : i32 to index
      %swap3A_469 = memref.load %arg10[%swap3A_467, %swap3A_468] : memref<4x32xi32, #tpu.memory_space<smem>>
      memref.store %squeeze3A_464, %arg10[%swap3A_467, %swap3A_468] : memref<4x32xi32, #tpu.memory_space<smem>>
      %slice3A_470 = vector.extract_strided_slice %sub3A_86 {offsets = [13], sizes = [1], strides = [1]} : vector<16xf32> to vector<1xf32>
      %squeeze3A_471 = vector.extract %slice3A_470[0] : f32 from vector<1xf32>
      %swap3A_472 = arith.constant 0 : i32
      %swap3A_473 = arith.constant 13 : i32
      %swap3A_474 = arith.index_cast %swap3A_472 : i32 to index
      %swap3A_475 = arith.index_cast %swap3A_473 : i32 to index
      %swap3A_476 = memref.load %arg11[%swap3A_474, %swap3A_475] : memref<4x32xf32, #tpu.memory_space<smem>>
      memref.store %squeeze3A_471, %arg11[%swap3A_474, %swap3A_475] : memref<4x32xf32, #tpu.memory_space<smem>>
      %slice3A_477 = vector.extract_strided_slice %sub3A_88 {offsets = [13], sizes = [1], strides = [1]} : vector<16xf32> to vector<1xf32>
      %squeeze3A_478 = vector.extract %slice3A_477[0] : f32 from vector<1xf32>
      %swap3A_479 = arith.constant 1 : i32
      %swap3A_480 = arith.constant 13 : i32
      %swap3A_481 = arith.index_cast %swap3A_479 : i32 to index
      %swap3A_482 = arith.index_cast %swap3A_480 : i32 to index
      %swap3A_483 = memref.load %arg11[%swap3A_481, %swap3A_482] : memref<4x32xf32, #tpu.memory_space<smem>>
      memref.store %squeeze3A_478, %arg11[%swap3A_481, %swap3A_482] : memref<4x32xf32, #tpu.memory_space<smem>>
      %slice3A_484 = vector.extract_strided_slice %mul3A_91 {offsets = [14], sizes = [1], strides = [1]} : vector<16xi32> to vector<1xi32>
      %squeeze3A_485 = vector.extract %slice3A_484[0] : i32 from vector<1xi32>
      %swap3A_486 = arith.constant 0 : i32
      %swap3A_487 = arith.constant 14 : i32
      %swap3A_488 = arith.index_cast %swap3A_486 : i32 to index
      %swap3A_489 = arith.index_cast %swap3A_487 : i32 to index
      %swap3A_490 = memref.load %arg10[%swap3A_488, %swap3A_489] : memref<4x32xi32, #tpu.memory_space<smem>>
      memref.store %squeeze3A_485, %arg10[%swap3A_488, %swap3A_489] : memref<4x32xi32, #tpu.memory_space<smem>>
      %slice3A_491 = vector.extract_strided_slice %mul3A_94 {offsets = [14], sizes = [1], strides = [1]} : vector<16xi32> to vector<1xi32>
      %squeeze3A_492 = vector.extract %slice3A_491[0] : i32 from vector<1xi32>
      %swap3A_493 = arith.constant 1 : i32
      %swap3A_494 = arith.constant 14 : i32
      %swap3A_495 = arith.index_cast %swap3A_493 : i32 to index
      %swap3A_496 = arith.index_cast %swap3A_494 : i32 to index
      %swap3A_497 = memref.load %arg10[%swap3A_495, %swap3A_496] : memref<4x32xi32, #tpu.memory_space<smem>>
      memref.store %squeeze3A_492, %arg10[%swap3A_495, %swap3A_496] : memref<4x32xi32, #tpu.memory_space<smem>>
      %slice3A_498 = vector.extract_strided_slice %sub3A_86 {offsets = [14], sizes = [1], strides = [1]} : vector<16xf32> to vector<1xf32>
      %squeeze3A_499 = vector.extract %slice3A_498[0] : f32 from vector<1xf32>
      %swap3A_500 = arith.constant 0 : i32
      %swap3A_501 = arith.constant 14 : i32
      %swap3A_502 = arith.index_cast %swap3A_500 : i32 to index
      %swap3A_503 = arith.index_cast %swap3A_501 : i32 to index
      %swap3A_504 = memref.load %arg11[%swap3A_502, %swap3A_503] : memref<4x32xf32, #tpu.memory_space<smem>>
      memref.store %squeeze3A_499, %arg11[%swap3A_502, %swap3A_503] : memref<4x32xf32, #tpu.memory_space<smem>>
      %slice3A_505 = vector.extract_strided_slice %sub3A_88 {offsets = [14], sizes = [1], strides = [1]} : vector<16xf32> to vector<1xf32>
      %squeeze3A_506 = vector.extract %slice3A_505[0] : f32 from vector<1xf32>
      %swap3A_507 = arith.constant 1 : i32
      %swap3A_508 = arith.constant 14 : i32
      %swap3A_509 = arith.index_cast %swap3A_507 : i32 to index
      %swap3A_510 = arith.index_cast %swap3A_508 : i32 to index
      %swap3A_511 = memref.load %arg11[%swap3A_509, %swap3A_510] : memref<4x32xf32, #tpu.memory_space<smem>>
      memref.store %squeeze3A_506, %arg11[%swap3A_509, %swap3A_510] : memref<4x32xf32, #tpu.memory_space<smem>>
      %slice3A_512 = vector.extract_strided_slice %mul3A_91 {offsets = [15], sizes = [1], strides = [1]} : vector<16xi32> to vector<1xi32>
      %squeeze3A_513 = vector.extract %slice3A_512[0] : i32 from vector<1xi32>
      %swap3A_514 = arith.constant 0 : i32
      %swap3A_515 = arith.constant 15 : i32
      %swap3A_516 = arith.index_cast %swap3A_514 : i32 to index
      %swap3A_517 = arith.index_cast %swap3A_515 : i32 to index
      %swap3A_518 = memref.load %arg10[%swap3A_516, %swap3A_517] : memref<4x32xi32, #tpu.memory_space<smem>>
      memref.store %squeeze3A_513, %arg10[%swap3A_516, %swap3A_517] : memref<4x32xi32, #tpu.memory_space<smem>>
      %slice3A_519 = vector.extract_strided_slice %mul3A_94 {offsets = [15], sizes = [1], strides = [1]} : vector<16xi32> to vector<1xi32>
      %squeeze3A_520 = vector.extract %slice3A_519[0] : i32 from vector<1xi32>
      %swap3A_521 = arith.constant 1 : i32
      %swap3A_522 = arith.constant 15 : i32
      %swap3A_523 = arith.index_cast %swap3A_521 : i32 to index
      %swap3A_524 = arith.index_cast %swap3A_522 : i32 to index
      %swap3A_525 = memref.load %arg10[%swap3A_523, %swap3A_524] : memref<4x32xi32, #tpu.memory_space<smem>>
      memref.store %squeeze3A_520, %arg10[%swap3A_523, %swap3A_524] : memref<4x32xi32, #tpu.memory_space<smem>>
      %slice3A_526 = vector.extract_strided_slice %sub3A_86 {offsets = [15], sizes = [1], strides = [1]} : vector<16xf32> to vector<1xf32>
      %squeeze3A_527 = vector.extract %slice3A_526[0] : f32 from vector<1xf32>
      %swap3A_528 = arith.constant 0 : i32
      %swap3A_529 = arith.constant 15 : i32
      %swap3A_530 = arith.index_cast %swap3A_528 : i32 to index
      %swap3A_531 = arith.index_cast %swap3A_529 : i32 to index
      %swap3A_532 = memref.load %arg11[%swap3A_530, %swap3A_531] : memref<4x32xf32, #tpu.memory_space<smem>>
      memref.store %squeeze3A_527, %arg11[%swap3A_530, %swap3A_531] : memref<4x32xf32, #tpu.memory_space<smem>>
      %slice3A_533 = vector.extract_strided_slice %sub3A_88 {offsets = [15], sizes = [1], strides = [1]} : vector<16xf32> to vector<1xf32>
      %squeeze3A_534 = vector.extract %slice3A_533[0] : f32 from vector<1xf32>
      %swap3A_535 = arith.constant 1 : i32
      %swap3A_536 = arith.constant 15 : i32
      %swap3A_537 = arith.index_cast %swap3A_535 : i32 to index
      %swap3A_538 = arith.index_cast %swap3A_536 : i32 to index
      %swap3A_539 = memref.load %arg11[%swap3A_537, %swap3A_538] : memref<4x32xf32, #tpu.memory_space<smem>>
      memref.store %squeeze3A_534, %arg11[%swap3A_537, %swap3A_538] : memref<4x32xf32, #tpu.memory_space<smem>>
      %mul3A_540 = arith.constant 64 : i32
      %mul3A_541 = arith.muli %add3A_43, %mul3A_540 : i32
      %add3A_542 = arith.constant 0 : i32
      %add3A_543 = arith.addi %mul3A_541, %add3A_542 : i32
      %add3A_544 = arith.constant 16 : i32
      %add3A_545 = arith.addi %add3A_543, %add3A_544 : i32
      %get3A_546 = arith.index_cast %add3A_545 : i32 to index
      %get3A_547 = tpu.vector_load %arg9[%get3A_546] {strides = array<i32>} : memref<4096xf32, #tpu.memory_space<vmem>>, vector<16xf32>,
      %get3A_548 = vector.shape_cast %get3A_547 : vector<16xf32> to vector<16xf32>
      %add3A_549 = arith.constant 1.000000e+00 : f32
      %add3A_550 = vector.broadcast %add3A_549 : f32 to vector<16xf32>
      %add3A_551 = arith.addf %get3A_548, %add3A_550 : vector<16xf32>
      %mul3A_552 = arith.constant 1.600000e+01 : f32
      %mul3A_553 = vector.broadcast %mul3A_552 : f32 to vector<16xf32>
      %mul3A_554 = arith.mulf %add3A_551, %mul3A_553 : vector<16xf32>
      %convert_element_type3A_555 = arith.fptosi %mul3A_554 : vector<16xf32> to vector<16xi32>
      %convert_element_type3A_556 = arith.sitofp %convert_element_type3A_555 : vector<16xi32> to vector<16xf32>
      %gt3A_557 = arith.cmpf ogt, %convert_element_type3A_556, %mul3A_554 : vector<16xf32>
      %sub3A_558 = arith.constant 1 : i32
      %sub3A_559 = vector.broadcast %sub3A_558 : i32 to vector<16xi32>
      %sub3A_560 = arith.subi %convert_element_type3A_555, %sub3A_559 : vector<16xi32>
      %select_n3A_561 = arith.select %gt3A_557, %sub3A_560, %convert_element_type3A_555 : vector<16xi1>, vector<16xi32>
      %jit3A_562 = arith.constant 0 : i32
      %jit3A_563 = arith.constant 31 : i32
      %max3A_564 = vector.broadcast %jit3A_562 : i32 to vector<16xi32>
      %max3A_565 = arith.maxsi %max3A_564, %select_n3A_561 : vector<16xi32>
      %min3A_566 = vector.broadcast %jit3A_563 : i32 to vector<16xi32>
      %min3A_567 = arith.minsi %min3A_566, %max3A_565 : vector<16xi32>
      %add3A_568 = arith.constant 1 : i32
      %add3A_569 = vector.broadcast %add3A_568 : i32 to vector<16xi32>
      %add3A_570 = arith.addi %select_n3A_561, %add3A_569 : vector<16xi32>
      %jit3A_571 = arith.constant 0 : i32
      %jit3A_572 = arith.constant 31 : i32
      %max3A_573 = vector.broadcast %jit3A_571 : i32 to vector<16xi32>
      %max3A_574 = arith.maxsi %max3A_573, %add3A_570 : vector<16xi32>
      %min3A_575 = vector.broadcast %jit3A_572 : i32 to vector<16xi32>
      %min3A_576 = arith.minsi %min3A_575, %max3A_574 : vector<16xi32>
      %convert_element_type3A_577 = arith.sitofp %min3A_576 : vector<16xi32> to vector<16xf32>
      %sub3A_578 = arith.subf %convert_element_type3A_577, %mul3A_554 : vector<16xf32>
      %convert_element_type3A_579 = arith.sitofp %min3A_567 : vector<16xi32> to vector<16xf32>
      %sub3A_580 = arith.subf %mul3A_554, %convert_element_type3A_579 : vector<16xf32>
      %mul3A_581 = arith.constant 16 : i32
      %mul3A_582 = vector.broadcast %mul3A_581 : i32 to vector<16xi32>
      %mul3A_583 = arith.muli %min3A_567, %mul3A_582 : vector<16xi32>
      %mul3A_584 = arith.constant 16 : i32
      %mul3A_585 = vector.broadcast %mul3A_584 : i32 to vector<16xi32>
      %mul3A_586 = arith.muli %min3A_576, %mul3A_585 : vector<16xi32>
      %slice3A_587 = vector.extract_strided_slice %mul3A_583 {offsets = [0], sizes = [1], strides = [1]} : vector<16xi32> to vector<1xi32>
      %squeeze3A_588 = vector.extract %slice3A_587[0] : i32 from vector<1xi32>
      %swap3A_589 = arith.constant 0 : i32
      %swap3A_590 = arith.constant 16 : i32
      %swap3A_591 = arith.index_cast %swap3A_589 : i32 to index
      %swap3A_592 = arith.index_cast %swap3A_590 : i32 to index
      %swap3A_593 = memref.load %arg10[%swap3A_591, %swap3A_592] : memref<4x32xi32, #tpu.memory_space<smem>>
      memref.store %squeeze3A_588, %arg10[%swap3A_591, %swap3A_592] : memref<4x32xi32, #tpu.memory_space<smem>>
      %slice3A_594 = vector.extract_strided_slice %mul3A_586 {offsets = [0], sizes = [1], strides = [1]} : vector<16xi32> to vector<1xi32>
      %squeeze3A_595 = vector.extract %slice3A_594[0] : i32 from vector<1xi32>
      %swap3A_596 = arith.constant 1 : i32
      %swap3A_597 = arith.constant 16 : i32
      %swap3A_598 = arith.index_cast %swap3A_596 : i32 to index
      %swap3A_599 = arith.index_cast %swap3A_597 : i32 to index
      %swap3A_600 = memref.load %arg10[%swap3A_598, %swap3A_599] : memref<4x32xi32, #tpu.memory_space<smem>>
      memref.store %squeeze3A_595, %arg10[%swap3A_598, %swap3A_599] : memref<4x32xi32, #tpu.memory_space<smem>>
      %slice3A_601 = vector.extract_strided_slice %sub3A_578 {offsets = [0], sizes = [1], strides = [1]} : vector<16xf32> to vector<1xf32>
      %squeeze3A_602 = vector.extract %slice3A_601[0] : f32 from vector<1xf32>
      %swap3A_603 = arith.constant 0 : i32
      %swap3A_604 = arith.constant 16 : i32
      %swap3A_605 = arith.index_cast %swap3A_603 : i32 to index
      %swap3A_606 = arith.index_cast %swap3A_604 : i32 to index
      %swap3A_607 = memref.load %arg11[%swap3A_605, %swap3A_606] : memref<4x32xf32, #tpu.memory_space<smem>>
      memref.store %squeeze3A_602, %arg11[%swap3A_605, %swap3A_606] : memref<4x32xf32, #tpu.memory_space<smem>>
      %slice3A_608 = vector.extract_strided_slice %sub3A_580 {offsets = [0], sizes = [1], strides = [1]} : vector<16xf32> to vector<1xf32>
      %squeeze3A_609 = vector.extract %slice3A_608[0] : f32 from vector<1xf32>
      %swap3A_610 = arith.constant 1 : i32
      %swap3A_611 = arith.constant 16 : i32
      %swap3A_612 = arith.index_cast %swap3A_610 : i32 to index
      %swap3A_613 = arith.index_cast %swap3A_611 : i32 to index
      %swap3A_614 = memref.load %arg11[%swap3A_612, %swap3A_613] : memref<4x32xf32, #tpu.memory_space<smem>>
      memref.store %squeeze3A_609, %arg11[%swap3A_612, %swap3A_613] : memref<4x32xf32, #tpu.memory_space<smem>>
      %slice3A_615 = vector.extract_strided_slice %mul3A_583 {offsets = [1], sizes = [1], strides = [1]} : vector<16xi32> to vector<1xi32>
      %squeeze3A_616 = vector.extract %slice3A_615[0] : i32 from vector<1xi32>
      %swap3A_617 = arith.constant 0 : i32
      %swap3A_618 = arith.constant 17 : i32
      %swap3A_619 = arith.index_cast %swap3A_617 : i32 to index
      %swap3A_620 = arith.index_cast %swap3A_618 : i32 to index
      %swap3A_621 = memref.load %arg10[%swap3A_619, %swap3A_620] : memref<4x32xi32, #tpu.memory_space<smem>>
      memref.store %squeeze3A_616, %arg10[%swap3A_619, %swap3A_620] : memref<4x32xi32, #tpu.memory_space<smem>>
      %slice3A_622 = vector.extract_strided_slice %mul3A_586 {offsets = [1], sizes = [1], strides = [1]} : vector<16xi32> to vector<1xi32>
      %squeeze3A_623 = vector.extract %slice3A_622[0] : i32 from vector<1xi32>
      %swap3A_624 = arith.constant 1 : i32
      %swap3A_625 = arith.constant 17 : i32
      %swap3A_626 = arith.index_cast %swap3A_624 : i32 to index
      %swap3A_627 = arith.index_cast %swap3A_625 : i32 to index
      %swap3A_628 = memref.load %arg10[%swap3A_626, %swap3A_627] : memref<4x32xi32, #tpu.memory_space<smem>>
      memref.store %squeeze3A_623, %arg10[%swap3A_626, %swap3A_627] : memref<4x32xi32, #tpu.memory_space<smem>>
      %slice3A_629 = vector.extract_strided_slice %sub3A_578 {offsets = [1], sizes = [1], strides = [1]} : vector<16xf32> to vector<1xf32>
      %squeeze3A_630 = vector.extract %slice3A_629[0] : f32 from vector<1xf32>
      %swap3A_631 = arith.constant 0 : i32
      %swap3A_632 = arith.constant 17 : i32
      %swap3A_633 = arith.index_cast %swap3A_631 : i32 to index
      %swap3A_634 = arith.index_cast %swap3A_632 : i32 to index
      %swap3A_635 = memref.load %arg11[%swap3A_633, %swap3A_634] : memref<4x32xf32, #tpu.memory_space<smem>>
      memref.store %squeeze3A_630, %arg11[%swap3A_633, %swap3A_634] : memref<4x32xf32, #tpu.memory_space<smem>>
      %slice3A_636 = vector.extract_strided_slice %sub3A_580 {offsets = [1], sizes = [1], strides = [1]} : vector<16xf32> to vector<1xf32>
      %squeeze3A_637 = vector.extract %slice3A_636[0] : f32 from vector<1xf32>
      %swap3A_638 = arith.constant 1 : i32
      %swap3A_639 = arith.constant 17 : i32
      %swap3A_640 = arith.index_cast %swap3A_638 : i32 to index
      %swap3A_641 = arith.index_cast %swap3A_639 : i32 to index
      %swap3A_642 = memref.load %arg11[%swap3A_640, %swap3A_641] : memref<4x32xf32, #tpu.memory_space<smem>>
      memref.store %squeeze3A_637, %arg11[%swap3A_640, %swap3A_641] : memref<4x32xf32, #tpu.memory_space<smem>>
      %slice3A_643 = vector.extract_strided_slice %mul3A_583 {offsets = [2], sizes = [1], strides = [1]} : vector<16xi32> to vector<1xi32>
      %squeeze3A_644 = vector.extract %slice3A_643[0] : i32 from vector<1xi32>
      %swap3A_645 = arith.constant 0 : i32
      %swap3A_646 = arith.constant 18 : i32
      %swap3A_647 = arith.index_cast %swap3A_645 : i32 to index
      %swap3A_648 = arith.index_cast %swap3A_646 : i32 to index
      %swap3A_649 = memref.load %arg10[%swap3A_647, %swap3A_648] : memref<4x32xi32, #tpu.memory_space<smem>>
      memref.store %squeeze3A_644, %arg10[%swap3A_647, %swap3A_648] : memref<4x32xi32, #tpu.memory_space<smem>>
      %slice3A_650 = vector.extract_strided_slice %mul3A_586 {offsets = [2], sizes = [1], strides = [1]} : vector<16xi32> to vector<1xi32>
      %squeeze3A_651 = vector.extract %slice3A_650[0] : i32 from vector<1xi32>
      %swap3A_652 = arith.constant 1 : i32
      %swap3A_653 = arith.constant 18 : i32
      %swap3A_654 = arith.index_cast %swap3A_652 : i32 to index
      %swap3A_655 = arith.index_cast %swap3A_653 : i32 to index
      %swap3A_656 = memref.load %arg10[%swap3A_654, %swap3A_655] : memref<4x32xi32, #tpu.memory_space<smem>>
      memref.store %squeeze3A_651, %arg10[%swap3A_654, %swap3A_655] : memref<4x32xi32, #tpu.memory_space<smem>>
      %slice3A_657 = vector.extract_strided_slice %sub3A_578 {offsets = [2], sizes = [1], strides = [1]} : vector<16xf32> to vector<1xf32>
      %squeeze3A_658 = vector.extract %slice3A_657[0] : f32 from vector<1xf32>
      %swap3A_659 = arith.constant 0 : i32
      %swap3A_660 = arith.constant 18 : i32
      %swap3A_661 = arith.index_cast %swap3A_659 : i32 to index
      %swap3A_662 = arith.index_cast %swap3A_660 : i32 to index
      %swap3A_663 = memref.load %arg11[%swap3A_661, %swap3A_662] : memref<4x32xf32, #tpu.memory_space<smem>>
      memref.store %squeeze3A_658, %arg11[%swap3A_661, %swap3A_662] : memref<4x32xf32, #tpu.memory_space<smem>>
      %slice3A_664 = vector.extract_strided_slice %sub3A_580 {offsets = [2], sizes = [1], strides = [1]} : vector<16xf32> to vector<1xf32>
      %squeeze3A_665 = vector.extract %slice3A_664[0] : f32 from vector<1xf32>
      %swap3A_666 = arith.constant 1 : i32
      %swap3A_667 = arith.constant 18 : i32
      %swap3A_668 = arith.index_cast %swap3A_666 : i32 to index
      %swap3A_669 = arith.index_cast %swap3A_667 : i32 to index
      %swap3A_670 = memref.load %arg11[%swap3A_668, %swap3A_669] : memref<4x32xf32, #tpu.memory_space<smem>>
      memref.store %squeeze3A_665, %arg11[%swap3A_668, %swap3A_669] : memref<4x32xf32, #tpu.memory_space<smem>>
      %slice3A_671 = vector.extract_strided_slice %mul3A_583 {offsets = [3], sizes = [1], strides = [1]} : vector<16xi32> to vector<1xi32>
      %squeeze3A_672 = vector.extract %slice3A_671[0] : i32 from vector<1xi32>
      %swap3A_673 = arith.constant 0 : i32
      %swap3A_674 = arith.constant 19 : i32
      %swap3A_675 = arith.index_cast %swap3A_673 : i32 to index
      %swap3A_676 = arith.index_cast %swap3A_674 : i32 to index
      %swap3A_677 = memref.load %arg10[%swap3A_675, %swap3A_676] : memref<4x32xi32, #tpu.memory_space<smem>>
      memref.store %squeeze3A_672, %arg10[%swap3A_675, %swap3A_676] : memref<4x32xi32, #tpu.memory_space<smem>>
      %slice3A_678 = vector.extract_strided_slice %mul3A_586 {offsets = [3], sizes = [1], strides = [1]} : vector<16xi32> to vector<1xi32>
      %squeeze3A_679 = vector.extract %slice3A_678[0] : i32 from vector<1xi32>
      %swap3A_680 = arith.constant 1 : i32
      %swap3A_681 = arith.constant 19 : i32
      %swap3A_682 = arith.index_cast %swap3A_680 : i32 to index
      %swap3A_683 = arith.index_cast %swap3A_681 : i32 to index
      %swap3A_684 = memref.load %arg10[%swap3A_682, %swap3A_683] : memref<4x32xi32, #tpu.memory_space<smem>>
      memref.store %squeeze3A_679, %arg10[%swap3A_682, %swap3A_683] : memref<4x32xi32, #tpu.memory_space<smem>>
      %slice3A_685 = vector.extract_strided_slice %sub3A_578 {offsets = [3], sizes = [1], strides = [1]} : vector<16xf32> to vector<1xf32>
      %squeeze3A_686 = vector.extract %slice3A_685[0] : f32 from vector<1xf32>
      %swap3A_687 = arith.constant 0 : i32
      %swap3A_688 = arith.constant 19 : i32
      %swap3A_689 = arith.index_cast %swap3A_687 : i32 to index
      %swap3A_690 = arith.index_cast %swap3A_688 : i32 to index
      %swap3A_691 = memref.load %arg11[%swap3A_689, %swap3A_690] : memref<4x32xf32, #tpu.memory_space<smem>>
      memref.store %squeeze3A_686, %arg11[%swap3A_689, %swap3A_690] : memref<4x32xf32, #tpu.memory_space<smem>>
      %slice3A_692 = vector.extract_strided_slice %sub3A_580 {offsets = [3], sizes = [1], strides = [1]} : vector<16xf32> to vector<1xf32>
      %squeeze3A_693 = vector.extract %slice3A_692[0] : f32 from vector<1xf32>
      %swap3A_694 = arith.constant 1 : i32
      %swap3A_695 = arith.constant 19 : i32
      %swap3A_696 = arith.index_cast %swap3A_694 : i32 to index
      %swap3A_697 = arith.index_cast %swap3A_695 : i32 to index
      %swap3A_698 = memref.load %arg11[%swap3A_696, %swap3A_697] : memref<4x32xf32, #tpu.memory_space<smem>>
      memref.store %squeeze3A_693, %arg11[%swap3A_696, %swap3A_697] : memref<4x32xf32, #tpu.memory_space<smem>>
      %slice3A_699 = vector.extract_strided_slice %mul3A_583 {offsets = [4], sizes = [1], strides = [1]} : vector<16xi32> to vector<1xi32>
      %squeeze3A_700 = vector.extract %slice3A_699[0] : i32 from vector<1xi32>
      %swap3A_701 = arith.constant 0 : i32
      %swap3A_702 = arith.constant 20 : i32
      %swap3A_703 = arith.index_cast %swap3A_701 : i32 to index
      %swap3A_704 = arith.index_cast %swap3A_702 : i32 to index
      %swap3A_705 = memref.load %arg10[%swap3A_703, %swap3A_704] : memref<4x32xi32, #tpu.memory_space<smem>>
      memref.store %squeeze3A_700, %arg10[%swap3A_703, %swap3A_704] : memref<4x32xi32, #tpu.memory_space<smem>>
      %slice3A_706 = vector.extract_strided_slice %mul3A_586 {offsets = [4], sizes = [1], strides = [1]} : vector<16xi32> to vector<1xi32>
      %squeeze3A_707 = vector.extract %slice3A_706[0] : i32 from vector<1xi32>
      %swap3A_708 = arith.constant 1 : i32
      %swap3A_709 = arith.constant 20 : i32
      %swap3A_710 = arith.index_cast %swap3A_708 : i32 to index
      %swap3A_711 = arith.index_cast %swap3A_709 : i32 to index
      %swap3A_712 = memref.load %arg10[%swap3A_710, %swap3A_711] : memref<4x32xi32, #tpu.memory_space<smem>>
      memref.store %squeeze3A_707, %arg10[%swap3A_710, %swap3A_711] : memref<4x32xi32, #tpu.memory_space<smem>>
      %slice3A_713 = vector.extract_strided_slice %sub3A_578 {offsets = [4], sizes = [1], strides = [1]} : vector<16xf32> to vector<1xf32>
      %squeeze3A_714 = vector.extract %slice3A_713[0] : f32 from vector<1xf32>
      %swap3A_715 = arith.constant 0 : i32
      %swap3A_716 = arith.constant 20 : i32
      %swap3A_717 = arith.index_cast %swap3A_715 : i32 to index
      %swap3A_718 = arith.index_cast %swap3A_716 : i32 to index
      %swap3A_719 = memref.load %arg11[%swap3A_717, %swap3A_718] : memref<4x32xf32, #tpu.memory_space<smem>>
      memref.store %squeeze3A_714, %arg11[%swap3A_717, %swap3A_718] : memref<4x32xf32, #tpu.memory_space<smem>>
      %slice3A_720 = vector.extract_strided_slice %sub3A_580 {offsets = [4], sizes = [1], strides = [1]} : vector<16xf32> to vector<1xf32>
      %squeeze3A_721 = vector.extract %slice3A_720[0] : f32 from vector<1xf32>
      %swap3A_722 = arith.constant 1 : i32
      %swap3A_723 = arith.constant 20 : i32
      %swap3A_724 = arith.index_cast %swap3A_722 : i32 to index
      %swap3A_725 = arith.index_cast %swap3A_723 : i32 to index
      %swap3A_726 = memref.load %arg11[%swap3A_724, %swap3A_725] : memref<4x32xf32, #tpu.memory_space<smem>>
      memref.store %squeeze3A_721, %arg11[%swap3A_724, %swap3A_725] : memref<4x32xf32, #tpu.memory_space<smem>>
      %slice3A_727 = vector.extract_strided_slice %mul3A_583 {offsets = [5], sizes = [1], strides = [1]} : vector<16xi32> to vector<1xi32>
      %squeeze3A_728 = vector.extract %slice3A_727[0] : i32 from vector<1xi32>
      %swap3A_729 = arith.constant 0 : i32
      %swap3A_730 = arith.constant 21 : i32
      %swap3A_731 = arith.index_cast %swap3A_729 : i32 to index
      %swap3A_732 = arith.index_cast %swap3A_730 : i32 to index
      %swap3A_733 = memref.load %arg10[%swap3A_731, %swap3A_732] : memref<4x32xi32, #tpu.memory_space<smem>>
      memref.store %squeeze3A_728, %arg10[%swap3A_731, %swap3A_732] : memref<4x32xi32, #tpu.memory_space<smem>>
      %slice3A_734 = vector.extract_strided_slice %mul3A_586 {offsets = [5], sizes = [1], strides = [1]} : vector<16xi32> to vector<1xi32>
      %squeeze3A_735 = vector.extract %slice3A_734[0] : i32 from vector<1xi32>
      %swap3A_736 = arith.constant 1 : i32
      %swap3A_737 = arith.constant 21 : i32
      %swap3A_738 = arith.index_cast %swap3A_736 : i32 to index
      %swap3A_739 = arith.index_cast %swap3A_737 : i32 to index
      %swap3A_740 = memref.load %arg10[%swap3A_738, %swap3A_739] : memref<4x32xi32, #tpu.memory_space<smem>>
      memref.store %squeeze3A_735, %arg10[%swap3A_738, %swap3A_739] : memref<4x32xi32, #tpu.memory_space<smem>>
      %slice3A_741 = vector.extract_strided_slice %sub3A_578 {offsets = [5], sizes = [1], strides = [1]} : vector<16xf32> to vector<1xf32>
      %squeeze3A_742 = vector.extract %slice3A_741[0] : f32 from vector<1xf32>
      %swap3A_743 = arith.constant 0 : i32
      %swap3A_744 = arith.constant 21 : i32
      %swap3A_745 = arith.index_cast %swap3A_743 : i32 to index
      %swap3A_746 = arith.index_cast %swap3A_744 : i32 to index
      %swap3A_747 = memref.load %arg11[%swap3A_745, %swap3A_746] : memref<4x32xf32, #tpu.memory_space<smem>>
      memref.store %squeeze3A_742, %arg11[%swap3A_745, %swap3A_746] : memref<4x32xf32, #tpu.memory_space<smem>>
      %slice3A_748 = vector.extract_strided_slice %sub3A_580 {offsets = [5], sizes = [1], strides = [1]} : vector<16xf32> to vector<1xf32>
      %squeeze3A_749 = vector.extract %slice3A_748[0] : f32 from vector<1xf32>
      %swap3A_750 = arith.constant 1 : i32
      %swap3A_751 = arith.constant 21 : i32
      %swap3A_752 = arith.index_cast %swap3A_750 : i32 to index
      %swap3A_753 = arith.index_cast %swap3A_751 : i32 to index
      %swap3A_754 = memref.load %arg11[%swap3A_752, %swap3A_753] : memref<4x32xf32, #tpu.memory_space<smem>>
      memref.store %squeeze3A_749, %arg11[%swap3A_752, %swap3A_753] : memref<4x32xf32, #tpu.memory_space<smem>>
      %slice3A_755 = vector.extract_strided_slice %mul3A_583 {offsets = [6], sizes = [1], strides = [1]} : vector<16xi32> to vector<1xi32>
      %squeeze3A_756 = vector.extract %slice3A_755[0] : i32 from vector<1xi32>
      %swap3A_757 = arith.constant 0 : i32
      %swap3A_758 = arith.constant 22 : i32
      %swap3A_759 = arith.index_cast %swap3A_757 : i32 to index
      %swap3A_760 = arith.index_cast %swap3A_758 : i32 to index
      %swap3A_761 = memref.load %arg10[%swap3A_759, %swap3A_760] : memref<4x32xi32, #tpu.memory_space<smem>>
      memref.store %squeeze3A_756, %arg10[%swap3A_759, %swap3A_760] : memref<4x32xi32, #tpu.memory_space<smem>>
      %slice3A_762 = vector.extract_strided_slice %mul3A_586 {offsets = [6], sizes = [1], strides = [1]} : vector<16xi32> to vector<1xi32>
      %squeeze3A_763 = vector.extract %slice3A_762[0] : i32 from vector<1xi32>
      %swap3A_764 = arith.constant 1 : i32
      %swap3A_765 = arith.constant 22 : i32
      %swap3A_766 = arith.index_cast %swap3A_764 : i32 to index
      %swap3A_767 = arith.index_cast %swap3A_765 : i32 to index
      %swap3A_768 = memref.load %arg10[%swap3A_766, %swap3A_767] : memref<4x32xi32, #tpu.memory_space<smem>>
      memref.store %squeeze3A_763, %arg10[%swap3A_766, %swap3A_767] : memref<4x32xi32, #tpu.memory_space<smem>>
      %slice3A_769 = vector.extract_strided_slice %sub3A_578 {offsets = [6], sizes = [1], strides = [1]} : vector<16xf32> to vector<1xf32>
      %squeeze3A_770 = vector.extract %slice3A_769[0] : f32 from vector<1xf32>
      %swap3A_771 = arith.constant 0 : i32
      %swap3A_772 = arith.constant 22 : i32
      %swap3A_773 = arith.index_cast %swap3A_771 : i32 to index
      %swap3A_774 = arith.index_cast %swap3A_772 : i32 to index
      %swap3A_775 = memref.load %arg11[%swap3A_773, %swap3A_774] : memref<4x32xf32, #tpu.memory_space<smem>>
      memref.store %squeeze3A_770, %arg11[%swap3A_773, %swap3A_774] : memref<4x32xf32, #tpu.memory_space<smem>>
      %slice3A_776 = vector.extract_strided_slice %sub3A_580 {offsets = [6], sizes = [1], strides = [1]} : vector<16xf32> to vector<1xf32>
      %squeeze3A_777 = vector.extract %slice3A_776[0] : f32 from vector<1xf32>
      %swap3A_778 = arith.constant 1 : i32
      %swap3A_779 = arith.constant 22 : i32
      %swap3A_780 = arith.index_cast %swap3A_778 : i32 to index
      %swap3A_781 = arith.index_cast %swap3A_779 : i32 to index
      %swap3A_782 = memref.load %arg11[%swap3A_780, %swap3A_781] : memref<4x32xf32, #tpu.memory_space<smem>>
      memref.store %squeeze3A_777, %arg11[%swap3A_780, %swap3A_781] : memref<4x32xf32, #tpu.memory_space<smem>>
      %slice3A_783 = vector.extract_strided_slice %mul3A_583 {offsets = [7], sizes = [1], strides = [1]} : vector<16xi32> to vector<1xi32>
      %squeeze3A_784 = vector.extract %slice3A_783[0] : i32 from vector<1xi32>
      %swap3A_785 = arith.constant 0 : i32
      %swap3A_786 = arith.constant 23 : i32
      %swap3A_787 = arith.index_cast %swap3A_785 : i32 to index
      %swap3A_788 = arith.index_cast %swap3A_786 : i32 to index
      %swap3A_789 = memref.load %arg10[%swap3A_787, %swap3A_788] : memref<4x32xi32, #tpu.memory_space<smem>>
      memref.store %squeeze3A_784, %arg10[%swap3A_787, %swap3A_788] : memref<4x32xi32, #tpu.memory_space<smem>>
      %slice3A_790 = vector.extract_strided_slice %mul3A_586 {offsets = [7], sizes = [1], strides = [1]} : vector<16xi32> to vector<1xi32>
      %squeeze3A_791 = vector.extract %slice3A_790[0] : i32 from vector<1xi32>
      %swap3A_792 = arith.constant 1 : i32
      %swap3A_793 = arith.constant 23 : i32
      %swap3A_794 = arith.index_cast %swap3A_792 : i32 to index
      %swap3A_795 = arith.index_cast %swap3A_793 : i32 to index
      %swap3A_796 = memref.load %arg10[%swap3A_794, %swap3A_795] : memref<4x32xi32, #tpu.memory_space<smem>>
      memref.store %squeeze3A_791, %arg10[%swap3A_794, %swap3A_795] : memref<4x32xi32, #tpu.memory_space<smem>>
      %slice3A_797 = vector.extract_strided_slice %sub3A_578 {offsets = [7], sizes = [1], strides = [1]} : vector<16xf32> to vector<1xf32>
      %squeeze3A_798 = vector.extract %slice3A_797[0] : f32 from vector<1xf32>
      %swap3A_799 = arith.constant 0 : i32
      %swap3A_800 = arith.constant 23 : i32
      %swap3A_801 = arith.index_cast %swap3A_799 : i32 to index
      %swap3A_802 = arith.index_cast %swap3A_800 : i32 to index
      %swap3A_803 = memref.load %arg11[%swap3A_801, %swap3A_802] : memref<4x32xf32, #tpu.memory_space<smem>>
      memref.store %squeeze3A_798, %arg11[%swap3A_801, %swap3A_802] : memref<4x32xf32, #tpu.memory_space<smem>>
      %slice3A_804 = vector.extract_strided_slice %sub3A_580 {offsets = [7], sizes = [1], strides = [1]} : vector<16xf32> to vector<1xf32>
      %squeeze3A_805 = vector.extract %slice3A_804[0] : f32 from vector<1xf32>
      %swap3A_806 = arith.constant 1 : i32
      %swap3A_807 = arith.constant 23 : i32
      %swap3A_808 = arith.index_cast %swap3A_806 : i32 to index
      %swap3A_809 = arith.index_cast %swap3A_807 : i32 to index
      %swap3A_810 = memref.load %arg11[%swap3A_808, %swap3A_809] : memref<4x32xf32, #tpu.memory_space<smem>>
      memref.store %squeeze3A_805, %arg11[%swap3A_808, %swap3A_809] : memref<4x32xf32, #tpu.memory_space<smem>>
      %slice3A_811 = vector.extract_strided_slice %mul3A_583 {offsets = [8], sizes = [1], strides = [1]} : vector<16xi32> to vector<1xi32>
      %squeeze3A_812 = vector.extract %slice3A_811[0] : i32 from vector<1xi32>
      %swap3A_813 = arith.constant 0 : i32
      %swap3A_814 = arith.constant 24 : i32
      %swap3A_815 = arith.index_cast %swap3A_813 : i32 to index
      %swap3A_816 = arith.index_cast %swap3A_814 : i32 to index
      %swap3A_817 = memref.load %arg10[%swap3A_815, %swap3A_816] : memref<4x32xi32, #tpu.memory_space<smem>>
      memref.store %squeeze3A_812, %arg10[%swap3A_815, %swap3A_816] : memref<4x32xi32, #tpu.memory_space<smem>>
      %slice3A_818 = vector.extract_strided_slice %mul3A_586 {offsets = [8], sizes = [1], strides = [1]} : vector<16xi32> to vector<1xi32>
      %squeeze3A_819 = vector.extract %slice3A_818[0] : i32 from vector<1xi32>
      %swap3A_820 = arith.constant 1 : i32
      %swap3A_821 = arith.constant 24 : i32
      %swap3A_822 = arith.index_cast %swap3A_820 : i32 to index
      %swap3A_823 = arith.index_cast %swap3A_821 : i32 to index
      %swap3A_824 = memref.load %arg10[%swap3A_822, %swap3A_823] : memref<4x32xi32, #tpu.memory_space<smem>>
      memref.store %squeeze3A_819, %arg10[%swap3A_822, %swap3A_823] : memref<4x32xi32, #tpu.memory_space<smem>>
      %slice3A_825 = vector.extract_strided_slice %sub3A_578 {offsets = [8], sizes = [1], strides = [1]} : vector<16xf32> to vector<1xf32>
      %squeeze3A_826 = vector.extract %slice3A_825[0] : f32 from vector<1xf32>
      %swap3A_827 = arith.constant 0 : i32
      %swap3A_828 = arith.constant 24 : i32
      %swap3A_829 = arith.index_cast %swap3A_827 : i32 to index
      %swap3A_830 = arith.index_cast %swap3A_828 : i32 to index
      %swap3A_831 = memref.load %arg11[%swap3A_829, %swap3A_830] : memref<4x32xf32, #tpu.memory_space<smem>>
      memref.store %squeeze3A_826, %arg11[%swap3A_829, %swap3A_830] : memref<4x32xf32, #tpu.memory_space<smem>>
      %slice3A_832 = vector.extract_strided_slice %sub3A_580 {offsets = [8], sizes = [1], strides = [1]} : vector<16xf32> to vector<1xf32>
      %squeeze3A_833 = vector.extract %slice3A_832[0] : f32 from vector<1xf32>
      %swap3A_834 = arith.constant 1 : i32
      %swap3A_835 = arith.constant 24 : i32
      %swap3A_836 = arith.index_cast %swap3A_834 : i32 to index
      %swap3A_837 = arith.index_cast %swap3A_835 : i32 to index
      %swap3A_838 = memref.load %arg11[%swap3A_836, %swap3A_837] : memref<4x32xf32, #tpu.memory_space<smem>>
      memref.store %squeeze3A_833, %arg11[%swap3A_836, %swap3A_837] : memref<4x32xf32, #tpu.memory_space<smem>>
      %slice3A_839 = vector.extract_strided_slice %mul3A_583 {offsets = [9], sizes = [1], strides = [1]} : vector<16xi32> to vector<1xi32>
      %squeeze3A_840 = vector.extract %slice3A_839[0] : i32 from vector<1xi32>
      %swap3A_841 = arith.constant 0 : i32
      %swap3A_842 = arith.constant 25 : i32
      %swap3A_843 = arith.index_cast %swap3A_841 : i32 to index
      %swap3A_844 = arith.index_cast %swap3A_842 : i32 to index
      %swap3A_845 = memref.load %arg10[%swap3A_843, %swap3A_844] : memref<4x32xi32, #tpu.memory_space<smem>>
      memref.store %squeeze3A_840, %arg10[%swap3A_843, %swap3A_844] : memref<4x32xi32, #tpu.memory_space<smem>>
      %slice3A_846 = vector.extract_strided_slice %mul3A_586 {offsets = [9], sizes = [1], strides = [1]} : vector<16xi32> to vector<1xi32>
      %squeeze3A_847 = vector.extract %slice3A_846[0] : i32 from vector<1xi32>
      %swap3A_848 = arith.constant 1 : i32
      %swap3A_849 = arith.constant 25 : i32
      %swap3A_850 = arith.index_cast %swap3A_848 : i32 to index
      %swap3A_851 = arith.index_cast %swap3A_849 : i32 to index
      %swap3A_852 = memref.load %arg10[%swap3A_850, %swap3A_851] : memref<4x32xi32, #tpu.memory_space<smem>>
      memref.store %squeeze3A_847, %arg10[%swap3A_850, %swap3A_851] : memref<4x32xi32, #tpu.memory_space<smem>>
      %slice3A_853 = vector.extract_strided_slice %sub3A_578 {offsets = [9], sizes = [1], strides = [1]} : vector<16xf32> to vector<1xf32>
      %squeeze3A_854 = vector.extract %slice3A_853[0] : f32 from vector<1xf32>
      %swap3A_855 = arith.constant 0 : i32
      %swap3A_856 = arith.constant 25 : i32
      %swap3A_857 = arith.index_cast %swap3A_855 : i32 to index
      %swap3A_858 = arith.index_cast %swap3A_856 : i32 to index
      %swap3A_859 = memref.load %arg11[%swap3A_857, %swap3A_858] : memref<4x32xf32, #tpu.memory_space<smem>>
      memref.store %squeeze3A_854, %arg11[%swap3A_857, %swap3A_858] : memref<4x32xf32, #tpu.memory_space<smem>>
      %slice3A_860 = vector.extract_strided_slice %sub3A_580 {offsets = [9], sizes = [1], strides = [1]} : vector<16xf32> to vector<1xf32>
      %squeeze3A_861 = vector.extract %slice3A_860[0] : f32 from vector<1xf32>
      %swap3A_862 = arith.constant 1 : i32
      %swap3A_863 = arith.constant 25 : i32
      %swap3A_864 = arith.index_cast %swap3A_862 : i32 to index
      %swap3A_865 = arith.index_cast %swap3A_863 : i32 to index
      %swap3A_866 = memref.load %arg11[%swap3A_864, %swap3A_865] : memref<4x32xf32, #tpu.memory_space<smem>>
      memref.store %squeeze3A_861, %arg11[%swap3A_864, %swap3A_865] : memref<4x32xf32, #tpu.memory_space<smem>>
      %slice3A_867 = vector.extract_strided_slice %mul3A_583 {offsets = [10], sizes = [1], strides = [1]} : vector<16xi32> to vector<1xi32>
      %squeeze3A_868 = vector.extract %slice3A_867[0] : i32 from vector<1xi32>
      %swap3A_869 = arith.constant 0 : i32
      %swap3A_870 = arith.constant 26 : i32
      %swap3A_871 = arith.index_cast %swap3A_869 : i32 to index
      %swap3A_872 = arith.index_cast %swap3A_870 : i32 to index
      %swap3A_873 = memref.load %arg10[%swap3A_871, %swap3A_872] : memref<4x32xi32, #tpu.memory_space<smem>>
      memref.store %squeeze3A_868, %arg10[%swap3A_871, %swap3A_872] : memref<4x32xi32, #tpu.memory_space<smem>>
      %slice3A_874 = vector.extract_strided_slice %mul3A_586 {offsets = [10], sizes = [1], strides = [1]} : vector<16xi32> to vector<1xi32>
      %squeeze3A_875 = vector.extract %slice3A_874[0] : i32 from vector<1xi32>
      %swap3A_876 = arith.constant 1 : i32
      %swap3A_877 = arith.constant 26 : i32
      %swap3A_878 = arith.index_cast %swap3A_876 : i32 to index
      %swap3A_879 = arith.index_cast %swap3A_877 : i32 to index
      %swap3A_880 = memref.load %arg10[%swap3A_878, %swap3A_879] : memref<4x32xi32, #tpu.memory_space<smem>>
      memref.store %squeeze3A_875, %arg10[%swap3A_878, %swap3A_879] : memref<4x32xi32, #tpu.memory_space<smem>>
      %slice3A_881 = vector.extract_strided_slice %sub3A_578 {offsets = [10], sizes = [1], strides = [1]} : vector<16xf32> to vector<1xf32>
      %squeeze3A_882 = vector.extract %slice3A_881[0] : f32 from vector<1xf32>
      %swap3A_883 = arith.constant 0 : i32
      %swap3A_884 = arith.constant 26 : i32
      %swap3A_885 = arith.index_cast %swap3A_883 : i32 to index
      %swap3A_886 = arith.index_cast %swap3A_884 : i32 to index
      %swap3A_887 = memref.load %arg11[%swap3A_885, %swap3A_886] : memref<4x32xf32, #tpu.memory_space<smem>>
      memref.store %squeeze3A_882, %arg11[%swap3A_885, %swap3A_886] : memref<4x32xf32, #tpu.memory_space<smem>>
      %slice3A_888 = vector.extract_strided_slice %sub3A_580 {offsets = [10], sizes = [1], strides = [1]} : vector<16xf32> to vector<1xf32>
      %squeeze3A_889 = vector.extract %slice3A_888[0] : f32 from vector<1xf32>
      %swap3A_890 = arith.constant 1 : i32
      %swap3A_891 = arith.constant 26 : i32
      %swap3A_892 = arith.index_cast %swap3A_890 : i32 to index
      %swap3A_893 = arith.index_cast %swap3A_891 : i32 to index
      %swap3A_894 = memref.load %arg11[%swap3A_892, %swap3A_893] : memref<4x32xf32, #tpu.memory_space<smem>>
      memref.store %squeeze3A_889, %arg11[%swap3A_892, %swap3A_893] : memref<4x32xf32, #tpu.memory_space<smem>>
      %slice3A_895 = vector.extract_strided_slice %mul3A_583 {offsets = [11], sizes = [1], strides = [1]} : vector<16xi32> to vector<1xi32>
      %squeeze3A_896 = vector.extract %slice3A_895[0] : i32 from vector<1xi32>
      %swap3A_897 = arith.constant 0 : i32
      %swap3A_898 = arith.constant 27 : i32
      %swap3A_899 = arith.index_cast %swap3A_897 : i32 to index
      %swap3A_900 = arith.index_cast %swap3A_898 : i32 to index
      %swap3A_901 = memref.load %arg10[%swap3A_899, %swap3A_900] : memref<4x32xi32, #tpu.memory_space<smem>>
      memref.store %squeeze3A_896, %arg10[%swap3A_899, %swap3A_900] : memref<4x32xi32, #tpu.memory_space<smem>>
      %slice3A_902 = vector.extract_strided_slice %mul3A_586 {offsets = [11], sizes = [1], strides = [1]} : vector<16xi32> to vector<1xi32>
      %squeeze3A_903 = vector.extract %slice3A_902[0] : i32 from vector<1xi32>
      %swap3A_904 = arith.constant 1 : i32
      %swap3A_905 = arith.constant 27 : i32
      %swap3A_906 = arith.index_cast %swap3A_904 : i32 to index
      %swap3A_907 = arith.index_cast %swap3A_905 : i32 to index
      %swap3A_908 = memref.load %arg10[%swap3A_906, %swap3A_907] : memref<4x32xi32, #tpu.memory_space<smem>>
      memref.store %squeeze3A_903, %arg10[%swap3A_906, %swap3A_907] : memref<4x32xi32, #tpu.memory_space<smem>>
      %slice3A_909 = vector.extract_strided_slice %sub3A_578 {offsets = [11], sizes = [1], strides = [1]} : vector<16xf32> to vector<1xf32>
      %squeeze3A_910 = vector.extract %slice3A_909[0] : f32 from vector<1xf32>
      %swap3A_911 = arith.constant 0 : i32
      %swap3A_912 = arith.constant 27 : i32
      %swap3A_913 = arith.index_cast %swap3A_911 : i32 to index
      %swap3A_914 = arith.index_cast %swap3A_912 : i32 to index
      %swap3A_915 = memref.load %arg11[%swap3A_913, %swap3A_914] : memref<4x32xf32, #tpu.memory_space<smem>>
      memref.store %squeeze3A_910, %arg11[%swap3A_913, %swap3A_914] : memref<4x32xf32, #tpu.memory_space<smem>>
      %slice3A_916 = vector.extract_strided_slice %sub3A_580 {offsets = [11], sizes = [1], strides = [1]} : vector<16xf32> to vector<1xf32>
      %squeeze3A_917 = vector.extract %slice3A_916[0] : f32 from vector<1xf32>
      %swap3A_918 = arith.constant 1 : i32
      %swap3A_919 = arith.constant 27 : i32
      %swap3A_920 = arith.index_cast %swap3A_918 : i32 to index
      %swap3A_921 = arith.index_cast %swap3A_919 : i32 to index
      %swap3A_922 = memref.load %arg11[%swap3A_920, %swap3A_921] : memref<4x32xf32, #tpu.memory_space<smem>>
      memref.store %squeeze3A_917, %arg11[%swap3A_920, %swap3A_921] : memref<4x32xf32, #tpu.memory_space<smem>>
      %slice3A_923 = vector.extract_strided_slice %mul3A_583 {offsets = [12], sizes = [1], strides = [1]} : vector<16xi32> to vector<1xi32>
      %squeeze3A_924 = vector.extract %slice3A_923[0] : i32 from vector<1xi32>
      %swap3A_925 = arith.constant 0 : i32
      %swap3A_926 = arith.constant 28 : i32
      %swap3A_927 = arith.index_cast %swap3A_925 : i32 to index
      %swap3A_928 = arith.index_cast %swap3A_926 : i32 to index
      %swap3A_929 = memref.load %arg10[%swap3A_927, %swap3A_928] : memref<4x32xi32, #tpu.memory_space<smem>>
      memref.store %squeeze3A_924, %arg10[%swap3A_927, %swap3A_928] : memref<4x32xi32, #tpu.memory_space<smem>>
      %slice3A_930 = vector.extract_strided_slice %mul3A_586 {offsets = [12], sizes = [1], strides = [1]} : vector<16xi32> to vector<1xi32>
      %squeeze3A_931 = vector.extract %slice3A_930[0] : i32 from vector<1xi32>
      %swap3A_932 = arith.constant 1 : i32
      %swap3A_933 = arith.constant 28 : i32
      %swap3A_934 = arith.index_cast %swap3A_932 : i32 to index
      %swap3A_935 = arith.index_cast %swap3A_933 : i32 to index
      %swap3A_936 = memref.load %arg10[%swap3A_934, %swap3A_935] : memref<4x32xi32, #tpu.memory_space<smem>>
      memref.store %squeeze3A_931, %arg10[%swap3A_934, %swap3A_935] : memref<4x32xi32, #tpu.memory_space<smem>>
      %slice3A_937 = vector.extract_strided_slice %sub3A_578 {offsets = [12], sizes = [1], strides = [1]} : vector<16xf32> to vector<1xf32>
      %squeeze3A_938 = vector.extract %slice3A_937[0] : f32 from vector<1xf32>
      %swap3A_939 = arith.constant 0 : i32
      %swap3A_940 = arith.constant 28 : i32
      %swap3A_941 = arith.index_cast %swap3A_939 : i32 to index
      %swap3A_942 = arith.index_cast %swap3A_940 : i32 to index
      %swap3A_943 = memref.load %arg11[%swap3A_941, %swap3A_942] : memref<4x32xf32, #tpu.memory_space<smem>>
      memref.store %squeeze3A_938, %arg11[%swap3A_941, %swap3A_942] : memref<4x32xf32, #tpu.memory_space<smem>>
      %slice3A_944 = vector.extract_strided_slice %sub3A_580 {offsets = [12], sizes = [1], strides = [1]} : vector<16xf32> to vector<1xf32>
      %squeeze3A_945 = vector.extract %slice3A_944[0] : f32 from vector<1xf32>
      %swap3A_946 = arith.constant 1 : i32
      %swap3A_947 = arith.constant 28 : i32
      %swap3A_948 = arith.index_cast %swap3A_946 : i32 to index
      %swap3A_949 = arith.index_cast %swap3A_947 : i32 to index
      %swap3A_950 = memref.load %arg11[%swap3A_948, %swap3A_949] : memref<4x32xf32, #tpu.memory_space<smem>>
      memref.store %squeeze3A_945, %arg11[%swap3A_948, %swap3A_949] : memref<4x32xf32, #tpu.memory_space<smem>>
      %slice3A_951 = vector.extract_strided_slice %mul3A_583 {offsets = [13], sizes = [1], strides = [1]} : vector<16xi32> to vector<1xi32>
      %squeeze3A_952 = vector.extract %slice3A_951[0] : i32 from vector<1xi32>
      %swap3A_953 = arith.constant 0 : i32
      %swap3A_954 = arith.constant 29 : i32
      %swap3A_955 = arith.index_cast %swap3A_953 : i32 to index
      %swap3A_956 = arith.index_cast %swap3A_954 : i32 to index
      %swap3A_957 = memref.load %arg10[%swap3A_955, %swap3A_956] : memref<4x32xi32, #tpu.memory_space<smem>>
      memref.store %squeeze3A_952, %arg10[%swap3A_955, %swap3A_956] : memref<4x32xi32, #tpu.memory_space<smem>>
      %slice3A_958 = vector.extract_strided_slice %mul3A_586 {offsets = [13], sizes = [1], strides = [1]} : vector<16xi32> to vector<1xi32>
      %squeeze3A_959 = vector.extract %slice3A_958[0] : i32 from vector<1xi32>
      %swap3A_960 = arith.constant 1 : i32
      %swap3A_961 = arith.constant 29 : i32
      %swap3A_962 = arith.index_cast %swap3A_960 : i32 to index
      %swap3A_963 = arith.index_cast %swap3A_961 : i32 to index
      %swap3A_964 = memref.load %arg10[%swap3A_962, %swap3A_963] : memref<4x32xi32, #tpu.memory_space<smem>>
      memref.store %squeeze3A_959, %arg10[%swap3A_962, %swap3A_963] : memref<4x32xi32, #tpu.memory_space<smem>>
      %slice3A_965 = vector.extract_strided_slice %sub3A_578 {offsets = [13], sizes = [1], strides = [1]} : vector<16xf32> to vector<1xf32>
      %squeeze3A_966 = vector.extract %slice3A_965[0] : f32 from vector<1xf32>
      %swap3A_967 = arith.constant 0 : i32
      %swap3A_968 = arith.constant 29 : i32
      %swap3A_969 = arith.index_cast %swap3A_967 : i32 to index
      %swap3A_970 = arith.index_cast %swap3A_968 : i32 to index
      %swap3A_971 = memref.load %arg11[%swap3A_969, %swap3A_970] : memref<4x32xf32, #tpu.memory_space<smem>>
      memref.store %squeeze3A_966, %arg11[%swap3A_969, %swap3A_970] : memref<4x32xf32, #tpu.memory_space<smem>>
      %slice3A_972 = vector.extract_strided_slice %sub3A_580 {offsets = [13], sizes = [1], strides = [1]} : vector<16xf32> to vector<1xf32>
      %squeeze3A_973 = vector.extract %slice3A_972[0] : f32 from vector<1xf32>
      %swap3A_974 = arith.constant 1 : i32
      %swap3A_975 = arith.constant 29 : i32
      %swap3A_976 = arith.index_cast %swap3A_974 : i32 to index
      %swap3A_977 = arith.index_cast %swap3A_975 : i32 to index
      %swap3A_978 = memref.load %arg11[%swap3A_976, %swap3A_977] : memref<4x32xf32, #tpu.memory_space<smem>>
      memref.store %squeeze3A_973, %arg11[%swap3A_976, %swap3A_977] : memref<4x32xf32, #tpu.memory_space<smem>>
      %slice3A_979 = vector.extract_strided_slice %mul3A_583 {offsets = [14], sizes = [1], strides = [1]} : vector<16xi32> to vector<1xi32>
      %squeeze3A_980 = vector.extract %slice3A_979[0] : i32 from vector<1xi32>
      %swap3A_981 = arith.constant 0 : i32
      %swap3A_982 = arith.constant 30 : i32
      %swap3A_983 = arith.index_cast %swap3A_981 : i32 to index
      %swap3A_984 = arith.index_cast %swap3A_982 : i32 to index
      %swap3A_985 = memref.load %arg10[%swap3A_983, %swap3A_984] : memref<4x32xi32, #tpu.memory_space<smem>>
      memref.store %squeeze3A_980, %arg10[%swap3A_983, %swap3A_984] : memref<4x32xi32, #tpu.memory_space<smem>>
      %slice3A_986 = vector.extract_strided_slice %mul3A_586 {offsets = [14], sizes = [1], strides = [1]} : vector<16xi32> to vector<1xi32>
      %squeeze3A_987 = vector.extract %slice3A_986[0] : i32 from vector<1xi32>
      %swap3A_988 = arith.constant 1 : i32
      %swap3A_989 = arith.constant 30 : i32
      %swap3A_990 = arith.index_cast %swap3A_988 : i32 to index
      %swap3A_991 = arith.index_cast %swap3A_989 : i32 to index
      %swap3A_992 = memref.load %arg10[%swap3A_990, %swap3A_991] : memref<4x32xi32, #tpu.memory_space<smem>>
      memref.store %squeeze3A_987, %arg10[%swap3A_990, %swap3A_991] : memref<4x32xi32, #tpu.memory_space<smem>>
      %slice3A_993 = vector.extract_strided_slice %sub3A_578 {offsets = [14], sizes = [1], strides = [1]} : vector<16xf32> to vector<1xf32>
      %squeeze3A_994 = vector.extract %slice3A_993[0] : f32 from vector<1xf32>
      %swap3A_995 = arith.constant 0 : i32
      %swap3A_996 = arith.constant 30 : i32
      %swap3A_997 = arith.index_cast %swap3A_995 : i32 to index
      %swap3A_998 = arith.index_cast %swap3A_996 : i32 to index
      %swap3A_999 = memref.load %arg11[%swap3A_997, %swap3A_998] : memref<4x32xf32, #tpu.memory_space<smem>>
      memref.store %squeeze3A_994, %arg11[%swap3A_997, %swap3A_998] : memref<4x32xf32, #tpu.memory_space<smem>>
      %slice3A_1000 = vector.extract_strided_slice %sub3A_580 {offsets = [14], sizes = [1], strides = [1]} : vector<16xf32> to vector<1xf32>
      %squeeze3A_1001 = vector.extract %slice3A_1000[0] : f32 from vector<1xf32>
      %swap3A_1002 = arith.constant 1 : i32
      %swap3A_1003 = arith.constant 30 : i32
      %swap3A_1004 = arith.index_cast %swap3A_1002 : i32 to index
      %swap3A_1005 = arith.index_cast %swap3A_1003 : i32 to index
      %swap3A_1006 = memref.load %arg11[%swap3A_1004, %swap3A_1005] : memref<4x32xf32, #tpu.memory_space<smem>>
      memref.store %squeeze3A_1001, %arg11[%swap3A_1004, %swap3A_1005] : memref<4x32xf32, #tpu.memory_space<smem>>
      %slice3A_1007 = vector.extract_strided_slice %mul3A_583 {offsets = [15], sizes = [1], strides = [1]} : vector<16xi32> to vector<1xi32>
      %squeeze3A_1008 = vector.extract %slice3A_1007[0] : i32 from vector<1xi32>
      %swap3A_1009 = arith.constant 0 : i32
      %swap3A_1010 = arith.constant 31 : i32
      %swap3A_1011 = arith.index_cast %swap3A_1009 : i32 to index
      %swap3A_1012 = arith.index_cast %swap3A_1010 : i32 to index
      %swap3A_1013 = memref.load %arg10[%swap3A_1011, %swap3A_1012] : memref<4x32xi32, #tpu.memory_space<smem>>
      memref.store %squeeze3A_1008, %arg10[%swap3A_1011, %swap3A_1012] : memref<4x32xi32, #tpu.memory_space<smem>>
      %slice3A_1014 = vector.extract_strided_slice %mul3A_586 {offsets = [15], sizes = [1], strides = [1]} : vector<16xi32> to vector<1xi32>
      %squeeze3A_1015 = vector.extract %slice3A_1014[0] : i32 from vector<1xi32>
      %swap3A_1016 = arith.constant 1 : i32
      %swap3A_1017 = arith.constant 31 : i32
      %swap3A_1018 = arith.index_cast %swap3A_1016 : i32 to index
      %swap3A_1019 = arith.index_cast %swap3A_1017 : i32 to index
      %swap3A_1020 = memref.load %arg10[%swap3A_1018, %swap3A_1019] : memref<4x32xi32, #tpu.memory_space<smem>>
      memref.store %squeeze3A_1015, %arg10[%swap3A_1018, %swap3A_1019] : memref<4x32xi32, #tpu.memory_space<smem>>
      %slice3A_1021 = vector.extract_strided_slice %sub3A_578 {offsets = [15], sizes = [1], strides = [1]} : vector<16xf32> to vector<1xf32>
      %squeeze3A_1022 = vector.extract %slice3A_1021[0] : f32 from vector<1xf32>
      %swap3A_1023 = arith.constant 0 : i32
      %swap3A_1024 = arith.constant 31 : i32
      %swap3A_1025 = arith.index_cast %swap3A_1023 : i32 to index
      %swap3A_1026 = arith.index_cast %swap3A_1024 : i32 to index
      %swap3A_1027 = memref.load %arg11[%swap3A_1025, %swap3A_1026] : memref<4x32xf32, #tpu.memory_space<smem>>
      memref.store %squeeze3A_1022, %arg11[%swap3A_1025, %swap3A_1026] : memref<4x32xf32, #tpu.memory_space<smem>>
      %slice3A_1028 = vector.extract_strided_slice %sub3A_580 {offsets = [15], sizes = [1], strides = [1]} : vector<16xf32> to vector<1xf32>
      %squeeze3A_1029 = vector.extract %slice3A_1028[0] : f32 from vector<1xf32>
      %swap3A_1030 = arith.constant 1 : i32
      %swap3A_1031 = arith.constant 31 : i32
      %swap3A_1032 = arith.index_cast %swap3A_1030 : i32 to index
      %swap3A_1033 = arith.index_cast %swap3A_1031 : i32 to index
      %swap3A_1034 = memref.load %arg11[%swap3A_1032, %swap3A_1033] : memref<4x32xf32, #tpu.memory_space<smem>>
      memref.store %squeeze3A_1029, %arg11[%swap3A_1032, %swap3A_1033] : memref<4x32xf32, #tpu.memory_space<smem>>
      %mul3A_1035 = arith.constant 64 : i32
      %mul3A_1036 = arith.muli %add3A_43, %mul3A_1035 : i32
      %add3A_1037 = arith.constant 32 : i32
      %add3A_1038 = arith.addi %mul3A_1036, %add3A_1037 : i32
      %add3A_1039 = arith.constant 0 : i32
      %add3A_1040 = arith.addi %add3A_1038, %add3A_1039 : i32
      %get3A_1041 = arith.index_cast %add3A_1040 : i32 to index
      %get3A_1042 = tpu.vector_load %arg9[%get3A_1041] {strides = array<i32>} : memref<4096xf32, #tpu.memory_space<vmem>>, vector<16xf32>,
      %get3A_1043 = vector.shape_cast %get3A_1042 : vector<16xf32> to vector<16xf32>
      %add3A_1044 = arith.constant 1.000000e+00 : f32
      %add3A_1045 = vector.broadcast %add3A_1044 : f32 to vector<16xf32>
      %add3A_1046 = arith.addf %get3A_1043, %add3A_1045 : vector<16xf32>
      %mul3A_1047 = arith.constant 1.600000e+01 : f32
      %mul3A_1048 = vector.broadcast %mul3A_1047 : f32 to vector<16xf32>
      %mul3A_1049 = arith.mulf %add3A_1046, %mul3A_1048 : vector<16xf32>
      %convert_element_type3A_1050 = arith.fptosi %mul3A_1049 : vector<16xf32> to vector<16xi32>
      %convert_element_type3A_1051 = arith.sitofp %convert_element_type3A_1050 : vector<16xi32> to vector<16xf32>
      %gt3A_1052 = arith.cmpf ogt, %convert_element_type3A_1051, %mul3A_1049 : vector<16xf32>
      %sub3A_1053 = arith.constant 1 : i32
      %sub3A_1054 = vector.broadcast %sub3A_1053 : i32 to vector<16xi32>
      %sub3A_1055 = arith.subi %convert_element_type3A_1050, %sub3A_1054 : vector<16xi32>
      %select_n3A_1056 = arith.select %gt3A_1052, %sub3A_1055, %convert_element_type3A_1050 : vector<16xi1>, vector<16xi32>
      %jit3A_1057 = arith.constant 0 : i32
      %jit3A_1058 = arith.constant 31 : i32
      %max3A_1059 = vector.broadcast %jit3A_1057 : i32 to vector<16xi32>
      %max3A_1060 = arith.maxsi %max3A_1059, %select_n3A_1056 : vector<16xi32>
      %min3A_1061 = vector.broadcast %jit3A_1058 : i32 to vector<16xi32>
      %min3A_1062 = arith.minsi %min3A_1061, %max3A_1060 : vector<16xi32>
      %add3A_1063 = arith.constant 1 : i32
      %add3A_1064 = vector.broadcast %add3A_1063 : i32 to vector<16xi32>
      %add3A_1065 = arith.addi %select_n3A_1056, %add3A_1064 : vector<16xi32>
      %jit3A_1066 = arith.constant 0 : i32
      %jit3A_1067 = arith.constant 31 : i32
      %max3A_1068 = vector.broadcast %jit3A_1066 : i32 to vector<16xi32>
      %max3A_1069 = arith.maxsi %max3A_1068, %add3A_1065 : vector<16xi32>
      %min3A_1070 = vector.broadcast %jit3A_1067 : i32 to vector<16xi32>
      %min3A_1071 = arith.minsi %min3A_1070, %max3A_1069 : vector<16xi32>
      %convert_element_type3A_1072 = arith.sitofp %min3A_1071 : vector<16xi32> to vector<16xf32>
      %sub3A_1073 = arith.subf %convert_element_type3A_1072, %mul3A_1049 : vector<16xf32>
      %convert_element_type3A_1074 = arith.sitofp %min3A_1062 : vector<16xi32> to vector<16xf32>
      %sub3A_1075 = arith.subf %mul3A_1049, %convert_element_type3A_1074 : vector<16xf32>
      %mul3A_1076 = arith.constant 512 : i32
      %mul3A_1077 = vector.broadcast %mul3A_1076 : i32 to vector<16xi32>
      %mul3A_1078 = arith.muli %min3A_1062, %mul3A_1077 : vector<16xi32>
      %mul3A_1079 = arith.constant 512 : i32
      %mul3A_1080 = vector.broadcast %mul3A_1079 : i32 to vector<16xi32>
      %mul3A_1081 = arith.muli %min3A_1071, %mul3A_1080 : vector<16xi32>
      %slice3A_1082 = vector.extract_strided_slice %mul3A_1078 {offsets = [0], sizes = [1], strides = [1]} : vector<16xi32> to vector<1xi32>
      %squeeze3A_1083 = vector.extract %slice3A_1082[0] : i32 from vector<1xi32>
      %swap3A_1084 = arith.constant 2 : i32
      %swap3A_1085 = arith.constant 0 : i32
      %swap3A_1086 = arith.index_cast %swap3A_1084 : i32 to index
      %swap3A_1087 = arith.index_cast %swap3A_1085 : i32 to index
      %swap3A_1088 = memref.load %arg10[%swap3A_1086, %swap3A_1087] : memref<4x32xi32, #tpu.memory_space<smem>>
      memref.store %squeeze3A_1083, %arg10[%swap3A_1086, %swap3A_1087] : memref<4x32xi32, #tpu.memory_space<smem>>
      %slice3A_1089 = vector.extract_strided_slice %mul3A_1081 {offsets = [0], sizes = [1], strides = [1]} : vector<16xi32> to vector<1xi32>
      %squeeze3A_1090 = vector.extract %slice3A_1089[0] : i32 from vector<1xi32>
      %swap3A_1091 = arith.constant 3 : i32
      %swap3A_1092 = arith.constant 0 : i32
      %swap3A_1093 = arith.index_cast %swap3A_1091 : i32 to index
      %swap3A_1094 = arith.index_cast %swap3A_1092 : i32 to index
      %swap3A_1095 = memref.load %arg10[%swap3A_1093, %swap3A_1094] : memref<4x32xi32, #tpu.memory_space<smem>>
      memref.store %squeeze3A_1090, %arg10[%swap3A_1093, %swap3A_1094] : memref<4x32xi32, #tpu.memory_space<smem>>
      %slice3A_1096 = vector.extract_strided_slice %sub3A_1073 {offsets = [0], sizes = [1], strides = [1]} : vector<16xf32> to vector<1xf32>
      %squeeze3A_1097 = vector.extract %slice3A_1096[0] : f32 from vector<1xf32>
      %swap3A_1098 = arith.constant 2 : i32
      %swap3A_1099 = arith.constant 0 : i32
      %swap3A_1100 = arith.index_cast %swap3A_1098 : i32 to index
      %swap3A_1101 = arith.index_cast %swap3A_1099 : i32 to index
      %swap3A_1102 = memref.load %arg11[%swap3A_1100, %swap3A_1101] : memref<4x32xf32, #tpu.memory_space<smem>>
      memref.store %squeeze3A_1097, %arg11[%swap3A_1100, %swap3A_1101] : memref<4x32xf32, #tpu.memory_space<smem>>
      %slice3A_1103 = vector.extract_strided_slice %sub3A_1075 {offsets = [0], sizes = [1], strides = [1]} : vector<16xf32> to vector<1xf32>
      %squeeze3A_1104 = vector.extract %slice3A_1103[0] : f32 from vector<1xf32>
      %swap3A_1105 = arith.constant 3 : i32
      %swap3A_1106 = arith.constant 0 : i32
      %swap3A_1107 = arith.index_cast %swap3A_1105 : i32 to index
      %swap3A_1108 = arith.index_cast %swap3A_1106 : i32 to index
      %swap3A_1109 = memref.load %arg11[%swap3A_1107, %swap3A_1108] : memref<4x32xf32, #tpu.memory_space<smem>>
      memref.store %squeeze3A_1104, %arg11[%swap3A_1107, %swap3A_1108] : memref<4x32xf32, #tpu.memory_space<smem>>
      %slice3A_1110 = vector.extract_strided_slice %mul3A_1078 {offsets = [1], sizes = [1], strides = [1]} : vector<16xi32> to vector<1xi32>
      %squeeze3A_1111 = vector.extract %slice3A_1110[0] : i32 from vector<1xi32>
      %swap3A_1112 = arith.constant 2 : i32
      %swap3A_1113 = arith.constant 1 : i32
      %swap3A_1114 = arith.index_cast %swap3A_1112 : i32 to index
      %swap3A_1115 = arith.index_cast %swap3A_1113 : i32 to index
      %swap3A_1116 = memref.load %arg10[%swap3A_1114, %swap3A_1115] : memref<4x32xi32, #tpu.memory_space<smem>>
      memref.store %squeeze3A_1111, %arg10[%swap3A_1114, %swap3A_1115] : memref<4x32xi32, #tpu.memory_space<smem>>
      %slice3A_1117 = vector.extract_strided_slice %mul3A_1081 {offsets = [1], sizes = [1], strides = [1]} : vector<16xi32> to vector<1xi32>
      %squeeze3A_1118 = vector.extract %slice3A_1117[0] : i32 from vector<1xi32>
      %swap3A_1119 = arith.constant 3 : i32
      %swap3A_1120 = arith.constant 1 : i32
      %swap3A_1121 = arith.index_cast %swap3A_1119 : i32 to index
      %swap3A_1122 = arith.index_cast %swap3A_1120 : i32 to index
      %swap3A_1123 = memref.load %arg10[%swap3A_1121, %swap3A_1122] : memref<4x32xi32, #tpu.memory_space<smem>>
      memref.store %squeeze3A_1118, %arg10[%swap3A_1121, %swap3A_1122] : memref<4x32xi32, #tpu.memory_space<smem>>
      %slice3A_1124 = vector.extract_strided_slice %sub3A_1073 {offsets = [1], sizes = [1], strides = [1]} : vector<16xf32> to vector<1xf32>
      %squeeze3A_1125 = vector.extract %slice3A_1124[0] : f32 from vector<1xf32>
      %swap3A_1126 = arith.constant 2 : i32
      %swap3A_1127 = arith.constant 1 : i32
      %swap3A_1128 = arith.index_cast %swap3A_1126 : i32 to index
      %swap3A_1129 = arith.index_cast %swap3A_1127 : i32 to index
      %swap3A_1130 = memref.load %arg11[%swap3A_1128, %swap3A_1129] : memref<4x32xf32, #tpu.memory_space<smem>>
      memref.store %squeeze3A_1125, %arg11[%swap3A_1128, %swap3A_1129] : memref<4x32xf32, #tpu.memory_space<smem>>
      %slice3A_1131 = vector.extract_strided_slice %sub3A_1075 {offsets = [1], sizes = [1], strides = [1]} : vector<16xf32> to vector<1xf32>
      %squeeze3A_1132 = vector.extract %slice3A_1131[0] : f32 from vector<1xf32>
      %swap3A_1133 = arith.constant 3 : i32
      %swap3A_1134 = arith.constant 1 : i32
      %swap3A_1135 = arith.index_cast %swap3A_1133 : i32 to index
      %swap3A_1136 = arith.index_cast %swap3A_1134 : i32 to index
      %swap3A_1137 = memref.load %arg11[%swap3A_1135, %swap3A_1136] : memref<4x32xf32, #tpu.memory_space<smem>>
      memref.store %squeeze3A_1132, %arg11[%swap3A_1135, %swap3A_1136] : memref<4x32xf32, #tpu.memory_space<smem>>
      %slice3A_1138 = vector.extract_strided_slice %mul3A_1078 {offsets = [2], sizes = [1], strides = [1]} : vector<16xi32> to vector<1xi32>
      %squeeze3A_1139 = vector.extract %slice3A_1138[0] : i32 from vector<1xi32>
      %swap3A_1140 = arith.constant 2 : i32
      %swap3A_1141 = arith.constant 2 : i32
      %swap3A_1142 = arith.index_cast %swap3A_1140 : i32 to index
      %swap3A_1143 = arith.index_cast %swap3A_1141 : i32 to index
      %swap3A_1144 = memref.load %arg10[%swap3A_1142, %swap3A_1143] : memref<4x32xi32, #tpu.memory_space<smem>>
      memref.store %squeeze3A_1139, %arg10[%swap3A_1142, %swap3A_1143] : memref<4x32xi32, #tpu.memory_space<smem>>
      %slice3A_1145 = vector.extract_strided_slice %mul3A_1081 {offsets = [2], sizes = [1], strides = [1]} : vector<16xi32> to vector<1xi32>
      %squeeze3A_1146 = vector.extract %slice3A_1145[0] : i32 from vector<1xi32>
      %swap3A_1147 = arith.constant 3 : i32
      %swap3A_1148 = arith.constant 2 : i32
      %swap3A_1149 = arith.index_cast %swap3A_1147 : i32 to index
      %swap3A_1150 = arith.index_cast %swap3A_1148 : i32 to index
      %swap3A_1151 = memref.load %arg10[%swap3A_1149, %swap3A_1150] : memref<4x32xi32, #tpu.memory_space<smem>>
      memref.store %squeeze3A_1146, %arg10[%swap3A_1149, %swap3A_1150] : memref<4x32xi32, #tpu.memory_space<smem>>
      %slice3A_1152 = vector.extract_strided_slice %sub3A_1073 {offsets = [2], sizes = [1], strides = [1]} : vector<16xf32> to vector<1xf32>
      %squeeze3A_1153 = vector.extract %slice3A_1152[0] : f32 from vector<1xf32>
      %swap3A_1154 = arith.constant 2 : i32
      %swap3A_1155 = arith.constant 2 : i32
      %swap3A_1156 = arith.index_cast %swap3A_1154 : i32 to index
      %swap3A_1157 = arith.index_cast %swap3A_1155 : i32 to index
      %swap3A_1158 = memref.load %arg11[%swap3A_1156, %swap3A_1157] : memref<4x32xf32, #tpu.memory_space<smem>>
      memref.store %squeeze3A_1153, %arg11[%swap3A_1156, %swap3A_1157] : memref<4x32xf32, #tpu.memory_space<smem>>
      %slice3A_1159 = vector.extract_strided_slice %sub3A_1075 {offsets = [2], sizes = [1], strides = [1]} : vector<16xf32> to vector<1xf32>
      %squeeze3A_1160 = vector.extract %slice3A_1159[0] : f32 from vector<1xf32>
      %swap3A_1161 = arith.constant 3 : i32
      %swap3A_1162 = arith.constant 2 : i32
      %swap3A_1163 = arith.index_cast %swap3A_1161 : i32 to index
      %swap3A_1164 = arith.index_cast %swap3A_1162 : i32 to index
      %swap3A_1165 = memref.load %arg11[%swap3A_1163, %swap3A_1164] : memref<4x32xf32, #tpu.memory_space<smem>>
      memref.store %squeeze3A_1160, %arg11[%swap3A_1163, %swap3A_1164] : memref<4x32xf32, #tpu.memory_space<smem>>
      %slice3A_1166 = vector.extract_strided_slice %mul3A_1078 {offsets = [3], sizes = [1], strides = [1]} : vector<16xi32> to vector<1xi32>
      %squeeze3A_1167 = vector.extract %slice3A_1166[0] : i32 from vector<1xi32>
      %swap3A_1168 = arith.constant 2 : i32
      %swap3A_1169 = arith.constant 3 : i32
      %swap3A_1170 = arith.index_cast %swap3A_1168 : i32 to index
      %swap3A_1171 = arith.index_cast %swap3A_1169 : i32 to index
      %swap3A_1172 = memref.load %arg10[%swap3A_1170, %swap3A_1171] : memref<4x32xi32, #tpu.memory_space<smem>>
      memref.store %squeeze3A_1167, %arg10[%swap3A_1170, %swap3A_1171] : memref<4x32xi32, #tpu.memory_space<smem>>
      %slice3A_1173 = vector.extract_strided_slice %mul3A_1081 {offsets = [3], sizes = [1], strides = [1]} : vector<16xi32> to vector<1xi32>
      %squeeze3A_1174 = vector.extract %slice3A_1173[0] : i32 from vector<1xi32>
      %swap3A_1175 = arith.constant 3 : i32
      %swap3A_1176 = arith.constant 3 : i32
      %swap3A_1177 = arith.index_cast %swap3A_1175 : i32 to index
      %swap3A_1178 = arith.index_cast %swap3A_1176 : i32 to index
      %swap3A_1179 = memref.load %arg10[%swap3A_1177, %swap3A_1178] : memref<4x32xi32, #tpu.memory_space<smem>>
      memref.store %squeeze3A_1174, %arg10[%swap3A_1177, %swap3A_1178] : memref<4x32xi32, #tpu.memory_space<smem>>
      %slice3A_1180 = vector.extract_strided_slice %sub3A_1073 {offsets = [3], sizes = [1], strides = [1]} : vector<16xf32> to vector<1xf32>
      %squeeze3A_1181 = vector.extract %slice3A_1180[0] : f32 from vector<1xf32>
      %swap3A_1182 = arith.constant 2 : i32
      %swap3A_1183 = arith.constant 3 : i32
      %swap3A_1184 = arith.index_cast %swap3A_1182 : i32 to index
      %swap3A_1185 = arith.index_cast %swap3A_1183 : i32 to index
      %swap3A_1186 = memref.load %arg11[%swap3A_1184, %swap3A_1185] : memref<4x32xf32, #tpu.memory_space<smem>>
      memref.store %squeeze3A_1181, %arg11[%swap3A_1184, %swap3A_1185] : memref<4x32xf32, #tpu.memory_space<smem>>
      %slice3A_1187 = vector.extract_strided_slice %sub3A_1075 {offsets = [3], sizes = [1], strides = [1]} : vector<16xf32> to vector<1xf32>
      %squeeze3A_1188 = vector.extract %slice3A_1187[0] : f32 from vector<1xf32>
      %swap3A_1189 = arith.constant 3 : i32
      %swap3A_1190 = arith.constant 3 : i32
      %swap3A_1191 = arith.index_cast %swap3A_1189 : i32 to index
      %swap3A_1192 = arith.index_cast %swap3A_1190 : i32 to index
      %swap3A_1193 = memref.load %arg11[%swap3A_1191, %swap3A_1192] : memref<4x32xf32, #tpu.memory_space<smem>>
      memref.store %squeeze3A_1188, %arg11[%swap3A_1191, %swap3A_1192] : memref<4x32xf32, #tpu.memory_space<smem>>
      %slice3A_1194 = vector.extract_strided_slice %mul3A_1078 {offsets = [4], sizes = [1], strides = [1]} : vector<16xi32> to vector<1xi32>
      %squeeze3A_1195 = vector.extract %slice3A_1194[0] : i32 from vector<1xi32>
      %swap3A_1196 = arith.constant 2 : i32
      %swap3A_1197 = arith.constant 4 : i32
      %swap3A_1198 = arith.index_cast %swap3A_1196 : i32 to index
      %swap3A_1199 = arith.index_cast %swap3A_1197 : i32 to index
      %swap3A_1200 = memref.load %arg10[%swap3A_1198, %swap3A_1199] : memref<4x32xi32, #tpu.memory_space<smem>>
      memref.store %squeeze3A_1195, %arg10[%swap3A_1198, %swap3A_1199] : memref<4x32xi32, #tpu.memory_space<smem>>
      %slice3A_1201 = vector.extract_strided_slice %mul3A_1081 {offsets = [4], sizes = [1], strides = [1]} : vector<16xi32> to vector<1xi32>
      %squeeze3A_1202 = vector.extract %slice3A_1201[0] : i32 from vector<1xi32>
      %swap3A_1203 = arith.constant 3 : i32
      %swap3A_1204 = arith.constant 4 : i32
      %swap3A_1205 = arith.index_cast %swap3A_1203 : i32 to index
      %swap3A_1206 = arith.index_cast %swap3A_1204 : i32 to index
      %swap3A_1207 = memref.load %arg10[%swap3A_1205, %swap3A_1206] : memref<4x32xi32, #tpu.memory_space<smem>>
      memref.store %squeeze3A_1202, %arg10[%swap3A_1205, %swap3A_1206] : memref<4x32xi32, #tpu.memory_space<smem>>
      %slice3A_1208 = vector.extract_strided_slice %sub3A_1073 {offsets = [4], sizes = [1], strides = [1]} : vector<16xf32> to vector<1xf32>
      %squeeze3A_1209 = vector.extract %slice3A_1208[0] : f32 from vector<1xf32>
      %swap3A_1210 = arith.constant 2 : i32
      %swap3A_1211 = arith.constant 4 : i32
      %swap3A_1212 = arith.index_cast %swap3A_1210 : i32 to index
      %swap3A_1213 = arith.index_cast %swap3A_1211 : i32 to index
      %swap3A_1214 = memref.load %arg11[%swap3A_1212, %swap3A_1213] : memref<4x32xf32, #tpu.memory_space<smem>>
      memref.store %squeeze3A_1209, %arg11[%swap3A_1212, %swap3A_1213] : memref<4x32xf32, #tpu.memory_space<smem>>
      %slice3A_1215 = vector.extract_strided_slice %sub3A_1075 {offsets = [4], sizes = [1], strides = [1]} : vector<16xf32> to vector<1xf32>
      %squeeze3A_1216 = vector.extract %slice3A_1215[0] : f32 from vector<1xf32>
      %swap3A_1217 = arith.constant 3 : i32
      %swap3A_1218 = arith.constant 4 : i32
      %swap3A_1219 = arith.index_cast %swap3A_1217 : i32 to index
      %swap3A_1220 = arith.index_cast %swap3A_1218 : i32 to index
      %swap3A_1221 = memref.load %arg11[%swap3A_1219, %swap3A_1220] : memref<4x32xf32, #tpu.memory_space<smem>>
      memref.store %squeeze3A_1216, %arg11[%swap3A_1219, %swap3A_1220] : memref<4x32xf32, #tpu.memory_space<smem>>
      %slice3A_1222 = vector.extract_strided_slice %mul3A_1078 {offsets = [5], sizes = [1], strides = [1]} : vector<16xi32> to vector<1xi32>
      %squeeze3A_1223 = vector.extract %slice3A_1222[0] : i32 from vector<1xi32>
      %swap3A_1224 = arith.constant 2 : i32
      %swap3A_1225 = arith.constant 5 : i32
      %swap3A_1226 = arith.index_cast %swap3A_1224 : i32 to index
      %swap3A_1227 = arith.index_cast %swap3A_1225 : i32 to index
      %swap3A_1228 = memref.load %arg10[%swap3A_1226, %swap3A_1227] : memref<4x32xi32, #tpu.memory_space<smem>>
      memref.store %squeeze3A_1223, %arg10[%swap3A_1226, %swap3A_1227] : memref<4x32xi32, #tpu.memory_space<smem>>
      %slice3A_1229 = vector.extract_strided_slice %mul3A_1081 {offsets = [5], sizes = [1], strides = [1]} : vector<16xi32> to vector<1xi32>
      %squeeze3A_1230 = vector.extract %slice3A_1229[0] : i32 from vector<1xi32>
      %swap3A_1231 = arith.constant 3 : i32
      %swap3A_1232 = arith.constant 5 : i32
      %swap3A_1233 = arith.index_cast %swap3A_1231 : i32 to index
      %swap3A_1234 = arith.index_cast %swap3A_1232 : i32 to index
      %swap3A_1235 = memref.load %arg10[%swap3A_1233, %swap3A_1234] : memref<4x32xi32, #tpu.memory_space<smem>>
      memref.store %squeeze3A_1230, %arg10[%swap3A_1233, %swap3A_1234] : memref<4x32xi32, #tpu.memory_space<smem>>
      %slice3A_1236 = vector.extract_strided_slice %sub3A_1073 {offsets = [5], sizes = [1], strides = [1]} : vector<16xf32> to vector<1xf32>
      %squeeze3A_1237 = vector.extract %slice3A_1236[0] : f32 from vector<1xf32>
      %swap3A_1238 = arith.constant 2 : i32
      %swap3A_1239 = arith.constant 5 : i32
      %swap3A_1240 = arith.index_cast %swap3A_1238 : i32 to index
      %swap3A_1241 = arith.index_cast %swap3A_1239 : i32 to index
      %swap3A_1242 = memref.load %arg11[%swap3A_1240, %swap3A_1241] : memref<4x32xf32, #tpu.memory_space<smem>>
      memref.store %squeeze3A_1237, %arg11[%swap3A_1240, %swap3A_1241] : memref<4x32xf32, #tpu.memory_space<smem>>
      %slice3A_1243 = vector.extract_strided_slice %sub3A_1075 {offsets = [5], sizes = [1], strides = [1]} : vector<16xf32> to vector<1xf32>
      %squeeze3A_1244 = vector.extract %slice3A_1243[0] : f32 from vector<1xf32>
      %swap3A_1245 = arith.constant 3 : i32
      %swap3A_1246 = arith.constant 5 : i32
      %swap3A_1247 = arith.index_cast %swap3A_1245 : i32 to index
      %swap3A_1248 = arith.index_cast %swap3A_1246 : i32 to index
      %swap3A_1249 = memref.load %arg11[%swap3A_1247, %swap3A_1248] : memref<4x32xf32, #tpu.memory_space<smem>>
      memref.store %squeeze3A_1244, %arg11[%swap3A_1247, %swap3A_1248] : memref<4x32xf32, #tpu.memory_space<smem>>
      %slice3A_1250 = vector.extract_strided_slice %mul3A_1078 {offsets = [6], sizes = [1], strides = [1]} : vector<16xi32> to vector<1xi32>
      %squeeze3A_1251 = vector.extract %slice3A_1250[0] : i32 from vector<1xi32>
      %swap3A_1252 = arith.constant 2 : i32
      %swap3A_1253 = arith.constant 6 : i32
      %swap3A_1254 = arith.index_cast %swap3A_1252 : i32 to index
      %swap3A_1255 = arith.index_cast %swap3A_1253 : i32 to index
      %swap3A_1256 = memref.load %arg10[%swap3A_1254, %swap3A_1255] : memref<4x32xi32, #tpu.memory_space<smem>>
      memref.store %squeeze3A_1251, %arg10[%swap3A_1254, %swap3A_1255] : memref<4x32xi32, #tpu.memory_space<smem>>
      %slice3A_1257 = vector.extract_strided_slice %mul3A_1081 {offsets = [6], sizes = [1], strides = [1]} : vector<16xi32> to vector<1xi32>
      %squeeze3A_1258 = vector.extract %slice3A_1257[0] : i32 from vector<1xi32>
      %swap3A_1259 = arith.constant 3 : i32
      %swap3A_1260 = arith.constant 6 : i32
      %swap3A_1261 = arith.index_cast %swap3A_1259 : i32 to index
      %swap3A_1262 = arith.index_cast %swap3A_1260 : i32 to index
      %swap3A_1263 = memref.load %arg10[%swap3A_1261, %swap3A_1262] : memref<4x32xi32, #tpu.memory_space<smem>>
      memref.store %squeeze3A_1258, %arg10[%swap3A_1261, %swap3A_1262] : memref<4x32xi32, #tpu.memory_space<smem>>
      %slice3A_1264 = vector.extract_strided_slice %sub3A_1073 {offsets = [6], sizes = [1], strides = [1]} : vector<16xf32> to vector<1xf32>
      %squeeze3A_1265 = vector.extract %slice3A_1264[0] : f32 from vector<1xf32>
      %swap3A_1266 = arith.constant 2 : i32
      %swap3A_1267 = arith.constant 6 : i32
      %swap3A_1268 = arith.index_cast %swap3A_1266 : i32 to index
      %swap3A_1269 = arith.index_cast %swap3A_1267 : i32 to index
      %swap3A_1270 = memref.load %arg11[%swap3A_1268, %swap3A_1269] : memref<4x32xf32, #tpu.memory_space<smem>>
      memref.store %squeeze3A_1265, %arg11[%swap3A_1268, %swap3A_1269] : memref<4x32xf32, #tpu.memory_space<smem>>
      %slice3A_1271 = vector.extract_strided_slice %sub3A_1075 {offsets = [6], sizes = [1], strides = [1]} : vector<16xf32> to vector<1xf32>
      %squeeze3A_1272 = vector.extract %slice3A_1271[0] : f32 from vector<1xf32>
      %swap3A_1273 = arith.constant 3 : i32
      %swap3A_1274 = arith.constant 6 : i32
      %swap3A_1275 = arith.index_cast %swap3A_1273 : i32 to index
      %swap3A_1276 = arith.index_cast %swap3A_1274 : i32 to index
      %swap3A_1277 = memref.load %arg11[%swap3A_1275, %swap3A_1276] : memref<4x32xf32, #tpu.memory_space<smem>>
      memref.store %squeeze3A_1272, %arg11[%swap3A_1275, %swap3A_1276] : memref<4x32xf32, #tpu.memory_space<smem>>
      %slice3A_1278 = vector.extract_strided_slice %mul3A_1078 {offsets = [7], sizes = [1], strides = [1]} : vector<16xi32> to vector<1xi32>
      %squeeze3A_1279 = vector.extract %slice3A_1278[0] : i32 from vector<1xi32>
      %swap3A_1280 = arith.constant 2 : i32
      %swap3A_1281 = arith.constant 7 : i32
      %swap3A_1282 = arith.index_cast %swap3A_1280 : i32 to index
      %swap3A_1283 = arith.index_cast %swap3A_1281 : i32 to index
      %swap3A_1284 = memref.load %arg10[%swap3A_1282, %swap3A_1283] : memref<4x32xi32, #tpu.memory_space<smem>>
      memref.store %squeeze3A_1279, %arg10[%swap3A_1282, %swap3A_1283] : memref<4x32xi32, #tpu.memory_space<smem>>
      %slice3A_1285 = vector.extract_strided_slice %mul3A_1081 {offsets = [7], sizes = [1], strides = [1]} : vector<16xi32> to vector<1xi32>
      %squeeze3A_1286 = vector.extract %slice3A_1285[0] : i32 from vector<1xi32>
      %swap3A_1287 = arith.constant 3 : i32
      %swap3A_1288 = arith.constant 7 : i32
      %swap3A_1289 = arith.index_cast %swap3A_1287 : i32 to index
      %swap3A_1290 = arith.index_cast %swap3A_1288 : i32 to index
      %swap3A_1291 = memref.load %arg10[%swap3A_1289, %swap3A_1290] : memref<4x32xi32, #tpu.memory_space<smem>>
      memref.store %squeeze3A_1286, %arg10[%swap3A_1289, %swap3A_1290] : memref<4x32xi32, #tpu.memory_space<smem>>
      %slice3A_1292 = vector.extract_strided_slice %sub3A_1073 {offsets = [7], sizes = [1], strides = [1]} : vector<16xf32> to vector<1xf32>
      %squeeze3A_1293 = vector.extract %slice3A_1292[0] : f32 from vector<1xf32>
      %swap3A_1294 = arith.constant 2 : i32
      %swap3A_1295 = arith.constant 7 : i32
      %swap3A_1296 = arith.index_cast %swap3A_1294 : i32 to index
      %swap3A_1297 = arith.index_cast %swap3A_1295 : i32 to index
      %swap3A_1298 = memref.load %arg11[%swap3A_1296, %swap3A_1297] : memref<4x32xf32, #tpu.memory_space<smem>>
      memref.store %squeeze3A_1293, %arg11[%swap3A_1296, %swap3A_1297] : memref<4x32xf32, #tpu.memory_space<smem>>
      %slice3A_1299 = vector.extract_strided_slice %sub3A_1075 {offsets = [7], sizes = [1], strides = [1]} : vector<16xf32> to vector<1xf32>
      %squeeze3A_1300 = vector.extract %slice3A_1299[0] : f32 from vector<1xf32>
      %swap3A_1301 = arith.constant 3 : i32
      %swap3A_1302 = arith.constant 7 : i32
      %swap3A_1303 = arith.index_cast %swap3A_1301 : i32 to index
      %swap3A_1304 = arith.index_cast %swap3A_1302 : i32 to index
      %swap3A_1305 = memref.load %arg11[%swap3A_1303, %swap3A_1304] : memref<4x32xf32, #tpu.memory_space<smem>>
      memref.store %squeeze3A_1300, %arg11[%swap3A_1303, %swap3A_1304] : memref<4x32xf32, #tpu.memory_space<smem>>
      %slice3A_1306 = vector.extract_strided_slice %mul3A_1078 {offsets = [8], sizes = [1], strides = [1]} : vector<16xi32> to vector<1xi32>
      %squeeze3A_1307 = vector.extract %slice3A_1306[0] : i32 from vector<1xi32>
      %swap3A_1308 = arith.constant 2 : i32
      %swap3A_1309 = arith.constant 8 : i32
      %swap3A_1310 = arith.index_cast %swap3A_1308 : i32 to index
      %swap3A_1311 = arith.index_cast %swap3A_1309 : i32 to index
      %swap3A_1312 = memref.load %arg10[%swap3A_1310, %swap3A_1311] : memref<4x32xi32, #tpu.memory_space<smem>>
      memref.store %squeeze3A_1307, %arg10[%swap3A_1310, %swap3A_1311] : memref<4x32xi32, #tpu.memory_space<smem>>
      %slice3A_1313 = vector.extract_strided_slice %mul3A_1081 {offsets = [8], sizes = [1], strides = [1]} : vector<16xi32> to vector<1xi32>
      %squeeze3A_1314 = vector.extract %slice3A_1313[0] : i32 from vector<1xi32>
      %swap3A_1315 = arith.constant 3 : i32
      %swap3A_1316 = arith.constant 8 : i32
      %swap3A_1317 = arith.index_cast %swap3A_1315 : i32 to index
      %swap3A_1318 = arith.index_cast %swap3A_1316 : i32 to index
      %swap3A_1319 = memref.load %arg10[%swap3A_1317, %swap3A_1318] : memref<4x32xi32, #tpu.memory_space<smem>>
      memref.store %squeeze3A_1314, %arg10[%swap3A_1317, %swap3A_1318] : memref<4x32xi32, #tpu.memory_space<smem>>
      %slice3A_1320 = vector.extract_strided_slice %sub3A_1073 {offsets = [8], sizes = [1], strides = [1]} : vector<16xf32> to vector<1xf32>
      %squeeze3A_1321 = vector.extract %slice3A_1320[0] : f32 from vector<1xf32>
      %swap3A_1322 = arith.constant 2 : i32
      %swap3A_1323 = arith.constant 8 : i32
      %swap3A_1324 = arith.index_cast %swap3A_1322 : i32 to index
      %swap3A_1325 = arith.index_cast %swap3A_1323 : i32 to index
      %swap3A_1326 = memref.load %arg11[%swap3A_1324, %swap3A_1325] : memref<4x32xf32, #tpu.memory_space<smem>>
      memref.store %squeeze3A_1321, %arg11[%swap3A_1324, %swap3A_1325] : memref<4x32xf32, #tpu.memory_space<smem>>
      %slice3A_1327 = vector.extract_strided_slice %sub3A_1075 {offsets = [8], sizes = [1], strides = [1]} : vector<16xf32> to vector<1xf32>
      %squeeze3A_1328 = vector.extract %slice3A_1327[0] : f32 from vector<1xf32>
      %swap3A_1329 = arith.constant 3 : i32
      %swap3A_1330 = arith.constant 8 : i32
      %swap3A_1331 = arith.index_cast %swap3A_1329 : i32 to index
      %swap3A_1332 = arith.index_cast %swap3A_1330 : i32 to index
      %swap3A_1333 = memref.load %arg11[%swap3A_1331, %swap3A_1332] : memref<4x32xf32, #tpu.memory_space<smem>>
      memref.store %squeeze3A_1328, %arg11[%swap3A_1331, %swap3A_1332] : memref<4x32xf32, #tpu.memory_space<smem>>
      %slice3A_1334 = vector.extract_strided_slice %mul3A_1078 {offsets = [9], sizes = [1], strides = [1]} : vector<16xi32> to vector<1xi32>
      %squeeze3A_1335 = vector.extract %slice3A_1334[0] : i32 from vector<1xi32>
      %swap3A_1336 = arith.constant 2 : i32
      %swap3A_1337 = arith.constant 9 : i32
      %swap3A_1338 = arith.index_cast %swap3A_1336 : i32 to index
      %swap3A_1339 = arith.index_cast %swap3A_1337 : i32 to index
      %swap3A_1340 = memref.load %arg10[%swap3A_1338, %swap3A_1339] : memref<4x32xi32, #tpu.memory_space<smem>>
      memref.store %squeeze3A_1335, %arg10[%swap3A_1338, %swap3A_1339] : memref<4x32xi32, #tpu.memory_space<smem>>
      %slice3A_1341 = vector.extract_strided_slice %mul3A_1081 {offsets = [9], sizes = [1], strides = [1]} : vector<16xi32> to vector<1xi32>
      %squeeze3A_1342 = vector.extract %slice3A_1341[0] : i32 from vector<1xi32>
      %swap3A_1343 = arith.constant 3 : i32
      %swap3A_1344 = arith.constant 9 : i32
      %swap3A_1345 = arith.index_cast %swap3A_1343 : i32 to index
      %swap3A_1346 = arith.index_cast %swap3A_1344 : i32 to index
      %swap3A_1347 = memref.load %arg10[%swap3A_1345, %swap3A_1346] : memref<4x32xi32, #tpu.memory_space<smem>>
      memref.store %squeeze3A_1342, %arg10[%swap3A_1345, %swap3A_1346] : memref<4x32xi32, #tpu.memory_space<smem>>
      %slice3A_1348 = vector.extract_strided_slice %sub3A_1073 {offsets = [9], sizes = [1], strides = [1]} : vector<16xf32> to vector<1xf32>
      %squeeze3A_1349 = vector.extract %slice3A_1348[0] : f32 from vector<1xf32>
      %swap3A_1350 = arith.constant 2 : i32
      %swap3A_1351 = arith.constant 9 : i32
      %swap3A_1352 = arith.index_cast %swap3A_1350 : i32 to index
      %swap3A_1353 = arith.index_cast %swap3A_1351 : i32 to index
      %swap3A_1354 = memref.load %arg11[%swap3A_1352, %swap3A_1353] : memref<4x32xf32, #tpu.memory_space<smem>>
      memref.store %squeeze3A_1349, %arg11[%swap3A_1352, %swap3A_1353] : memref<4x32xf32, #tpu.memory_space<smem>>
      %slice3A_1355 = vector.extract_strided_slice %sub3A_1075 {offsets = [9], sizes = [1], strides = [1]} : vector<16xf32> to vector<1xf32>
      %squeeze3A_1356 = vector.extract %slice3A_1355[0] : f32 from vector<1xf32>
      %swap3A_1357 = arith.constant 3 : i32
      %swap3A_1358 = arith.constant 9 : i32
      %swap3A_1359 = arith.index_cast %swap3A_1357 : i32 to index
      %swap3A_1360 = arith.index_cast %swap3A_1358 : i32 to index
      %swap3A_1361 = memref.load %arg11[%swap3A_1359, %swap3A_1360] : memref<4x32xf32, #tpu.memory_space<smem>>
      memref.store %squeeze3A_1356, %arg11[%swap3A_1359, %swap3A_1360] : memref<4x32xf32, #tpu.memory_space<smem>>
      %slice3A_1362 = vector.extract_strided_slice %mul3A_1078 {offsets = [10], sizes = [1], strides = [1]} : vector<16xi32> to vector<1xi32>
      %squeeze3A_1363 = vector.extract %slice3A_1362[0] : i32 from vector<1xi32>
      %swap3A_1364 = arith.constant 2 : i32
      %swap3A_1365 = arith.constant 10 : i32
      %swap3A_1366 = arith.index_cast %swap3A_1364 : i32 to index
      %swap3A_1367 = arith.index_cast %swap3A_1365 : i32 to index
      %swap3A_1368 = memref.load %arg10[%swap3A_1366, %swap3A_1367] : memref<4x32xi32, #tpu.memory_space<smem>>
      memref.store %squeeze3A_1363, %arg10[%swap3A_1366, %swap3A_1367] : memref<4x32xi32, #tpu.memory_space<smem>>
      %slice3A_1369 = vector.extract_strided_slice %mul3A_1081 {offsets = [10], sizes = [1], strides = [1]} : vector<16xi32> to vector<1xi32>
      %squeeze3A_1370 = vector.extract %slice3A_1369[0] : i32 from vector<1xi32>
      %swap3A_1371 = arith.constant 3 : i32
      %swap3A_1372 = arith.constant 10 : i32
      %swap3A_1373 = arith.index_cast %swap3A_1371 : i32 to index
      %swap3A_1374 = arith.index_cast %swap3A_1372 : i32 to index
      %swap3A_1375 = memref.load %arg10[%swap3A_1373, %swap3A_1374] : memref<4x32xi32, #tpu.memory_space<smem>>
      memref.store %squeeze3A_1370, %arg10[%swap3A_1373, %swap3A_1374] : memref<4x32xi32, #tpu.memory_space<smem>>
      %slice3A_1376 = vector.extract_strided_slice %sub3A_1073 {offsets = [10], sizes = [1], strides = [1]} : vector<16xf32> to vector<1xf32>
      %squeeze3A_1377 = vector.extract %slice3A_1376[0] : f32 from vector<1xf32>
      %swap3A_1378 = arith.constant 2 : i32
      %swap3A_1379 = arith.constant 10 : i32
      %swap3A_1380 = arith.index_cast %swap3A_1378 : i32 to index
      %swap3A_1381 = arith.index_cast %swap3A_1379 : i32 to index
      %swap3A_1382 = memref.load %arg11[%swap3A_1380, %swap3A_1381] : memref<4x32xf32, #tpu.memory_space<smem>>
      memref.store %squeeze3A_1377, %arg11[%swap3A_1380, %swap3A_1381] : memref<4x32xf32, #tpu.memory_space<smem>>
      %slice3A_1383 = vector.extract_strided_slice %sub3A_1075 {offsets = [10], sizes = [1], strides = [1]} : vector<16xf32> to vector<1xf32>
      %squeeze3A_1384 = vector.extract %slice3A_1383[0] : f32 from vector<1xf32>
      %swap3A_1385 = arith.constant 3 : i32
      %swap3A_1386 = arith.constant 10 : i32
      %swap3A_1387 = arith.index_cast %swap3A_1385 : i32 to index
      %swap3A_1388 = arith.index_cast %swap3A_1386 : i32 to index
      %swap3A_1389 = memref.load %arg11[%swap3A_1387, %swap3A_1388] : memref<4x32xf32, #tpu.memory_space<smem>>
      memref.store %squeeze3A_1384, %arg11[%swap3A_1387, %swap3A_1388] : memref<4x32xf32, #tpu.memory_space<smem>>
      %slice3A_1390 = vector.extract_strided_slice %mul3A_1078 {offsets = [11], sizes = [1], strides = [1]} : vector<16xi32> to vector<1xi32>
      %squeeze3A_1391 = vector.extract %slice3A_1390[0] : i32 from vector<1xi32>
      %swap3A_1392 = arith.constant 2 : i32
      %swap3A_1393 = arith.constant 11 : i32
      %swap3A_1394 = arith.index_cast %swap3A_1392 : i32 to index
      %swap3A_1395 = arith.index_cast %swap3A_1393 : i32 to index
      %swap3A_1396 = memref.load %arg10[%swap3A_1394, %swap3A_1395] : memref<4x32xi32, #tpu.memory_space<smem>>
      memref.store %squeeze3A_1391, %arg10[%swap3A_1394, %swap3A_1395] : memref<4x32xi32, #tpu.memory_space<smem>>
      %slice3A_1397 = vector.extract_strided_slice %mul3A_1081 {offsets = [11], sizes = [1], strides = [1]} : vector<16xi32> to vector<1xi32>
      %squeeze3A_1398 = vector.extract %slice3A_1397[0] : i32 from vector<1xi32>
      %swap3A_1399 = arith.constant 3 : i32
      %swap3A_1400 = arith.constant 11 : i32
      %swap3A_1401 = arith.index_cast %swap3A_1399 : i32 to index
      %swap3A_1402 = arith.index_cast %swap3A_1400 : i32 to index
      %swap3A_1403 = memref.load %arg10[%swap3A_1401, %swap3A_1402] : memref<4x32xi32, #tpu.memory_space<smem>>
      memref.store %squeeze3A_1398, %arg10[%swap3A_1401, %swap3A_1402] : memref<4x32xi32, #tpu.memory_space<smem>>
      %slice3A_1404 = vector.extract_strided_slice %sub3A_1073 {offsets = [11], sizes = [1], strides = [1]} : vector<16xf32> to vector<1xf32>
      %squeeze3A_1405 = vector.extract %slice3A_1404[0] : f32 from vector<1xf32>
      %swap3A_1406 = arith.constant 2 : i32
      %swap3A_1407 = arith.constant 11 : i32
      %swap3A_1408 = arith.index_cast %swap3A_1406 : i32 to index
      %swap3A_1409 = arith.index_cast %swap3A_1407 : i32 to index
      %swap3A_1410 = memref.load %arg11[%swap3A_1408, %swap3A_1409] : memref<4x32xf32, #tpu.memory_space<smem>>
      memref.store %squeeze3A_1405, %arg11[%swap3A_1408, %swap3A_1409] : memref<4x32xf32, #tpu.memory_space<smem>>
      %slice3A_1411 = vector.extract_strided_slice %sub3A_1075 {offsets = [11], sizes = [1], strides = [1]} : vector<16xf32> to vector<1xf32>
      %squeeze3A_1412 = vector.extract %slice3A_1411[0] : f32 from vector<1xf32>
      %swap3A_1413 = arith.constant 3 : i32
      %swap3A_1414 = arith.constant 11 : i32
      %swap3A_1415 = arith.index_cast %swap3A_1413 : i32 to index
      %swap3A_1416 = arith.index_cast %swap3A_1414 : i32 to index
      %swap3A_1417 = memref.load %arg11[%swap3A_1415, %swap3A_1416] : memref<4x32xf32, #tpu.memory_space<smem>>
      memref.store %squeeze3A_1412, %arg11[%swap3A_1415, %swap3A_1416] : memref<4x32xf32, #tpu.memory_space<smem>>
      %slice3A_1418 = vector.extract_strided_slice %mul3A_1078 {offsets = [12], sizes = [1], strides = [1]} : vector<16xi32> to vector<1xi32>
      %squeeze3A_1419 = vector.extract %slice3A_1418[0] : i32 from vector<1xi32>
      %swap3A_1420 = arith.constant 2 : i32
      %swap3A_1421 = arith.constant 12 : i32
      %swap3A_1422 = arith.index_cast %swap3A_1420 : i32 to index
      %swap3A_1423 = arith.index_cast %swap3A_1421 : i32 to index
      %swap3A_1424 = memref.load %arg10[%swap3A_1422, %swap3A_1423] : memref<4x32xi32, #tpu.memory_space<smem>>
      memref.store %squeeze3A_1419, %arg10[%swap3A_1422, %swap3A_1423] : memref<4x32xi32, #tpu.memory_space<smem>>
      %slice3A_1425 = vector.extract_strided_slice %mul3A_1081 {offsets = [12], sizes = [1], strides = [1]} : vector<16xi32> to vector<1xi32>
      %squeeze3A_1426 = vector.extract %slice3A_1425[0] : i32 from vector<1xi32>
      %swap3A_1427 = arith.constant 3 : i32
      %swap3A_1428 = arith.constant 12 : i32
      %swap3A_1429 = arith.index_cast %swap3A_1427 : i32 to index
      %swap3A_1430 = arith.index_cast %swap3A_1428 : i32 to index
      %swap3A_1431 = memref.load %arg10[%swap3A_1429, %swap3A_1430] : memref<4x32xi32, #tpu.memory_space<smem>>
      memref.store %squeeze3A_1426, %arg10[%swap3A_1429, %swap3A_1430] : memref<4x32xi32, #tpu.memory_space<smem>>
      %slice3A_1432 = vector.extract_strided_slice %sub3A_1073 {offsets = [12], sizes = [1], strides = [1]} : vector<16xf32> to vector<1xf32>
      %squeeze3A_1433 = vector.extract %slice3A_1432[0] : f32 from vector<1xf32>
      %swap3A_1434 = arith.constant 2 : i32
      %swap3A_1435 = arith.constant 12 : i32
      %swap3A_1436 = arith.index_cast %swap3A_1434 : i32 to index
      %swap3A_1437 = arith.index_cast %swap3A_1435 : i32 to index
      %swap3A_1438 = memref.load %arg11[%swap3A_1436, %swap3A_1437] : memref<4x32xf32, #tpu.memory_space<smem>>
      memref.store %squeeze3A_1433, %arg11[%swap3A_1436, %swap3A_1437] : memref<4x32xf32, #tpu.memory_space<smem>>
      %slice3A_1439 = vector.extract_strided_slice %sub3A_1075 {offsets = [12], sizes = [1], strides = [1]} : vector<16xf32> to vector<1xf32>
      %squeeze3A_1440 = vector.extract %slice3A_1439[0] : f32 from vector<1xf32>
      %swap3A_1441 = arith.constant 3 : i32
      %swap3A_1442 = arith.constant 12 : i32
      %swap3A_1443 = arith.index_cast %swap3A_1441 : i32 to index
      %swap3A_1444 = arith.index_cast %swap3A_1442 : i32 to index
      %swap3A_1445 = memref.load %arg11[%swap3A_1443, %swap3A_1444] : memref<4x32xf32, #tpu.memory_space<smem>>
      memref.store %squeeze3A_1440, %arg11[%swap3A_1443, %swap3A_1444] : memref<4x32xf32, #tpu.memory_space<smem>>
      %slice3A_1446 = vector.extract_strided_slice %mul3A_1078 {offsets = [13], sizes = [1], strides = [1]} : vector<16xi32> to vector<1xi32>
      %squeeze3A_1447 = vector.extract %slice3A_1446[0] : i32 from vector<1xi32>
      %swap3A_1448 = arith.constant 2 : i32
      %swap3A_1449 = arith.constant 13 : i32
      %swap3A_1450 = arith.index_cast %swap3A_1448 : i32 to index
      %swap3A_1451 = arith.index_cast %swap3A_1449 : i32 to index
      %swap3A_1452 = memref.load %arg10[%swap3A_1450, %swap3A_1451] : memref<4x32xi32, #tpu.memory_space<smem>>
      memref.store %squeeze3A_1447, %arg10[%swap3A_1450, %swap3A_1451] : memref<4x32xi32, #tpu.memory_space<smem>>
      %slice3A_1453 = vector.extract_strided_slice %mul3A_1081 {offsets = [13], sizes = [1], strides = [1]} : vector<16xi32> to vector<1xi32>
      %squeeze3A_1454 = vector.extract %slice3A_1453[0] : i32 from vector<1xi32>
      %swap3A_1455 = arith.constant 3 : i32
      %swap3A_1456 = arith.constant 13 : i32
      %swap3A_1457 = arith.index_cast %swap3A_1455 : i32 to index
      %swap3A_1458 = arith.index_cast %swap3A_1456 : i32 to index
      %swap3A_1459 = memref.load %arg10[%swap3A_1457, %swap3A_1458] : memref<4x32xi32, #tpu.memory_space<smem>>
      memref.store %squeeze3A_1454, %arg10[%swap3A_1457, %swap3A_1458] : memref<4x32xi32, #tpu.memory_space<smem>>
      %slice3A_1460 = vector.extract_strided_slice %sub3A_1073 {offsets = [13], sizes = [1], strides = [1]} : vector<16xf32> to vector<1xf32>
      %squeeze3A_1461 = vector.extract %slice3A_1460[0] : f32 from vector<1xf32>
      %swap3A_1462 = arith.constant 2 : i32
      %swap3A_1463 = arith.constant 13 : i32
      %swap3A_1464 = arith.index_cast %swap3A_1462 : i32 to index
      %swap3A_1465 = arith.index_cast %swap3A_1463 : i32 to index
      %swap3A_1466 = memref.load %arg11[%swap3A_1464, %swap3A_1465] : memref<4x32xf32, #tpu.memory_space<smem>>
      memref.store %squeeze3A_1461, %arg11[%swap3A_1464, %swap3A_1465] : memref<4x32xf32, #tpu.memory_space<smem>>
      %slice3A_1467 = vector.extract_strided_slice %sub3A_1075 {offsets = [13], sizes = [1], strides = [1]} : vector<16xf32> to vector<1xf32>
      %squeeze3A_1468 = vector.extract %slice3A_1467[0] : f32 from vector<1xf32>
      %swap3A_1469 = arith.constant 3 : i32
      %swap3A_1470 = arith.constant 13 : i32
      %swap3A_1471 = arith.index_cast %swap3A_1469 : i32 to index
      %swap3A_1472 = arith.index_cast %swap3A_1470 : i32 to index
      %swap3A_1473 = memref.load %arg11[%swap3A_1471, %swap3A_1472] : memref<4x32xf32, #tpu.memory_space<smem>>
      memref.store %squeeze3A_1468, %arg11[%swap3A_1471, %swap3A_1472] : memref<4x32xf32, #tpu.memory_space<smem>>
      %slice3A_1474 = vector.extract_strided_slice %mul3A_1078 {offsets = [14], sizes = [1], strides = [1]} : vector<16xi32> to vector<1xi32>
      %squeeze3A_1475 = vector.extract %slice3A_1474[0] : i32 from vector<1xi32>
      %swap3A_1476 = arith.constant 2 : i32
      %swap3A_1477 = arith.constant 14 : i32
      %swap3A_1478 = arith.index_cast %swap3A_1476 : i32 to index
      %swap3A_1479 = arith.index_cast %swap3A_1477 : i32 to index
      %swap3A_1480 = memref.load %arg10[%swap3A_1478, %swap3A_1479] : memref<4x32xi32, #tpu.memory_space<smem>>
      memref.store %squeeze3A_1475, %arg10[%swap3A_1478, %swap3A_1479] : memref<4x32xi32, #tpu.memory_space<smem>>
      %slice3A_1481 = vector.extract_strided_slice %mul3A_1081 {offsets = [14], sizes = [1], strides = [1]} : vector<16xi32> to vector<1xi32>
      %squeeze3A_1482 = vector.extract %slice3A_1481[0] : i32 from vector<1xi32>
      %swap3A_1483 = arith.constant 3 : i32
      %swap3A_1484 = arith.constant 14 : i32
      %swap3A_1485 = arith.index_cast %swap3A_1483 : i32 to index
      %swap3A_1486 = arith.index_cast %swap3A_1484 : i32 to index
      %swap3A_1487 = memref.load %arg10[%swap3A_1485, %swap3A_1486] : memref<4x32xi32, #tpu.memory_space<smem>>
      memref.store %squeeze3A_1482, %arg10[%swap3A_1485, %swap3A_1486] : memref<4x32xi32, #tpu.memory_space<smem>>
      %slice3A_1488 = vector.extract_strided_slice %sub3A_1073 {offsets = [14], sizes = [1], strides = [1]} : vector<16xf32> to vector<1xf32>
      %squeeze3A_1489 = vector.extract %slice3A_1488[0] : f32 from vector<1xf32>
      %swap3A_1490 = arith.constant 2 : i32
      %swap3A_1491 = arith.constant 14 : i32
      %swap3A_1492 = arith.index_cast %swap3A_1490 : i32 to index
      %swap3A_1493 = arith.index_cast %swap3A_1491 : i32 to index
      %swap3A_1494 = memref.load %arg11[%swap3A_1492, %swap3A_1493] : memref<4x32xf32, #tpu.memory_space<smem>>
      memref.store %squeeze3A_1489, %arg11[%swap3A_1492, %swap3A_1493] : memref<4x32xf32, #tpu.memory_space<smem>>
      %slice3A_1495 = vector.extract_strided_slice %sub3A_1075 {offsets = [14], sizes = [1], strides = [1]} : vector<16xf32> to vector<1xf32>
      %squeeze3A_1496 = vector.extract %slice3A_1495[0] : f32 from vector<1xf32>
      %swap3A_1497 = arith.constant 3 : i32
      %swap3A_1498 = arith.constant 14 : i32
      %swap3A_1499 = arith.index_cast %swap3A_1497 : i32 to index
      %swap3A_1500 = arith.index_cast %swap3A_1498 : i32 to index
      %swap3A_1501 = memref.load %arg11[%swap3A_1499, %swap3A_1500] : memref<4x32xf32, #tpu.memory_space<smem>>
      memref.store %squeeze3A_1496, %arg11[%swap3A_1499, %swap3A_1500] : memref<4x32xf32, #tpu.memory_space<smem>>
      %slice3A_1502 = vector.extract_strided_slice %mul3A_1078 {offsets = [15], sizes = [1], strides = [1]} : vector<16xi32> to vector<1xi32>
      %squeeze3A_1503 = vector.extract %slice3A_1502[0] : i32 from vector<1xi32>
      %swap3A_1504 = arith.constant 2 : i32
      %swap3A_1505 = arith.constant 15 : i32
      %swap3A_1506 = arith.index_cast %swap3A_1504 : i32 to index
      %swap3A_1507 = arith.index_cast %swap3A_1505 : i32 to index
      %swap3A_1508 = memref.load %arg10[%swap3A_1506, %swap3A_1507] : memref<4x32xi32, #tpu.memory_space<smem>>
      memref.store %squeeze3A_1503, %arg10[%swap3A_1506, %swap3A_1507] : memref<4x32xi32, #tpu.memory_space<smem>>
      %slice3A_1509 = vector.extract_strided_slice %mul3A_1081 {offsets = [15], sizes = [1], strides = [1]} : vector<16xi32> to vector<1xi32>
      %squeeze3A_1510 = vector.extract %slice3A_1509[0] : i32 from vector<1xi32>
      %swap3A_1511 = arith.constant 3 : i32
      %swap3A_1512 = arith.constant 15 : i32
      %swap3A_1513 = arith.index_cast %swap3A_1511 : i32 to index
      %swap3A_1514 = arith.index_cast %swap3A_1512 : i32 to index
      %swap3A_1515 = memref.load %arg10[%swap3A_1513, %swap3A_1514] : memref<4x32xi32, #tpu.memory_space<smem>>
      memref.store %squeeze3A_1510, %arg10[%swap3A_1513, %swap3A_1514] : memref<4x32xi32, #tpu.memory_space<smem>>
      %slice3A_1516 = vector.extract_strided_slice %sub3A_1073 {offsets = [15], sizes = [1], strides = [1]} : vector<16xf32> to vector<1xf32>
      %squeeze3A_1517 = vector.extract %slice3A_1516[0] : f32 from vector<1xf32>
      %swap3A_1518 = arith.constant 2 : i32
      %swap3A_1519 = arith.constant 15 : i32
      %swap3A_1520 = arith.index_cast %swap3A_1518 : i32 to index
      %swap3A_1521 = arith.index_cast %swap3A_1519 : i32 to index
      %swap3A_1522 = memref.load %arg11[%swap3A_1520, %swap3A_1521] : memref<4x32xf32, #tpu.memory_space<smem>>
      memref.store %squeeze3A_1517, %arg11[%swap3A_1520, %swap3A_1521] : memref<4x32xf32, #tpu.memory_space<smem>>
      %slice3A_1523 = vector.extract_strided_slice %sub3A_1075 {offsets = [15], sizes = [1], strides = [1]} : vector<16xf32> to vector<1xf32>
      %squeeze3A_1524 = vector.extract %slice3A_1523[0] : f32 from vector<1xf32>
      %swap3A_1525 = arith.constant 3 : i32
      %swap3A_1526 = arith.constant 15 : i32
      %swap3A_1527 = arith.index_cast %swap3A_1525 : i32 to index
      %swap3A_1528 = arith.index_cast %swap3A_1526 : i32 to index
      %swap3A_1529 = memref.load %arg11[%swap3A_1527, %swap3A_1528] : memref<4x32xf32, #tpu.memory_space<smem>>
      memref.store %squeeze3A_1524, %arg11[%swap3A_1527, %swap3A_1528] : memref<4x32xf32, #tpu.memory_space<smem>>
      %mul3A_1530 = arith.constant 64 : i32
      %mul3A_1531 = arith.muli %add3A_43, %mul3A_1530 : i32
      %add3A_1532 = arith.constant 32 : i32
      %add3A_1533 = arith.addi %mul3A_1531, %add3A_1532 : i32
      %add3A_1534 = arith.constant 16 : i32
      %add3A_1535 = arith.addi %add3A_1533, %add3A_1534 : i32
      %get3A_1536 = arith.index_cast %add3A_1535 : i32 to index
      %get3A_1537 = tpu.vector_load %arg9[%get3A_1536] {strides = array<i32>} : memref<4096xf32, #tpu.memory_space<vmem>>, vector<16xf32>,
      %get3A_1538 = vector.shape_cast %get3A_1537 : vector<16xf32> to vector<16xf32>
      %add3A_1539 = arith.constant 1.000000e+00 : f32
      %add3A_1540 = vector.broadcast %add3A_1539 : f32 to vector<16xf32>
      %add3A_1541 = arith.addf %get3A_1538, %add3A_1540 : vector<16xf32>
      %mul3A_1542 = arith.constant 1.600000e+01 : f32
      %mul3A_1543 = vector.broadcast %mul3A_1542 : f32 to vector<16xf32>
      %mul3A_1544 = arith.mulf %add3A_1541, %mul3A_1543 : vector<16xf32>
      %convert_element_type3A_1545 = arith.fptosi %mul3A_1544 : vector<16xf32> to vector<16xi32>
      %convert_element_type3A_1546 = arith.sitofp %convert_element_type3A_1545 : vector<16xi32> to vector<16xf32>
      %gt3A_1547 = arith.cmpf ogt, %convert_element_type3A_1546, %mul3A_1544 : vector<16xf32>
      %sub3A_1548 = arith.constant 1 : i32
      %sub3A_1549 = vector.broadcast %sub3A_1548 : i32 to vector<16xi32>
      %sub3A_1550 = arith.subi %convert_element_type3A_1545, %sub3A_1549 : vector<16xi32>
      %select_n3A_1551 = arith.select %gt3A_1547, %sub3A_1550, %convert_element_type3A_1545 : vector<16xi1>, vector<16xi32>
      %jit3A_1552 = arith.constant 0 : i32
      %jit3A_1553 = arith.constant 31 : i32
      %max3A_1554 = vector.broadcast %jit3A_1552 : i32 to vector<16xi32>
      %max3A_1555 = arith.maxsi %max3A_1554, %select_n3A_1551 : vector<16xi32>
      %min3A_1556 = vector.broadcast %jit3A_1553 : i32 to vector<16xi32>
      %min3A_1557 = arith.minsi %min3A_1556, %max3A_1555 : vector<16xi32>
      %add3A_1558 = arith.constant 1 : i32
      %add3A_1559 = vector.broadcast %add3A_1558 : i32 to vector<16xi32>
      %add3A_1560 = arith.addi %select_n3A_1551, %add3A_1559 : vector<16xi32>
      %jit3A_1561 = arith.constant 0 : i32
      %jit3A_1562 = arith.constant 31 : i32
      %max3A_1563 = vector.broadcast %jit3A_1561 : i32 to vector<16xi32>
      %max3A_1564 = arith.maxsi %max3A_1563, %add3A_1560 : vector<16xi32>
      %min3A_1565 = vector.broadcast %jit3A_1562 : i32 to vector<16xi32>
      %min3A_1566 = arith.minsi %min3A_1565, %max3A_1564 : vector<16xi32>
      %convert_element_type3A_1567 = arith.sitofp %min3A_1566 : vector<16xi32> to vector<16xf32>
      %sub3A_1568 = arith.subf %convert_element_type3A_1567, %mul3A_1544 : vector<16xf32>
      %convert_element_type3A_1569 = arith.sitofp %min3A_1557 : vector<16xi32> to vector<16xf32>
      %sub3A_1570 = arith.subf %mul3A_1544, %convert_element_type3A_1569 : vector<16xf32>
      %mul3A_1571 = arith.constant 512 : i32
      %mul3A_1572 = vector.broadcast %mul3A_1571 : i32 to vector<16xi32>
      %mul3A_1573 = arith.muli %min3A_1557, %mul3A_1572 : vector<16xi32>
      %mul3A_1574 = arith.constant 512 : i32
      %mul3A_1575 = vector.broadcast %mul3A_1574 : i32 to vector<16xi32>
      %mul3A_1576 = arith.muli %min3A_1566, %mul3A_1575 : vector<16xi32>
      %slice3A_1577 = vector.extract_strided_slice %mul3A_1573 {offsets = [0], sizes = [1], strides = [1]} : vector<16xi32> to vector<1xi32>
      %squeeze3A_1578 = vector.extract %slice3A_1577[0] : i32 from vector<1xi32>
      %swap3A_1579 = arith.constant 2 : i32
      %swap3A_1580 = arith.constant 16 : i32
      %swap3A_1581 = arith.index_cast %swap3A_1579 : i32 to index
      %swap3A_1582 = arith.index_cast %swap3A_1580 : i32 to index
      %swap3A_1583 = memref.load %arg10[%swap3A_1581, %swap3A_1582] : memref<4x32xi32, #tpu.memory_space<smem>>
      memref.store %squeeze3A_1578, %arg10[%swap3A_1581, %swap3A_1582] : memref<4x32xi32, #tpu.memory_space<smem>>
      %slice3A_1584 = vector.extract_strided_slice %mul3A_1576 {offsets = [0], sizes = [1], strides = [1]} : vector<16xi32> to vector<1xi32>
      %squeeze3A_1585 = vector.extract %slice3A_1584[0] : i32 from vector<1xi32>
      %swap3A_1586 = arith.constant 3 : i32
      %swap3A_1587 = arith.constant 16 : i32
      %swap3A_1588 = arith.index_cast %swap3A_1586 : i32 to index
      %swap3A_1589 = arith.index_cast %swap3A_1587 : i32 to index
      %swap3A_1590 = memref.load %arg10[%swap3A_1588, %swap3A_1589] : memref<4x32xi32, #tpu.memory_space<smem>>
      memref.store %squeeze3A_1585, %arg10[%swap3A_1588, %swap3A_1589] : memref<4x32xi32, #tpu.memory_space<smem>>
      %slice3A_1591 = vector.extract_strided_slice %sub3A_1568 {offsets = [0], sizes = [1], strides = [1]} : vector<16xf32> to vector<1xf32>
      %squeeze3A_1592 = vector.extract %slice3A_1591[0] : f32 from vector<1xf32>
      %swap3A_1593 = arith.constant 2 : i32
      %swap3A_1594 = arith.constant 16 : i32
      %swap3A_1595 = arith.index_cast %swap3A_1593 : i32 to index
      %swap3A_1596 = arith.index_cast %swap3A_1594 : i32 to index
      %swap3A_1597 = memref.load %arg11[%swap3A_1595, %swap3A_1596] : memref<4x32xf32, #tpu.memory_space<smem>>
      memref.store %squeeze3A_1592, %arg11[%swap3A_1595, %swap3A_1596] : memref<4x32xf32, #tpu.memory_space<smem>>
      %slice3A_1598 = vector.extract_strided_slice %sub3A_1570 {offsets = [0], sizes = [1], strides = [1]} : vector<16xf32> to vector<1xf32>
      %squeeze3A_1599 = vector.extract %slice3A_1598[0] : f32 from vector<1xf32>
      %swap3A_1600 = arith.constant 3 : i32
      %swap3A_1601 = arith.constant 16 : i32
      %swap3A_1602 = arith.index_cast %swap3A_1600 : i32 to index
      %swap3A_1603 = arith.index_cast %swap3A_1601 : i32 to index
      %swap3A_1604 = memref.load %arg11[%swap3A_1602, %swap3A_1603] : memref<4x32xf32, #tpu.memory_space<smem>>
      memref.store %squeeze3A_1599, %arg11[%swap3A_1602, %swap3A_1603] : memref<4x32xf32, #tpu.memory_space<smem>>
      %slice3A_1605 = vector.extract_strided_slice %mul3A_1573 {offsets = [1], sizes = [1], strides = [1]} : vector<16xi32> to vector<1xi32>
      %squeeze3A_1606 = vector.extract %slice3A_1605[0] : i32 from vector<1xi32>
      %swap3A_1607 = arith.constant 2 : i32
      %swap3A_1608 = arith.constant 17 : i32
      %swap3A_1609 = arith.index_cast %swap3A_1607 : i32 to index
      %swap3A_1610 = arith.index_cast %swap3A_1608 : i32 to index
      %swap3A_1611 = memref.load %arg10[%swap3A_1609, %swap3A_1610] : memref<4x32xi32, #tpu.memory_space<smem>>
      memref.store %squeeze3A_1606, %arg10[%swap3A_1609, %swap3A_1610] : memref<4x32xi32, #tpu.memory_space<smem>>
      %slice3A_1612 = vector.extract_strided_slice %mul3A_1576 {offsets = [1], sizes = [1], strides = [1]} : vector<16xi32> to vector<1xi32>
      %squeeze3A_1613 = vector.extract %slice3A_1612[0] : i32 from vector<1xi32>
      %swap3A_1614 = arith.constant 3 : i32
      %swap3A_1615 = arith.constant 17 : i32
      %swap3A_1616 = arith.index_cast %swap3A_1614 : i32 to index
      %swap3A_1617 = arith.index_cast %swap3A_1615 : i32 to index
      %swap3A_1618 = memref.load %arg10[%swap3A_1616, %swap3A_1617] : memref<4x32xi32, #tpu.memory_space<smem>>
      memref.store %squeeze3A_1613, %arg10[%swap3A_1616, %swap3A_1617] : memref<4x32xi32, #tpu.memory_space<smem>>
      %slice3A_1619 = vector.extract_strided_slice %sub3A_1568 {offsets = [1], sizes = [1], strides = [1]} : vector<16xf32> to vector<1xf32>
      %squeeze3A_1620 = vector.extract %slice3A_1619[0] : f32 from vector<1xf32>
      %swap3A_1621 = arith.constant 2 : i32
      %swap3A_1622 = arith.constant 17 : i32
      %swap3A_1623 = arith.index_cast %swap3A_1621 : i32 to index
      %swap3A_1624 = arith.index_cast %swap3A_1622 : i32 to index
      %swap3A_1625 = memref.load %arg11[%swap3A_1623, %swap3A_1624] : memref<4x32xf32, #tpu.memory_space<smem>>
      memref.store %squeeze3A_1620, %arg11[%swap3A_1623, %swap3A_1624] : memref<4x32xf32, #tpu.memory_space<smem>>
      %slice3A_1626 = vector.extract_strided_slice %sub3A_1570 {offsets = [1], sizes = [1], strides = [1]} : vector<16xf32> to vector<1xf32>
      %squeeze3A_1627 = vector.extract %slice3A_1626[0] : f32 from vector<1xf32>
      %swap3A_1628 = arith.constant 3 : i32
      %swap3A_1629 = arith.constant 17 : i32
      %swap3A_1630 = arith.index_cast %swap3A_1628 : i32 to index
      %swap3A_1631 = arith.index_cast %swap3A_1629 : i32 to index
      %swap3A_1632 = memref.load %arg11[%swap3A_1630, %swap3A_1631] : memref<4x32xf32, #tpu.memory_space<smem>>
      memref.store %squeeze3A_1627, %arg11[%swap3A_1630, %swap3A_1631] : memref<4x32xf32, #tpu.memory_space<smem>>
      %slice3A_1633 = vector.extract_strided_slice %mul3A_1573 {offsets = [2], sizes = [1], strides = [1]} : vector<16xi32> to vector<1xi32>
      %squeeze3A_1634 = vector.extract %slice3A_1633[0] : i32 from vector<1xi32>
      %swap3A_1635 = arith.constant 2 : i32
      %swap3A_1636 = arith.constant 18 : i32
      %swap3A_1637 = arith.index_cast %swap3A_1635 : i32 to index
      %swap3A_1638 = arith.index_cast %swap3A_1636 : i32 to index
      %swap3A_1639 = memref.load %arg10[%swap3A_1637, %swap3A_1638] : memref<4x32xi32, #tpu.memory_space<smem>>
      memref.store %squeeze3A_1634, %arg10[%swap3A_1637, %swap3A_1638] : memref<4x32xi32, #tpu.memory_space<smem>>
      %slice3A_1640 = vector.extract_strided_slice %mul3A_1576 {offsets = [2], sizes = [1], strides = [1]} : vector<16xi32> to vector<1xi32>
      %squeeze3A_1641 = vector.extract %slice3A_1640[0] : i32 from vector<1xi32>
      %swap3A_1642 = arith.constant 3 : i32
      %swap3A_1643 = arith.constant 18 : i32
      %swap3A_1644 = arith.index_cast %swap3A_1642 : i32 to index
      %swap3A_1645 = arith.index_cast %swap3A_1643 : i32 to index
      %swap3A_1646 = memref.load %arg10[%swap3A_1644, %swap3A_1645] : memref<4x32xi32, #tpu.memory_space<smem>>
      memref.store %squeeze3A_1641, %arg10[%swap3A_1644, %swap3A_1645] : memref<4x32xi32, #tpu.memory_space<smem>>
      %slice3A_1647 = vector.extract_strided_slice %sub3A_1568 {offsets = [2], sizes = [1], strides = [1]} : vector<16xf32> to vector<1xf32>
      %squeeze3A_1648 = vector.extract %slice3A_1647[0] : f32 from vector<1xf32>
      %swap3A_1649 = arith.constant 2 : i32
      %swap3A_1650 = arith.constant 18 : i32
      %swap3A_1651 = arith.index_cast %swap3A_1649 : i32 to index
      %swap3A_1652 = arith.index_cast %swap3A_1650 : i32 to index
      %swap3A_1653 = memref.load %arg11[%swap3A_1651, %swap3A_1652] : memref<4x32xf32, #tpu.memory_space<smem>>
      memref.store %squeeze3A_1648, %arg11[%swap3A_1651, %swap3A_1652] : memref<4x32xf32, #tpu.memory_space<smem>>
      %slice3A_1654 = vector.extract_strided_slice %sub3A_1570 {offsets = [2], sizes = [1], strides = [1]} : vector<16xf32> to vector<1xf32>
      %squeeze3A_1655 = vector.extract %slice3A_1654[0] : f32 from vector<1xf32>
      %swap3A_1656 = arith.constant 3 : i32
      %swap3A_1657 = arith.constant 18 : i32
      %swap3A_1658 = arith.index_cast %swap3A_1656 : i32 to index
      %swap3A_1659 = arith.index_cast %swap3A_1657 : i32 to index
      %swap3A_1660 = memref.load %arg11[%swap3A_1658, %swap3A_1659] : memref<4x32xf32, #tpu.memory_space<smem>>
      memref.store %squeeze3A_1655, %arg11[%swap3A_1658, %swap3A_1659] : memref<4x32xf32, #tpu.memory_space<smem>>
      %slice3A_1661 = vector.extract_strided_slice %mul3A_1573 {offsets = [3], sizes = [1], strides = [1]} : vector<16xi32> to vector<1xi32>
      %squeeze3A_1662 = vector.extract %slice3A_1661[0] : i32 from vector<1xi32>
      %swap3A_1663 = arith.constant 2 : i32
      %swap3A_1664 = arith.constant 19 : i32
      %swap3A_1665 = arith.index_cast %swap3A_1663 : i32 to index
      %swap3A_1666 = arith.index_cast %swap3A_1664 : i32 to index
      %swap3A_1667 = memref.load %arg10[%swap3A_1665, %swap3A_1666] : memref<4x32xi32, #tpu.memory_space<smem>>
      memref.store %squeeze3A_1662, %arg10[%swap3A_1665, %swap3A_1666] : memref<4x32xi32, #tpu.memory_space<smem>>
      %slice3A_1668 = vector.extract_strided_slice %mul3A_1576 {offsets = [3], sizes = [1], strides = [1]} : vector<16xi32> to vector<1xi32>
      %squeeze3A_1669 = vector.extract %slice3A_1668[0] : i32 from vector<1xi32>
      %swap3A_1670 = arith.constant 3 : i32
      %swap3A_1671 = arith.constant 19 : i32
      %swap3A_1672 = arith.index_cast %swap3A_1670 : i32 to index
      %swap3A_1673 = arith.index_cast %swap3A_1671 : i32 to index
      %swap3A_1674 = memref.load %arg10[%swap3A_1672, %swap3A_1673] : memref<4x32xi32, #tpu.memory_space<smem>>
      memref.store %squeeze3A_1669, %arg10[%swap3A_1672, %swap3A_1673] : memref<4x32xi32, #tpu.memory_space<smem>>
      %slice3A_1675 = vector.extract_strided_slice %sub3A_1568 {offsets = [3], sizes = [1], strides = [1]} : vector<16xf32> to vector<1xf32>
      %squeeze3A_1676 = vector.extract %slice3A_1675[0] : f32 from vector<1xf32>
      %swap3A_1677 = arith.constant 2 : i32
      %swap3A_1678 = arith.constant 19 : i32
      %swap3A_1679 = arith.index_cast %swap3A_1677 : i32 to index
      %swap3A_1680 = arith.index_cast %swap3A_1678 : i32 to index
      %swap3A_1681 = memref.load %arg11[%swap3A_1679, %swap3A_1680] : memref<4x32xf32, #tpu.memory_space<smem>>
      memref.store %squeeze3A_1676, %arg11[%swap3A_1679, %swap3A_1680] : memref<4x32xf32, #tpu.memory_space<smem>>
      %slice3A_1682 = vector.extract_strided_slice %sub3A_1570 {offsets = [3], sizes = [1], strides = [1]} : vector<16xf32> to vector<1xf32>
      %squeeze3A_1683 = vector.extract %slice3A_1682[0] : f32 from vector<1xf32>
      %swap3A_1684 = arith.constant 3 : i32
      %swap3A_1685 = arith.constant 19 : i32
      %swap3A_1686 = arith.index_cast %swap3A_1684 : i32 to index
      %swap3A_1687 = arith.index_cast %swap3A_1685 : i32 to index
      %swap3A_1688 = memref.load %arg11[%swap3A_1686, %swap3A_1687] : memref<4x32xf32, #tpu.memory_space<smem>>
      memref.store %squeeze3A_1683, %arg11[%swap3A_1686, %swap3A_1687] : memref<4x32xf32, #tpu.memory_space<smem>>
      %slice3A_1689 = vector.extract_strided_slice %mul3A_1573 {offsets = [4], sizes = [1], strides = [1]} : vector<16xi32> to vector<1xi32>
      %squeeze3A_1690 = vector.extract %slice3A_1689[0] : i32 from vector<1xi32>
      %swap3A_1691 = arith.constant 2 : i32
      %swap3A_1692 = arith.constant 20 : i32
      %swap3A_1693 = arith.index_cast %swap3A_1691 : i32 to index
      %swap3A_1694 = arith.index_cast %swap3A_1692 : i32 to index
      %swap3A_1695 = memref.load %arg10[%swap3A_1693, %swap3A_1694] : memref<4x32xi32, #tpu.memory_space<smem>>
      memref.store %squeeze3A_1690, %arg10[%swap3A_1693, %swap3A_1694] : memref<4x32xi32, #tpu.memory_space<smem>>
      %slice3A_1696 = vector.extract_strided_slice %mul3A_1576 {offsets = [4], sizes = [1], strides = [1]} : vector<16xi32> to vector<1xi32>
      %squeeze3A_1697 = vector.extract %slice3A_1696[0] : i32 from vector<1xi32>
      %swap3A_1698 = arith.constant 3 : i32
      %swap3A_1699 = arith.constant 20 : i32
      %swap3A_1700 = arith.index_cast %swap3A_1698 : i32 to index
      %swap3A_1701 = arith.index_cast %swap3A_1699 : i32 to index
      %swap3A_1702 = memref.load %arg10[%swap3A_1700, %swap3A_1701] : memref<4x32xi32, #tpu.memory_space<smem>>
      memref.store %squeeze3A_1697, %arg10[%swap3A_1700, %swap3A_1701] : memref<4x32xi32, #tpu.memory_space<smem>>
      %slice3A_1703 = vector.extract_strided_slice %sub3A_1568 {offsets = [4], sizes = [1], strides = [1]} : vector<16xf32> to vector<1xf32>
      %squeeze3A_1704 = vector.extract %slice3A_1703[0] : f32 from vector<1xf32>
      %swap3A_1705 = arith.constant 2 : i32
      %swap3A_1706 = arith.constant 20 : i32
      %swap3A_1707 = arith.index_cast %swap3A_1705 : i32 to index
      %swap3A_1708 = arith.index_cast %swap3A_1706 : i32 to index
      %swap3A_1709 = memref.load %arg11[%swap3A_1707, %swap3A_1708] : memref<4x32xf32, #tpu.memory_space<smem>>
      memref.store %squeeze3A_1704, %arg11[%swap3A_1707, %swap3A_1708] : memref<4x32xf32, #tpu.memory_space<smem>>
      %slice3A_1710 = vector.extract_strided_slice %sub3A_1570 {offsets = [4], sizes = [1], strides = [1]} : vector<16xf32> to vector<1xf32>
      %squeeze3A_1711 = vector.extract %slice3A_1710[0] : f32 from vector<1xf32>
      %swap3A_1712 = arith.constant 3 : i32
      %swap3A_1713 = arith.constant 20 : i32
      %swap3A_1714 = arith.index_cast %swap3A_1712 : i32 to index
      %swap3A_1715 = arith.index_cast %swap3A_1713 : i32 to index
      %swap3A_1716 = memref.load %arg11[%swap3A_1714, %swap3A_1715] : memref<4x32xf32, #tpu.memory_space<smem>>
      memref.store %squeeze3A_1711, %arg11[%swap3A_1714, %swap3A_1715] : memref<4x32xf32, #tpu.memory_space<smem>>
      %slice3A_1717 = vector.extract_strided_slice %mul3A_1573 {offsets = [5], sizes = [1], strides = [1]} : vector<16xi32> to vector<1xi32>
      %squeeze3A_1718 = vector.extract %slice3A_1717[0] : i32 from vector<1xi32>
      %swap3A_1719 = arith.constant 2 : i32
      %swap3A_1720 = arith.constant 21 : i32
      %swap3A_1721 = arith.index_cast %swap3A_1719 : i32 to index
      %swap3A_1722 = arith.index_cast %swap3A_1720 : i32 to index
      %swap3A_1723 = memref.load %arg10[%swap3A_1721, %swap3A_1722] : memref<4x32xi32, #tpu.memory_space<smem>>
      memref.store %squeeze3A_1718, %arg10[%swap3A_1721, %swap3A_1722] : memref<4x32xi32, #tpu.memory_space<smem>>
      %slice3A_1724 = vector.extract_strided_slice %mul3A_1576 {offsets = [5], sizes = [1], strides = [1]} : vector<16xi32> to vector<1xi32>
      %squeeze3A_1725 = vector.extract %slice3A_1724[0] : i32 from vector<1xi32>
      %swap3A_1726 = arith.constant 3 : i32
      %swap3A_1727 = arith.constant 21 : i32
      %swap3A_1728 = arith.index_cast %swap3A_1726 : i32 to index
      %swap3A_1729 = arith.index_cast %swap3A_1727 : i32 to index
      %swap3A_1730 = memref.load %arg10[%swap3A_1728, %swap3A_1729] : memref<4x32xi32, #tpu.memory_space<smem>>
      memref.store %squeeze3A_1725, %arg10[%swap3A_1728, %swap3A_1729] : memref<4x32xi32, #tpu.memory_space<smem>>
      %slice3A_1731 = vector.extract_strided_slice %sub3A_1568 {offsets = [5], sizes = [1], strides = [1]} : vector<16xf32> to vector<1xf32>
      %squeeze3A_1732 = vector.extract %slice3A_1731[0] : f32 from vector<1xf32>
      %swap3A_1733 = arith.constant 2 : i32
      %swap3A_1734 = arith.constant 21 : i32
      %swap3A_1735 = arith.index_cast %swap3A_1733 : i32 to index
      %swap3A_1736 = arith.index_cast %swap3A_1734 : i32 to index
      %swap3A_1737 = memref.load %arg11[%swap3A_1735, %swap3A_1736] : memref<4x32xf32, #tpu.memory_space<smem>>
      memref.store %squeeze3A_1732, %arg11[%swap3A_1735, %swap3A_1736] : memref<4x32xf32, #tpu.memory_space<smem>>
      %slice3A_1738 = vector.extract_strided_slice %sub3A_1570 {offsets = [5], sizes = [1], strides = [1]} : vector<16xf32> to vector<1xf32>
      %squeeze3A_1739 = vector.extract %slice3A_1738[0] : f32 from vector<1xf32>
      %swap3A_1740 = arith.constant 3 : i32
      %swap3A_1741 = arith.constant 21 : i32
      %swap3A_1742 = arith.index_cast %swap3A_1740 : i32 to index
      %swap3A_1743 = arith.index_cast %swap3A_1741 : i32 to index
      %swap3A_1744 = memref.load %arg11[%swap3A_1742, %swap3A_1743] : memref<4x32xf32, #tpu.memory_space<smem>>
      memref.store %squeeze3A_1739, %arg11[%swap3A_1742, %swap3A_1743] : memref<4x32xf32, #tpu.memory_space<smem>>
      %slice3A_1745 = vector.extract_strided_slice %mul3A_1573 {offsets = [6], sizes = [1], strides = [1]} : vector<16xi32> to vector<1xi32>
      %squeeze3A_1746 = vector.extract %slice3A_1745[0] : i32 from vector<1xi32>
      %swap3A_1747 = arith.constant 2 : i32
      %swap3A_1748 = arith.constant 22 : i32
      %swap3A_1749 = arith.index_cast %swap3A_1747 : i32 to index
      %swap3A_1750 = arith.index_cast %swap3A_1748 : i32 to index
      %swap3A_1751 = memref.load %arg10[%swap3A_1749, %swap3A_1750] : memref<4x32xi32, #tpu.memory_space<smem>>
      memref.store %squeeze3A_1746, %arg10[%swap3A_1749, %swap3A_1750] : memref<4x32xi32, #tpu.memory_space<smem>>
      %slice3A_1752 = vector.extract_strided_slice %mul3A_1576 {offsets = [6], sizes = [1], strides = [1]} : vector<16xi32> to vector<1xi32>
      %squeeze3A_1753 = vector.extract %slice3A_1752[0] : i32 from vector<1xi32>
      %swap3A_1754 = arith.constant 3 : i32
      %swap3A_1755 = arith.constant 22 : i32
      %swap3A_1756 = arith.index_cast %swap3A_1754 : i32 to index
      %swap3A_1757 = arith.index_cast %swap3A_1755 : i32 to index
      %swap3A_1758 = memref.load %arg10[%swap3A_1756, %swap3A_1757] : memref<4x32xi32, #tpu.memory_space<smem>>
      memref.store %squeeze3A_1753, %arg10[%swap3A_1756, %swap3A_1757] : memref<4x32xi32, #tpu.memory_space<smem>>
      %slice3A_1759 = vector.extract_strided_slice %sub3A_1568 {offsets = [6], sizes = [1], strides = [1]} : vector<16xf32> to vector<1xf32>
      %squeeze3A_1760 = vector.extract %slice3A_1759[0] : f32 from vector<1xf32>
      %swap3A_1761 = arith.constant 2 : i32
      %swap3A_1762 = arith.constant 22 : i32
      %swap3A_1763 = arith.index_cast %swap3A_1761 : i32 to index
      %swap3A_1764 = arith.index_cast %swap3A_1762 : i32 to index
      %swap3A_1765 = memref.load %arg11[%swap3A_1763, %swap3A_1764] : memref<4x32xf32, #tpu.memory_space<smem>>
      memref.store %squeeze3A_1760, %arg11[%swap3A_1763, %swap3A_1764] : memref<4x32xf32, #tpu.memory_space<smem>>
      %slice3A_1766 = vector.extract_strided_slice %sub3A_1570 {offsets = [6], sizes = [1], strides = [1]} : vector<16xf32> to vector<1xf32>
      %squeeze3A_1767 = vector.extract %slice3A_1766[0] : f32 from vector<1xf32>
      %swap3A_1768 = arith.constant 3 : i32
      %swap3A_1769 = arith.constant 22 : i32
      %swap3A_1770 = arith.index_cast %swap3A_1768 : i32 to index
      %swap3A_1771 = arith.index_cast %swap3A_1769 : i32 to index
      %swap3A_1772 = memref.load %arg11[%swap3A_1770, %swap3A_1771] : memref<4x32xf32, #tpu.memory_space<smem>>
      memref.store %squeeze3A_1767, %arg11[%swap3A_1770, %swap3A_1771] : memref<4x32xf32, #tpu.memory_space<smem>>
      %slice3A_1773 = vector.extract_strided_slice %mul3A_1573 {offsets = [7], sizes = [1], strides = [1]} : vector<16xi32> to vector<1xi32>
      %squeeze3A_1774 = vector.extract %slice3A_1773[0] : i32 from vector<1xi32>
      %swap3A_1775 = arith.constant 2 : i32
      %swap3A_1776 = arith.constant 23 : i32
      %swap3A_1777 = arith.index_cast %swap3A_1775 : i32 to index
      %swap3A_1778 = arith.index_cast %swap3A_1776 : i32 to index
      %swap3A_1779 = memref.load %arg10[%swap3A_1777, %swap3A_1778] : memref<4x32xi32, #tpu.memory_space<smem>>
      memref.store %squeeze3A_1774, %arg10[%swap3A_1777, %swap3A_1778] : memref<4x32xi32, #tpu.memory_space<smem>>
      %slice3A_1780 = vector.extract_strided_slice %mul3A_1576 {offsets = [7], sizes = [1], strides = [1]} : vector<16xi32> to vector<1xi32>
      %squeeze3A_1781 = vector.extract %slice3A_1780[0] : i32 from vector<1xi32>
      %swap3A_1782 = arith.constant 3 : i32
      %swap3A_1783 = arith.constant 23 : i32
      %swap3A_1784 = arith.index_cast %swap3A_1782 : i32 to index
      %swap3A_1785 = arith.index_cast %swap3A_1783 : i32 to index
      %swap3A_1786 = memref.load %arg10[%swap3A_1784, %swap3A_1785] : memref<4x32xi32, #tpu.memory_space<smem>>
      memref.store %squeeze3A_1781, %arg10[%swap3A_1784, %swap3A_1785] : memref<4x32xi32, #tpu.memory_space<smem>>
      %slice3A_1787 = vector.extract_strided_slice %sub3A_1568 {offsets = [7], sizes = [1], strides = [1]} : vector<16xf32> to vector<1xf32>
      %squeeze3A_1788 = vector.extract %slice3A_1787[0] : f32 from vector<1xf32>
      %swap3A_1789 = arith.constant 2 : i32
      %swap3A_1790 = arith.constant 23 : i32
      %swap3A_1791 = arith.index_cast %swap3A_1789 : i32 to index
      %swap3A_1792 = arith.index_cast %swap3A_1790 : i32 to index
      %swap3A_1793 = memref.load %arg11[%swap3A_1791, %swap3A_1792] : memref<4x32xf32, #tpu.memory_space<smem>>
      memref.store %squeeze3A_1788, %arg11[%swap3A_1791, %swap3A_1792] : memref<4x32xf32, #tpu.memory_space<smem>>
      %slice3A_1794 = vector.extract_strided_slice %sub3A_1570 {offsets = [7], sizes = [1], strides = [1]} : vector<16xf32> to vector<1xf32>
      %squeeze3A_1795 = vector.extract %slice3A_1794[0] : f32 from vector<1xf32>
      %swap3A_1796 = arith.constant 3 : i32
      %swap3A_1797 = arith.constant 23 : i32
      %swap3A_1798 = arith.index_cast %swap3A_1796 : i32 to index
      %swap3A_1799 = arith.index_cast %swap3A_1797 : i32 to index
      %swap3A_1800 = memref.load %arg11[%swap3A_1798, %swap3A_1799] : memref<4x32xf32, #tpu.memory_space<smem>>
      memref.store %squeeze3A_1795, %arg11[%swap3A_1798, %swap3A_1799] : memref<4x32xf32, #tpu.memory_space<smem>>
      %slice3A_1801 = vector.extract_strided_slice %mul3A_1573 {offsets = [8], sizes = [1], strides = [1]} : vector<16xi32> to vector<1xi32>
      %squeeze3A_1802 = vector.extract %slice3A_1801[0] : i32 from vector<1xi32>
      %swap3A_1803 = arith.constant 2 : i32
      %swap3A_1804 = arith.constant 24 : i32
      %swap3A_1805 = arith.index_cast %swap3A_1803 : i32 to index
      %swap3A_1806 = arith.index_cast %swap3A_1804 : i32 to index
      %swap3A_1807 = memref.load %arg10[%swap3A_1805, %swap3A_1806] : memref<4x32xi32, #tpu.memory_space<smem>>
      memref.store %squeeze3A_1802, %arg10[%swap3A_1805, %swap3A_1806] : memref<4x32xi32, #tpu.memory_space<smem>>
      %slice3A_1808 = vector.extract_strided_slice %mul3A_1576 {offsets = [8], sizes = [1], strides = [1]} : vector<16xi32> to vector<1xi32>
      %squeeze3A_1809 = vector.extract %slice3A_1808[0] : i32 from vector<1xi32>
      %swap3A_1810 = arith.constant 3 : i32
      %swap3A_1811 = arith.constant 24 : i32
      %swap3A_1812 = arith.index_cast %swap3A_1810 : i32 to index
      %swap3A_1813 = arith.index_cast %swap3A_1811 : i32 to index
      %swap3A_1814 = memref.load %arg10[%swap3A_1812, %swap3A_1813] : memref<4x32xi32, #tpu.memory_space<smem>>
      memref.store %squeeze3A_1809, %arg10[%swap3A_1812, %swap3A_1813] : memref<4x32xi32, #tpu.memory_space<smem>>
      %slice3A_1815 = vector.extract_strided_slice %sub3A_1568 {offsets = [8], sizes = [1], strides = [1]} : vector<16xf32> to vector<1xf32>
      %squeeze3A_1816 = vector.extract %slice3A_1815[0] : f32 from vector<1xf32>
      %swap3A_1817 = arith.constant 2 : i32
      %swap3A_1818 = arith.constant 24 : i32
      %swap3A_1819 = arith.index_cast %swap3A_1817 : i32 to index
      %swap3A_1820 = arith.index_cast %swap3A_1818 : i32 to index
      %swap3A_1821 = memref.load %arg11[%swap3A_1819, %swap3A_1820] : memref<4x32xf32, #tpu.memory_space<smem>>
      memref.store %squeeze3A_1816, %arg11[%swap3A_1819, %swap3A_1820] : memref<4x32xf32, #tpu.memory_space<smem>>
      %slice3A_1822 = vector.extract_strided_slice %sub3A_1570 {offsets = [8], sizes = [1], strides = [1]} : vector<16xf32> to vector<1xf32>
      %squeeze3A_1823 = vector.extract %slice3A_1822[0] : f32 from vector<1xf32>
      %swap3A_1824 = arith.constant 3 : i32
      %swap3A_1825 = arith.constant 24 : i32
      %swap3A_1826 = arith.index_cast %swap3A_1824 : i32 to index
      %swap3A_1827 = arith.index_cast %swap3A_1825 : i32 to index
      %swap3A_1828 = memref.load %arg11[%swap3A_1826, %swap3A_1827] : memref<4x32xf32, #tpu.memory_space<smem>>
      memref.store %squeeze3A_1823, %arg11[%swap3A_1826, %swap3A_1827] : memref<4x32xf32, #tpu.memory_space<smem>>
      %slice3A_1829 = vector.extract_strided_slice %mul3A_1573 {offsets = [9], sizes = [1], strides = [1]} : vector<16xi32> to vector<1xi32>
      %squeeze3A_1830 = vector.extract %slice3A_1829[0] : i32 from vector<1xi32>
      %swap3A_1831 = arith.constant 2 : i32
      %swap3A_1832 = arith.constant 25 : i32
      %swap3A_1833 = arith.index_cast %swap3A_1831 : i32 to index
      %swap3A_1834 = arith.index_cast %swap3A_1832 : i32 to index
      %swap3A_1835 = memref.load %arg10[%swap3A_1833, %swap3A_1834] : memref<4x32xi32, #tpu.memory_space<smem>>
      memref.store %squeeze3A_1830, %arg10[%swap3A_1833, %swap3A_1834] : memref<4x32xi32, #tpu.memory_space<smem>>
      %slice3A_1836 = vector.extract_strided_slice %mul3A_1576 {offsets = [9], sizes = [1], strides = [1]} : vector<16xi32> to vector<1xi32>
      %squeeze3A_1837 = vector.extract %slice3A_1836[0] : i32 from vector<1xi32>
      %swap3A_1838 = arith.constant 3 : i32
      %swap3A_1839 = arith.constant 25 : i32
      %swap3A_1840 = arith.index_cast %swap3A_1838 : i32 to index
      %swap3A_1841 = arith.index_cast %swap3A_1839 : i32 to index
      %swap3A_1842 = memref.load %arg10[%swap3A_1840, %swap3A_1841] : memref<4x32xi32, #tpu.memory_space<smem>>
      memref.store %squeeze3A_1837, %arg10[%swap3A_1840, %swap3A_1841] : memref<4x32xi32, #tpu.memory_space<smem>>
      %slice3A_1843 = vector.extract_strided_slice %sub3A_1568 {offsets = [9], sizes = [1], strides = [1]} : vector<16xf32> to vector<1xf32>
      %squeeze3A_1844 = vector.extract %slice3A_1843[0] : f32 from vector<1xf32>
      %swap3A_1845 = arith.constant 2 : i32
      %swap3A_1846 = arith.constant 25 : i32
      %swap3A_1847 = arith.index_cast %swap3A_1845 : i32 to index
      %swap3A_1848 = arith.index_cast %swap3A_1846 : i32 to index
      %swap3A_1849 = memref.load %arg11[%swap3A_1847, %swap3A_1848] : memref<4x32xf32, #tpu.memory_space<smem>>
      memref.store %squeeze3A_1844, %arg11[%swap3A_1847, %swap3A_1848] : memref<4x32xf32, #tpu.memory_space<smem>>
      %slice3A_1850 = vector.extract_strided_slice %sub3A_1570 {offsets = [9], sizes = [1], strides = [1]} : vector<16xf32> to vector<1xf32>
      %squeeze3A_1851 = vector.extract %slice3A_1850[0] : f32 from vector<1xf32>
      %swap3A_1852 = arith.constant 3 : i32
      %swap3A_1853 = arith.constant 25 : i32
      %swap3A_1854 = arith.index_cast %swap3A_1852 : i32 to index
      %swap3A_1855 = arith.index_cast %swap3A_1853 : i32 to index
      %swap3A_1856 = memref.load %arg11[%swap3A_1854, %swap3A_1855] : memref<4x32xf32, #tpu.memory_space<smem>>
      memref.store %squeeze3A_1851, %arg11[%swap3A_1854, %swap3A_1855] : memref<4x32xf32, #tpu.memory_space<smem>>
      %slice3A_1857 = vector.extract_strided_slice %mul3A_1573 {offsets = [10], sizes = [1], strides = [1]} : vector<16xi32> to vector<1xi32>
      %squeeze3A_1858 = vector.extract %slice3A_1857[0] : i32 from vector<1xi32>
      %swap3A_1859 = arith.constant 2 : i32
      %swap3A_1860 = arith.constant 26 : i32
      %swap3A_1861 = arith.index_cast %swap3A_1859 : i32 to index
      %swap3A_1862 = arith.index_cast %swap3A_1860 : i32 to index
      %swap3A_1863 = memref.load %arg10[%swap3A_1861, %swap3A_1862] : memref<4x32xi32, #tpu.memory_space<smem>>
      memref.store %squeeze3A_1858, %arg10[%swap3A_1861, %swap3A_1862] : memref<4x32xi32, #tpu.memory_space<smem>>
      %slice3A_1864 = vector.extract_strided_slice %mul3A_1576 {offsets = [10], sizes = [1], strides = [1]} : vector<16xi32> to vector<1xi32>
      %squeeze3A_1865 = vector.extract %slice3A_1864[0] : i32 from vector<1xi32>
      %swap3A_1866 = arith.constant 3 : i32
      %swap3A_1867 = arith.constant 26 : i32
      %swap3A_1868 = arith.index_cast %swap3A_1866 : i32 to index
      %swap3A_1869 = arith.index_cast %swap3A_1867 : i32 to index
      %swap3A_1870 = memref.load %arg10[%swap3A_1868, %swap3A_1869] : memref<4x32xi32, #tpu.memory_space<smem>>
      memref.store %squeeze3A_1865, %arg10[%swap3A_1868, %swap3A_1869] : memref<4x32xi32, #tpu.memory_space<smem>>
      %slice3A_1871 = vector.extract_strided_slice %sub3A_1568 {offsets = [10], sizes = [1], strides = [1]} : vector<16xf32> to vector<1xf32>
      %squeeze3A_1872 = vector.extract %slice3A_1871[0] : f32 from vector<1xf32>
      %swap3A_1873 = arith.constant 2 : i32
      %swap3A_1874 = arith.constant 26 : i32
      %swap3A_1875 = arith.index_cast %swap3A_1873 : i32 to index
      %swap3A_1876 = arith.index_cast %swap3A_1874 : i32 to index
      %swap3A_1877 = memref.load %arg11[%swap3A_1875, %swap3A_1876] : memref<4x32xf32, #tpu.memory_space<smem>>
      memref.store %squeeze3A_1872, %arg11[%swap3A_1875, %swap3A_1876] : memref<4x32xf32, #tpu.memory_space<smem>>
      %slice3A_1878 = vector.extract_strided_slice %sub3A_1570 {offsets = [10], sizes = [1], strides = [1]} : vector<16xf32> to vector<1xf32>
      %squeeze3A_1879 = vector.extract %slice3A_1878[0] : f32 from vector<1xf32>
      %swap3A_1880 = arith.constant 3 : i32
      %swap3A_1881 = arith.constant 26 : i32
      %swap3A_1882 = arith.index_cast %swap3A_1880 : i32 to index
      %swap3A_1883 = arith.index_cast %swap3A_1881 : i32 to index
      %swap3A_1884 = memref.load %arg11[%swap3A_1882, %swap3A_1883] : memref<4x32xf32, #tpu.memory_space<smem>>
      memref.store %squeeze3A_1879, %arg11[%swap3A_1882, %swap3A_1883] : memref<4x32xf32, #tpu.memory_space<smem>>
      %slice3A_1885 = vector.extract_strided_slice %mul3A_1573 {offsets = [11], sizes = [1], strides = [1]} : vector<16xi32> to vector<1xi32>
      %squeeze3A_1886 = vector.extract %slice3A_1885[0] : i32 from vector<1xi32>
      %swap3A_1887 = arith.constant 2 : i32
      %swap3A_1888 = arith.constant 27 : i32
      %swap3A_1889 = arith.index_cast %swap3A_1887 : i32 to index
      %swap3A_1890 = arith.index_cast %swap3A_1888 : i32 to index
      %swap3A_1891 = memref.load %arg10[%swap3A_1889, %swap3A_1890] : memref<4x32xi32, #tpu.memory_space<smem>>
      memref.store %squeeze3A_1886, %arg10[%swap3A_1889, %swap3A_1890] : memref<4x32xi32, #tpu.memory_space<smem>>
      %slice3A_1892 = vector.extract_strided_slice %mul3A_1576 {offsets = [11], sizes = [1], strides = [1]} : vector<16xi32> to vector<1xi32>
      %squeeze3A_1893 = vector.extract %slice3A_1892[0] : i32 from vector<1xi32>
      %swap3A_1894 = arith.constant 3 : i32
      %swap3A_1895 = arith.constant 27 : i32
      %swap3A_1896 = arith.index_cast %swap3A_1894 : i32 to index
      %swap3A_1897 = arith.index_cast %swap3A_1895 : i32 to index
      %swap3A_1898 = memref.load %arg10[%swap3A_1896, %swap3A_1897] : memref<4x32xi32, #tpu.memory_space<smem>>
      memref.store %squeeze3A_1893, %arg10[%swap3A_1896, %swap3A_1897] : memref<4x32xi32, #tpu.memory_space<smem>>
      %slice3A_1899 = vector.extract_strided_slice %sub3A_1568 {offsets = [11], sizes = [1], strides = [1]} : vector<16xf32> to vector<1xf32>
      %squeeze3A_1900 = vector.extract %slice3A_1899[0] : f32 from vector<1xf32>
      %swap3A_1901 = arith.constant 2 : i32
      %swap3A_1902 = arith.constant 27 : i32
      %swap3A_1903 = arith.index_cast %swap3A_1901 : i32 to index
      %swap3A_1904 = arith.index_cast %swap3A_1902 : i32 to index
      %swap3A_1905 = memref.load %arg11[%swap3A_1903, %swap3A_1904] : memref<4x32xf32, #tpu.memory_space<smem>>
      memref.store %squeeze3A_1900, %arg11[%swap3A_1903, %swap3A_1904] : memref<4x32xf32, #tpu.memory_space<smem>>
      %slice3A_1906 = vector.extract_strided_slice %sub3A_1570 {offsets = [11], sizes = [1], strides = [1]} : vector<16xf32> to vector<1xf32>
      %squeeze3A_1907 = vector.extract %slice3A_1906[0] : f32 from vector<1xf32>
      %swap3A_1908 = arith.constant 3 : i32
      %swap3A_1909 = arith.constant 27 : i32
      %swap3A_1910 = arith.index_cast %swap3A_1908 : i32 to index
      %swap3A_1911 = arith.index_cast %swap3A_1909 : i32 to index
      %swap3A_1912 = memref.load %arg11[%swap3A_1910, %swap3A_1911] : memref<4x32xf32, #tpu.memory_space<smem>>
      memref.store %squeeze3A_1907, %arg11[%swap3A_1910, %swap3A_1911] : memref<4x32xf32, #tpu.memory_space<smem>>
      %slice3A_1913 = vector.extract_strided_slice %mul3A_1573 {offsets = [12], sizes = [1], strides = [1]} : vector<16xi32> to vector<1xi32>
      %squeeze3A_1914 = vector.extract %slice3A_1913[0] : i32 from vector<1xi32>
      %swap3A_1915 = arith.constant 2 : i32
      %swap3A_1916 = arith.constant 28 : i32
      %swap3A_1917 = arith.index_cast %swap3A_1915 : i32 to index
      %swap3A_1918 = arith.index_cast %swap3A_1916 : i32 to index
      %swap3A_1919 = memref.load %arg10[%swap3A_1917, %swap3A_1918] : memref<4x32xi32, #tpu.memory_space<smem>>
      memref.store %squeeze3A_1914, %arg10[%swap3A_1917, %swap3A_1918] : memref<4x32xi32, #tpu.memory_space<smem>>
      %slice3A_1920 = vector.extract_strided_slice %mul3A_1576 {offsets = [12], sizes = [1], strides = [1]} : vector<16xi32> to vector<1xi32>
      %squeeze3A_1921 = vector.extract %slice3A_1920[0] : i32 from vector<1xi32>
      %swap3A_1922 = arith.constant 3 : i32
      %swap3A_1923 = arith.constant 28 : i32
      %swap3A_1924 = arith.index_cast %swap3A_1922 : i32 to index
      %swap3A_1925 = arith.index_cast %swap3A_1923 : i32 to index
      %swap3A_1926 = memref.load %arg10[%swap3A_1924, %swap3A_1925] : memref<4x32xi32, #tpu.memory_space<smem>>
      memref.store %squeeze3A_1921, %arg10[%swap3A_1924, %swap3A_1925] : memref<4x32xi32, #tpu.memory_space<smem>>
      %slice3A_1927 = vector.extract_strided_slice %sub3A_1568 {offsets = [12], sizes = [1], strides = [1]} : vector<16xf32> to vector<1xf32>
      %squeeze3A_1928 = vector.extract %slice3A_1927[0] : f32 from vector<1xf32>
      %swap3A_1929 = arith.constant 2 : i32
      %swap3A_1930 = arith.constant 28 : i32
      %swap3A_1931 = arith.index_cast %swap3A_1929 : i32 to index
      %swap3A_1932 = arith.index_cast %swap3A_1930 : i32 to index
      %swap3A_1933 = memref.load %arg11[%swap3A_1931, %swap3A_1932] : memref<4x32xf32, #tpu.memory_space<smem>>
      memref.store %squeeze3A_1928, %arg11[%swap3A_1931, %swap3A_1932] : memref<4x32xf32, #tpu.memory_space<smem>>
      %slice3A_1934 = vector.extract_strided_slice %sub3A_1570 {offsets = [12], sizes = [1], strides = [1]} : vector<16xf32> to vector<1xf32>
      %squeeze3A_1935 = vector.extract %slice3A_1934[0] : f32 from vector<1xf32>
      %swap3A_1936 = arith.constant 3 : i32
      %swap3A_1937 = arith.constant 28 : i32
      %swap3A_1938 = arith.index_cast %swap3A_1936 : i32 to index
      %swap3A_1939 = arith.index_cast %swap3A_1937 : i32 to index
      %swap3A_1940 = memref.load %arg11[%swap3A_1938, %swap3A_1939] : memref<4x32xf32, #tpu.memory_space<smem>>
      memref.store %squeeze3A_1935, %arg11[%swap3A_1938, %swap3A_1939] : memref<4x32xf32, #tpu.memory_space<smem>>
      %slice3A_1941 = vector.extract_strided_slice %mul3A_1573 {offsets = [13], sizes = [1], strides = [1]} : vector<16xi32> to vector<1xi32>
      %squeeze3A_1942 = vector.extract %slice3A_1941[0] : i32 from vector<1xi32>
      %swap3A_1943 = arith.constant 2 : i32
      %swap3A_1944 = arith.constant 29 : i32
      %swap3A_1945 = arith.index_cast %swap3A_1943 : i32 to index
      %swap3A_1946 = arith.index_cast %swap3A_1944 : i32 to index
      %swap3A_1947 = memref.load %arg10[%swap3A_1945, %swap3A_1946] : memref<4x32xi32, #tpu.memory_space<smem>>
      memref.store %squeeze3A_1942, %arg10[%swap3A_1945, %swap3A_1946] : memref<4x32xi32, #tpu.memory_space<smem>>
      %slice3A_1948 = vector.extract_strided_slice %mul3A_1576 {offsets = [13], sizes = [1], strides = [1]} : vector<16xi32> to vector<1xi32>
      %squeeze3A_1949 = vector.extract %slice3A_1948[0] : i32 from vector<1xi32>
      %swap3A_1950 = arith.constant 3 : i32
      %swap3A_1951 = arith.constant 29 : i32
      %swap3A_1952 = arith.index_cast %swap3A_1950 : i32 to index
      %swap3A_1953 = arith.index_cast %swap3A_1951 : i32 to index
      %swap3A_1954 = memref.load %arg10[%swap3A_1952, %swap3A_1953] : memref<4x32xi32, #tpu.memory_space<smem>>
      memref.store %squeeze3A_1949, %arg10[%swap3A_1952, %swap3A_1953] : memref<4x32xi32, #tpu.memory_space<smem>>
      %slice3A_1955 = vector.extract_strided_slice %sub3A_1568 {offsets = [13], sizes = [1], strides = [1]} : vector<16xf32> to vector<1xf32>
      %squeeze3A_1956 = vector.extract %slice3A_1955[0] : f32 from vector<1xf32>
      %swap3A_1957 = arith.constant 2 : i32
      %swap3A_1958 = arith.constant 29 : i32
      %swap3A_1959 = arith.index_cast %swap3A_1957 : i32 to index
      %swap3A_1960 = arith.index_cast %swap3A_1958 : i32 to index
      %swap3A_1961 = memref.load %arg11[%swap3A_1959, %swap3A_1960] : memref<4x32xf32, #tpu.memory_space<smem>>
      memref.store %squeeze3A_1956, %arg11[%swap3A_1959, %swap3A_1960] : memref<4x32xf32, #tpu.memory_space<smem>>
      %slice3A_1962 = vector.extract_strided_slice %sub3A_1570 {offsets = [13], sizes = [1], strides = [1]} : vector<16xf32> to vector<1xf32>
      %squeeze3A_1963 = vector.extract %slice3A_1962[0] : f32 from vector<1xf32>
      %swap3A_1964 = arith.constant 3 : i32
      %swap3A_1965 = arith.constant 29 : i32
      %swap3A_1966 = arith.index_cast %swap3A_1964 : i32 to index
      %swap3A_1967 = arith.index_cast %swap3A_1965 : i32 to index
      %swap3A_1968 = memref.load %arg11[%swap3A_1966, %swap3A_1967] : memref<4x32xf32, #tpu.memory_space<smem>>
      memref.store %squeeze3A_1963, %arg11[%swap3A_1966, %swap3A_1967] : memref<4x32xf32, #tpu.memory_space<smem>>
      %slice3A_1969 = vector.extract_strided_slice %mul3A_1573 {offsets = [14], sizes = [1], strides = [1]} : vector<16xi32> to vector<1xi32>
      %squeeze3A_1970 = vector.extract %slice3A_1969[0] : i32 from vector<1xi32>
      %swap3A_1971 = arith.constant 2 : i32
      %swap3A_1972 = arith.constant 30 : i32
      %swap3A_1973 = arith.index_cast %swap3A_1971 : i32 to index
      %swap3A_1974 = arith.index_cast %swap3A_1972 : i32 to index
      %swap3A_1975 = memref.load %arg10[%swap3A_1973, %swap3A_1974] : memref<4x32xi32, #tpu.memory_space<smem>>
      memref.store %squeeze3A_1970, %arg10[%swap3A_1973, %swap3A_1974] : memref<4x32xi32, #tpu.memory_space<smem>>
      %slice3A_1976 = vector.extract_strided_slice %mul3A_1576 {offsets = [14], sizes = [1], strides = [1]} : vector<16xi32> to vector<1xi32>
      %squeeze3A_1977 = vector.extract %slice3A_1976[0] : i32 from vector<1xi32>
      %swap3A_1978 = arith.constant 3 : i32
      %swap3A_1979 = arith.constant 30 : i32
      %swap3A_1980 = arith.index_cast %swap3A_1978 : i32 to index
      %swap3A_1981 = arith.index_cast %swap3A_1979 : i32 to index
      %swap3A_1982 = memref.load %arg10[%swap3A_1980, %swap3A_1981] : memref<4x32xi32, #tpu.memory_space<smem>>
      memref.store %squeeze3A_1977, %arg10[%swap3A_1980, %swap3A_1981] : memref<4x32xi32, #tpu.memory_space<smem>>
      %slice3A_1983 = vector.extract_strided_slice %sub3A_1568 {offsets = [14], sizes = [1], strides = [1]} : vector<16xf32> to vector<1xf32>
      %squeeze3A_1984 = vector.extract %slice3A_1983[0] : f32 from vector<1xf32>
      %swap3A_1985 = arith.constant 2 : i32
      %swap3A_1986 = arith.constant 30 : i32
      %swap3A_1987 = arith.index_cast %swap3A_1985 : i32 to index
      %swap3A_1988 = arith.index_cast %swap3A_1986 : i32 to index
      %swap3A_1989 = memref.load %arg11[%swap3A_1987, %swap3A_1988] : memref<4x32xf32, #tpu.memory_space<smem>>
      memref.store %squeeze3A_1984, %arg11[%swap3A_1987, %swap3A_1988] : memref<4x32xf32, #tpu.memory_space<smem>>
      %slice3A_1990 = vector.extract_strided_slice %sub3A_1570 {offsets = [14], sizes = [1], strides = [1]} : vector<16xf32> to vector<1xf32>
      %squeeze3A_1991 = vector.extract %slice3A_1990[0] : f32 from vector<1xf32>
      %swap3A_1992 = arith.constant 3 : i32
      %swap3A_1993 = arith.constant 30 : i32
      %swap3A_1994 = arith.index_cast %swap3A_1992 : i32 to index
      %swap3A_1995 = arith.index_cast %swap3A_1993 : i32 to index
      %swap3A_1996 = memref.load %arg11[%swap3A_1994, %swap3A_1995] : memref<4x32xf32, #tpu.memory_space<smem>>
      memref.store %squeeze3A_1991, %arg11[%swap3A_1994, %swap3A_1995] : memref<4x32xf32, #tpu.memory_space<smem>>
      %slice3A_1997 = vector.extract_strided_slice %mul3A_1573 {offsets = [15], sizes = [1], strides = [1]} : vector<16xi32> to vector<1xi32>
      %squeeze3A_1998 = vector.extract %slice3A_1997[0] : i32 from vector<1xi32>
      %swap3A_1999 = arith.constant 2 : i32
      %swap3A_2000 = arith.constant 31 : i32
      %swap3A_2001 = arith.index_cast %swap3A_1999 : i32 to index
      %swap3A_2002 = arith.index_cast %swap3A_2000 : i32 to index
      %swap3A_2003 = memref.load %arg10[%swap3A_2001, %swap3A_2002] : memref<4x32xi32, #tpu.memory_space<smem>>
      memref.store %squeeze3A_1998, %arg10[%swap3A_2001, %swap3A_2002] : memref<4x32xi32, #tpu.memory_space<smem>>
      %slice3A_2004 = vector.extract_strided_slice %mul3A_1576 {offsets = [15], sizes = [1], strides = [1]} : vector<16xi32> to vector<1xi32>
      %squeeze3A_2005 = vector.extract %slice3A_2004[0] : i32 from vector<1xi32>
      %swap3A_2006 = arith.constant 3 : i32
      %swap3A_2007 = arith.constant 31 : i32
      %swap3A_2008 = arith.index_cast %swap3A_2006 : i32 to index
      %swap3A_2009 = arith.index_cast %swap3A_2007 : i32 to index
      %swap3A_2010 = memref.load %arg10[%swap3A_2008, %swap3A_2009] : memref<4x32xi32, #tpu.memory_space<smem>>
      memref.store %squeeze3A_2005, %arg10[%swap3A_2008, %swap3A_2009] : memref<4x32xi32, #tpu.memory_space<smem>>
      %slice3A_2011 = vector.extract_strided_slice %sub3A_1568 {offsets = [15], sizes = [1], strides = [1]} : vector<16xf32> to vector<1xf32>
      %squeeze3A_2012 = vector.extract %slice3A_2011[0] : f32 from vector<1xf32>
      %swap3A_2013 = arith.constant 2 : i32
      %swap3A_2014 = arith.constant 31 : i32
      %swap3A_2015 = arith.index_cast %swap3A_2013 : i32 to index
      %swap3A_2016 = arith.index_cast %swap3A_2014 : i32 to index
      %swap3A_2017 = memref.load %arg11[%swap3A_2015, %swap3A_2016] : memref<4x32xf32, #tpu.memory_space<smem>>
      memref.store %squeeze3A_2012, %arg11[%swap3A_2015, %swap3A_2016] : memref<4x32xf32, #tpu.memory_space<smem>>
      %slice3A_2018 = vector.extract_strided_slice %sub3A_1570 {offsets = [15], sizes = [1], strides = [1]} : vector<16xf32> to vector<1xf32>
      %squeeze3A_2019 = vector.extract %slice3A_2018[0] : f32 from vector<1xf32>
      %swap3A_2020 = arith.constant 3 : i32
      %swap3A_2021 = arith.constant 31 : i32
      %swap3A_2022 = arith.index_cast %swap3A_2020 : i32 to index
      %swap3A_2023 = arith.index_cast %swap3A_2021 : i32 to index
      %swap3A_2024 = memref.load %arg11[%swap3A_2022, %swap3A_2023] : memref<4x32xf32, #tpu.memory_space<smem>>
      memref.store %squeeze3A_2019, %arg11[%swap3A_2022, %swap3A_2023] : memref<4x32xf32, #tpu.memory_space<smem>>
      %scan3A_2025 = arith.constant 0 : i32
      %scan3A_2026 = arith.constant 0 : i32
      %scan3A_2027 = arith.constant 32 : i32
      %scan3A_2028 = arith.addi %scan3A_2026, %scan3A_2027 : i32
      %scan3A_2029 = arith.constant 2 : i32
      scf.for %scan3A_4054 = %scan3A_2026 to %scan3A_2028 step %scan3A_2029  : i32 {
        %get3A_4055 = arith.constant 2 : i32
        %get3A_4056 = arith.index_cast %get3A_4055 : i32 to index
        %get3A_4057 = arith.index_cast %scan3A_4054 : i32 to index
        %get3A_4058 = memref.load %arg10[%get3A_4056, %get3A_4057] : memref<4x32xi32, #tpu.memory_space<smem>>
        %get3A_4059 = arith.constant 3 : i32
        %get3A_4060 = arith.index_cast %get3A_4059 : i32 to index
        %get3A_4061 = arith.index_cast %scan3A_4054 : i32 to index
        %get3A_4062 = memref.load %arg10[%get3A_4060, %get3A_4061] : memref<4x32xi32, #tpu.memory_space<smem>>
        %get3A_4063 = arith.constant 2 : i32
        %get3A_4064 = arith.index_cast %get3A_4063 : i32 to index
        %get3A_4065 = arith.index_cast %scan3A_4054 : i32 to index
        %get3A_4066 = memref.load %arg11[%get3A_4064, %get3A_4065] : memref<4x32xf32, #tpu.memory_space<smem>>
        %get3A_4067 = arith.constant 3 : i32
        %get3A_4068 = arith.index_cast %get3A_4067 : i32 to index
        %get3A_4069 = arith.index_cast %scan3A_4054 : i32 to index
        %get3A_4070 = memref.load %arg11[%get3A_4068, %get3A_4069] : memref<4x32xf32, #tpu.memory_space<smem>>
        %mul3A_4071 = arith.constant 512 : i32
        %mul3A_4072 = arith.muli %scan3A_4054, %mul3A_4071 : i32
        %parallel_loop3A = arith.constant 0 : i32
        %parallel_loop3A_4073 = arith.constant 32 : i32
        %parallel_loop3A_4074 = arith.constant 1 : i32
        scf.for %parallel_loop3A_4098 = %parallel_loop3A to %parallel_loop3A_4073 step %parallel_loop3A_4074  : i32 {
          %parallel_loop3A_4099 = arith.constant 0 : i32
          %parallel_loop3A_4100 = arith.index_cast %parallel_loop3A_4099 : i32 to index
          %parallel_loop3A_4101 = arith.index_cast %parallel_loop3A_4098 : i32 to index
          %parallel_loop3A_4102 = memref.load %arg10[%parallel_loop3A_4100, %parallel_loop3A_4101] : memref<4x32xi32, #tpu.memory_space<smem>>
          %parallel_loop3A_4103 = arith.constant 1 : i32
          %parallel_loop3A_4104 = arith.index_cast %parallel_loop3A_4103 : i32 to index
          %parallel_loop3A_4105 = arith.index_cast %parallel_loop3A_4098 : i32 to index
          %parallel_loop3A_4106 = memref.load %arg10[%parallel_loop3A_4104, %parallel_loop3A_4105] : memref<4x32xi32, #tpu.memory_space<smem>>
          %parallel_loop3A_4107 = arith.constant 0 : i32
          %parallel_loop3A_4108 = arith.index_cast %parallel_loop3A_4107 : i32 to index
          %parallel_loop3A_4109 = arith.index_cast %parallel_loop3A_4098 : i32 to index
          %parallel_loop3A_4110 = memref.load %arg11[%parallel_loop3A_4108, %parallel_loop3A_4109] : memref<4x32xf32, #tpu.memory_space<smem>>
          %parallel_loop3A_4111 = arith.constant 1 : i32
          %parallel_loop3A_4112 = arith.index_cast %parallel_loop3A_4111 : i32 to index
          %parallel_loop3A_4113 = arith.index_cast %parallel_loop3A_4098 : i32 to index
          %parallel_loop3A_4114 = memref.load %arg11[%parallel_loop3A_4112, %parallel_loop3A_4113] : memref<4x32xf32, #tpu.memory_space<smem>>
          %parallel_loop3A_4115 = arith.addi %get3A_4058, %parallel_loop3A_4102 : i32
          %parallel_loop3A_4116 = arith.index_cast %parallel_loop3A_4115 : i32 to index
          %parallel_loop3A_4117 = tpu.vector_load %arg5[%parallel_loop3A_4116] {strides = array<i32>} : memref<16384xf32, #tpu.memory_space<vmem>>, vector<16xf32>,
          %parallel_loop3A_4118 = vector.shape_cast %parallel_loop3A_4117 : vector<16xf32> to vector<16xf32>
          %parallel_loop3A_4119 = arith.addi %get3A_4062, %parallel_loop3A_4102 : i32
          %parallel_loop3A_4120 = arith.index_cast %parallel_loop3A_4119 : i32 to index
          %parallel_loop3A_4121 = tpu.vector_load %arg5[%parallel_loop3A_4120] {strides = array<i32>} : memref<16384xf32, #tpu.memory_space<vmem>>, vector<16xf32>,
          %parallel_loop3A_4122 = vector.shape_cast %parallel_loop3A_4121 : vector<16xf32> to vector<16xf32>
          %parallel_loop3A_4123 = arith.addi %get3A_4058, %parallel_loop3A_4106 : i32
          %parallel_loop3A_4124 = arith.index_cast %parallel_loop3A_4123 : i32 to index
          %parallel_loop3A_4125 = tpu.vector_load %arg5[%parallel_loop3A_4124] {strides = array<i32>} : memref<16384xf32, #tpu.memory_space<vmem>>, vector<16xf32>,
          %parallel_loop3A_4126 = vector.shape_cast %parallel_loop3A_4125 : vector<16xf32> to vector<16xf32>
          %parallel_loop3A_4127 = arith.addi %get3A_4062, %parallel_loop3A_4106 : i32
          %parallel_loop3A_4128 = arith.index_cast %parallel_loop3A_4127 : i32 to index
          %parallel_loop3A_4129 = tpu.vector_load %arg5[%parallel_loop3A_4128] {strides = array<i32>} : memref<16384xf32, #tpu.memory_space<vmem>>, vector<16xf32>,
          %parallel_loop3A_4130 = vector.shape_cast %parallel_loop3A_4129 : vector<16xf32> to vector<16xf32>
          %parallel_loop3A_4131 = vector.broadcast %parallel_loop3A_4110 : f32 to vector<16xf32>
          %parallel_loop3A_4132 = arith.mulf %parallel_loop3A_4131, %parallel_loop3A_4118 : vector<16xf32>
          %parallel_loop3A_4133 = vector.broadcast %parallel_loop3A_4114 : f32 to vector<16xf32>
          %parallel_loop3A_4134 = arith.mulf %parallel_loop3A_4133, %parallel_loop3A_4126 : vector<16xf32>
          %parallel_loop3A_4135 = arith.addf %parallel_loop3A_4132, %parallel_loop3A_4134 : vector<16xf32>
          %parallel_loop3A_4136 = vector.broadcast %get3A_4066 : f32 to vector<16xf32>
          %parallel_loop3A_4137 = arith.mulf %parallel_loop3A_4136, %parallel_loop3A_4135 : vector<16xf32>
          %parallel_loop3A_4138 = vector.broadcast %parallel_loop3A_4110 : f32 to vector<16xf32>
          %parallel_loop3A_4139 = arith.mulf %parallel_loop3A_4138, %parallel_loop3A_4122 : vector<16xf32>
          %parallel_loop3A_4140 = vector.broadcast %parallel_loop3A_4114 : f32 to vector<16xf32>
          %parallel_loop3A_4141 = arith.mulf %parallel_loop3A_4140, %parallel_loop3A_4130 : vector<16xf32>
          %parallel_loop3A_4142 = arith.addf %parallel_loop3A_4139, %parallel_loop3A_4141 : vector<16xf32>
          %parallel_loop3A_4143 = vector.broadcast %get3A_4070 : f32 to vector<16xf32>
          %parallel_loop3A_4144 = arith.mulf %parallel_loop3A_4143, %parallel_loop3A_4142 : vector<16xf32>
          %parallel_loop3A_4145 = arith.addf %parallel_loop3A_4137, %parallel_loop3A_4144 : vector<16xf32>
          %parallel_loop3A_4146 = arith.constant 16 : i32
          %parallel_loop3A_4147 = arith.muli %parallel_loop3A_4098, %parallel_loop3A_4146 : i32
          %parallel_loop3A_4148 = arith.addi %mul3A_4072, %parallel_loop3A_4147 : i32
          %parallel_loop3A_4149 = arith.index_cast %parallel_loop3A_4148 : i32 to index
          %parallel_loop3A_4150 = tpu.vector_load %arg7[%parallel_loop3A_4149] {strides = array<i32>} : memref<16384xf32, #tpu.memory_space<vmem>>, vector<16xf32>,
          %parallel_loop3A_4151 = vector.shape_cast %parallel_loop3A_4150 : vector<16xf32> to vector<16xf32>
          %parallel_loop3A_4152 = vector.shape_cast %parallel_loop3A_4145 : vector<16xf32> to vector<16xf32>
          tpu.vector_store %arg7[%parallel_loop3A_4149], %parallel_loop3A_4152 {strides = array<i32>} : memref<16384xf32, #tpu.memory_space<vmem>>, vector<16xf32>,
        } {sc.loop_unroll_factor = 8 : i64, sc.parallel_access}
        %scan3A_4075 = arith.constant 1 : i32
        %scan3A_4076 = arith.addi %scan3A_4054, %scan3A_4075 : i32
        %get3A_4077 = arith.constant 2 : i32
        %get3A_4078 = arith.index_cast %get3A_4077 : i32 to index
        %get3A_4079 = arith.index_cast %scan3A_4076 : i32 to index
        %get3A_4080 = memref.load %arg10[%get3A_4078, %get3A_4079] : memref<4x32xi32, #tpu.memory_space<smem>>
        %get3A_4081 = arith.constant 3 : i32
        %get3A_4082 = arith.index_cast %get3A_4081 : i32 to index
        %get3A_4083 = arith.index_cast %scan3A_4076 : i32 to index
        %get3A_4084 = memref.load %arg10[%get3A_4082, %get3A_4083] : memref<4x32xi32, #tpu.memory_space<smem>>
        %get3A_4085 = arith.constant 2 : i32
        %get3A_4086 = arith.index_cast %get3A_4085 : i32 to index
        %get3A_4087 = arith.index_cast %scan3A_4076 : i32 to index
        %get3A_4088 = memref.load %arg11[%get3A_4086, %get3A_4087] : memref<4x32xf32, #tpu.memory_space<smem>>
        %get3A_4089 = arith.constant 3 : i32
        %get3A_4090 = arith.index_cast %get3A_4089 : i32 to index
        %get3A_4091 = arith.index_cast %scan3A_4076 : i32 to index
        %get3A_4092 = memref.load %arg11[%get3A_4090, %get3A_4091] : memref<4x32xf32, #tpu.memory_space<smem>>
        %mul3A_4093 = arith.constant 512 : i32
        %mul3A_4094 = arith.muli %scan3A_4076, %mul3A_4093 : i32
        %parallel_loop3A_4095 = arith.constant 0 : i32
        %parallel_loop3A_4096 = arith.constant 32 : i32
        %parallel_loop3A_4097 = arith.constant 1 : i32
        scf.for %parallel_loop3A_4098 = %parallel_loop3A_4095 to %parallel_loop3A_4096 step %parallel_loop3A_4097  : i32 {
          %parallel_loop3A_4099 = arith.constant 0 : i32
          %parallel_loop3A_4100 = arith.index_cast %parallel_loop3A_4099 : i32 to index
          %parallel_loop3A_4101 = arith.index_cast %parallel_loop3A_4098 : i32 to index
          %parallel_loop3A_4102 = memref.load %arg10[%parallel_loop3A_4100, %parallel_loop3A_4101] : memref<4x32xi32, #tpu.memory_space<smem>>
          %parallel_loop3A_4103 = arith.constant 1 : i32
          %parallel_loop3A_4104 = arith.index_cast %parallel_loop3A_4103 : i32 to index
          %parallel_loop3A_4105 = arith.index_cast %parallel_loop3A_4098 : i32 to index
          %parallel_loop3A_4106 = memref.load %arg10[%parallel_loop3A_4104, %parallel_loop3A_4105] : memref<4x32xi32, #tpu.memory_space<smem>>
          %parallel_loop3A_4107 = arith.constant 0 : i32
          %parallel_loop3A_4108 = arith.index_cast %parallel_loop3A_4107 : i32 to index
          %parallel_loop3A_4109 = arith.index_cast %parallel_loop3A_4098 : i32 to index
          %parallel_loop3A_4110 = memref.load %arg11[%parallel_loop3A_4108, %parallel_loop3A_4109] : memref<4x32xf32, #tpu.memory_space<smem>>
          %parallel_loop3A_4111 = arith.constant 1 : i32
          %parallel_loop3A_4112 = arith.index_cast %parallel_loop3A_4111 : i32 to index
          %parallel_loop3A_4113 = arith.index_cast %parallel_loop3A_4098 : i32 to index
          %parallel_loop3A_4114 = memref.load %arg11[%parallel_loop3A_4112, %parallel_loop3A_4113] : memref<4x32xf32, #tpu.memory_space<smem>>
          %parallel_loop3A_4115 = arith.addi %get3A_4080, %parallel_loop3A_4102 : i32
          %parallel_loop3A_4116 = arith.index_cast %parallel_loop3A_4115 : i32 to index
          %parallel_loop3A_4117 = tpu.vector_load %arg5[%parallel_loop3A_4116] {strides = array<i32>} : memref<16384xf32, #tpu.memory_space<vmem>>, vector<16xf32>,
          %parallel_loop3A_4118 = vector.shape_cast %parallel_loop3A_4117 : vector<16xf32> to vector<16xf32>
          %parallel_loop3A_4119 = arith.addi %get3A_4084, %parallel_loop3A_4102 : i32
          %parallel_loop3A_4120 = arith.index_cast %parallel_loop3A_4119 : i32 to index
          %parallel_loop3A_4121 = tpu.vector_load %arg5[%parallel_loop3A_4120] {strides = array<i32>} : memref<16384xf32, #tpu.memory_space<vmem>>, vector<16xf32>,
          %parallel_loop3A_4122 = vector.shape_cast %parallel_loop3A_4121 : vector<16xf32> to vector<16xf32>
          %parallel_loop3A_4123 = arith.addi %get3A_4080, %parallel_loop3A_4106 : i32
          %parallel_loop3A_4124 = arith.index_cast %parallel_loop3A_4123 : i32 to index
          %parallel_loop3A_4125 = tpu.vector_load %arg5[%parallel_loop3A_4124] {strides = array<i32>} : memref<16384xf32, #tpu.memory_space<vmem>>, vector<16xf32>,
          %parallel_loop3A_4126 = vector.shape_cast %parallel_loop3A_4125 : vector<16xf32> to vector<16xf32>
          %parallel_loop3A_4127 = arith.addi %get3A_4084, %parallel_loop3A_4106 : i32
          %parallel_loop3A_4128 = arith.index_cast %parallel_loop3A_4127 : i32 to index
          %parallel_loop3A_4129 = tpu.vector_load %arg5[%parallel_loop3A_4128] {strides = array<i32>} : memref<16384xf32, #tpu.memory_space<vmem>>, vector<16xf32>,
          %parallel_loop3A_4130 = vector.shape_cast %parallel_loop3A_4129 : vector<16xf32> to vector<16xf32>
          %parallel_loop3A_4131 = vector.broadcast %parallel_loop3A_4110 : f32 to vector<16xf32>
          %parallel_loop3A_4132 = arith.mulf %parallel_loop3A_4131, %parallel_loop3A_4118 : vector<16xf32>
          %parallel_loop3A_4133 = vector.broadcast %parallel_loop3A_4114 : f32 to vector<16xf32>
          %parallel_loop3A_4134 = arith.mulf %parallel_loop3A_4133, %parallel_loop3A_4126 : vector<16xf32>
          %parallel_loop3A_4135 = arith.addf %parallel_loop3A_4132, %parallel_loop3A_4134 : vector<16xf32>
          %parallel_loop3A_4136 = vector.broadcast %get3A_4088 : f32 to vector<16xf32>
          %parallel_loop3A_4137 = arith.mulf %parallel_loop3A_4136, %parallel_loop3A_4135 : vector<16xf32>
          %parallel_loop3A_4138 = vector.broadcast %parallel_loop3A_4110 : f32 to vector<16xf32>
          %parallel_loop3A_4139 = arith.mulf %parallel_loop3A_4138, %parallel_loop3A_4122 : vector<16xf32>
          %parallel_loop3A_4140 = vector.broadcast %parallel_loop3A_4114 : f32 to vector<16xf32>
          %parallel_loop3A_4141 = arith.mulf %parallel_loop3A_4140, %parallel_loop3A_4130 : vector<16xf32>
          %parallel_loop3A_4142 = arith.addf %parallel_loop3A_4139, %parallel_loop3A_4141 : vector<16xf32>
          %parallel_loop3A_4143 = vector.broadcast %get3A_4092 : f32 to vector<16xf32>
          %parallel_loop3A_4144 = arith.mulf %parallel_loop3A_4143, %parallel_loop3A_4142 : vector<16xf32>
          %parallel_loop3A_4145 = arith.addf %parallel_loop3A_4137, %parallel_loop3A_4144 : vector<16xf32>
          %parallel_loop3A_4146 = arith.constant 16 : i32
          %parallel_loop3A_4147 = arith.muli %parallel_loop3A_4098, %parallel_loop3A_4146 : i32
          %parallel_loop3A_4148 = arith.addi %mul3A_4094, %parallel_loop3A_4147 : i32
          %parallel_loop3A_4149 = arith.index_cast %parallel_loop3A_4148 : i32 to index
          %parallel_loop3A_4150 = tpu.vector_load %arg7[%parallel_loop3A_4149] {strides = array<i32>} : memref<16384xf32, #tpu.memory_space<vmem>>, vector<16xf32>,
          %parallel_loop3A_4151 = vector.shape_cast %parallel_loop3A_4150 : vector<16xf32> to vector<16xf32>
          %parallel_loop3A_4152 = vector.shape_cast %parallel_loop3A_4145 : vector<16xf32> to vector<16xf32>
          tpu.vector_store %arg7[%parallel_loop3A_4149], %parallel_loop3A_4152 {strides = array<i32>} : memref<16384xf32, #tpu.memory_space<vmem>>, vector<16xf32>,
        } {sc.loop_unroll_factor = 8 : i64, sc.parallel_access}
      }
      %scan3A_2030 = arith.constant 32 : i32
      %dma_start3A_2031 = arith.constant 0 : i32
      %dma_start3A_2032 = tpu.memref_slice %arg4[%add3A_44, %dma_start3A_2031] : memref<2048x16384xf32, #tpu.memory_space<hbm>> -> memref<1x16384xf32, #tpu.memory_space<hbm>>
      %dma_start3A_2033 = tpu.memref_squeeze %dma_start3A_2032 : memref<1x16384xf32, #tpu.memory_space<hbm>> -> memref<16384xf32, #tpu.memory_space<hbm>>
      %dma_start3A_2034 = arith.constant 0 : i32
      %dma_start3A_2035 = tpu.memref_slice %arg4[%add3A_44, %dma_start3A_2034] : memref<2048x16384xf32, #tpu.memory_space<hbm>> -> memref<1x16384xf32, #tpu.memory_space<hbm>>
      %dma_start3A_2036 = tpu.memref_squeeze %dma_start3A_2035 : memref<1x16384xf32, #tpu.memory_space<hbm>> -> memref<16384xf32, #tpu.memory_space<hbm>>
      tpu.enqueue_dma source(%arg7 : memref<16384xf32, #tpu.memory_space<vmem>>) target(%dma_start3A_2036 : memref<16384xf32, #tpu.memory_space<hbm>>) target_semaphore(%arg14 : memref<!tpu.dma_semaphore, #tpu.memory_space<semaphore_mem>>)
      %lt3A = arith.constant 31 : i32
      %lt3A_2037 = arith.cmpi slt, %scan3A_39, %lt3A : i32
      %convert_element_type3A_2038 = arith.extui %lt3A_2037 : i1 to i32
      %cond3A_2039 = arith.constant 0 : i32
      %cond3A_2040 = arith.cmpi ne, %convert_element_type3A_2038, %cond3A_2039 : i32
      scf.if %cond3A_2040 {
        %add3A_4054 = arith.constant 2 : i32
        %add3A_4055 = arith.addi %add3A_44, %add3A_4054 : i32
        %dma_start3A_4056 = arith.constant 0 : i32
        %dma_start3A_4057 = tpu.memref_slice %arg2[%add3A_4055, %dma_start3A_4056] : memref<2048x16384xf32, #tpu.memory_space<hbm>> -> memref<1x16384xf32, #tpu.memory_space<hbm>>
        %dma_start3A_4058 = tpu.memref_squeeze %dma_start3A_4057 : memref<1x16384xf32, #tpu.memory_space<hbm>> -> memref<16384xf32, #tpu.memory_space<hbm>>
        %dma_start3A_4059 = arith.constant 0 : i32
        %dma_start3A_4060 = tpu.memref_slice %arg2[%add3A_4055, %dma_start3A_4059] : memref<2048x16384xf32, #tpu.memory_space<hbm>> -> memref<1x16384xf32, #tpu.memory_space<hbm>>
        %dma_start3A_4061 = tpu.memref_squeeze %dma_start3A_4060 : memref<1x16384xf32, #tpu.memory_space<hbm>> -> memref<16384xf32, #tpu.memory_space<hbm>>
        tpu.enqueue_dma source(%dma_start3A_4061 : memref<16384xf32, #tpu.memory_space<hbm>>) target(%arg5 : memref<16384xf32, #tpu.memory_space<vmem>>) target_semaphore(%arg12 : memref<!tpu.dma_semaphore, #tpu.memory_space<semaphore_mem>>)
      } else {
      }
      %mul3A_2041 = arith.constant 2 : i32
      %mul3A_2042 = arith.muli %mul3A_2041, %scan3A_39 : i32
      %add3A_2043 = arith.constant 1 : i32
      %add3A_2044 = arith.addi %mul3A_2042, %add3A_2043 : i32
      %add3A_2045 = arith.addi %mul3A_2, %add3A_2044 : i32
      %dma_wait3A_2046 = arith.constant 0 : i32
      %dma_wait3A_2047 = tpu.memref_slice %arg2[%add3A_2045, %dma_wait3A_2046] : memref<2048x16384xf32, #tpu.memory_space<hbm>> -> memref<1x16384xf32, #tpu.memory_space<hbm>>
      %dma_wait3A_2048 = tpu.memref_squeeze %dma_wait3A_2047 : memref<1x16384xf32, #tpu.memory_space<hbm>> -> memref<16384xf32, #tpu.memory_space<hbm>>
      %dma_wait3A_2049 = arith.constant 0 : i32
      %dma_wait3A_2050 = tpu.memref_slice %arg2[%add3A_2045, %dma_wait3A_2049] : memref<2048x16384xf32, #tpu.memory_space<hbm>> -> memref<1x16384xf32, #tpu.memory_space<hbm>>
      %dma_wait3A_2051 = tpu.memref_squeeze %dma_wait3A_2050 : memref<1x16384xf32, #tpu.memory_space<hbm>> -> memref<16384xf32, #tpu.memory_space<hbm>>
      tpu.wait_dma2 semaphore(%arg13 : memref<!tpu.dma_semaphore, #tpu.memory_space<semaphore_mem>>) src(%dma_wait3A_2051 : memref<16384xf32, #tpu.memory_space<hbm>>) dst(%arg6 : memref<16384xf32, #tpu.memory_space<vmem>>)
      %gt3A_2052 = arith.constant 0 : i32
      %gt3A_2053 = arith.cmpi sgt, %scan3A_39, %gt3A_2052 : i32
      %convert_element_type3A_2054 = arith.extui %gt3A_2053 : i1 to i32
      %cond3A_2055 = arith.constant 0 : i32
      %cond3A_2056 = arith.cmpi ne, %convert_element_type3A_2054, %cond3A_2055 : i32
      scf.if %cond3A_2056 {
        %sub3A_4054 = arith.constant 2 : i32
        %sub3A_4055 = arith.subi %add3A_2045, %sub3A_4054 : i32
        %dma_wait3A_4056 = arith.constant 0 : i32
        %dma_wait3A_4057 = tpu.memref_slice %arg4[%sub3A_4055, %dma_wait3A_4056] : memref<2048x16384xf32, #tpu.memory_space<hbm>> -> memref<1x16384xf32, #tpu.memory_space<hbm>>
        %dma_wait3A_4058 = tpu.memref_squeeze %dma_wait3A_4057 : memref<1x16384xf32, #tpu.memory_space<hbm>> -> memref<16384xf32, #tpu.memory_space<hbm>>
        %dma_wait3A_4059 = arith.constant 0 : i32
        %dma_wait3A_4060 = tpu.memref_slice %arg4[%sub3A_4055, %dma_wait3A_4059] : memref<2048x16384xf32, #tpu.memory_space<hbm>> -> memref<1x16384xf32, #tpu.memory_space<hbm>>
        %dma_wait3A_4061 = tpu.memref_squeeze %dma_wait3A_4060 : memref<1x16384xf32, #tpu.memory_space<hbm>> -> memref<16384xf32, #tpu.memory_space<hbm>>
        tpu.wait_dma2 semaphore(%arg15 : memref<!tpu.dma_semaphore, #tpu.memory_space<semaphore_mem>>) src(%arg8 : memref<16384xf32, #tpu.memory_space<vmem>>) dst(%dma_wait3A_4061 : memref<16384xf32, #tpu.memory_space<hbm>>)
      } else {
      }
      %mul3A_2057 = arith.constant 64 : i32
      %mul3A_2058 = arith.muli %add3A_2044, %mul3A_2057 : i32
      %add3A_2059 = arith.constant 0 : i32
      %add3A_2060 = arith.addi %mul3A_2058, %add3A_2059 : i32
      %add3A_2061 = arith.constant 0 : i32
      %add3A_2062 = arith.addi %add3A_2060, %add3A_2061 : i32
      %get3A_2063 = arith.index_cast %add3A_2062 : i32 to index
      %get3A_2064 = tpu.vector_load %arg9[%get3A_2063] {strides = array<i32>} : memref<4096xf32, #tpu.memory_space<vmem>>, vector<16xf32>,
      %get3A_2065 = vector.shape_cast %get3A_2064 : vector<16xf32> to vector<16xf32>
      %add3A_2066 = arith.constant 1.000000e+00 : f32
      %add3A_2067 = vector.broadcast %add3A_2066 : f32 to vector<16xf32>
      %add3A_2068 = arith.addf %get3A_2065, %add3A_2067 : vector<16xf32>
      %mul3A_2069 = arith.constant 1.600000e+01 : f32
      %mul3A_2070 = vector.broadcast %mul3A_2069 : f32 to vector<16xf32>
      %mul3A_2071 = arith.mulf %add3A_2068, %mul3A_2070 : vector<16xf32>
      %convert_element_type3A_2072 = arith.fptosi %mul3A_2071 : vector<16xf32> to vector<16xi32>
      %convert_element_type3A_2073 = arith.sitofp %convert_element_type3A_2072 : vector<16xi32> to vector<16xf32>
      %gt3A_2074 = arith.cmpf ogt, %convert_element_type3A_2073, %mul3A_2071 : vector<16xf32>
      %sub3A_2075 = arith.constant 1 : i32
      %sub3A_2076 = vector.broadcast %sub3A_2075 : i32 to vector<16xi32>
      %sub3A_2077 = arith.subi %convert_element_type3A_2072, %sub3A_2076 : vector<16xi32>
      %select_n3A_2078 = arith.select %gt3A_2074, %sub3A_2077, %convert_element_type3A_2072 : vector<16xi1>, vector<16xi32>
      %jit3A_2079 = arith.constant 0 : i32
      %jit3A_2080 = arith.constant 31 : i32
      %max3A_2081 = vector.broadcast %jit3A_2079 : i32 to vector<16xi32>
      %max3A_2082 = arith.maxsi %max3A_2081, %select_n3A_2078 : vector<16xi32>
      %min3A_2083 = vector.broadcast %jit3A_2080 : i32 to vector<16xi32>
      %min3A_2084 = arith.minsi %min3A_2083, %max3A_2082 : vector<16xi32>
      %add3A_2085 = arith.constant 1 : i32
      %add3A_2086 = vector.broadcast %add3A_2085 : i32 to vector<16xi32>
      %add3A_2087 = arith.addi %select_n3A_2078, %add3A_2086 : vector<16xi32>
      %jit3A_2088 = arith.constant 0 : i32
      %jit3A_2089 = arith.constant 31 : i32
      %max3A_2090 = vector.broadcast %jit3A_2088 : i32 to vector<16xi32>
      %max3A_2091 = arith.maxsi %max3A_2090, %add3A_2087 : vector<16xi32>
      %min3A_2092 = vector.broadcast %jit3A_2089 : i32 to vector<16xi32>
      %min3A_2093 = arith.minsi %min3A_2092, %max3A_2091 : vector<16xi32>
      %convert_element_type3A_2094 = arith.sitofp %min3A_2093 : vector<16xi32> to vector<16xf32>
      %sub3A_2095 = arith.subf %convert_element_type3A_2094, %mul3A_2071 : vector<16xf32>
      %convert_element_type3A_2096 = arith.sitofp %min3A_2084 : vector<16xi32> to vector<16xf32>
      %sub3A_2097 = arith.subf %mul3A_2071, %convert_element_type3A_2096 : vector<16xf32>
      %mul3A_2098 = arith.constant 16 : i32
      %mul3A_2099 = vector.broadcast %mul3A_2098 : i32 to vector<16xi32>
      %mul3A_2100 = arith.muli %min3A_2084, %mul3A_2099 : vector<16xi32>
      %mul3A_2101 = arith.constant 16 : i32
      %mul3A_2102 = vector.broadcast %mul3A_2101 : i32 to vector<16xi32>
      %mul3A_2103 = arith.muli %min3A_2093, %mul3A_2102 : vector<16xi32>
      %slice3A_2104 = vector.extract_strided_slice %mul3A_2100 {offsets = [0], sizes = [1], strides = [1]} : vector<16xi32> to vector<1xi32>
      %squeeze3A_2105 = vector.extract %slice3A_2104[0] : i32 from vector<1xi32>
      %swap3A_2106 = arith.constant 0 : i32
      %swap3A_2107 = arith.constant 0 : i32
      %swap3A_2108 = arith.index_cast %swap3A_2106 : i32 to index
      %swap3A_2109 = arith.index_cast %swap3A_2107 : i32 to index
      %swap3A_2110 = memref.load %arg10[%swap3A_2108, %swap3A_2109] : memref<4x32xi32, #tpu.memory_space<smem>>
      memref.store %squeeze3A_2105, %arg10[%swap3A_2108, %swap3A_2109] : memref<4x32xi32, #tpu.memory_space<smem>>
      %slice3A_2111 = vector.extract_strided_slice %mul3A_2103 {offsets = [0], sizes = [1], strides = [1]} : vector<16xi32> to vector<1xi32>
      %squeeze3A_2112 = vector.extract %slice3A_2111[0] : i32 from vector<1xi32>
      %swap3A_2113 = arith.constant 1 : i32
      %swap3A_2114 = arith.constant 0 : i32
      %swap3A_2115 = arith.index_cast %swap3A_2113 : i32 to index
      %swap3A_2116 = arith.index_cast %swap3A_2114 : i32 to index
      %swap3A_2117 = memref.load %arg10[%swap3A_2115, %swap3A_2116] : memref<4x32xi32, #tpu.memory_space<smem>>
      memref.store %squeeze3A_2112, %arg10[%swap3A_2115, %swap3A_2116] : memref<4x32xi32, #tpu.memory_space<smem>>
      %slice3A_2118 = vector.extract_strided_slice %sub3A_2095 {offsets = [0], sizes = [1], strides = [1]} : vector<16xf32> to vector<1xf32>
      %squeeze3A_2119 = vector.extract %slice3A_2118[0] : f32 from vector<1xf32>
      %swap3A_2120 = arith.constant 0 : i32
      %swap3A_2121 = arith.constant 0 : i32
      %swap3A_2122 = arith.index_cast %swap3A_2120 : i32 to index
      %swap3A_2123 = arith.index_cast %swap3A_2121 : i32 to index
      %swap3A_2124 = memref.load %arg11[%swap3A_2122, %swap3A_2123] : memref<4x32xf32, #tpu.memory_space<smem>>
      memref.store %squeeze3A_2119, %arg11[%swap3A_2122, %swap3A_2123] : memref<4x32xf32, #tpu.memory_space<smem>>
      %slice3A_2125 = vector.extract_strided_slice %sub3A_2097 {offsets = [0], sizes = [1], strides = [1]} : vector<16xf32> to vector<1xf32>
      %squeeze3A_2126 = vector.extract %slice3A_2125[0] : f32 from vector<1xf32>
      %swap3A_2127 = arith.constant 1 : i32
      %swap3A_2128 = arith.constant 0 : i32
      %swap3A_2129 = arith.index_cast %swap3A_2127 : i32 to index
      %swap3A_2130 = arith.index_cast %swap3A_2128 : i32 to index
      %swap3A_2131 = memref.load %arg11[%swap3A_2129, %swap3A_2130] : memref<4x32xf32, #tpu.memory_space<smem>>
      memref.store %squeeze3A_2126, %arg11[%swap3A_2129, %swap3A_2130] : memref<4x32xf32, #tpu.memory_space<smem>>
      %slice3A_2132 = vector.extract_strided_slice %mul3A_2100 {offsets = [1], sizes = [1], strides = [1]} : vector<16xi32> to vector<1xi32>
      %squeeze3A_2133 = vector.extract %slice3A_2132[0] : i32 from vector<1xi32>
      %swap3A_2134 = arith.constant 0 : i32
      %swap3A_2135 = arith.constant 1 : i32
      %swap3A_2136 = arith.index_cast %swap3A_2134 : i32 to index
      %swap3A_2137 = arith.index_cast %swap3A_2135 : i32 to index
      %swap3A_2138 = memref.load %arg10[%swap3A_2136, %swap3A_2137] : memref<4x32xi32, #tpu.memory_space<smem>>
      memref.store %squeeze3A_2133, %arg10[%swap3A_2136, %swap3A_2137] : memref<4x32xi32, #tpu.memory_space<smem>>
      %slice3A_2139 = vector.extract_strided_slice %mul3A_2103 {offsets = [1], sizes = [1], strides = [1]} : vector<16xi32> to vector<1xi32>
      %squeeze3A_2140 = vector.extract %slice3A_2139[0] : i32 from vector<1xi32>
      %swap3A_2141 = arith.constant 1 : i32
      %swap3A_2142 = arith.constant 1 : i32
      %swap3A_2143 = arith.index_cast %swap3A_2141 : i32 to index
      %swap3A_2144 = arith.index_cast %swap3A_2142 : i32 to index
      %swap3A_2145 = memref.load %arg10[%swap3A_2143, %swap3A_2144] : memref<4x32xi32, #tpu.memory_space<smem>>
      memref.store %squeeze3A_2140, %arg10[%swap3A_2143, %swap3A_2144] : memref<4x32xi32, #tpu.memory_space<smem>>
      %slice3A_2146 = vector.extract_strided_slice %sub3A_2095 {offsets = [1], sizes = [1], strides = [1]} : vector<16xf32> to vector<1xf32>
      %squeeze3A_2147 = vector.extract %slice3A_2146[0] : f32 from vector<1xf32>
      %swap3A_2148 = arith.constant 0 : i32
      %swap3A_2149 = arith.constant 1 : i32
      %swap3A_2150 = arith.index_cast %swap3A_2148 : i32 to index
      %swap3A_2151 = arith.index_cast %swap3A_2149 : i32 to index
      %swap3A_2152 = memref.load %arg11[%swap3A_2150, %swap3A_2151] : memref<4x32xf32, #tpu.memory_space<smem>>
      memref.store %squeeze3A_2147, %arg11[%swap3A_2150, %swap3A_2151] : memref<4x32xf32, #tpu.memory_space<smem>>
      %slice3A_2153 = vector.extract_strided_slice %sub3A_2097 {offsets = [1], sizes = [1], strides = [1]} : vector<16xf32> to vector<1xf32>
      %squeeze3A_2154 = vector.extract %slice3A_2153[0] : f32 from vector<1xf32>
      %swap3A_2155 = arith.constant 1 : i32
      %swap3A_2156 = arith.constant 1 : i32
      %swap3A_2157 = arith.index_cast %swap3A_2155 : i32 to index
      %swap3A_2158 = arith.index_cast %swap3A_2156 : i32 to index
      %swap3A_2159 = memref.load %arg11[%swap3A_2157, %swap3A_2158] : memref<4x32xf32, #tpu.memory_space<smem>>
      memref.store %squeeze3A_2154, %arg11[%swap3A_2157, %swap3A_2158] : memref<4x32xf32, #tpu.memory_space<smem>>
      %slice3A_2160 = vector.extract_strided_slice %mul3A_2100 {offsets = [2], sizes = [1], strides = [1]} : vector<16xi32> to vector<1xi32>
      %squeeze3A_2161 = vector.extract %slice3A_2160[0] : i32 from vector<1xi32>
      %swap3A_2162 = arith.constant 0 : i32
      %swap3A_2163 = arith.constant 2 : i32
      %swap3A_2164 = arith.index_cast %swap3A_2162 : i32 to index
      %swap3A_2165 = arith.index_cast %swap3A_2163 : i32 to index
      %swap3A_2166 = memref.load %arg10[%swap3A_2164, %swap3A_2165] : memref<4x32xi32, #tpu.memory_space<smem>>
      memref.store %squeeze3A_2161, %arg10[%swap3A_2164, %swap3A_2165] : memref<4x32xi32, #tpu.memory_space<smem>>
      %slice3A_2167 = vector.extract_strided_slice %mul3A_2103 {offsets = [2], sizes = [1], strides = [1]} : vector<16xi32> to vector<1xi32>
      %squeeze3A_2168 = vector.extract %slice3A_2167[0] : i32 from vector<1xi32>
      %swap3A_2169 = arith.constant 1 : i32
      %swap3A_2170 = arith.constant 2 : i32
      %swap3A_2171 = arith.index_cast %swap3A_2169 : i32 to index
      %swap3A_2172 = arith.index_cast %swap3A_2170 : i32 to index
      %swap3A_2173 = memref.load %arg10[%swap3A_2171, %swap3A_2172] : memref<4x32xi32, #tpu.memory_space<smem>>
      memref.store %squeeze3A_2168, %arg10[%swap3A_2171, %swap3A_2172] : memref<4x32xi32, #tpu.memory_space<smem>>
      %slice3A_2174 = vector.extract_strided_slice %sub3A_2095 {offsets = [2], sizes = [1], strides = [1]} : vector<16xf32> to vector<1xf32>
      %squeeze3A_2175 = vector.extract %slice3A_2174[0] : f32 from vector<1xf32>
      %swap3A_2176 = arith.constant 0 : i32
      %swap3A_2177 = arith.constant 2 : i32
      %swap3A_2178 = arith.index_cast %swap3A_2176 : i32 to index
      %swap3A_2179 = arith.index_cast %swap3A_2177 : i32 to index
      %swap3A_2180 = memref.load %arg11[%swap3A_2178, %swap3A_2179] : memref<4x32xf32, #tpu.memory_space<smem>>
      memref.store %squeeze3A_2175, %arg11[%swap3A_2178, %swap3A_2179] : memref<4x32xf32, #tpu.memory_space<smem>>
      %slice3A_2181 = vector.extract_strided_slice %sub3A_2097 {offsets = [2], sizes = [1], strides = [1]} : vector<16xf32> to vector<1xf32>
      %squeeze3A_2182 = vector.extract %slice3A_2181[0] : f32 from vector<1xf32>
      %swap3A_2183 = arith.constant 1 : i32
      %swap3A_2184 = arith.constant 2 : i32
      %swap3A_2185 = arith.index_cast %swap3A_2183 : i32 to index
      %swap3A_2186 = arith.index_cast %swap3A_2184 : i32 to index
      %swap3A_2187 = memref.load %arg11[%swap3A_2185, %swap3A_2186] : memref<4x32xf32, #tpu.memory_space<smem>>
      memref.store %squeeze3A_2182, %arg11[%swap3A_2185, %swap3A_2186] : memref<4x32xf32, #tpu.memory_space<smem>>
      %slice3A_2188 = vector.extract_strided_slice %mul3A_2100 {offsets = [3], sizes = [1], strides = [1]} : vector<16xi32> to vector<1xi32>
      %squeeze3A_2189 = vector.extract %slice3A_2188[0] : i32 from vector<1xi32>
      %swap3A_2190 = arith.constant 0 : i32
      %swap3A_2191 = arith.constant 3 : i32
      %swap3A_2192 = arith.index_cast %swap3A_2190 : i32 to index
      %swap3A_2193 = arith.index_cast %swap3A_2191 : i32 to index
      %swap3A_2194 = memref.load %arg10[%swap3A_2192, %swap3A_2193] : memref<4x32xi32, #tpu.memory_space<smem>>
      memref.store %squeeze3A_2189, %arg10[%swap3A_2192, %swap3A_2193] : memref<4x32xi32, #tpu.memory_space<smem>>
      %slice3A_2195 = vector.extract_strided_slice %mul3A_2103 {offsets = [3], sizes = [1], strides = [1]} : vector<16xi32> to vector<1xi32>
      %squeeze3A_2196 = vector.extract %slice3A_2195[0] : i32 from vector<1xi32>
      %swap3A_2197 = arith.constant 1 : i32
      %swap3A_2198 = arith.constant 3 : i32
      %swap3A_2199 = arith.index_cast %swap3A_2197 : i32 to index
      %swap3A_2200 = arith.index_cast %swap3A_2198 : i32 to index
      %swap3A_2201 = memref.load %arg10[%swap3A_2199, %swap3A_2200] : memref<4x32xi32, #tpu.memory_space<smem>>
      memref.store %squeeze3A_2196, %arg10[%swap3A_2199, %swap3A_2200] : memref<4x32xi32, #tpu.memory_space<smem>>
      %slice3A_2202 = vector.extract_strided_slice %sub3A_2095 {offsets = [3], sizes = [1], strides = [1]} : vector<16xf32> to vector<1xf32>
      %squeeze3A_2203 = vector.extract %slice3A_2202[0] : f32 from vector<1xf32>
      %swap3A_2204 = arith.constant 0 : i32
      %swap3A_2205 = arith.constant 3 : i32
      %swap3A_2206 = arith.index_cast %swap3A_2204 : i32 to index
      %swap3A_2207 = arith.index_cast %swap3A_2205 : i32 to index
      %swap3A_2208 = memref.load %arg11[%swap3A_2206, %swap3A_2207] : memref<4x32xf32, #tpu.memory_space<smem>>
      memref.store %squeeze3A_2203, %arg11[%swap3A_2206, %swap3A_2207] : memref<4x32xf32, #tpu.memory_space<smem>>
      %slice3A_2209 = vector.extract_strided_slice %sub3A_2097 {offsets = [3], sizes = [1], strides = [1]} : vector<16xf32> to vector<1xf32>
      %squeeze3A_2210 = vector.extract %slice3A_2209[0] : f32 from vector<1xf32>
      %swap3A_2211 = arith.constant 1 : i32
      %swap3A_2212 = arith.constant 3 : i32
      %swap3A_2213 = arith.index_cast %swap3A_2211 : i32 to index
      %swap3A_2214 = arith.index_cast %swap3A_2212 : i32 to index
      %swap3A_2215 = memref.load %arg11[%swap3A_2213, %swap3A_2214] : memref<4x32xf32, #tpu.memory_space<smem>>
      memref.store %squeeze3A_2210, %arg11[%swap3A_2213, %swap3A_2214] : memref<4x32xf32, #tpu.memory_space<smem>>
      %slice3A_2216 = vector.extract_strided_slice %mul3A_2100 {offsets = [4], sizes = [1], strides = [1]} : vector<16xi32> to vector<1xi32>
      %squeeze3A_2217 = vector.extract %slice3A_2216[0] : i32 from vector<1xi32>
      %swap3A_2218 = arith.constant 0 : i32
      %swap3A_2219 = arith.constant 4 : i32
      %swap3A_2220 = arith.index_cast %swap3A_2218 : i32 to index
      %swap3A_2221 = arith.index_cast %swap3A_2219 : i32 to index
      %swap3A_2222 = memref.load %arg10[%swap3A_2220, %swap3A_2221] : memref<4x32xi32, #tpu.memory_space<smem>>
      memref.store %squeeze3A_2217, %arg10[%swap3A_2220, %swap3A_2221] : memref<4x32xi32, #tpu.memory_space<smem>>
      %slice3A_2223 = vector.extract_strided_slice %mul3A_2103 {offsets = [4], sizes = [1], strides = [1]} : vector<16xi32> to vector<1xi32>
      %squeeze3A_2224 = vector.extract %slice3A_2223[0] : i32 from vector<1xi32>
      %swap3A_2225 = arith.constant 1 : i32
      %swap3A_2226 = arith.constant 4 : i32
      %swap3A_2227 = arith.index_cast %swap3A_2225 : i32 to index
      %swap3A_2228 = arith.index_cast %swap3A_2226 : i32 to index
      %swap3A_2229 = memref.load %arg10[%swap3A_2227, %swap3A_2228] : memref<4x32xi32, #tpu.memory_space<smem>>
      memref.store %squeeze3A_2224, %arg10[%swap3A_2227, %swap3A_2228] : memref<4x32xi32, #tpu.memory_space<smem>>
      %slice3A_2230 = vector.extract_strided_slice %sub3A_2095 {offsets = [4], sizes = [1], strides = [1]} : vector<16xf32> to vector<1xf32>
      %squeeze3A_2231 = vector.extract %slice3A_2230[0] : f32 from vector<1xf32>
      %swap3A_2232 = arith.constant 0 : i32
      %swap3A_2233 = arith.constant 4 : i32
      %swap3A_2234 = arith.index_cast %swap3A_2232 : i32 to index
      %swap3A_2235 = arith.index_cast %swap3A_2233 : i32 to index
      %swap3A_2236 = memref.load %arg11[%swap3A_2234, %swap3A_2235] : memref<4x32xf32, #tpu.memory_space<smem>>
      memref.store %squeeze3A_2231, %arg11[%swap3A_2234, %swap3A_2235] : memref<4x32xf32, #tpu.memory_space<smem>>
      %slice3A_2237 = vector.extract_strided_slice %sub3A_2097 {offsets = [4], sizes = [1], strides = [1]} : vector<16xf32> to vector<1xf32>
      %squeeze3A_2238 = vector.extract %slice3A_2237[0] : f32 from vector<1xf32>
      %swap3A_2239 = arith.constant 1 : i32
      %swap3A_2240 = arith.constant 4 : i32
      %swap3A_2241 = arith.index_cast %swap3A_2239 : i32 to index
      %swap3A_2242 = arith.index_cast %swap3A_2240 : i32 to index
      %swap3A_2243 = memref.load %arg11[%swap3A_2241, %swap3A_2242] : memref<4x32xf32, #tpu.memory_space<smem>>
      memref.store %squeeze3A_2238, %arg11[%swap3A_2241, %swap3A_2242] : memref<4x32xf32, #tpu.memory_space<smem>>
      %slice3A_2244 = vector.extract_strided_slice %mul3A_2100 {offsets = [5], sizes = [1], strides = [1]} : vector<16xi32> to vector<1xi32>
      %squeeze3A_2245 = vector.extract %slice3A_2244[0] : i32 from vector<1xi32>
      %swap3A_2246 = arith.constant 0 : i32
      %swap3A_2247 = arith.constant 5 : i32
      %swap3A_2248 = arith.index_cast %swap3A_2246 : i32 to index
      %swap3A_2249 = arith.index_cast %swap3A_2247 : i32 to index
      %swap3A_2250 = memref.load %arg10[%swap3A_2248, %swap3A_2249] : memref<4x32xi32, #tpu.memory_space<smem>>
      memref.store %squeeze3A_2245, %arg10[%swap3A_2248, %swap3A_2249] : memref<4x32xi32, #tpu.memory_space<smem>>
      %slice3A_2251 = vector.extract_strided_slice %mul3A_2103 {offsets = [5], sizes = [1], strides = [1]} : vector<16xi32> to vector<1xi32>
      %squeeze3A_2252 = vector.extract %slice3A_2251[0] : i32 from vector<1xi32>
      %swap3A_2253 = arith.constant 1 : i32
      %swap3A_2254 = arith.constant 5 : i32
      %swap3A_2255 = arith.index_cast %swap3A_2253 : i32 to index
      %swap3A_2256 = arith.index_cast %swap3A_2254 : i32 to index
      %swap3A_2257 = memref.load %arg10[%swap3A_2255, %swap3A_2256] : memref<4x32xi32, #tpu.memory_space<smem>>
      memref.store %squeeze3A_2252, %arg10[%swap3A_2255, %swap3A_2256] : memref<4x32xi32, #tpu.memory_space<smem>>
      %slice3A_2258 = vector.extract_strided_slice %sub3A_2095 {offsets = [5], sizes = [1], strides = [1]} : vector<16xf32> to vector<1xf32>
      %squeeze3A_2259 = vector.extract %slice3A_2258[0] : f32 from vector<1xf32>
      %swap3A_2260 = arith.constant 0 : i32
      %swap3A_2261 = arith.constant 5 : i32
      %swap3A_2262 = arith.index_cast %swap3A_2260 : i32 to index
      %swap3A_2263 = arith.index_cast %swap3A_2261 : i32 to index
      %swap3A_2264 = memref.load %arg11[%swap3A_2262, %swap3A_2263] : memref<4x32xf32, #tpu.memory_space<smem>>
      memref.store %squeeze3A_2259, %arg11[%swap3A_2262, %swap3A_2263] : memref<4x32xf32, #tpu.memory_space<smem>>
      %slice3A_2265 = vector.extract_strided_slice %sub3A_2097 {offsets = [5], sizes = [1], strides = [1]} : vector<16xf32> to vector<1xf32>
      %squeeze3A_2266 = vector.extract %slice3A_2265[0] : f32 from vector<1xf32>
      %swap3A_2267 = arith.constant 1 : i32
      %swap3A_2268 = arith.constant 5 : i32
      %swap3A_2269 = arith.index_cast %swap3A_2267 : i32 to index
      %swap3A_2270 = arith.index_cast %swap3A_2268 : i32 to index
      %swap3A_2271 = memref.load %arg11[%swap3A_2269, %swap3A_2270] : memref<4x32xf32, #tpu.memory_space<smem>>
      memref.store %squeeze3A_2266, %arg11[%swap3A_2269, %swap3A_2270] : memref<4x32xf32, #tpu.memory_space<smem>>
      %slice3A_2272 = vector.extract_strided_slice %mul3A_2100 {offsets = [6], sizes = [1], strides = [1]} : vector<16xi32> to vector<1xi32>
      %squeeze3A_2273 = vector.extract %slice3A_2272[0] : i32 from vector<1xi32>
      %swap3A_2274 = arith.constant 0 : i32
      %swap3A_2275 = arith.constant 6 : i32
      %swap3A_2276 = arith.index_cast %swap3A_2274 : i32 to index
      %swap3A_2277 = arith.index_cast %swap3A_2275 : i32 to index
      %swap3A_2278 = memref.load %arg10[%swap3A_2276, %swap3A_2277] : memref<4x32xi32, #tpu.memory_space<smem>>
      memref.store %squeeze3A_2273, %arg10[%swap3A_2276, %swap3A_2277] : memref<4x32xi32, #tpu.memory_space<smem>>
      %slice3A_2279 = vector.extract_strided_slice %mul3A_2103 {offsets = [6], sizes = [1], strides = [1]} : vector<16xi32> to vector<1xi32>
      %squeeze3A_2280 = vector.extract %slice3A_2279[0] : i32 from vector<1xi32>
      %swap3A_2281 = arith.constant 1 : i32
      %swap3A_2282 = arith.constant 6 : i32
      %swap3A_2283 = arith.index_cast %swap3A_2281 : i32 to index
      %swap3A_2284 = arith.index_cast %swap3A_2282 : i32 to index
      %swap3A_2285 = memref.load %arg10[%swap3A_2283, %swap3A_2284] : memref<4x32xi32, #tpu.memory_space<smem>>
      memref.store %squeeze3A_2280, %arg10[%swap3A_2283, %swap3A_2284] : memref<4x32xi32, #tpu.memory_space<smem>>
      %slice3A_2286 = vector.extract_strided_slice %sub3A_2095 {offsets = [6], sizes = [1], strides = [1]} : vector<16xf32> to vector<1xf32>
      %squeeze3A_2287 = vector.extract %slice3A_2286[0] : f32 from vector<1xf32>
      %swap3A_2288 = arith.constant 0 : i32
      %swap3A_2289 = arith.constant 6 : i32
      %swap3A_2290 = arith.index_cast %swap3A_2288 : i32 to index
      %swap3A_2291 = arith.index_cast %swap3A_2289 : i32 to index
      %swap3A_2292 = memref.load %arg11[%swap3A_2290, %swap3A_2291] : memref<4x32xf32, #tpu.memory_space<smem>>
      memref.store %squeeze3A_2287, %arg11[%swap3A_2290, %swap3A_2291] : memref<4x32xf32, #tpu.memory_space<smem>>
      %slice3A_2293 = vector.extract_strided_slice %sub3A_2097 {offsets = [6], sizes = [1], strides = [1]} : vector<16xf32> to vector<1xf32>
      %squeeze3A_2294 = vector.extract %slice3A_2293[0] : f32 from vector<1xf32>
      %swap3A_2295 = arith.constant 1 : i32
      %swap3A_2296 = arith.constant 6 : i32
      %swap3A_2297 = arith.index_cast %swap3A_2295 : i32 to index
      %swap3A_2298 = arith.index_cast %swap3A_2296 : i32 to index
      %swap3A_2299 = memref.load %arg11[%swap3A_2297, %swap3A_2298] : memref<4x32xf32, #tpu.memory_space<smem>>
      memref.store %squeeze3A_2294, %arg11[%swap3A_2297, %swap3A_2298] : memref<4x32xf32, #tpu.memory_space<smem>>
      %slice3A_2300 = vector.extract_strided_slice %mul3A_2100 {offsets = [7], sizes = [1], strides = [1]} : vector<16xi32> to vector<1xi32>
      %squeeze3A_2301 = vector.extract %slice3A_2300[0] : i32 from vector<1xi32>
      %swap3A_2302 = arith.constant 0 : i32
      %swap3A_2303 = arith.constant 7 : i32
      %swap3A_2304 = arith.index_cast %swap3A_2302 : i32 to index
      %swap3A_2305 = arith.index_cast %swap3A_2303 : i32 to index
      %swap3A_2306 = memref.load %arg10[%swap3A_2304, %swap3A_2305] : memref<4x32xi32, #tpu.memory_space<smem>>
      memref.store %squeeze3A_2301, %arg10[%swap3A_2304, %swap3A_2305] : memref<4x32xi32, #tpu.memory_space<smem>>
      %slice3A_2307 = vector.extract_strided_slice %mul3A_2103 {offsets = [7], sizes = [1], strides = [1]} : vector<16xi32> to vector<1xi32>
      %squeeze3A_2308 = vector.extract %slice3A_2307[0] : i32 from vector<1xi32>
      %swap3A_2309 = arith.constant 1 : i32
      %swap3A_2310 = arith.constant 7 : i32
      %swap3A_2311 = arith.index_cast %swap3A_2309 : i32 to index
      %swap3A_2312 = arith.index_cast %swap3A_2310 : i32 to index
      %swap3A_2313 = memref.load %arg10[%swap3A_2311, %swap3A_2312] : memref<4x32xi32, #tpu.memory_space<smem>>
      memref.store %squeeze3A_2308, %arg10[%swap3A_2311, %swap3A_2312] : memref<4x32xi32, #tpu.memory_space<smem>>
      %slice3A_2314 = vector.extract_strided_slice %sub3A_2095 {offsets = [7], sizes = [1], strides = [1]} : vector<16xf32> to vector<1xf32>
      %squeeze3A_2315 = vector.extract %slice3A_2314[0] : f32 from vector<1xf32>
      %swap3A_2316 = arith.constant 0 : i32
      %swap3A_2317 = arith.constant 7 : i32
      %swap3A_2318 = arith.index_cast %swap3A_2316 : i32 to index
      %swap3A_2319 = arith.index_cast %swap3A_2317 : i32 to index
      %swap3A_2320 = memref.load %arg11[%swap3A_2318, %swap3A_2319] : memref<4x32xf32, #tpu.memory_space<smem>>
      memref.store %squeeze3A_2315, %arg11[%swap3A_2318, %swap3A_2319] : memref<4x32xf32, #tpu.memory_space<smem>>
      %slice3A_2321 = vector.extract_strided_slice %sub3A_2097 {offsets = [7], sizes = [1], strides = [1]} : vector<16xf32> to vector<1xf32>
      %squeeze3A_2322 = vector.extract %slice3A_2321[0] : f32 from vector<1xf32>
      %swap3A_2323 = arith.constant 1 : i32
      %swap3A_2324 = arith.constant 7 : i32
      %swap3A_2325 = arith.index_cast %swap3A_2323 : i32 to index
      %swap3A_2326 = arith.index_cast %swap3A_2324 : i32 to index
      %swap3A_2327 = memref.load %arg11[%swap3A_2325, %swap3A_2326] : memref<4x32xf32, #tpu.memory_space<smem>>
      memref.store %squeeze3A_2322, %arg11[%swap3A_2325, %swap3A_2326] : memref<4x32xf32, #tpu.memory_space<smem>>
      %slice3A_2328 = vector.extract_strided_slice %mul3A_2100 {offsets = [8], sizes = [1], strides = [1]} : vector<16xi32> to vector<1xi32>
      %squeeze3A_2329 = vector.extract %slice3A_2328[0] : i32 from vector<1xi32>
      %swap3A_2330 = arith.constant 0 : i32
      %swap3A_2331 = arith.constant 8 : i32
      %swap3A_2332 = arith.index_cast %swap3A_2330 : i32 to index
      %swap3A_2333 = arith.index_cast %swap3A_2331 : i32 to index
      %swap3A_2334 = memref.load %arg10[%swap3A_2332, %swap3A_2333] : memref<4x32xi32, #tpu.memory_space<smem>>
      memref.store %squeeze3A_2329, %arg10[%swap3A_2332, %swap3A_2333] : memref<4x32xi32, #tpu.memory_space<smem>>
      %slice3A_2335 = vector.extract_strided_slice %mul3A_2103 {offsets = [8], sizes = [1], strides = [1]} : vector<16xi32> to vector<1xi32>
      %squeeze3A_2336 = vector.extract %slice3A_2335[0] : i32 from vector<1xi32>
      %swap3A_2337 = arith.constant 1 : i32
      %swap3A_2338 = arith.constant 8 : i32
      %swap3A_2339 = arith.index_cast %swap3A_2337 : i32 to index
      %swap3A_2340 = arith.index_cast %swap3A_2338 : i32 to index
      %swap3A_2341 = memref.load %arg10[%swap3A_2339, %swap3A_2340] : memref<4x32xi32, #tpu.memory_space<smem>>
      memref.store %squeeze3A_2336, %arg10[%swap3A_2339, %swap3A_2340] : memref<4x32xi32, #tpu.memory_space<smem>>
      %slice3A_2342 = vector.extract_strided_slice %sub3A_2095 {offsets = [8], sizes = [1], strides = [1]} : vector<16xf32> to vector<1xf32>
      %squeeze3A_2343 = vector.extract %slice3A_2342[0] : f32 from vector<1xf32>
      %swap3A_2344 = arith.constant 0 : i32
      %swap3A_2345 = arith.constant 8 : i32
      %swap3A_2346 = arith.index_cast %swap3A_2344 : i32 to index
      %swap3A_2347 = arith.index_cast %swap3A_2345 : i32 to index
      %swap3A_2348 = memref.load %arg11[%swap3A_2346, %swap3A_2347] : memref<4x32xf32, #tpu.memory_space<smem>>
      memref.store %squeeze3A_2343, %arg11[%swap3A_2346, %swap3A_2347] : memref<4x32xf32, #tpu.memory_space<smem>>
      %slice3A_2349 = vector.extract_strided_slice %sub3A_2097 {offsets = [8], sizes = [1], strides = [1]} : vector<16xf32> to vector<1xf32>
      %squeeze3A_2350 = vector.extract %slice3A_2349[0] : f32 from vector<1xf32>
      %swap3A_2351 = arith.constant 1 : i32
      %swap3A_2352 = arith.constant 8 : i32
      %swap3A_2353 = arith.index_cast %swap3A_2351 : i32 to index
      %swap3A_2354 = arith.index_cast %swap3A_2352 : i32 to index
      %swap3A_2355 = memref.load %arg11[%swap3A_2353, %swap3A_2354] : memref<4x32xf32, #tpu.memory_space<smem>>
      memref.store %squeeze3A_2350, %arg11[%swap3A_2353, %swap3A_2354] : memref<4x32xf32, #tpu.memory_space<smem>>
      %slice3A_2356 = vector.extract_strided_slice %mul3A_2100 {offsets = [9], sizes = [1], strides = [1]} : vector<16xi32> to vector<1xi32>
      %squeeze3A_2357 = vector.extract %slice3A_2356[0] : i32 from vector<1xi32>
      %swap3A_2358 = arith.constant 0 : i32
      %swap3A_2359 = arith.constant 9 : i32
      %swap3A_2360 = arith.index_cast %swap3A_2358 : i32 to index
      %swap3A_2361 = arith.index_cast %swap3A_2359 : i32 to index
      %swap3A_2362 = memref.load %arg10[%swap3A_2360, %swap3A_2361] : memref<4x32xi32, #tpu.memory_space<smem>>
      memref.store %squeeze3A_2357, %arg10[%swap3A_2360, %swap3A_2361] : memref<4x32xi32, #tpu.memory_space<smem>>
      %slice3A_2363 = vector.extract_strided_slice %mul3A_2103 {offsets = [9], sizes = [1], strides = [1]} : vector<16xi32> to vector<1xi32>
      %squeeze3A_2364 = vector.extract %slice3A_2363[0] : i32 from vector<1xi32>
      %swap3A_2365 = arith.constant 1 : i32
      %swap3A_2366 = arith.constant 9 : i32
      %swap3A_2367 = arith.index_cast %swap3A_2365 : i32 to index
      %swap3A_2368 = arith.index_cast %swap3A_2366 : i32 to index
      %swap3A_2369 = memref.load %arg10[%swap3A_2367, %swap3A_2368] : memref<4x32xi32, #tpu.memory_space<smem>>
      memref.store %squeeze3A_2364, %arg10[%swap3A_2367, %swap3A_2368] : memref<4x32xi32, #tpu.memory_space<smem>>
      %slice3A_2370 = vector.extract_strided_slice %sub3A_2095 {offsets = [9], sizes = [1], strides = [1]} : vector<16xf32> to vector<1xf32>
      %squeeze3A_2371 = vector.extract %slice3A_2370[0] : f32 from vector<1xf32>
      %swap3A_2372 = arith.constant 0 : i32
      %swap3A_2373 = arith.constant 9 : i32
      %swap3A_2374 = arith.index_cast %swap3A_2372 : i32 to index
      %swap3A_2375 = arith.index_cast %swap3A_2373 : i32 to index
      %swap3A_2376 = memref.load %arg11[%swap3A_2374, %swap3A_2375] : memref<4x32xf32, #tpu.memory_space<smem>>
      memref.store %squeeze3A_2371, %arg11[%swap3A_2374, %swap3A_2375] : memref<4x32xf32, #tpu.memory_space<smem>>
      %slice3A_2377 = vector.extract_strided_slice %sub3A_2097 {offsets = [9], sizes = [1], strides = [1]} : vector<16xf32> to vector<1xf32>
      %squeeze3A_2378 = vector.extract %slice3A_2377[0] : f32 from vector<1xf32>
      %swap3A_2379 = arith.constant 1 : i32
      %swap3A_2380 = arith.constant 9 : i32
      %swap3A_2381 = arith.index_cast %swap3A_2379 : i32 to index
      %swap3A_2382 = arith.index_cast %swap3A_2380 : i32 to index
      %swap3A_2383 = memref.load %arg11[%swap3A_2381, %swap3A_2382] : memref<4x32xf32, #tpu.memory_space<smem>>
      memref.store %squeeze3A_2378, %arg11[%swap3A_2381, %swap3A_2382] : memref<4x32xf32, #tpu.memory_space<smem>>
      %slice3A_2384 = vector.extract_strided_slice %mul3A_2100 {offsets = [10], sizes = [1], strides = [1]} : vector<16xi32> to vector<1xi32>
      %squeeze3A_2385 = vector.extract %slice3A_2384[0] : i32 from vector<1xi32>
      %swap3A_2386 = arith.constant 0 : i32
      %swap3A_2387 = arith.constant 10 : i32
      %swap3A_2388 = arith.index_cast %swap3A_2386 : i32 to index
      %swap3A_2389 = arith.index_cast %swap3A_2387 : i32 to index
      %swap3A_2390 = memref.load %arg10[%swap3A_2388, %swap3A_2389] : memref<4x32xi32, #tpu.memory_space<smem>>
      memref.store %squeeze3A_2385, %arg10[%swap3A_2388, %swap3A_2389] : memref<4x32xi32, #tpu.memory_space<smem>>
      %slice3A_2391 = vector.extract_strided_slice %mul3A_2103 {offsets = [10], sizes = [1], strides = [1]} : vector<16xi32> to vector<1xi32>
      %squeeze3A_2392 = vector.extract %slice3A_2391[0] : i32 from vector<1xi32>
      %swap3A_2393 = arith.constant 1 : i32
      %swap3A_2394 = arith.constant 10 : i32
      %swap3A_2395 = arith.index_cast %swap3A_2393 : i32 to index
      %swap3A_2396 = arith.index_cast %swap3A_2394 : i32 to index
      %swap3A_2397 = memref.load %arg10[%swap3A_2395, %swap3A_2396] : memref<4x32xi32, #tpu.memory_space<smem>>
      memref.store %squeeze3A_2392, %arg10[%swap3A_2395, %swap3A_2396] : memref<4x32xi32, #tpu.memory_space<smem>>
      %slice3A_2398 = vector.extract_strided_slice %sub3A_2095 {offsets = [10], sizes = [1], strides = [1]} : vector<16xf32> to vector<1xf32>
      %squeeze3A_2399 = vector.extract %slice3A_2398[0] : f32 from vector<1xf32>
      %swap3A_2400 = arith.constant 0 : i32
      %swap3A_2401 = arith.constant 10 : i32
      %swap3A_2402 = arith.index_cast %swap3A_2400 : i32 to index
      %swap3A_2403 = arith.index_cast %swap3A_2401 : i32 to index
      %swap3A_2404 = memref.load %arg11[%swap3A_2402, %swap3A_2403] : memref<4x32xf32, #tpu.memory_space<smem>>
      memref.store %squeeze3A_2399, %arg11[%swap3A_2402, %swap3A_2403] : memref<4x32xf32, #tpu.memory_space<smem>>
      %slice3A_2405 = vector.extract_strided_slice %sub3A_2097 {offsets = [10], sizes = [1], strides = [1]} : vector<16xf32> to vector<1xf32>
      %squeeze3A_2406 = vector.extract %slice3A_2405[0] : f32 from vector<1xf32>
      %swap3A_2407 = arith.constant 1 : i32
      %swap3A_2408 = arith.constant 10 : i32
      %swap3A_2409 = arith.index_cast %swap3A_2407 : i32 to index
      %swap3A_2410 = arith.index_cast %swap3A_2408 : i32 to index
      %swap3A_2411 = memref.load %arg11[%swap3A_2409, %swap3A_2410] : memref<4x32xf32, #tpu.memory_space<smem>>
      memref.store %squeeze3A_2406, %arg11[%swap3A_2409, %swap3A_2410] : memref<4x32xf32, #tpu.memory_space<smem>>
      %slice3A_2412 = vector.extract_strided_slice %mul3A_2100 {offsets = [11], sizes = [1], strides = [1]} : vector<16xi32> to vector<1xi32>
      %squeeze3A_2413 = vector.extract %slice3A_2412[0] : i32 from vector<1xi32>
      %swap3A_2414 = arith.constant 0 : i32
      %swap3A_2415 = arith.constant 11 : i32
      %swap3A_2416 = arith.index_cast %swap3A_2414 : i32 to index
      %swap3A_2417 = arith.index_cast %swap3A_2415 : i32 to index
      %swap3A_2418 = memref.load %arg10[%swap3A_2416, %swap3A_2417] : memref<4x32xi32, #tpu.memory_space<smem>>
      memref.store %squeeze3A_2413, %arg10[%swap3A_2416, %swap3A_2417] : memref<4x32xi32, #tpu.memory_space<smem>>
      %slice3A_2419 = vector.extract_strided_slice %mul3A_2103 {offsets = [11], sizes = [1], strides = [1]} : vector<16xi32> to vector<1xi32>
      %squeeze3A_2420 = vector.extract %slice3A_2419[0] : i32 from vector<1xi32>
      %swap3A_2421 = arith.constant 1 : i32
      %swap3A_2422 = arith.constant 11 : i32
      %swap3A_2423 = arith.index_cast %swap3A_2421 : i32 to index
      %swap3A_2424 = arith.index_cast %swap3A_2422 : i32 to index
      %swap3A_2425 = memref.load %arg10[%swap3A_2423, %swap3A_2424] : memref<4x32xi32, #tpu.memory_space<smem>>
      memref.store %squeeze3A_2420, %arg10[%swap3A_2423, %swap3A_2424] : memref<4x32xi32, #tpu.memory_space<smem>>
      %slice3A_2426 = vector.extract_strided_slice %sub3A_2095 {offsets = [11], sizes = [1], strides = [1]} : vector<16xf32> to vector<1xf32>
      %squeeze3A_2427 = vector.extract %slice3A_2426[0] : f32 from vector<1xf32>
      %swap3A_2428 = arith.constant 0 : i32
      %swap3A_2429 = arith.constant 11 : i32
      %swap3A_2430 = arith.index_cast %swap3A_2428 : i32 to index
      %swap3A_2431 = arith.index_cast %swap3A_2429 : i32 to index
      %swap3A_2432 = memref.load %arg11[%swap3A_2430, %swap3A_2431] : memref<4x32xf32, #tpu.memory_space<smem>>
      memref.store %squeeze3A_2427, %arg11[%swap3A_2430, %swap3A_2431] : memref<4x32xf32, #tpu.memory_space<smem>>
      %slice3A_2433 = vector.extract_strided_slice %sub3A_2097 {offsets = [11], sizes = [1], strides = [1]} : vector<16xf32> to vector<1xf32>
      %squeeze3A_2434 = vector.extract %slice3A_2433[0] : f32 from vector<1xf32>
      %swap3A_2435 = arith.constant 1 : i32
      %swap3A_2436 = arith.constant 11 : i32
      %swap3A_2437 = arith.index_cast %swap3A_2435 : i32 to index
      %swap3A_2438 = arith.index_cast %swap3A_2436 : i32 to index
      %swap3A_2439 = memref.load %arg11[%swap3A_2437, %swap3A_2438] : memref<4x32xf32, #tpu.memory_space<smem>>
      memref.store %squeeze3A_2434, %arg11[%swap3A_2437, %swap3A_2438] : memref<4x32xf32, #tpu.memory_space<smem>>
      %slice3A_2440 = vector.extract_strided_slice %mul3A_2100 {offsets = [12], sizes = [1], strides = [1]} : vector<16xi32> to vector<1xi32>
      %squeeze3A_2441 = vector.extract %slice3A_2440[0] : i32 from vector<1xi32>
      %swap3A_2442 = arith.constant 0 : i32
      %swap3A_2443 = arith.constant 12 : i32
      %swap3A_2444 = arith.index_cast %swap3A_2442 : i32 to index
      %swap3A_2445 = arith.index_cast %swap3A_2443 : i32 to index
      %swap3A_2446 = memref.load %arg10[%swap3A_2444, %swap3A_2445] : memref<4x32xi32, #tpu.memory_space<smem>>
      memref.store %squeeze3A_2441, %arg10[%swap3A_2444, %swap3A_2445] : memref<4x32xi32, #tpu.memory_space<smem>>
      %slice3A_2447 = vector.extract_strided_slice %mul3A_2103 {offsets = [12], sizes = [1], strides = [1]} : vector<16xi32> to vector<1xi32>
      %squeeze3A_2448 = vector.extract %slice3A_2447[0] : i32 from vector<1xi32>
      %swap3A_2449 = arith.constant 1 : i32
      %swap3A_2450 = arith.constant 12 : i32
      %swap3A_2451 = arith.index_cast %swap3A_2449 : i32 to index
      %swap3A_2452 = arith.index_cast %swap3A_2450 : i32 to index
      %swap3A_2453 = memref.load %arg10[%swap3A_2451, %swap3A_2452] : memref<4x32xi32, #tpu.memory_space<smem>>
      memref.store %squeeze3A_2448, %arg10[%swap3A_2451, %swap3A_2452] : memref<4x32xi32, #tpu.memory_space<smem>>
      %slice3A_2454 = vector.extract_strided_slice %sub3A_2095 {offsets = [12], sizes = [1], strides = [1]} : vector<16xf32> to vector<1xf32>
      %squeeze3A_2455 = vector.extract %slice3A_2454[0] : f32 from vector<1xf32>
      %swap3A_2456 = arith.constant 0 : i32
      %swap3A_2457 = arith.constant 12 : i32
      %swap3A_2458 = arith.index_cast %swap3A_2456 : i32 to index
      %swap3A_2459 = arith.index_cast %swap3A_2457 : i32 to index
      %swap3A_2460 = memref.load %arg11[%swap3A_2458, %swap3A_2459] : memref<4x32xf32, #tpu.memory_space<smem>>
      memref.store %squeeze3A_2455, %arg11[%swap3A_2458, %swap3A_2459] : memref<4x32xf32, #tpu.memory_space<smem>>
      %slice3A_2461 = vector.extract_strided_slice %sub3A_2097 {offsets = [12], sizes = [1], strides = [1]} : vector<16xf32> to vector<1xf32>
      %squeeze3A_2462 = vector.extract %slice3A_2461[0] : f32 from vector<1xf32>
      %swap3A_2463 = arith.constant 1 : i32
      %swap3A_2464 = arith.constant 12 : i32
      %swap3A_2465 = arith.index_cast %swap3A_2463 : i32 to index
      %swap3A_2466 = arith.index_cast %swap3A_2464 : i32 to index
      %swap3A_2467 = memref.load %arg11[%swap3A_2465, %swap3A_2466] : memref<4x32xf32, #tpu.memory_space<smem>>
      memref.store %squeeze3A_2462, %arg11[%swap3A_2465, %swap3A_2466] : memref<4x32xf32, #tpu.memory_space<smem>>
      %slice3A_2468 = vector.extract_strided_slice %mul3A_2100 {offsets = [13], sizes = [1], strides = [1]} : vector<16xi32> to vector<1xi32>
      %squeeze3A_2469 = vector.extract %slice3A_2468[0] : i32 from vector<1xi32>
      %swap3A_2470 = arith.constant 0 : i32
      %swap3A_2471 = arith.constant 13 : i32
      %swap3A_2472 = arith.index_cast %swap3A_2470 : i32 to index
      %swap3A_2473 = arith.index_cast %swap3A_2471 : i32 to index
      %swap3A_2474 = memref.load %arg10[%swap3A_2472, %swap3A_2473] : memref<4x32xi32, #tpu.memory_space<smem>>
      memref.store %squeeze3A_2469, %arg10[%swap3A_2472, %swap3A_2473] : memref<4x32xi32, #tpu.memory_space<smem>>
      %slice3A_2475 = vector.extract_strided_slice %mul3A_2103 {offsets = [13], sizes = [1], strides = [1]} : vector<16xi32> to vector<1xi32>
      %squeeze3A_2476 = vector.extract %slice3A_2475[0] : i32 from vector<1xi32>
      %swap3A_2477 = arith.constant 1 : i32
      %swap3A_2478 = arith.constant 13 : i32
      %swap3A_2479 = arith.index_cast %swap3A_2477 : i32 to index
      %swap3A_2480 = arith.index_cast %swap3A_2478 : i32 to index
      %swap3A_2481 = memref.load %arg10[%swap3A_2479, %swap3A_2480] : memref<4x32xi32, #tpu.memory_space<smem>>
      memref.store %squeeze3A_2476, %arg10[%swap3A_2479, %swap3A_2480] : memref<4x32xi32, #tpu.memory_space<smem>>
      %slice3A_2482 = vector.extract_strided_slice %sub3A_2095 {offsets = [13], sizes = [1], strides = [1]} : vector<16xf32> to vector<1xf32>
      %squeeze3A_2483 = vector.extract %slice3A_2482[0] : f32 from vector<1xf32>
      %swap3A_2484 = arith.constant 0 : i32
      %swap3A_2485 = arith.constant 13 : i32
      %swap3A_2486 = arith.index_cast %swap3A_2484 : i32 to index
      %swap3A_2487 = arith.index_cast %swap3A_2485 : i32 to index
      %swap3A_2488 = memref.load %arg11[%swap3A_2486, %swap3A_2487] : memref<4x32xf32, #tpu.memory_space<smem>>
      memref.store %squeeze3A_2483, %arg11[%swap3A_2486, %swap3A_2487] : memref<4x32xf32, #tpu.memory_space<smem>>
      %slice3A_2489 = vector.extract_strided_slice %sub3A_2097 {offsets = [13], sizes = [1], strides = [1]} : vector<16xf32> to vector<1xf32>
      %squeeze3A_2490 = vector.extract %slice3A_2489[0] : f32 from vector<1xf32>
      %swap3A_2491 = arith.constant 1 : i32
      %swap3A_2492 = arith.constant 13 : i32
      %swap3A_2493 = arith.index_cast %swap3A_2491 : i32 to index
      %swap3A_2494 = arith.index_cast %swap3A_2492 : i32 to index
      %swap3A_2495 = memref.load %arg11[%swap3A_2493, %swap3A_2494] : memref<4x32xf32, #tpu.memory_space<smem>>
      memref.store %squeeze3A_2490, %arg11[%swap3A_2493, %swap3A_2494] : memref<4x32xf32, #tpu.memory_space<smem>>
      %slice3A_2496 = vector.extract_strided_slice %mul3A_2100 {offsets = [14], sizes = [1], strides = [1]} : vector<16xi32> to vector<1xi32>
      %squeeze3A_2497 = vector.extract %slice3A_2496[0] : i32 from vector<1xi32>
      %swap3A_2498 = arith.constant 0 : i32
      %swap3A_2499 = arith.constant 14 : i32
      %swap3A_2500 = arith.index_cast %swap3A_2498 : i32 to index
      %swap3A_2501 = arith.index_cast %swap3A_2499 : i32 to index
      %swap3A_2502 = memref.load %arg10[%swap3A_2500, %swap3A_2501] : memref<4x32xi32, #tpu.memory_space<smem>>
      memref.store %squeeze3A_2497, %arg10[%swap3A_2500, %swap3A_2501] : memref<4x32xi32, #tpu.memory_space<smem>>
      %slice3A_2503 = vector.extract_strided_slice %mul3A_2103 {offsets = [14], sizes = [1], strides = [1]} : vector<16xi32> to vector<1xi32>
      %squeeze3A_2504 = vector.extract %slice3A_2503[0] : i32 from vector<1xi32>
      %swap3A_2505 = arith.constant 1 : i32
      %swap3A_2506 = arith.constant 14 : i32
      %swap3A_2507 = arith.index_cast %swap3A_2505 : i32 to index
      %swap3A_2508 = arith.index_cast %swap3A_2506 : i32 to index
      %swap3A_2509 = memref.load %arg10[%swap3A_2507, %swap3A_2508] : memref<4x32xi32, #tpu.memory_space<smem>>
      memref.store %squeeze3A_2504, %arg10[%swap3A_2507, %swap3A_2508] : memref<4x32xi32, #tpu.memory_space<smem>>
      %slice3A_2510 = vector.extract_strided_slice %sub3A_2095 {offsets = [14], sizes = [1], strides = [1]} : vector<16xf32> to vector<1xf32>
      %squeeze3A_2511 = vector.extract %slice3A_2510[0] : f32 from vector<1xf32>
      %swap3A_2512 = arith.constant 0 : i32
      %swap3A_2513 = arith.constant 14 : i32
      %swap3A_2514 = arith.index_cast %swap3A_2512 : i32 to index
      %swap3A_2515 = arith.index_cast %swap3A_2513 : i32 to index
      %swap3A_2516 = memref.load %arg11[%swap3A_2514, %swap3A_2515] : memref<4x32xf32, #tpu.memory_space<smem>>
      memref.store %squeeze3A_2511, %arg11[%swap3A_2514, %swap3A_2515] : memref<4x32xf32, #tpu.memory_space<smem>>
      %slice3A_2517 = vector.extract_strided_slice %sub3A_2097 {offsets = [14], sizes = [1], strides = [1]} : vector<16xf32> to vector<1xf32>
      %squeeze3A_2518 = vector.extract %slice3A_2517[0] : f32 from vector<1xf32>
      %swap3A_2519 = arith.constant 1 : i32
      %swap3A_2520 = arith.constant 14 : i32
      %swap3A_2521 = arith.index_cast %swap3A_2519 : i32 to index
      %swap3A_2522 = arith.index_cast %swap3A_2520 : i32 to index
      %swap3A_2523 = memref.load %arg11[%swap3A_2521, %swap3A_2522] : memref<4x32xf32, #tpu.memory_space<smem>>
      memref.store %squeeze3A_2518, %arg11[%swap3A_2521, %swap3A_2522] : memref<4x32xf32, #tpu.memory_space<smem>>
      %slice3A_2524 = vector.extract_strided_slice %mul3A_2100 {offsets = [15], sizes = [1], strides = [1]} : vector<16xi32> to vector<1xi32>
      %squeeze3A_2525 = vector.extract %slice3A_2524[0] : i32 from vector<1xi32>
      %swap3A_2526 = arith.constant 0 : i32
      %swap3A_2527 = arith.constant 15 : i32
      %swap3A_2528 = arith.index_cast %swap3A_2526 : i32 to index
      %swap3A_2529 = arith.index_cast %swap3A_2527 : i32 to index
      %swap3A_2530 = memref.load %arg10[%swap3A_2528, %swap3A_2529] : memref<4x32xi32, #tpu.memory_space<smem>>
      memref.store %squeeze3A_2525, %arg10[%swap3A_2528, %swap3A_2529] : memref<4x32xi32, #tpu.memory_space<smem>>
      %slice3A_2531 = vector.extract_strided_slice %mul3A_2103 {offsets = [15], sizes = [1], strides = [1]} : vector<16xi32> to vector<1xi32>
      %squeeze3A_2532 = vector.extract %slice3A_2531[0] : i32 from vector<1xi32>
      %swap3A_2533 = arith.constant 1 : i32
      %swap3A_2534 = arith.constant 15 : i32
      %swap3A_2535 = arith.index_cast %swap3A_2533 : i32 to index
      %swap3A_2536 = arith.index_cast %swap3A_2534 : i32 to index
      %swap3A_2537 = memref.load %arg10[%swap3A_2535, %swap3A_2536] : memref<4x32xi32, #tpu.memory_space<smem>>
      memref.store %squeeze3A_2532, %arg10[%swap3A_2535, %swap3A_2536] : memref<4x32xi32, #tpu.memory_space<smem>>
      %slice3A_2538 = vector.extract_strided_slice %sub3A_2095 {offsets = [15], sizes = [1], strides = [1]} : vector<16xf32> to vector<1xf32>
      %squeeze3A_2539 = vector.extract %slice3A_2538[0] : f32 from vector<1xf32>
      %swap3A_2540 = arith.constant 0 : i32
      %swap3A_2541 = arith.constant 15 : i32
      %swap3A_2542 = arith.index_cast %swap3A_2540 : i32 to index
      %swap3A_2543 = arith.index_cast %swap3A_2541 : i32 to index
      %swap3A_2544 = memref.load %arg11[%swap3A_2542, %swap3A_2543] : memref<4x32xf32, #tpu.memory_space<smem>>
      memref.store %squeeze3A_2539, %arg11[%swap3A_2542, %swap3A_2543] : memref<4x32xf32, #tpu.memory_space<smem>>
      %slice3A_2545 = vector.extract_strided_slice %sub3A_2097 {offsets = [15], sizes = [1], strides = [1]} : vector<16xf32> to vector<1xf32>
      %squeeze3A_2546 = vector.extract %slice3A_2545[0] : f32 from vector<1xf32>
      %swap3A_2547 = arith.constant 1 : i32
      %swap3A_2548 = arith.constant 15 : i32
      %swap3A_2549 = arith.index_cast %swap3A_2547 : i32 to index
      %swap3A_2550 = arith.index_cast %swap3A_2548 : i32 to index
      %swap3A_2551 = memref.load %arg11[%swap3A_2549, %swap3A_2550] : memref<4x32xf32, #tpu.memory_space<smem>>
      memref.store %squeeze3A_2546, %arg11[%swap3A_2549, %swap3A_2550] : memref<4x32xf32, #tpu.memory_space<smem>>
      %mul3A_2552 = arith.constant 64 : i32
      %mul3A_2553 = arith.muli %add3A_2044, %mul3A_2552 : i32
      %add3A_2554 = arith.constant 0 : i32
      %add3A_2555 = arith.addi %mul3A_2553, %add3A_2554 : i32
      %add3A_2556 = arith.constant 16 : i32
      %add3A_2557 = arith.addi %add3A_2555, %add3A_2556 : i32
      %get3A_2558 = arith.index_cast %add3A_2557 : i32 to index
      %get3A_2559 = tpu.vector_load %arg9[%get3A_2558] {strides = array<i32>} : memref<4096xf32, #tpu.memory_space<vmem>>, vector<16xf32>,
      %get3A_2560 = vector.shape_cast %get3A_2559 : vector<16xf32> to vector<16xf32>
      %add3A_2561 = arith.constant 1.000000e+00 : f32
      %add3A_2562 = vector.broadcast %add3A_2561 : f32 to vector<16xf32>
      %add3A_2563 = arith.addf %get3A_2560, %add3A_2562 : vector<16xf32>
      %mul3A_2564 = arith.constant 1.600000e+01 : f32
      %mul3A_2565 = vector.broadcast %mul3A_2564 : f32 to vector<16xf32>
      %mul3A_2566 = arith.mulf %add3A_2563, %mul3A_2565 : vector<16xf32>
      %convert_element_type3A_2567 = arith.fptosi %mul3A_2566 : vector<16xf32> to vector<16xi32>
      %convert_element_type3A_2568 = arith.sitofp %convert_element_type3A_2567 : vector<16xi32> to vector<16xf32>
      %gt3A_2569 = arith.cmpf ogt, %convert_element_type3A_2568, %mul3A_2566 : vector<16xf32>
      %sub3A_2570 = arith.constant 1 : i32
      %sub3A_2571 = vector.broadcast %sub3A_2570 : i32 to vector<16xi32>
      %sub3A_2572 = arith.subi %convert_element_type3A_2567, %sub3A_2571 : vector<16xi32>
      %select_n3A_2573 = arith.select %gt3A_2569, %sub3A_2572, %convert_element_type3A_2567 : vector<16xi1>, vector<16xi32>
      %jit3A_2574 = arith.constant 0 : i32
      %jit3A_2575 = arith.constant 31 : i32
      %max3A_2576 = vector.broadcast %jit3A_2574 : i32 to vector<16xi32>
      %max3A_2577 = arith.maxsi %max3A_2576, %select_n3A_2573 : vector<16xi32>
      %min3A_2578 = vector.broadcast %jit3A_2575 : i32 to vector<16xi32>
      %min3A_2579 = arith.minsi %min3A_2578, %max3A_2577 : vector<16xi32>
      %add3A_2580 = arith.constant 1 : i32
      %add3A_2581 = vector.broadcast %add3A_2580 : i32 to vector<16xi32>
      %add3A_2582 = arith.addi %select_n3A_2573, %add3A_2581 : vector<16xi32>
      %jit3A_2583 = arith.constant 0 : i32
      %jit3A_2584 = arith.constant 31 : i32
      %max3A_2585 = vector.broadcast %jit3A_2583 : i32 to vector<16xi32>
      %max3A_2586 = arith.maxsi %max3A_2585, %add3A_2582 : vector<16xi32>
      %min3A_2587 = vector.broadcast %jit3A_2584 : i32 to vector<16xi32>
      %min3A_2588 = arith.minsi %min3A_2587, %max3A_2586 : vector<16xi32>
      %convert_element_type3A_2589 = arith.sitofp %min3A_2588 : vector<16xi32> to vector<16xf32>
      %sub3A_2590 = arith.subf %convert_element_type3A_2589, %mul3A_2566 : vector<16xf32>
      %convert_element_type3A_2591 = arith.sitofp %min3A_2579 : vector<16xi32> to vector<16xf32>
      %sub3A_2592 = arith.subf %mul3A_2566, %convert_element_type3A_2591 : vector<16xf32>
      %mul3A_2593 = arith.constant 16 : i32
      %mul3A_2594 = vector.broadcast %mul3A_2593 : i32 to vector<16xi32>
      %mul3A_2595 = arith.muli %min3A_2579, %mul3A_2594 : vector<16xi32>
      %mul3A_2596 = arith.constant 16 : i32
      %mul3A_2597 = vector.broadcast %mul3A_2596 : i32 to vector<16xi32>
      %mul3A_2598 = arith.muli %min3A_2588, %mul3A_2597 : vector<16xi32>
      %slice3A_2599 = vector.extract_strided_slice %mul3A_2595 {offsets = [0], sizes = [1], strides = [1]} : vector<16xi32> to vector<1xi32>
      %squeeze3A_2600 = vector.extract %slice3A_2599[0] : i32 from vector<1xi32>
      %swap3A_2601 = arith.constant 0 : i32
      %swap3A_2602 = arith.constant 16 : i32
      %swap3A_2603 = arith.index_cast %swap3A_2601 : i32 to index
      %swap3A_2604 = arith.index_cast %swap3A_2602 : i32 to index
      %swap3A_2605 = memref.load %arg10[%swap3A_2603, %swap3A_2604] : memref<4x32xi32, #tpu.memory_space<smem>>
      memref.store %squeeze3A_2600, %arg10[%swap3A_2603, %swap3A_2604] : memref<4x32xi32, #tpu.memory_space<smem>>
      %slice3A_2606 = vector.extract_strided_slice %mul3A_2598 {offsets = [0], sizes = [1], strides = [1]} : vector<16xi32> to vector<1xi32>
      %squeeze3A_2607 = vector.extract %slice3A_2606[0] : i32 from vector<1xi32>
      %swap3A_2608 = arith.constant 1 : i32
      %swap3A_2609 = arith.constant 16 : i32
      %swap3A_2610 = arith.index_cast %swap3A_2608 : i32 to index
      %swap3A_2611 = arith.index_cast %swap3A_2609 : i32 to index
      %swap3A_2612 = memref.load %arg10[%swap3A_2610, %swap3A_2611] : memref<4x32xi32, #tpu.memory_space<smem>>
      memref.store %squeeze3A_2607, %arg10[%swap3A_2610, %swap3A_2611] : memref<4x32xi32, #tpu.memory_space<smem>>
      %slice3A_2613 = vector.extract_strided_slice %sub3A_2590 {offsets = [0], sizes = [1], strides = [1]} : vector<16xf32> to vector<1xf32>
      %squeeze3A_2614 = vector.extract %slice3A_2613[0] : f32 from vector<1xf32>
      %swap3A_2615 = arith.constant 0 : i32
      %swap3A_2616 = arith.constant 16 : i32
      %swap3A_2617 = arith.index_cast %swap3A_2615 : i32 to index
      %swap3A_2618 = arith.index_cast %swap3A_2616 : i32 to index
      %swap3A_2619 = memref.load %arg11[%swap3A_2617, %swap3A_2618] : memref<4x32xf32, #tpu.memory_space<smem>>
      memref.store %squeeze3A_2614, %arg11[%swap3A_2617, %swap3A_2618] : memref<4x32xf32, #tpu.memory_space<smem>>
      %slice3A_2620 = vector.extract_strided_slice %sub3A_2592 {offsets = [0], sizes = [1], strides = [1]} : vector<16xf32> to vector<1xf32>
      %squeeze3A_2621 = vector.extract %slice3A_2620[0] : f32 from vector<1xf32>
      %swap3A_2622 = arith.constant 1 : i32
      %swap3A_2623 = arith.constant 16 : i32
      %swap3A_2624 = arith.index_cast %swap3A_2622 : i32 to index
      %swap3A_2625 = arith.index_cast %swap3A_2623 : i32 to index
      %swap3A_2626 = memref.load %arg11[%swap3A_2624, %swap3A_2625] : memref<4x32xf32, #tpu.memory_space<smem>>
      memref.store %squeeze3A_2621, %arg11[%swap3A_2624, %swap3A_2625] : memref<4x32xf32, #tpu.memory_space<smem>>
      %slice3A_2627 = vector.extract_strided_slice %mul3A_2595 {offsets = [1], sizes = [1], strides = [1]} : vector<16xi32> to vector<1xi32>
      %squeeze3A_2628 = vector.extract %slice3A_2627[0] : i32 from vector<1xi32>
      %swap3A_2629 = arith.constant 0 : i32
      %swap3A_2630 = arith.constant 17 : i32
      %swap3A_2631 = arith.index_cast %swap3A_2629 : i32 to index
      %swap3A_2632 = arith.index_cast %swap3A_2630 : i32 to index
      %swap3A_2633 = memref.load %arg10[%swap3A_2631, %swap3A_2632] : memref<4x32xi32, #tpu.memory_space<smem>>
      memref.store %squeeze3A_2628, %arg10[%swap3A_2631, %swap3A_2632] : memref<4x32xi32, #tpu.memory_space<smem>>
      %slice3A_2634 = vector.extract_strided_slice %mul3A_2598 {offsets = [1], sizes = [1], strides = [1]} : vector<16xi32> to vector<1xi32>
      %squeeze3A_2635 = vector.extract %slice3A_2634[0] : i32 from vector<1xi32>
      %swap3A_2636 = arith.constant 1 : i32
      %swap3A_2637 = arith.constant 17 : i32
      %swap3A_2638 = arith.index_cast %swap3A_2636 : i32 to index
      %swap3A_2639 = arith.index_cast %swap3A_2637 : i32 to index
      %swap3A_2640 = memref.load %arg10[%swap3A_2638, %swap3A_2639] : memref<4x32xi32, #tpu.memory_space<smem>>
      memref.store %squeeze3A_2635, %arg10[%swap3A_2638, %swap3A_2639] : memref<4x32xi32, #tpu.memory_space<smem>>
      %slice3A_2641 = vector.extract_strided_slice %sub3A_2590 {offsets = [1], sizes = [1], strides = [1]} : vector<16xf32> to vector<1xf32>
      %squeeze3A_2642 = vector.extract %slice3A_2641[0] : f32 from vector<1xf32>
      %swap3A_2643 = arith.constant 0 : i32
      %swap3A_2644 = arith.constant 17 : i32
      %swap3A_2645 = arith.index_cast %swap3A_2643 : i32 to index
      %swap3A_2646 = arith.index_cast %swap3A_2644 : i32 to index
      %swap3A_2647 = memref.load %arg11[%swap3A_2645, %swap3A_2646] : memref<4x32xf32, #tpu.memory_space<smem>>
      memref.store %squeeze3A_2642, %arg11[%swap3A_2645, %swap3A_2646] : memref<4x32xf32, #tpu.memory_space<smem>>
      %slice3A_2648 = vector.extract_strided_slice %sub3A_2592 {offsets = [1], sizes = [1], strides = [1]} : vector<16xf32> to vector<1xf32>
      %squeeze3A_2649 = vector.extract %slice3A_2648[0] : f32 from vector<1xf32>
      %swap3A_2650 = arith.constant 1 : i32
      %swap3A_2651 = arith.constant 17 : i32
      %swap3A_2652 = arith.index_cast %swap3A_2650 : i32 to index
      %swap3A_2653 = arith.index_cast %swap3A_2651 : i32 to index
      %swap3A_2654 = memref.load %arg11[%swap3A_2652, %swap3A_2653] : memref<4x32xf32, #tpu.memory_space<smem>>
      memref.store %squeeze3A_2649, %arg11[%swap3A_2652, %swap3A_2653] : memref<4x32xf32, #tpu.memory_space<smem>>
      %slice3A_2655 = vector.extract_strided_slice %mul3A_2595 {offsets = [2], sizes = [1], strides = [1]} : vector<16xi32> to vector<1xi32>
      %squeeze3A_2656 = vector.extract %slice3A_2655[0] : i32 from vector<1xi32>
      %swap3A_2657 = arith.constant 0 : i32
      %swap3A_2658 = arith.constant 18 : i32
      %swap3A_2659 = arith.index_cast %swap3A_2657 : i32 to index
      %swap3A_2660 = arith.index_cast %swap3A_2658 : i32 to index
      %swap3A_2661 = memref.load %arg10[%swap3A_2659, %swap3A_2660] : memref<4x32xi32, #tpu.memory_space<smem>>
      memref.store %squeeze3A_2656, %arg10[%swap3A_2659, %swap3A_2660] : memref<4x32xi32, #tpu.memory_space<smem>>
      %slice3A_2662 = vector.extract_strided_slice %mul3A_2598 {offsets = [2], sizes = [1], strides = [1]} : vector<16xi32> to vector<1xi32>
      %squeeze3A_2663 = vector.extract %slice3A_2662[0] : i32 from vector<1xi32>
      %swap3A_2664 = arith.constant 1 : i32
      %swap3A_2665 = arith.constant 18 : i32
      %swap3A_2666 = arith.index_cast %swap3A_2664 : i32 to index
      %swap3A_2667 = arith.index_cast %swap3A_2665 : i32 to index
      %swap3A_2668 = memref.load %arg10[%swap3A_2666, %swap3A_2667] : memref<4x32xi32, #tpu.memory_space<smem>>
      memref.store %squeeze3A_2663, %arg10[%swap3A_2666, %swap3A_2667] : memref<4x32xi32, #tpu.memory_space<smem>>
      %slice3A_2669 = vector.extract_strided_slice %sub3A_2590 {offsets = [2], sizes = [1], strides = [1]} : vector<16xf32> to vector<1xf32>
      %squeeze3A_2670 = vector.extract %slice3A_2669[0] : f32 from vector<1xf32>
      %swap3A_2671 = arith.constant 0 : i32
      %swap3A_2672 = arith.constant 18 : i32
      %swap3A_2673 = arith.index_cast %swap3A_2671 : i32 to index
      %swap3A_2674 = arith.index_cast %swap3A_2672 : i32 to index
      %swap3A_2675 = memref.load %arg11[%swap3A_2673, %swap3A_2674] : memref<4x32xf32, #tpu.memory_space<smem>>
      memref.store %squeeze3A_2670, %arg11[%swap3A_2673, %swap3A_2674] : memref<4x32xf32, #tpu.memory_space<smem>>
      %slice3A_2676 = vector.extract_strided_slice %sub3A_2592 {offsets = [2], sizes = [1], strides = [1]} : vector<16xf32> to vector<1xf32>
      %squeeze3A_2677 = vector.extract %slice3A_2676[0] : f32 from vector<1xf32>
      %swap3A_2678 = arith.constant 1 : i32
      %swap3A_2679 = arith.constant 18 : i32
      %swap3A_2680 = arith.index_cast %swap3A_2678 : i32 to index
      %swap3A_2681 = arith.index_cast %swap3A_2679 : i32 to index
      %swap3A_2682 = memref.load %arg11[%swap3A_2680, %swap3A_2681] : memref<4x32xf32, #tpu.memory_space<smem>>
      memref.store %squeeze3A_2677, %arg11[%swap3A_2680, %swap3A_2681] : memref<4x32xf32, #tpu.memory_space<smem>>
      %slice3A_2683 = vector.extract_strided_slice %mul3A_2595 {offsets = [3], sizes = [1], strides = [1]} : vector<16xi32> to vector<1xi32>
      %squeeze3A_2684 = vector.extract %slice3A_2683[0] : i32 from vector<1xi32>
      %swap3A_2685 = arith.constant 0 : i32
      %swap3A_2686 = arith.constant 19 : i32
      %swap3A_2687 = arith.index_cast %swap3A_2685 : i32 to index
      %swap3A_2688 = arith.index_cast %swap3A_2686 : i32 to index
      %swap3A_2689 = memref.load %arg10[%swap3A_2687, %swap3A_2688] : memref<4x32xi32, #tpu.memory_space<smem>>
      memref.store %squeeze3A_2684, %arg10[%swap3A_2687, %swap3A_2688] : memref<4x32xi32, #tpu.memory_space<smem>>
      %slice3A_2690 = vector.extract_strided_slice %mul3A_2598 {offsets = [3], sizes = [1], strides = [1]} : vector<16xi32> to vector<1xi32>
      %squeeze3A_2691 = vector.extract %slice3A_2690[0] : i32 from vector<1xi32>
      %swap3A_2692 = arith.constant 1 : i32
      %swap3A_2693 = arith.constant 19 : i32
      %swap3A_2694 = arith.index_cast %swap3A_2692 : i32 to index
      %swap3A_2695 = arith.index_cast %swap3A_2693 : i32 to index
      %swap3A_2696 = memref.load %arg10[%swap3A_2694, %swap3A_2695] : memref<4x32xi32, #tpu.memory_space<smem>>
      memref.store %squeeze3A_2691, %arg10[%swap3A_2694, %swap3A_2695] : memref<4x32xi32, #tpu.memory_space<smem>>
      %slice3A_2697 = vector.extract_strided_slice %sub3A_2590 {offsets = [3], sizes = [1], strides = [1]} : vector<16xf32> to vector<1xf32>
      %squeeze3A_2698 = vector.extract %slice3A_2697[0] : f32 from vector<1xf32>
      %swap3A_2699 = arith.constant 0 : i32
      %swap3A_2700 = arith.constant 19 : i32
      %swap3A_2701 = arith.index_cast %swap3A_2699 : i32 to index
      %swap3A_2702 = arith.index_cast %swap3A_2700 : i32 to index
      %swap3A_2703 = memref.load %arg11[%swap3A_2701, %swap3A_2702] : memref<4x32xf32, #tpu.memory_space<smem>>
      memref.store %squeeze3A_2698, %arg11[%swap3A_2701, %swap3A_2702] : memref<4x32xf32, #tpu.memory_space<smem>>
      %slice3A_2704 = vector.extract_strided_slice %sub3A_2592 {offsets = [3], sizes = [1], strides = [1]} : vector<16xf32> to vector<1xf32>
      %squeeze3A_2705 = vector.extract %slice3A_2704[0] : f32 from vector<1xf32>
      %swap3A_2706 = arith.constant 1 : i32
      %swap3A_2707 = arith.constant 19 : i32
      %swap3A_2708 = arith.index_cast %swap3A_2706 : i32 to index
      %swap3A_2709 = arith.index_cast %swap3A_2707 : i32 to index
      %swap3A_2710 = memref.load %arg11[%swap3A_2708, %swap3A_2709] : memref<4x32xf32, #tpu.memory_space<smem>>
      memref.store %squeeze3A_2705, %arg11[%swap3A_2708, %swap3A_2709] : memref<4x32xf32, #tpu.memory_space<smem>>
      %slice3A_2711 = vector.extract_strided_slice %mul3A_2595 {offsets = [4], sizes = [1], strides = [1]} : vector<16xi32> to vector<1xi32>
      %squeeze3A_2712 = vector.extract %slice3A_2711[0] : i32 from vector<1xi32>
      %swap3A_2713 = arith.constant 0 : i32
      %swap3A_2714 = arith.constant 20 : i32
      %swap3A_2715 = arith.index_cast %swap3A_2713 : i32 to index
      %swap3A_2716 = arith.index_cast %swap3A_2714 : i32 to index
      %swap3A_2717 = memref.load %arg10[%swap3A_2715, %swap3A_2716] : memref<4x32xi32, #tpu.memory_space<smem>>
      memref.store %squeeze3A_2712, %arg10[%swap3A_2715, %swap3A_2716] : memref<4x32xi32, #tpu.memory_space<smem>>
      %slice3A_2718 = vector.extract_strided_slice %mul3A_2598 {offsets = [4], sizes = [1], strides = [1]} : vector<16xi32> to vector<1xi32>
      %squeeze3A_2719 = vector.extract %slice3A_2718[0] : i32 from vector<1xi32>
      %swap3A_2720 = arith.constant 1 : i32
      %swap3A_2721 = arith.constant 20 : i32
      %swap3A_2722 = arith.index_cast %swap3A_2720 : i32 to index
      %swap3A_2723 = arith.index_cast %swap3A_2721 : i32 to index
      %swap3A_2724 = memref.load %arg10[%swap3A_2722, %swap3A_2723] : memref<4x32xi32, #tpu.memory_space<smem>>
      memref.store %squeeze3A_2719, %arg10[%swap3A_2722, %swap3A_2723] : memref<4x32xi32, #tpu.memory_space<smem>>
      %slice3A_2725 = vector.extract_strided_slice %sub3A_2590 {offsets = [4], sizes = [1], strides = [1]} : vector<16xf32> to vector<1xf32>
      %squeeze3A_2726 = vector.extract %slice3A_2725[0] : f32 from vector<1xf32>
      %swap3A_2727 = arith.constant 0 : i32
      %swap3A_2728 = arith.constant 20 : i32
      %swap3A_2729 = arith.index_cast %swap3A_2727 : i32 to index
      %swap3A_2730 = arith.index_cast %swap3A_2728 : i32 to index
      %swap3A_2731 = memref.load %arg11[%swap3A_2729, %swap3A_2730] : memref<4x32xf32, #tpu.memory_space<smem>>
      memref.store %squeeze3A_2726, %arg11[%swap3A_2729, %swap3A_2730] : memref<4x32xf32, #tpu.memory_space<smem>>
      %slice3A_2732 = vector.extract_strided_slice %sub3A_2592 {offsets = [4], sizes = [1], strides = [1]} : vector<16xf32> to vector<1xf32>
      %squeeze3A_2733 = vector.extract %slice3A_2732[0] : f32 from vector<1xf32>
      %swap3A_2734 = arith.constant 1 : i32
      %swap3A_2735 = arith.constant 20 : i32
      %swap3A_2736 = arith.index_cast %swap3A_2734 : i32 to index
      %swap3A_2737 = arith.index_cast %swap3A_2735 : i32 to index
      %swap3A_2738 = memref.load %arg11[%swap3A_2736, %swap3A_2737] : memref<4x32xf32, #tpu.memory_space<smem>>
      memref.store %squeeze3A_2733, %arg11[%swap3A_2736, %swap3A_2737] : memref<4x32xf32, #tpu.memory_space<smem>>
      %slice3A_2739 = vector.extract_strided_slice %mul3A_2595 {offsets = [5], sizes = [1], strides = [1]} : vector<16xi32> to vector<1xi32>
      %squeeze3A_2740 = vector.extract %slice3A_2739[0] : i32 from vector<1xi32>
      %swap3A_2741 = arith.constant 0 : i32
      %swap3A_2742 = arith.constant 21 : i32
      %swap3A_2743 = arith.index_cast %swap3A_2741 : i32 to index
      %swap3A_2744 = arith.index_cast %swap3A_2742 : i32 to index
      %swap3A_2745 = memref.load %arg10[%swap3A_2743, %swap3A_2744] : memref<4x32xi32, #tpu.memory_space<smem>>
      memref.store %squeeze3A_2740, %arg10[%swap3A_2743, %swap3A_2744] : memref<4x32xi32, #tpu.memory_space<smem>>
      %slice3A_2746 = vector.extract_strided_slice %mul3A_2598 {offsets = [5], sizes = [1], strides = [1]} : vector<16xi32> to vector<1xi32>
      %squeeze3A_2747 = vector.extract %slice3A_2746[0] : i32 from vector<1xi32>
      %swap3A_2748 = arith.constant 1 : i32
      %swap3A_2749 = arith.constant 21 : i32
      %swap3A_2750 = arith.index_cast %swap3A_2748 : i32 to index
      %swap3A_2751 = arith.index_cast %swap3A_2749 : i32 to index
      %swap3A_2752 = memref.load %arg10[%swap3A_2750, %swap3A_2751] : memref<4x32xi32, #tpu.memory_space<smem>>
      memref.store %squeeze3A_2747, %arg10[%swap3A_2750, %swap3A_2751] : memref<4x32xi32, #tpu.memory_space<smem>>
      %slice3A_2753 = vector.extract_strided_slice %sub3A_2590 {offsets = [5], sizes = [1], strides = [1]} : vector<16xf32> to vector<1xf32>
      %squeeze3A_2754 = vector.extract %slice3A_2753[0] : f32 from vector<1xf32>
      %swap3A_2755 = arith.constant 0 : i32
      %swap3A_2756 = arith.constant 21 : i32
      %swap3A_2757 = arith.index_cast %swap3A_2755 : i32 to index
      %swap3A_2758 = arith.index_cast %swap3A_2756 : i32 to index
      %swap3A_2759 = memref.load %arg11[%swap3A_2757, %swap3A_2758] : memref<4x32xf32, #tpu.memory_space<smem>>
      memref.store %squeeze3A_2754, %arg11[%swap3A_2757, %swap3A_2758] : memref<4x32xf32, #tpu.memory_space<smem>>
      %slice3A_2760 = vector.extract_strided_slice %sub3A_2592 {offsets = [5], sizes = [1], strides = [1]} : vector<16xf32> to vector<1xf32>
      %squeeze3A_2761 = vector.extract %slice3A_2760[0] : f32 from vector<1xf32>
      %swap3A_2762 = arith.constant 1 : i32
      %swap3A_2763 = arith.constant 21 : i32
      %swap3A_2764 = arith.index_cast %swap3A_2762 : i32 to index
      %swap3A_2765 = arith.index_cast %swap3A_2763 : i32 to index
      %swap3A_2766 = memref.load %arg11[%swap3A_2764, %swap3A_2765] : memref<4x32xf32, #tpu.memory_space<smem>>
      memref.store %squeeze3A_2761, %arg11[%swap3A_2764, %swap3A_2765] : memref<4x32xf32, #tpu.memory_space<smem>>
      %slice3A_2767 = vector.extract_strided_slice %mul3A_2595 {offsets = [6], sizes = [1], strides = [1]} : vector<16xi32> to vector<1xi32>
      %squeeze3A_2768 = vector.extract %slice3A_2767[0] : i32 from vector<1xi32>
      %swap3A_2769 = arith.constant 0 : i32
      %swap3A_2770 = arith.constant 22 : i32
      %swap3A_2771 = arith.index_cast %swap3A_2769 : i32 to index
      %swap3A_2772 = arith.index_cast %swap3A_2770 : i32 to index
      %swap3A_2773 = memref.load %arg10[%swap3A_2771, %swap3A_2772] : memref<4x32xi32, #tpu.memory_space<smem>>
      memref.store %squeeze3A_2768, %arg10[%swap3A_2771, %swap3A_2772] : memref<4x32xi32, #tpu.memory_space<smem>>
      %slice3A_2774 = vector.extract_strided_slice %mul3A_2598 {offsets = [6], sizes = [1], strides = [1]} : vector<16xi32> to vector<1xi32>
      %squeeze3A_2775 = vector.extract %slice3A_2774[0] : i32 from vector<1xi32>
      %swap3A_2776 = arith.constant 1 : i32
      %swap3A_2777 = arith.constant 22 : i32
      %swap3A_2778 = arith.index_cast %swap3A_2776 : i32 to index
      %swap3A_2779 = arith.index_cast %swap3A_2777 : i32 to index
      %swap3A_2780 = memref.load %arg10[%swap3A_2778, %swap3A_2779] : memref<4x32xi32, #tpu.memory_space<smem>>
      memref.store %squeeze3A_2775, %arg10[%swap3A_2778, %swap3A_2779] : memref<4x32xi32, #tpu.memory_space<smem>>
      %slice3A_2781 = vector.extract_strided_slice %sub3A_2590 {offsets = [6], sizes = [1], strides = [1]} : vector<16xf32> to vector<1xf32>
      %squeeze3A_2782 = vector.extract %slice3A_2781[0] : f32 from vector<1xf32>
      %swap3A_2783 = arith.constant 0 : i32
      %swap3A_2784 = arith.constant 22 : i32
      %swap3A_2785 = arith.index_cast %swap3A_2783 : i32 to index
      %swap3A_2786 = arith.index_cast %swap3A_2784 : i32 to index
      %swap3A_2787 = memref.load %arg11[%swap3A_2785, %swap3A_2786] : memref<4x32xf32, #tpu.memory_space<smem>>
      memref.store %squeeze3A_2782, %arg11[%swap3A_2785, %swap3A_2786] : memref<4x32xf32, #tpu.memory_space<smem>>
      %slice3A_2788 = vector.extract_strided_slice %sub3A_2592 {offsets = [6], sizes = [1], strides = [1]} : vector<16xf32> to vector<1xf32>
      %squeeze3A_2789 = vector.extract %slice3A_2788[0] : f32 from vector<1xf32>
      %swap3A_2790 = arith.constant 1 : i32
      %swap3A_2791 = arith.constant 22 : i32
      %swap3A_2792 = arith.index_cast %swap3A_2790 : i32 to index
      %swap3A_2793 = arith.index_cast %swap3A_2791 : i32 to index
      %swap3A_2794 = memref.load %arg11[%swap3A_2792, %swap3A_2793] : memref<4x32xf32, #tpu.memory_space<smem>>
      memref.store %squeeze3A_2789, %arg11[%swap3A_2792, %swap3A_2793] : memref<4x32xf32, #tpu.memory_space<smem>>
      %slice3A_2795 = vector.extract_strided_slice %mul3A_2595 {offsets = [7], sizes = [1], strides = [1]} : vector<16xi32> to vector<1xi32>
      %squeeze3A_2796 = vector.extract %slice3A_2795[0] : i32 from vector<1xi32>
      %swap3A_2797 = arith.constant 0 : i32
      %swap3A_2798 = arith.constant 23 : i32
      %swap3A_2799 = arith.index_cast %swap3A_2797 : i32 to index
      %swap3A_2800 = arith.index_cast %swap3A_2798 : i32 to index
      %swap3A_2801 = memref.load %arg10[%swap3A_2799, %swap3A_2800] : memref<4x32xi32, #tpu.memory_space<smem>>
      memref.store %squeeze3A_2796, %arg10[%swap3A_2799, %swap3A_2800] : memref<4x32xi32, #tpu.memory_space<smem>>
      %slice3A_2802 = vector.extract_strided_slice %mul3A_2598 {offsets = [7], sizes = [1], strides = [1]} : vector<16xi32> to vector<1xi32>
      %squeeze3A_2803 = vector.extract %slice3A_2802[0] : i32 from vector<1xi32>
      %swap3A_2804 = arith.constant 1 : i32
      %swap3A_2805 = arith.constant 23 : i32
      %swap3A_2806 = arith.index_cast %swap3A_2804 : i32 to index
      %swap3A_2807 = arith.index_cast %swap3A_2805 : i32 to index
      %swap3A_2808 = memref.load %arg10[%swap3A_2806, %swap3A_2807] : memref<4x32xi32, #tpu.memory_space<smem>>
      memref.store %squeeze3A_2803, %arg10[%swap3A_2806, %swap3A_2807] : memref<4x32xi32, #tpu.memory_space<smem>>
      %slice3A_2809 = vector.extract_strided_slice %sub3A_2590 {offsets = [7], sizes = [1], strides = [1]} : vector<16xf32> to vector<1xf32>
      %squeeze3A_2810 = vector.extract %slice3A_2809[0] : f32 from vector<1xf32>
      %swap3A_2811 = arith.constant 0 : i32
      %swap3A_2812 = arith.constant 23 : i32
      %swap3A_2813 = arith.index_cast %swap3A_2811 : i32 to index
      %swap3A_2814 = arith.index_cast %swap3A_2812 : i32 to index
      %swap3A_2815 = memref.load %arg11[%swap3A_2813, %swap3A_2814] : memref<4x32xf32, #tpu.memory_space<smem>>
      memref.store %squeeze3A_2810, %arg11[%swap3A_2813, %swap3A_2814] : memref<4x32xf32, #tpu.memory_space<smem>>
      %slice3A_2816 = vector.extract_strided_slice %sub3A_2592 {offsets = [7], sizes = [1], strides = [1]} : vector<16xf32> to vector<1xf32>
      %squeeze3A_2817 = vector.extract %slice3A_2816[0] : f32 from vector<1xf32>
      %swap3A_2818 = arith.constant 1 : i32
      %swap3A_2819 = arith.constant 23 : i32
      %swap3A_2820 = arith.index_cast %swap3A_2818 : i32 to index
      %swap3A_2821 = arith.index_cast %swap3A_2819 : i32 to index
      %swap3A_2822 = memref.load %arg11[%swap3A_2820, %swap3A_2821] : memref<4x32xf32, #tpu.memory_space<smem>>
      memref.store %squeeze3A_2817, %arg11[%swap3A_2820, %swap3A_2821] : memref<4x32xf32, #tpu.memory_space<smem>>
      %slice3A_2823 = vector.extract_strided_slice %mul3A_2595 {offsets = [8], sizes = [1], strides = [1]} : vector<16xi32> to vector<1xi32>
      %squeeze3A_2824 = vector.extract %slice3A_2823[0] : i32 from vector<1xi32>
      %swap3A_2825 = arith.constant 0 : i32
      %swap3A_2826 = arith.constant 24 : i32
      %swap3A_2827 = arith.index_cast %swap3A_2825 : i32 to index
      %swap3A_2828 = arith.index_cast %swap3A_2826 : i32 to index
      %swap3A_2829 = memref.load %arg10[%swap3A_2827, %swap3A_2828] : memref<4x32xi32, #tpu.memory_space<smem>>
      memref.store %squeeze3A_2824, %arg10[%swap3A_2827, %swap3A_2828] : memref<4x32xi32, #tpu.memory_space<smem>>
      %slice3A_2830 = vector.extract_strided_slice %mul3A_2598 {offsets = [8], sizes = [1], strides = [1]} : vector<16xi32> to vector<1xi32>
      %squeeze3A_2831 = vector.extract %slice3A_2830[0] : i32 from vector<1xi32>
      %swap3A_2832 = arith.constant 1 : i32
      %swap3A_2833 = arith.constant 24 : i32
      %swap3A_2834 = arith.index_cast %swap3A_2832 : i32 to index
      %swap3A_2835 = arith.index_cast %swap3A_2833 : i32 to index
      %swap3A_2836 = memref.load %arg10[%swap3A_2834, %swap3A_2835] : memref<4x32xi32, #tpu.memory_space<smem>>
      memref.store %squeeze3A_2831, %arg10[%swap3A_2834, %swap3A_2835] : memref<4x32xi32, #tpu.memory_space<smem>>
      %slice3A_2837 = vector.extract_strided_slice %sub3A_2590 {offsets = [8], sizes = [1], strides = [1]} : vector<16xf32> to vector<1xf32>
      %squeeze3A_2838 = vector.extract %slice3A_2837[0] : f32 from vector<1xf32>
      %swap3A_2839 = arith.constant 0 : i32
      %swap3A_2840 = arith.constant 24 : i32
      %swap3A_2841 = arith.index_cast %swap3A_2839 : i32 to index
      %swap3A_2842 = arith.index_cast %swap3A_2840 : i32 to index
      %swap3A_2843 = memref.load %arg11[%swap3A_2841, %swap3A_2842] : memref<4x32xf32, #tpu.memory_space<smem>>
      memref.store %squeeze3A_2838, %arg11[%swap3A_2841, %swap3A_2842] : memref<4x32xf32, #tpu.memory_space<smem>>
      %slice3A_2844 = vector.extract_strided_slice %sub3A_2592 {offsets = [8], sizes = [1], strides = [1]} : vector<16xf32> to vector<1xf32>
      %squeeze3A_2845 = vector.extract %slice3A_2844[0] : f32 from vector<1xf32>
      %swap3A_2846 = arith.constant 1 : i32
      %swap3A_2847 = arith.constant 24 : i32
      %swap3A_2848 = arith.index_cast %swap3A_2846 : i32 to index
      %swap3A_2849 = arith.index_cast %swap3A_2847 : i32 to index
      %swap3A_2850 = memref.load %arg11[%swap3A_2848, %swap3A_2849] : memref<4x32xf32, #tpu.memory_space<smem>>
      memref.store %squeeze3A_2845, %arg11[%swap3A_2848, %swap3A_2849] : memref<4x32xf32, #tpu.memory_space<smem>>
      %slice3A_2851 = vector.extract_strided_slice %mul3A_2595 {offsets = [9], sizes = [1], strides = [1]} : vector<16xi32> to vector<1xi32>
      %squeeze3A_2852 = vector.extract %slice3A_2851[0] : i32 from vector<1xi32>
      %swap3A_2853 = arith.constant 0 : i32
      %swap3A_2854 = arith.constant 25 : i32
      %swap3A_2855 = arith.index_cast %swap3A_2853 : i32 to index
      %swap3A_2856 = arith.index_cast %swap3A_2854 : i32 to index
      %swap3A_2857 = memref.load %arg10[%swap3A_2855, %swap3A_2856] : memref<4x32xi32, #tpu.memory_space<smem>>
      memref.store %squeeze3A_2852, %arg10[%swap3A_2855, %swap3A_2856] : memref<4x32xi32, #tpu.memory_space<smem>>
      %slice3A_2858 = vector.extract_strided_slice %mul3A_2598 {offsets = [9], sizes = [1], strides = [1]} : vector<16xi32> to vector<1xi32>
      %squeeze3A_2859 = vector.extract %slice3A_2858[0] : i32 from vector<1xi32>
      %swap3A_2860 = arith.constant 1 : i32
      %swap3A_2861 = arith.constant 25 : i32
      %swap3A_2862 = arith.index_cast %swap3A_2860 : i32 to index
      %swap3A_2863 = arith.index_cast %swap3A_2861 : i32 to index
      %swap3A_2864 = memref.load %arg10[%swap3A_2862, %swap3A_2863] : memref<4x32xi32, #tpu.memory_space<smem>>
      memref.store %squeeze3A_2859, %arg10[%swap3A_2862, %swap3A_2863] : memref<4x32xi32, #tpu.memory_space<smem>>
      %slice3A_2865 = vector.extract_strided_slice %sub3A_2590 {offsets = [9], sizes = [1], strides = [1]} : vector<16xf32> to vector<1xf32>
      %squeeze3A_2866 = vector.extract %slice3A_2865[0] : f32 from vector<1xf32>
      %swap3A_2867 = arith.constant 0 : i32
      %swap3A_2868 = arith.constant 25 : i32
      %swap3A_2869 = arith.index_cast %swap3A_2867 : i32 to index
      %swap3A_2870 = arith.index_cast %swap3A_2868 : i32 to index
      %swap3A_2871 = memref.load %arg11[%swap3A_2869, %swap3A_2870] : memref<4x32xf32, #tpu.memory_space<smem>>
      memref.store %squeeze3A_2866, %arg11[%swap3A_2869, %swap3A_2870] : memref<4x32xf32, #tpu.memory_space<smem>>
      %slice3A_2872 = vector.extract_strided_slice %sub3A_2592 {offsets = [9], sizes = [1], strides = [1]} : vector<16xf32> to vector<1xf32>
      %squeeze3A_2873 = vector.extract %slice3A_2872[0] : f32 from vector<1xf32>
      %swap3A_2874 = arith.constant 1 : i32
      %swap3A_2875 = arith.constant 25 : i32
      %swap3A_2876 = arith.index_cast %swap3A_2874 : i32 to index
      %swap3A_2877 = arith.index_cast %swap3A_2875 : i32 to index
      %swap3A_2878 = memref.load %arg11[%swap3A_2876, %swap3A_2877] : memref<4x32xf32, #tpu.memory_space<smem>>
      memref.store %squeeze3A_2873, %arg11[%swap3A_2876, %swap3A_2877] : memref<4x32xf32, #tpu.memory_space<smem>>
      %slice3A_2879 = vector.extract_strided_slice %mul3A_2595 {offsets = [10], sizes = [1], strides = [1]} : vector<16xi32> to vector<1xi32>
      %squeeze3A_2880 = vector.extract %slice3A_2879[0] : i32 from vector<1xi32>
      %swap3A_2881 = arith.constant 0 : i32
      %swap3A_2882 = arith.constant 26 : i32
      %swap3A_2883 = arith.index_cast %swap3A_2881 : i32 to index
      %swap3A_2884 = arith.index_cast %swap3A_2882 : i32 to index
      %swap3A_2885 = memref.load %arg10[%swap3A_2883, %swap3A_2884] : memref<4x32xi32, #tpu.memory_space<smem>>
      memref.store %squeeze3A_2880, %arg10[%swap3A_2883, %swap3A_2884] : memref<4x32xi32, #tpu.memory_space<smem>>
      %slice3A_2886 = vector.extract_strided_slice %mul3A_2598 {offsets = [10], sizes = [1], strides = [1]} : vector<16xi32> to vector<1xi32>
      %squeeze3A_2887 = vector.extract %slice3A_2886[0] : i32 from vector<1xi32>
      %swap3A_2888 = arith.constant 1 : i32
      %swap3A_2889 = arith.constant 26 : i32
      %swap3A_2890 = arith.index_cast %swap3A_2888 : i32 to index
      %swap3A_2891 = arith.index_cast %swap3A_2889 : i32 to index
      %swap3A_2892 = memref.load %arg10[%swap3A_2890, %swap3A_2891] : memref<4x32xi32, #tpu.memory_space<smem>>
      memref.store %squeeze3A_2887, %arg10[%swap3A_2890, %swap3A_2891] : memref<4x32xi32, #tpu.memory_space<smem>>
      %slice3A_2893 = vector.extract_strided_slice %sub3A_2590 {offsets = [10], sizes = [1], strides = [1]} : vector<16xf32> to vector<1xf32>
      %squeeze3A_2894 = vector.extract %slice3A_2893[0] : f32 from vector<1xf32>
      %swap3A_2895 = arith.constant 0 : i32
      %swap3A_2896 = arith.constant 26 : i32
      %swap3A_2897 = arith.index_cast %swap3A_2895 : i32 to index
      %swap3A_2898 = arith.index_cast %swap3A_2896 : i32 to index
      %swap3A_2899 = memref.load %arg11[%swap3A_2897, %swap3A_2898] : memref<4x32xf32, #tpu.memory_space<smem>>
      memref.store %squeeze3A_2894, %arg11[%swap3A_2897, %swap3A_2898] : memref<4x32xf32, #tpu.memory_space<smem>>
      %slice3A_2900 = vector.extract_strided_slice %sub3A_2592 {offsets = [10], sizes = [1], strides = [1]} : vector<16xf32> to vector<1xf32>
      %squeeze3A_2901 = vector.extract %slice3A_2900[0] : f32 from vector<1xf32>
      %swap3A_2902 = arith.constant 1 : i32
      %swap3A_2903 = arith.constant 26 : i32
      %swap3A_2904 = arith.index_cast %swap3A_2902 : i32 to index
      %swap3A_2905 = arith.index_cast %swap3A_2903 : i32 to index
      %swap3A_2906 = memref.load %arg11[%swap3A_2904, %swap3A_2905] : memref<4x32xf32, #tpu.memory_space<smem>>
      memref.store %squeeze3A_2901, %arg11[%swap3A_2904, %swap3A_2905] : memref<4x32xf32, #tpu.memory_space<smem>>
      %slice3A_2907 = vector.extract_strided_slice %mul3A_2595 {offsets = [11], sizes = [1], strides = [1]} : vector<16xi32> to vector<1xi32>
      %squeeze3A_2908 = vector.extract %slice3A_2907[0] : i32 from vector<1xi32>
      %swap3A_2909 = arith.constant 0 : i32
      %swap3A_2910 = arith.constant 27 : i32
      %swap3A_2911 = arith.index_cast %swap3A_2909 : i32 to index
      %swap3A_2912 = arith.index_cast %swap3A_2910 : i32 to index
      %swap3A_2913 = memref.load %arg10[%swap3A_2911, %swap3A_2912] : memref<4x32xi32, #tpu.memory_space<smem>>
      memref.store %squeeze3A_2908, %arg10[%swap3A_2911, %swap3A_2912] : memref<4x32xi32, #tpu.memory_space<smem>>
      %slice3A_2914 = vector.extract_strided_slice %mul3A_2598 {offsets = [11], sizes = [1], strides = [1]} : vector<16xi32> to vector<1xi32>
      %squeeze3A_2915 = vector.extract %slice3A_2914[0] : i32 from vector<1xi32>
      %swap3A_2916 = arith.constant 1 : i32
      %swap3A_2917 = arith.constant 27 : i32
      %swap3A_2918 = arith.index_cast %swap3A_2916 : i32 to index
      %swap3A_2919 = arith.index_cast %swap3A_2917 : i32 to index
      %swap3A_2920 = memref.load %arg10[%swap3A_2918, %swap3A_2919] : memref<4x32xi32, #tpu.memory_space<smem>>
      memref.store %squeeze3A_2915, %arg10[%swap3A_2918, %swap3A_2919] : memref<4x32xi32, #tpu.memory_space<smem>>
      %slice3A_2921 = vector.extract_strided_slice %sub3A_2590 {offsets = [11], sizes = [1], strides = [1]} : vector<16xf32> to vector<1xf32>
      %squeeze3A_2922 = vector.extract %slice3A_2921[0] : f32 from vector<1xf32>
      %swap3A_2923 = arith.constant 0 : i32
      %swap3A_2924 = arith.constant 27 : i32
      %swap3A_2925 = arith.index_cast %swap3A_2923 : i32 to index
      %swap3A_2926 = arith.index_cast %swap3A_2924 : i32 to index
      %swap3A_2927 = memref.load %arg11[%swap3A_2925, %swap3A_2926] : memref<4x32xf32, #tpu.memory_space<smem>>
      memref.store %squeeze3A_2922, %arg11[%swap3A_2925, %swap3A_2926] : memref<4x32xf32, #tpu.memory_space<smem>>
      %slice3A_2928 = vector.extract_strided_slice %sub3A_2592 {offsets = [11], sizes = [1], strides = [1]} : vector<16xf32> to vector<1xf32>
      %squeeze3A_2929 = vector.extract %slice3A_2928[0] : f32 from vector<1xf32>
      %swap3A_2930 = arith.constant 1 : i32
      %swap3A_2931 = arith.constant 27 : i32
      %swap3A_2932 = arith.index_cast %swap3A_2930 : i32 to index
      %swap3A_2933 = arith.index_cast %swap3A_2931 : i32 to index
      %swap3A_2934 = memref.load %arg11[%swap3A_2932, %swap3A_2933] : memref<4x32xf32, #tpu.memory_space<smem>>
      memref.store %squeeze3A_2929, %arg11[%swap3A_2932, %swap3A_2933] : memref<4x32xf32, #tpu.memory_space<smem>>
      %slice3A_2935 = vector.extract_strided_slice %mul3A_2595 {offsets = [12], sizes = [1], strides = [1]} : vector<16xi32> to vector<1xi32>
      %squeeze3A_2936 = vector.extract %slice3A_2935[0] : i32 from vector<1xi32>
      %swap3A_2937 = arith.constant 0 : i32
      %swap3A_2938 = arith.constant 28 : i32
      %swap3A_2939 = arith.index_cast %swap3A_2937 : i32 to index
      %swap3A_2940 = arith.index_cast %swap3A_2938 : i32 to index
      %swap3A_2941 = memref.load %arg10[%swap3A_2939, %swap3A_2940] : memref<4x32xi32, #tpu.memory_space<smem>>
      memref.store %squeeze3A_2936, %arg10[%swap3A_2939, %swap3A_2940] : memref<4x32xi32, #tpu.memory_space<smem>>
      %slice3A_2942 = vector.extract_strided_slice %mul3A_2598 {offsets = [12], sizes = [1], strides = [1]} : vector<16xi32> to vector<1xi32>
      %squeeze3A_2943 = vector.extract %slice3A_2942[0] : i32 from vector<1xi32>
      %swap3A_2944 = arith.constant 1 : i32
      %swap3A_2945 = arith.constant 28 : i32
      %swap3A_2946 = arith.index_cast %swap3A_2944 : i32 to index
      %swap3A_2947 = arith.index_cast %swap3A_2945 : i32 to index
      %swap3A_2948 = memref.load %arg10[%swap3A_2946, %swap3A_2947] : memref<4x32xi32, #tpu.memory_space<smem>>
      memref.store %squeeze3A_2943, %arg10[%swap3A_2946, %swap3A_2947] : memref<4x32xi32, #tpu.memory_space<smem>>
      %slice3A_2949 = vector.extract_strided_slice %sub3A_2590 {offsets = [12], sizes = [1], strides = [1]} : vector<16xf32> to vector<1xf32>
      %squeeze3A_2950 = vector.extract %slice3A_2949[0] : f32 from vector<1xf32>
      %swap3A_2951 = arith.constant 0 : i32
      %swap3A_2952 = arith.constant 28 : i32
      %swap3A_2953 = arith.index_cast %swap3A_2951 : i32 to index
      %swap3A_2954 = arith.index_cast %swap3A_2952 : i32 to index
      %swap3A_2955 = memref.load %arg11[%swap3A_2953, %swap3A_2954] : memref<4x32xf32, #tpu.memory_space<smem>>
      memref.store %squeeze3A_2950, %arg11[%swap3A_2953, %swap3A_2954] : memref<4x32xf32, #tpu.memory_space<smem>>
      %slice3A_2956 = vector.extract_strided_slice %sub3A_2592 {offsets = [12], sizes = [1], strides = [1]} : vector<16xf32> to vector<1xf32>
      %squeeze3A_2957 = vector.extract %slice3A_2956[0] : f32 from vector<1xf32>
      %swap3A_2958 = arith.constant 1 : i32
      %swap3A_2959 = arith.constant 28 : i32
      %swap3A_2960 = arith.index_cast %swap3A_2958 : i32 to index
      %swap3A_2961 = arith.index_cast %swap3A_2959 : i32 to index
      %swap3A_2962 = memref.load %arg11[%swap3A_2960, %swap3A_2961] : memref<4x32xf32, #tpu.memory_space<smem>>
      memref.store %squeeze3A_2957, %arg11[%swap3A_2960, %swap3A_2961] : memref<4x32xf32, #tpu.memory_space<smem>>
      %slice3A_2963 = vector.extract_strided_slice %mul3A_2595 {offsets = [13], sizes = [1], strides = [1]} : vector<16xi32> to vector<1xi32>
      %squeeze3A_2964 = vector.extract %slice3A_2963[0] : i32 from vector<1xi32>
      %swap3A_2965 = arith.constant 0 : i32
      %swap3A_2966 = arith.constant 29 : i32
      %swap3A_2967 = arith.index_cast %swap3A_2965 : i32 to index
      %swap3A_2968 = arith.index_cast %swap3A_2966 : i32 to index
      %swap3A_2969 = memref.load %arg10[%swap3A_2967, %swap3A_2968] : memref<4x32xi32, #tpu.memory_space<smem>>
      memref.store %squeeze3A_2964, %arg10[%swap3A_2967, %swap3A_2968] : memref<4x32xi32, #tpu.memory_space<smem>>
      %slice3A_2970 = vector.extract_strided_slice %mul3A_2598 {offsets = [13], sizes = [1], strides = [1]} : vector<16xi32> to vector<1xi32>
      %squeeze3A_2971 = vector.extract %slice3A_2970[0] : i32 from vector<1xi32>
      %swap3A_2972 = arith.constant 1 : i32
      %swap3A_2973 = arith.constant 29 : i32
      %swap3A_2974 = arith.index_cast %swap3A_2972 : i32 to index
      %swap3A_2975 = arith.index_cast %swap3A_2973 : i32 to index
      %swap3A_2976 = memref.load %arg10[%swap3A_2974, %swap3A_2975] : memref<4x32xi32, #tpu.memory_space<smem>>
      memref.store %squeeze3A_2971, %arg10[%swap3A_2974, %swap3A_2975] : memref<4x32xi32, #tpu.memory_space<smem>>
      %slice3A_2977 = vector.extract_strided_slice %sub3A_2590 {offsets = [13], sizes = [1], strides = [1]} : vector<16xf32> to vector<1xf32>
      %squeeze3A_2978 = vector.extract %slice3A_2977[0] : f32 from vector<1xf32>
      %swap3A_2979 = arith.constant 0 : i32
      %swap3A_2980 = arith.constant 29 : i32
      %swap3A_2981 = arith.index_cast %swap3A_2979 : i32 to index
      %swap3A_2982 = arith.index_cast %swap3A_2980 : i32 to index
      %swap3A_2983 = memref.load %arg11[%swap3A_2981, %swap3A_2982] : memref<4x32xf32, #tpu.memory_space<smem>>
      memref.store %squeeze3A_2978, %arg11[%swap3A_2981, %swap3A_2982] : memref<4x32xf32, #tpu.memory_space<smem>>
      %slice3A_2984 = vector.extract_strided_slice %sub3A_2592 {offsets = [13], sizes = [1], strides = [1]} : vector<16xf32> to vector<1xf32>
      %squeeze3A_2985 = vector.extract %slice3A_2984[0] : f32 from vector<1xf32>
      %swap3A_2986 = arith.constant 1 : i32
      %swap3A_2987 = arith.constant 29 : i32
      %swap3A_2988 = arith.index_cast %swap3A_2986 : i32 to index
      %swap3A_2989 = arith.index_cast %swap3A_2987 : i32 to index
      %swap3A_2990 = memref.load %arg11[%swap3A_2988, %swap3A_2989] : memref<4x32xf32, #tpu.memory_space<smem>>
      memref.store %squeeze3A_2985, %arg11[%swap3A_2988, %swap3A_2989] : memref<4x32xf32, #tpu.memory_space<smem>>
      %slice3A_2991 = vector.extract_strided_slice %mul3A_2595 {offsets = [14], sizes = [1], strides = [1]} : vector<16xi32> to vector<1xi32>
      %squeeze3A_2992 = vector.extract %slice3A_2991[0] : i32 from vector<1xi32>
      %swap3A_2993 = arith.constant 0 : i32
      %swap3A_2994 = arith.constant 30 : i32
      %swap3A_2995 = arith.index_cast %swap3A_2993 : i32 to index
      %swap3A_2996 = arith.index_cast %swap3A_2994 : i32 to index
      %swap3A_2997 = memref.load %arg10[%swap3A_2995, %swap3A_2996] : memref<4x32xi32, #tpu.memory_space<smem>>
      memref.store %squeeze3A_2992, %arg10[%swap3A_2995, %swap3A_2996] : memref<4x32xi32, #tpu.memory_space<smem>>
      %slice3A_2998 = vector.extract_strided_slice %mul3A_2598 {offsets = [14], sizes = [1], strides = [1]} : vector<16xi32> to vector<1xi32>
      %squeeze3A_2999 = vector.extract %slice3A_2998[0] : i32 from vector<1xi32>
      %swap3A_3000 = arith.constant 1 : i32
      %swap3A_3001 = arith.constant 30 : i32
      %swap3A_3002 = arith.index_cast %swap3A_3000 : i32 to index
      %swap3A_3003 = arith.index_cast %swap3A_3001 : i32 to index
      %swap3A_3004 = memref.load %arg10[%swap3A_3002, %swap3A_3003] : memref<4x32xi32, #tpu.memory_space<smem>>
      memref.store %squeeze3A_2999, %arg10[%swap3A_3002, %swap3A_3003] : memref<4x32xi32, #tpu.memory_space<smem>>
      %slice3A_3005 = vector.extract_strided_slice %sub3A_2590 {offsets = [14], sizes = [1], strides = [1]} : vector<16xf32> to vector<1xf32>
      %squeeze3A_3006 = vector.extract %slice3A_3005[0] : f32 from vector<1xf32>
      %swap3A_3007 = arith.constant 0 : i32
      %swap3A_3008 = arith.constant 30 : i32
      %swap3A_3009 = arith.index_cast %swap3A_3007 : i32 to index
      %swap3A_3010 = arith.index_cast %swap3A_3008 : i32 to index
      %swap3A_3011 = memref.load %arg11[%swap3A_3009, %swap3A_3010] : memref<4x32xf32, #tpu.memory_space<smem>>
      memref.store %squeeze3A_3006, %arg11[%swap3A_3009, %swap3A_3010] : memref<4x32xf32, #tpu.memory_space<smem>>
      %slice3A_3012 = vector.extract_strided_slice %sub3A_2592 {offsets = [14], sizes = [1], strides = [1]} : vector<16xf32> to vector<1xf32>
      %squeeze3A_3013 = vector.extract %slice3A_3012[0] : f32 from vector<1xf32>
      %swap3A_3014 = arith.constant 1 : i32
      %swap3A_3015 = arith.constant 30 : i32
      %swap3A_3016 = arith.index_cast %swap3A_3014 : i32 to index
      %swap3A_3017 = arith.index_cast %swap3A_3015 : i32 to index
      %swap3A_3018 = memref.load %arg11[%swap3A_3016, %swap3A_3017] : memref<4x32xf32, #tpu.memory_space<smem>>
      memref.store %squeeze3A_3013, %arg11[%swap3A_3016, %swap3A_3017] : memref<4x32xf32, #tpu.memory_space<smem>>
      %slice3A_3019 = vector.extract_strided_slice %mul3A_2595 {offsets = [15], sizes = [1], strides = [1]} : vector<16xi32> to vector<1xi32>
      %squeeze3A_3020 = vector.extract %slice3A_3019[0] : i32 from vector<1xi32>
      %swap3A_3021 = arith.constant 0 : i32
      %swap3A_3022 = arith.constant 31 : i32
      %swap3A_3023 = arith.index_cast %swap3A_3021 : i32 to index
      %swap3A_3024 = arith.index_cast %swap3A_3022 : i32 to index
      %swap3A_3025 = memref.load %arg10[%swap3A_3023, %swap3A_3024] : memref<4x32xi32, #tpu.memory_space<smem>>
      memref.store %squeeze3A_3020, %arg10[%swap3A_3023, %swap3A_3024] : memref<4x32xi32, #tpu.memory_space<smem>>
      %slice3A_3026 = vector.extract_strided_slice %mul3A_2598 {offsets = [15], sizes = [1], strides = [1]} : vector<16xi32> to vector<1xi32>
      %squeeze3A_3027 = vector.extract %slice3A_3026[0] : i32 from vector<1xi32>
      %swap3A_3028 = arith.constant 1 : i32
      %swap3A_3029 = arith.constant 31 : i32
      %swap3A_3030 = arith.index_cast %swap3A_3028 : i32 to index
      %swap3A_3031 = arith.index_cast %swap3A_3029 : i32 to index
      %swap3A_3032 = memref.load %arg10[%swap3A_3030, %swap3A_3031] : memref<4x32xi32, #tpu.memory_space<smem>>
      memref.store %squeeze3A_3027, %arg10[%swap3A_3030, %swap3A_3031] : memref<4x32xi32, #tpu.memory_space<smem>>
      %slice3A_3033 = vector.extract_strided_slice %sub3A_2590 {offsets = [15], sizes = [1], strides = [1]} : vector<16xf32> to vector<1xf32>
      %squeeze3A_3034 = vector.extract %slice3A_3033[0] : f32 from vector<1xf32>
      %swap3A_3035 = arith.constant 0 : i32
      %swap3A_3036 = arith.constant 31 : i32
      %swap3A_3037 = arith.index_cast %swap3A_3035 : i32 to index
      %swap3A_3038 = arith.index_cast %swap3A_3036 : i32 to index
      %swap3A_3039 = memref.load %arg11[%swap3A_3037, %swap3A_3038] : memref<4x32xf32, #tpu.memory_space<smem>>
      memref.store %squeeze3A_3034, %arg11[%swap3A_3037, %swap3A_3038] : memref<4x32xf32, #tpu.memory_space<smem>>
      %slice3A_3040 = vector.extract_strided_slice %sub3A_2592 {offsets = [15], sizes = [1], strides = [1]} : vector<16xf32> to vector<1xf32>
      %squeeze3A_3041 = vector.extract %slice3A_3040[0] : f32 from vector<1xf32>
      %swap3A_3042 = arith.constant 1 : i32
      %swap3A_3043 = arith.constant 31 : i32
      %swap3A_3044 = arith.index_cast %swap3A_3042 : i32 to index
      %swap3A_3045 = arith.index_cast %swap3A_3043 : i32 to index
      %swap3A_3046 = memref.load %arg11[%swap3A_3044, %swap3A_3045] : memref<4x32xf32, #tpu.memory_space<smem>>
      memref.store %squeeze3A_3041, %arg11[%swap3A_3044, %swap3A_3045] : memref<4x32xf32, #tpu.memory_space<smem>>
      %mul3A_3047 = arith.constant 64 : i32
      %mul3A_3048 = arith.muli %add3A_2044, %mul3A_3047 : i32
      %add3A_3049 = arith.constant 32 : i32
      %add3A_3050 = arith.addi %mul3A_3048, %add3A_3049 : i32
      %add3A_3051 = arith.constant 0 : i32
      %add3A_3052 = arith.addi %add3A_3050, %add3A_3051 : i32
      %get3A_3053 = arith.index_cast %add3A_3052 : i32 to index
      %get3A_3054 = tpu.vector_load %arg9[%get3A_3053] {strides = array<i32>} : memref<4096xf32, #tpu.memory_space<vmem>>, vector<16xf32>,
      %get3A_3055 = vector.shape_cast %get3A_3054 : vector<16xf32> to vector<16xf32>
      %add3A_3056 = arith.constant 1.000000e+00 : f32
      %add3A_3057 = vector.broadcast %add3A_3056 : f32 to vector<16xf32>
      %add3A_3058 = arith.addf %get3A_3055, %add3A_3057 : vector<16xf32>
      %mul3A_3059 = arith.constant 1.600000e+01 : f32
      %mul3A_3060 = vector.broadcast %mul3A_3059 : f32 to vector<16xf32>
      %mul3A_3061 = arith.mulf %add3A_3058, %mul3A_3060 : vector<16xf32>
      %convert_element_type3A_3062 = arith.fptosi %mul3A_3061 : vector<16xf32> to vector<16xi32>
      %convert_element_type3A_3063 = arith.sitofp %convert_element_type3A_3062 : vector<16xi32> to vector<16xf32>
      %gt3A_3064 = arith.cmpf ogt, %convert_element_type3A_3063, %mul3A_3061 : vector<16xf32>
      %sub3A_3065 = arith.constant 1 : i32
      %sub3A_3066 = vector.broadcast %sub3A_3065 : i32 to vector<16xi32>
      %sub3A_3067 = arith.subi %convert_element_type3A_3062, %sub3A_3066 : vector<16xi32>
      %select_n3A_3068 = arith.select %gt3A_3064, %sub3A_3067, %convert_element_type3A_3062 : vector<16xi1>, vector<16xi32>
      %jit3A_3069 = arith.constant 0 : i32
      %jit3A_3070 = arith.constant 31 : i32
      %max3A_3071 = vector.broadcast %jit3A_3069 : i32 to vector<16xi32>
      %max3A_3072 = arith.maxsi %max3A_3071, %select_n3A_3068 : vector<16xi32>
      %min3A_3073 = vector.broadcast %jit3A_3070 : i32 to vector<16xi32>
      %min3A_3074 = arith.minsi %min3A_3073, %max3A_3072 : vector<16xi32>
      %add3A_3075 = arith.constant 1 : i32
      %add3A_3076 = vector.broadcast %add3A_3075 : i32 to vector<16xi32>
      %add3A_3077 = arith.addi %select_n3A_3068, %add3A_3076 : vector<16xi32>
      %jit3A_3078 = arith.constant 0 : i32
      %jit3A_3079 = arith.constant 31 : i32
      %max3A_3080 = vector.broadcast %jit3A_3078 : i32 to vector<16xi32>
      %max3A_3081 = arith.maxsi %max3A_3080, %add3A_3077 : vector<16xi32>
      %min3A_3082 = vector.broadcast %jit3A_3079 : i32 to vector<16xi32>
      %min3A_3083 = arith.minsi %min3A_3082, %max3A_3081 : vector<16xi32>
      %convert_element_type3A_3084 = arith.sitofp %min3A_3083 : vector<16xi32> to vector<16xf32>
      %sub3A_3085 = arith.subf %convert_element_type3A_3084, %mul3A_3061 : vector<16xf32>
      %convert_element_type3A_3086 = arith.sitofp %min3A_3074 : vector<16xi32> to vector<16xf32>
      %sub3A_3087 = arith.subf %mul3A_3061, %convert_element_type3A_3086 : vector<16xf32>
      %mul3A_3088 = arith.constant 512 : i32
      %mul3A_3089 = vector.broadcast %mul3A_3088 : i32 to vector<16xi32>
      %mul3A_3090 = arith.muli %min3A_3074, %mul3A_3089 : vector<16xi32>
      %mul3A_3091 = arith.constant 512 : i32
      %mul3A_3092 = vector.broadcast %mul3A_3091 : i32 to vector<16xi32>
      %mul3A_3093 = arith.muli %min3A_3083, %mul3A_3092 : vector<16xi32>
      %slice3A_3094 = vector.extract_strided_slice %mul3A_3090 {offsets = [0], sizes = [1], strides = [1]} : vector<16xi32> to vector<1xi32>
      %squeeze3A_3095 = vector.extract %slice3A_3094[0] : i32 from vector<1xi32>
      %swap3A_3096 = arith.constant 2 : i32
      %swap3A_3097 = arith.constant 0 : i32
      %swap3A_3098 = arith.index_cast %swap3A_3096 : i32 to index
      %swap3A_3099 = arith.index_cast %swap3A_3097 : i32 to index
      %swap3A_3100 = memref.load %arg10[%swap3A_3098, %swap3A_3099] : memref<4x32xi32, #tpu.memory_space<smem>>
      memref.store %squeeze3A_3095, %arg10[%swap3A_3098, %swap3A_3099] : memref<4x32xi32, #tpu.memory_space<smem>>
      %slice3A_3101 = vector.extract_strided_slice %mul3A_3093 {offsets = [0], sizes = [1], strides = [1]} : vector<16xi32> to vector<1xi32>
      %squeeze3A_3102 = vector.extract %slice3A_3101[0] : i32 from vector<1xi32>
      %swap3A_3103 = arith.constant 3 : i32
      %swap3A_3104 = arith.constant 0 : i32
      %swap3A_3105 = arith.index_cast %swap3A_3103 : i32 to index
      %swap3A_3106 = arith.index_cast %swap3A_3104 : i32 to index
      %swap3A_3107 = memref.load %arg10[%swap3A_3105, %swap3A_3106] : memref<4x32xi32, #tpu.memory_space<smem>>
      memref.store %squeeze3A_3102, %arg10[%swap3A_3105, %swap3A_3106] : memref<4x32xi32, #tpu.memory_space<smem>>
      %slice3A_3108 = vector.extract_strided_slice %sub3A_3085 {offsets = [0], sizes = [1], strides = [1]} : vector<16xf32> to vector<1xf32>
      %squeeze3A_3109 = vector.extract %slice3A_3108[0] : f32 from vector<1xf32>
      %swap3A_3110 = arith.constant 2 : i32
      %swap3A_3111 = arith.constant 0 : i32
      %swap3A_3112 = arith.index_cast %swap3A_3110 : i32 to index
      %swap3A_3113 = arith.index_cast %swap3A_3111 : i32 to index
      %swap3A_3114 = memref.load %arg11[%swap3A_3112, %swap3A_3113] : memref<4x32xf32, #tpu.memory_space<smem>>
      memref.store %squeeze3A_3109, %arg11[%swap3A_3112, %swap3A_3113] : memref<4x32xf32, #tpu.memory_space<smem>>
      %slice3A_3115 = vector.extract_strided_slice %sub3A_3087 {offsets = [0], sizes = [1], strides = [1]} : vector<16xf32> to vector<1xf32>
      %squeeze3A_3116 = vector.extract %slice3A_3115[0] : f32 from vector<1xf32>
      %swap3A_3117 = arith.constant 3 : i32
      %swap3A_3118 = arith.constant 0 : i32
      %swap3A_3119 = arith.index_cast %swap3A_3117 : i32 to index
      %swap3A_3120 = arith.index_cast %swap3A_3118 : i32 to index
      %swap3A_3121 = memref.load %arg11[%swap3A_3119, %swap3A_3120] : memref<4x32xf32, #tpu.memory_space<smem>>
      memref.store %squeeze3A_3116, %arg11[%swap3A_3119, %swap3A_3120] : memref<4x32xf32, #tpu.memory_space<smem>>
      %slice3A_3122 = vector.extract_strided_slice %mul3A_3090 {offsets = [1], sizes = [1], strides = [1]} : vector<16xi32> to vector<1xi32>
      %squeeze3A_3123 = vector.extract %slice3A_3122[0] : i32 from vector<1xi32>
      %swap3A_3124 = arith.constant 2 : i32
      %swap3A_3125 = arith.constant 1 : i32
      %swap3A_3126 = arith.index_cast %swap3A_3124 : i32 to index
      %swap3A_3127 = arith.index_cast %swap3A_3125 : i32 to index
      %swap3A_3128 = memref.load %arg10[%swap3A_3126, %swap3A_3127] : memref<4x32xi32, #tpu.memory_space<smem>>
      memref.store %squeeze3A_3123, %arg10[%swap3A_3126, %swap3A_3127] : memref<4x32xi32, #tpu.memory_space<smem>>
      %slice3A_3129 = vector.extract_strided_slice %mul3A_3093 {offsets = [1], sizes = [1], strides = [1]} : vector<16xi32> to vector<1xi32>
      %squeeze3A_3130 = vector.extract %slice3A_3129[0] : i32 from vector<1xi32>
      %swap3A_3131 = arith.constant 3 : i32
      %swap3A_3132 = arith.constant 1 : i32
      %swap3A_3133 = arith.index_cast %swap3A_3131 : i32 to index
      %swap3A_3134 = arith.index_cast %swap3A_3132 : i32 to index
      %swap3A_3135 = memref.load %arg10[%swap3A_3133, %swap3A_3134] : memref<4x32xi32, #tpu.memory_space<smem>>
      memref.store %squeeze3A_3130, %arg10[%swap3A_3133, %swap3A_3134] : memref<4x32xi32, #tpu.memory_space<smem>>
      %slice3A_3136 = vector.extract_strided_slice %sub3A_3085 {offsets = [1], sizes = [1], strides = [1]} : vector<16xf32> to vector<1xf32>
      %squeeze3A_3137 = vector.extract %slice3A_3136[0] : f32 from vector<1xf32>
      %swap3A_3138 = arith.constant 2 : i32
      %swap3A_3139 = arith.constant 1 : i32
      %swap3A_3140 = arith.index_cast %swap3A_3138 : i32 to index
      %swap3A_3141 = arith.index_cast %swap3A_3139 : i32 to index
      %swap3A_3142 = memref.load %arg11[%swap3A_3140, %swap3A_3141] : memref<4x32xf32, #tpu.memory_space<smem>>
      memref.store %squeeze3A_3137, %arg11[%swap3A_3140, %swap3A_3141] : memref<4x32xf32, #tpu.memory_space<smem>>
      %slice3A_3143 = vector.extract_strided_slice %sub3A_3087 {offsets = [1], sizes = [1], strides = [1]} : vector<16xf32> to vector<1xf32>
      %squeeze3A_3144 = vector.extract %slice3A_3143[0] : f32 from vector<1xf32>
      %swap3A_3145 = arith.constant 3 : i32
      %swap3A_3146 = arith.constant 1 : i32
      %swap3A_3147 = arith.index_cast %swap3A_3145 : i32 to index
      %swap3A_3148 = arith.index_cast %swap3A_3146 : i32 to index
      %swap3A_3149 = memref.load %arg11[%swap3A_3147, %swap3A_3148] : memref<4x32xf32, #tpu.memory_space<smem>>
      memref.store %squeeze3A_3144, %arg11[%swap3A_3147, %swap3A_3148] : memref<4x32xf32, #tpu.memory_space<smem>>
      %slice3A_3150 = vector.extract_strided_slice %mul3A_3090 {offsets = [2], sizes = [1], strides = [1]} : vector<16xi32> to vector<1xi32>
      %squeeze3A_3151 = vector.extract %slice3A_3150[0] : i32 from vector<1xi32>
      %swap3A_3152 = arith.constant 2 : i32
      %swap3A_3153 = arith.constant 2 : i32
      %swap3A_3154 = arith.index_cast %swap3A_3152 : i32 to index
      %swap3A_3155 = arith.index_cast %swap3A_3153 : i32 to index
      %swap3A_3156 = memref.load %arg10[%swap3A_3154, %swap3A_3155] : memref<4x32xi32, #tpu.memory_space<smem>>
      memref.store %squeeze3A_3151, %arg10[%swap3A_3154, %swap3A_3155] : memref<4x32xi32, #tpu.memory_space<smem>>
      %slice3A_3157 = vector.extract_strided_slice %mul3A_3093 {offsets = [2], sizes = [1], strides = [1]} : vector<16xi32> to vector<1xi32>
      %squeeze3A_3158 = vector.extract %slice3A_3157[0] : i32 from vector<1xi32>
      %swap3A_3159 = arith.constant 3 : i32
      %swap3A_3160 = arith.constant 2 : i32
      %swap3A_3161 = arith.index_cast %swap3A_3159 : i32 to index
      %swap3A_3162 = arith.index_cast %swap3A_3160 : i32 to index
      %swap3A_3163 = memref.load %arg10[%swap3A_3161, %swap3A_3162] : memref<4x32xi32, #tpu.memory_space<smem>>
      memref.store %squeeze3A_3158, %arg10[%swap3A_3161, %swap3A_3162] : memref<4x32xi32, #tpu.memory_space<smem>>
      %slice3A_3164 = vector.extract_strided_slice %sub3A_3085 {offsets = [2], sizes = [1], strides = [1]} : vector<16xf32> to vector<1xf32>
      %squeeze3A_3165 = vector.extract %slice3A_3164[0] : f32 from vector<1xf32>
      %swap3A_3166 = arith.constant 2 : i32
      %swap3A_3167 = arith.constant 2 : i32
      %swap3A_3168 = arith.index_cast %swap3A_3166 : i32 to index
      %swap3A_3169 = arith.index_cast %swap3A_3167 : i32 to index
      %swap3A_3170 = memref.load %arg11[%swap3A_3168, %swap3A_3169] : memref<4x32xf32, #tpu.memory_space<smem>>
      memref.store %squeeze3A_3165, %arg11[%swap3A_3168, %swap3A_3169] : memref<4x32xf32, #tpu.memory_space<smem>>
      %slice3A_3171 = vector.extract_strided_slice %sub3A_3087 {offsets = [2], sizes = [1], strides = [1]} : vector<16xf32> to vector<1xf32>
      %squeeze3A_3172 = vector.extract %slice3A_3171[0] : f32 from vector<1xf32>
      %swap3A_3173 = arith.constant 3 : i32
      %swap3A_3174 = arith.constant 2 : i32
      %swap3A_3175 = arith.index_cast %swap3A_3173 : i32 to index
      %swap3A_3176 = arith.index_cast %swap3A_3174 : i32 to index
      %swap3A_3177 = memref.load %arg11[%swap3A_3175, %swap3A_3176] : memref<4x32xf32, #tpu.memory_space<smem>>
      memref.store %squeeze3A_3172, %arg11[%swap3A_3175, %swap3A_3176] : memref<4x32xf32, #tpu.memory_space<smem>>
      %slice3A_3178 = vector.extract_strided_slice %mul3A_3090 {offsets = [3], sizes = [1], strides = [1]} : vector<16xi32> to vector<1xi32>
      %squeeze3A_3179 = vector.extract %slice3A_3178[0] : i32 from vector<1xi32>
      %swap3A_3180 = arith.constant 2 : i32
      %swap3A_3181 = arith.constant 3 : i32
      %swap3A_3182 = arith.index_cast %swap3A_3180 : i32 to index
      %swap3A_3183 = arith.index_cast %swap3A_3181 : i32 to index
      %swap3A_3184 = memref.load %arg10[%swap3A_3182, %swap3A_3183] : memref<4x32xi32, #tpu.memory_space<smem>>
      memref.store %squeeze3A_3179, %arg10[%swap3A_3182, %swap3A_3183] : memref<4x32xi32, #tpu.memory_space<smem>>
      %slice3A_3185 = vector.extract_strided_slice %mul3A_3093 {offsets = [3], sizes = [1], strides = [1]} : vector<16xi32> to vector<1xi32>
      %squeeze3A_3186 = vector.extract %slice3A_3185[0] : i32 from vector<1xi32>
      %swap3A_3187 = arith.constant 3 : i32
      %swap3A_3188 = arith.constant 3 : i32
      %swap3A_3189 = arith.index_cast %swap3A_3187 : i32 to index
      %swap3A_3190 = arith.index_cast %swap3A_3188 : i32 to index
      %swap3A_3191 = memref.load %arg10[%swap3A_3189, %swap3A_3190] : memref<4x32xi32, #tpu.memory_space<smem>>
      memref.store %squeeze3A_3186, %arg10[%swap3A_3189, %swap3A_3190] : memref<4x32xi32, #tpu.memory_space<smem>>
      %slice3A_3192 = vector.extract_strided_slice %sub3A_3085 {offsets = [3], sizes = [1], strides = [1]} : vector<16xf32> to vector<1xf32>
      %squeeze3A_3193 = vector.extract %slice3A_3192[0] : f32 from vector<1xf32>
      %swap3A_3194 = arith.constant 2 : i32
      %swap3A_3195 = arith.constant 3 : i32
      %swap3A_3196 = arith.index_cast %swap3A_3194 : i32 to index
      %swap3A_3197 = arith.index_cast %swap3A_3195 : i32 to index
      %swap3A_3198 = memref.load %arg11[%swap3A_3196, %swap3A_3197] : memref<4x32xf32, #tpu.memory_space<smem>>
      memref.store %squeeze3A_3193, %arg11[%swap3A_3196, %swap3A_3197] : memref<4x32xf32, #tpu.memory_space<smem>>
      %slice3A_3199 = vector.extract_strided_slice %sub3A_3087 {offsets = [3], sizes = [1], strides = [1]} : vector<16xf32> to vector<1xf32>
      %squeeze3A_3200 = vector.extract %slice3A_3199[0] : f32 from vector<1xf32>
      %swap3A_3201 = arith.constant 3 : i32
      %swap3A_3202 = arith.constant 3 : i32
      %swap3A_3203 = arith.index_cast %swap3A_3201 : i32 to index
      %swap3A_3204 = arith.index_cast %swap3A_3202 : i32 to index
      %swap3A_3205 = memref.load %arg11[%swap3A_3203, %swap3A_3204] : memref<4x32xf32, #tpu.memory_space<smem>>
      memref.store %squeeze3A_3200, %arg11[%swap3A_3203, %swap3A_3204] : memref<4x32xf32, #tpu.memory_space<smem>>
      %slice3A_3206 = vector.extract_strided_slice %mul3A_3090 {offsets = [4], sizes = [1], strides = [1]} : vector<16xi32> to vector<1xi32>
      %squeeze3A_3207 = vector.extract %slice3A_3206[0] : i32 from vector<1xi32>
      %swap3A_3208 = arith.constant 2 : i32
      %swap3A_3209 = arith.constant 4 : i32
      %swap3A_3210 = arith.index_cast %swap3A_3208 : i32 to index
      %swap3A_3211 = arith.index_cast %swap3A_3209 : i32 to index
      %swap3A_3212 = memref.load %arg10[%swap3A_3210, %swap3A_3211] : memref<4x32xi32, #tpu.memory_space<smem>>
      memref.store %squeeze3A_3207, %arg10[%swap3A_3210, %swap3A_3211] : memref<4x32xi32, #tpu.memory_space<smem>>
      %slice3A_3213 = vector.extract_strided_slice %mul3A_3093 {offsets = [4], sizes = [1], strides = [1]} : vector<16xi32> to vector<1xi32>
      %squeeze3A_3214 = vector.extract %slice3A_3213[0] : i32 from vector<1xi32>
      %swap3A_3215 = arith.constant 3 : i32
      %swap3A_3216 = arith.constant 4 : i32
      %swap3A_3217 = arith.index_cast %swap3A_3215 : i32 to index
      %swap3A_3218 = arith.index_cast %swap3A_3216 : i32 to index
      %swap3A_3219 = memref.load %arg10[%swap3A_3217, %swap3A_3218] : memref<4x32xi32, #tpu.memory_space<smem>>
      memref.store %squeeze3A_3214, %arg10[%swap3A_3217, %swap3A_3218] : memref<4x32xi32, #tpu.memory_space<smem>>
      %slice3A_3220 = vector.extract_strided_slice %sub3A_3085 {offsets = [4], sizes = [1], strides = [1]} : vector<16xf32> to vector<1xf32>
      %squeeze3A_3221 = vector.extract %slice3A_3220[0] : f32 from vector<1xf32>
      %swap3A_3222 = arith.constant 2 : i32
      %swap3A_3223 = arith.constant 4 : i32
      %swap3A_3224 = arith.index_cast %swap3A_3222 : i32 to index
      %swap3A_3225 = arith.index_cast %swap3A_3223 : i32 to index
      %swap3A_3226 = memref.load %arg11[%swap3A_3224, %swap3A_3225] : memref<4x32xf32, #tpu.memory_space<smem>>
      memref.store %squeeze3A_3221, %arg11[%swap3A_3224, %swap3A_3225] : memref<4x32xf32, #tpu.memory_space<smem>>
      %slice3A_3227 = vector.extract_strided_slice %sub3A_3087 {offsets = [4], sizes = [1], strides = [1]} : vector<16xf32> to vector<1xf32>
      %squeeze3A_3228 = vector.extract %slice3A_3227[0] : f32 from vector<1xf32>
      %swap3A_3229 = arith.constant 3 : i32
      %swap3A_3230 = arith.constant 4 : i32
      %swap3A_3231 = arith.index_cast %swap3A_3229 : i32 to index
      %swap3A_3232 = arith.index_cast %swap3A_3230 : i32 to index
      %swap3A_3233 = memref.load %arg11[%swap3A_3231, %swap3A_3232] : memref<4x32xf32, #tpu.memory_space<smem>>
      memref.store %squeeze3A_3228, %arg11[%swap3A_3231, %swap3A_3232] : memref<4x32xf32, #tpu.memory_space<smem>>
      %slice3A_3234 = vector.extract_strided_slice %mul3A_3090 {offsets = [5], sizes = [1], strides = [1]} : vector<16xi32> to vector<1xi32>
      %squeeze3A_3235 = vector.extract %slice3A_3234[0] : i32 from vector<1xi32>
      %swap3A_3236 = arith.constant 2 : i32
      %swap3A_3237 = arith.constant 5 : i32
      %swap3A_3238 = arith.index_cast %swap3A_3236 : i32 to index
      %swap3A_3239 = arith.index_cast %swap3A_3237 : i32 to index
      %swap3A_3240 = memref.load %arg10[%swap3A_3238, %swap3A_3239] : memref<4x32xi32, #tpu.memory_space<smem>>
      memref.store %squeeze3A_3235, %arg10[%swap3A_3238, %swap3A_3239] : memref<4x32xi32, #tpu.memory_space<smem>>
      %slice3A_3241 = vector.extract_strided_slice %mul3A_3093 {offsets = [5], sizes = [1], strides = [1]} : vector<16xi32> to vector<1xi32>
      %squeeze3A_3242 = vector.extract %slice3A_3241[0] : i32 from vector<1xi32>
      %swap3A_3243 = arith.constant 3 : i32
      %swap3A_3244 = arith.constant 5 : i32
      %swap3A_3245 = arith.index_cast %swap3A_3243 : i32 to index
      %swap3A_3246 = arith.index_cast %swap3A_3244 : i32 to index
      %swap3A_3247 = memref.load %arg10[%swap3A_3245, %swap3A_3246] : memref<4x32xi32, #tpu.memory_space<smem>>
      memref.store %squeeze3A_3242, %arg10[%swap3A_3245, %swap3A_3246] : memref<4x32xi32, #tpu.memory_space<smem>>
      %slice3A_3248 = vector.extract_strided_slice %sub3A_3085 {offsets = [5], sizes = [1], strides = [1]} : vector<16xf32> to vector<1xf32>
      %squeeze3A_3249 = vector.extract %slice3A_3248[0] : f32 from vector<1xf32>
      %swap3A_3250 = arith.constant 2 : i32
      %swap3A_3251 = arith.constant 5 : i32
      %swap3A_3252 = arith.index_cast %swap3A_3250 : i32 to index
      %swap3A_3253 = arith.index_cast %swap3A_3251 : i32 to index
      %swap3A_3254 = memref.load %arg11[%swap3A_3252, %swap3A_3253] : memref<4x32xf32, #tpu.memory_space<smem>>
      memref.store %squeeze3A_3249, %arg11[%swap3A_3252, %swap3A_3253] : memref<4x32xf32, #tpu.memory_space<smem>>
      %slice3A_3255 = vector.extract_strided_slice %sub3A_3087 {offsets = [5], sizes = [1], strides = [1]} : vector<16xf32> to vector<1xf32>
      %squeeze3A_3256 = vector.extract %slice3A_3255[0] : f32 from vector<1xf32>
      %swap3A_3257 = arith.constant 3 : i32
      %swap3A_3258 = arith.constant 5 : i32
      %swap3A_3259 = arith.index_cast %swap3A_3257 : i32 to index
      %swap3A_3260 = arith.index_cast %swap3A_3258 : i32 to index
      %swap3A_3261 = memref.load %arg11[%swap3A_3259, %swap3A_3260] : memref<4x32xf32, #tpu.memory_space<smem>>
      memref.store %squeeze3A_3256, %arg11[%swap3A_3259, %swap3A_3260] : memref<4x32xf32, #tpu.memory_space<smem>>
      %slice3A_3262 = vector.extract_strided_slice %mul3A_3090 {offsets = [6], sizes = [1], strides = [1]} : vector<16xi32> to vector<1xi32>
      %squeeze3A_3263 = vector.extract %slice3A_3262[0] : i32 from vector<1xi32>
      %swap3A_3264 = arith.constant 2 : i32
      %swap3A_3265 = arith.constant 6 : i32
      %swap3A_3266 = arith.index_cast %swap3A_3264 : i32 to index
      %swap3A_3267 = arith.index_cast %swap3A_3265 : i32 to index
      %swap3A_3268 = memref.load %arg10[%swap3A_3266, %swap3A_3267] : memref<4x32xi32, #tpu.memory_space<smem>>
      memref.store %squeeze3A_3263, %arg10[%swap3A_3266, %swap3A_3267] : memref<4x32xi32, #tpu.memory_space<smem>>
      %slice3A_3269 = vector.extract_strided_slice %mul3A_3093 {offsets = [6], sizes = [1], strides = [1]} : vector<16xi32> to vector<1xi32>
      %squeeze3A_3270 = vector.extract %slice3A_3269[0] : i32 from vector<1xi32>
      %swap3A_3271 = arith.constant 3 : i32
      %swap3A_3272 = arith.constant 6 : i32
      %swap3A_3273 = arith.index_cast %swap3A_3271 : i32 to index
      %swap3A_3274 = arith.index_cast %swap3A_3272 : i32 to index
      %swap3A_3275 = memref.load %arg10[%swap3A_3273, %swap3A_3274] : memref<4x32xi32, #tpu.memory_space<smem>>
      memref.store %squeeze3A_3270, %arg10[%swap3A_3273, %swap3A_3274] : memref<4x32xi32, #tpu.memory_space<smem>>
      %slice3A_3276 = vector.extract_strided_slice %sub3A_3085 {offsets = [6], sizes = [1], strides = [1]} : vector<16xf32> to vector<1xf32>
      %squeeze3A_3277 = vector.extract %slice3A_3276[0] : f32 from vector<1xf32>
      %swap3A_3278 = arith.constant 2 : i32
      %swap3A_3279 = arith.constant 6 : i32
      %swap3A_3280 = arith.index_cast %swap3A_3278 : i32 to index
      %swap3A_3281 = arith.index_cast %swap3A_3279 : i32 to index
      %swap3A_3282 = memref.load %arg11[%swap3A_3280, %swap3A_3281] : memref<4x32xf32, #tpu.memory_space<smem>>
      memref.store %squeeze3A_3277, %arg11[%swap3A_3280, %swap3A_3281] : memref<4x32xf32, #tpu.memory_space<smem>>
      %slice3A_3283 = vector.extract_strided_slice %sub3A_3087 {offsets = [6], sizes = [1], strides = [1]} : vector<16xf32> to vector<1xf32>
      %squeeze3A_3284 = vector.extract %slice3A_3283[0] : f32 from vector<1xf32>
      %swap3A_3285 = arith.constant 3 : i32
      %swap3A_3286 = arith.constant 6 : i32
      %swap3A_3287 = arith.index_cast %swap3A_3285 : i32 to index
      %swap3A_3288 = arith.index_cast %swap3A_3286 : i32 to index
      %swap3A_3289 = memref.load %arg11[%swap3A_3287, %swap3A_3288] : memref<4x32xf32, #tpu.memory_space<smem>>
      memref.store %squeeze3A_3284, %arg11[%swap3A_3287, %swap3A_3288] : memref<4x32xf32, #tpu.memory_space<smem>>
      %slice3A_3290 = vector.extract_strided_slice %mul3A_3090 {offsets = [7], sizes = [1], strides = [1]} : vector<16xi32> to vector<1xi32>
      %squeeze3A_3291 = vector.extract %slice3A_3290[0] : i32 from vector<1xi32>
      %swap3A_3292 = arith.constant 2 : i32
      %swap3A_3293 = arith.constant 7 : i32
      %swap3A_3294 = arith.index_cast %swap3A_3292 : i32 to index
      %swap3A_3295 = arith.index_cast %swap3A_3293 : i32 to index
      %swap3A_3296 = memref.load %arg10[%swap3A_3294, %swap3A_3295] : memref<4x32xi32, #tpu.memory_space<smem>>
      memref.store %squeeze3A_3291, %arg10[%swap3A_3294, %swap3A_3295] : memref<4x32xi32, #tpu.memory_space<smem>>
      %slice3A_3297 = vector.extract_strided_slice %mul3A_3093 {offsets = [7], sizes = [1], strides = [1]} : vector<16xi32> to vector<1xi32>
      %squeeze3A_3298 = vector.extract %slice3A_3297[0] : i32 from vector<1xi32>
      %swap3A_3299 = arith.constant 3 : i32
      %swap3A_3300 = arith.constant 7 : i32
      %swap3A_3301 = arith.index_cast %swap3A_3299 : i32 to index
      %swap3A_3302 = arith.index_cast %swap3A_3300 : i32 to index
      %swap3A_3303 = memref.load %arg10[%swap3A_3301, %swap3A_3302] : memref<4x32xi32, #tpu.memory_space<smem>>
      memref.store %squeeze3A_3298, %arg10[%swap3A_3301, %swap3A_3302] : memref<4x32xi32, #tpu.memory_space<smem>>
      %slice3A_3304 = vector.extract_strided_slice %sub3A_3085 {offsets = [7], sizes = [1], strides = [1]} : vector<16xf32> to vector<1xf32>
      %squeeze3A_3305 = vector.extract %slice3A_3304[0] : f32 from vector<1xf32>
      %swap3A_3306 = arith.constant 2 : i32
      %swap3A_3307 = arith.constant 7 : i32
      %swap3A_3308 = arith.index_cast %swap3A_3306 : i32 to index
      %swap3A_3309 = arith.index_cast %swap3A_3307 : i32 to index
      %swap3A_3310 = memref.load %arg11[%swap3A_3308, %swap3A_3309] : memref<4x32xf32, #tpu.memory_space<smem>>
      memref.store %squeeze3A_3305, %arg11[%swap3A_3308, %swap3A_3309] : memref<4x32xf32, #tpu.memory_space<smem>>
      %slice3A_3311 = vector.extract_strided_slice %sub3A_3087 {offsets = [7], sizes = [1], strides = [1]} : vector<16xf32> to vector<1xf32>
      %squeeze3A_3312 = vector.extract %slice3A_3311[0] : f32 from vector<1xf32>
      %swap3A_3313 = arith.constant 3 : i32
      %swap3A_3314 = arith.constant 7 : i32
      %swap3A_3315 = arith.index_cast %swap3A_3313 : i32 to index
      %swap3A_3316 = arith.index_cast %swap3A_3314 : i32 to index
      %swap3A_3317 = memref.load %arg11[%swap3A_3315, %swap3A_3316] : memref<4x32xf32, #tpu.memory_space<smem>>
      memref.store %squeeze3A_3312, %arg11[%swap3A_3315, %swap3A_3316] : memref<4x32xf32, #tpu.memory_space<smem>>
      %slice3A_3318 = vector.extract_strided_slice %mul3A_3090 {offsets = [8], sizes = [1], strides = [1]} : vector<16xi32> to vector<1xi32>
      %squeeze3A_3319 = vector.extract %slice3A_3318[0] : i32 from vector<1xi32>
      %swap3A_3320 = arith.constant 2 : i32
      %swap3A_3321 = arith.constant 8 : i32
      %swap3A_3322 = arith.index_cast %swap3A_3320 : i32 to index
      %swap3A_3323 = arith.index_cast %swap3A_3321 : i32 to index
      %swap3A_3324 = memref.load %arg10[%swap3A_3322, %swap3A_3323] : memref<4x32xi32, #tpu.memory_space<smem>>
      memref.store %squeeze3A_3319, %arg10[%swap3A_3322, %swap3A_3323] : memref<4x32xi32, #tpu.memory_space<smem>>
      %slice3A_3325 = vector.extract_strided_slice %mul3A_3093 {offsets = [8], sizes = [1], strides = [1]} : vector<16xi32> to vector<1xi32>
      %squeeze3A_3326 = vector.extract %slice3A_3325[0] : i32 from vector<1xi32>
      %swap3A_3327 = arith.constant 3 : i32
      %swap3A_3328 = arith.constant 8 : i32
      %swap3A_3329 = arith.index_cast %swap3A_3327 : i32 to index
      %swap3A_3330 = arith.index_cast %swap3A_3328 : i32 to index
      %swap3A_3331 = memref.load %arg10[%swap3A_3329, %swap3A_3330] : memref<4x32xi32, #tpu.memory_space<smem>>
      memref.store %squeeze3A_3326, %arg10[%swap3A_3329, %swap3A_3330] : memref<4x32xi32, #tpu.memory_space<smem>>
      %slice3A_3332 = vector.extract_strided_slice %sub3A_3085 {offsets = [8], sizes = [1], strides = [1]} : vector<16xf32> to vector<1xf32>
      %squeeze3A_3333 = vector.extract %slice3A_3332[0] : f32 from vector<1xf32>
      %swap3A_3334 = arith.constant 2 : i32
      %swap3A_3335 = arith.constant 8 : i32
      %swap3A_3336 = arith.index_cast %swap3A_3334 : i32 to index
      %swap3A_3337 = arith.index_cast %swap3A_3335 : i32 to index
      %swap3A_3338 = memref.load %arg11[%swap3A_3336, %swap3A_3337] : memref<4x32xf32, #tpu.memory_space<smem>>
      memref.store %squeeze3A_3333, %arg11[%swap3A_3336, %swap3A_3337] : memref<4x32xf32, #tpu.memory_space<smem>>
      %slice3A_3339 = vector.extract_strided_slice %sub3A_3087 {offsets = [8], sizes = [1], strides = [1]} : vector<16xf32> to vector<1xf32>
      %squeeze3A_3340 = vector.extract %slice3A_3339[0] : f32 from vector<1xf32>
      %swap3A_3341 = arith.constant 3 : i32
      %swap3A_3342 = arith.constant 8 : i32
      %swap3A_3343 = arith.index_cast %swap3A_3341 : i32 to index
      %swap3A_3344 = arith.index_cast %swap3A_3342 : i32 to index
      %swap3A_3345 = memref.load %arg11[%swap3A_3343, %swap3A_3344] : memref<4x32xf32, #tpu.memory_space<smem>>
      memref.store %squeeze3A_3340, %arg11[%swap3A_3343, %swap3A_3344] : memref<4x32xf32, #tpu.memory_space<smem>>
      %slice3A_3346 = vector.extract_strided_slice %mul3A_3090 {offsets = [9], sizes = [1], strides = [1]} : vector<16xi32> to vector<1xi32>
      %squeeze3A_3347 = vector.extract %slice3A_3346[0] : i32 from vector<1xi32>
      %swap3A_3348 = arith.constant 2 : i32
      %swap3A_3349 = arith.constant 9 : i32
      %swap3A_3350 = arith.index_cast %swap3A_3348 : i32 to index
      %swap3A_3351 = arith.index_cast %swap3A_3349 : i32 to index
      %swap3A_3352 = memref.load %arg10[%swap3A_3350, %swap3A_3351] : memref<4x32xi32, #tpu.memory_space<smem>>
      memref.store %squeeze3A_3347, %arg10[%swap3A_3350, %swap3A_3351] : memref<4x32xi32, #tpu.memory_space<smem>>
      %slice3A_3353 = vector.extract_strided_slice %mul3A_3093 {offsets = [9], sizes = [1], strides = [1]} : vector<16xi32> to vector<1xi32>
      %squeeze3A_3354 = vector.extract %slice3A_3353[0] : i32 from vector<1xi32>
      %swap3A_3355 = arith.constant 3 : i32
      %swap3A_3356 = arith.constant 9 : i32
      %swap3A_3357 = arith.index_cast %swap3A_3355 : i32 to index
      %swap3A_3358 = arith.index_cast %swap3A_3356 : i32 to index
      %swap3A_3359 = memref.load %arg10[%swap3A_3357, %swap3A_3358] : memref<4x32xi32, #tpu.memory_space<smem>>
      memref.store %squeeze3A_3354, %arg10[%swap3A_3357, %swap3A_3358] : memref<4x32xi32, #tpu.memory_space<smem>>
      %slice3A_3360 = vector.extract_strided_slice %sub3A_3085 {offsets = [9], sizes = [1], strides = [1]} : vector<16xf32> to vector<1xf32>
      %squeeze3A_3361 = vector.extract %slice3A_3360[0] : f32 from vector<1xf32>
      %swap3A_3362 = arith.constant 2 : i32
      %swap3A_3363 = arith.constant 9 : i32
      %swap3A_3364 = arith.index_cast %swap3A_3362 : i32 to index
      %swap3A_3365 = arith.index_cast %swap3A_3363 : i32 to index
      %swap3A_3366 = memref.load %arg11[%swap3A_3364, %swap3A_3365] : memref<4x32xf32, #tpu.memory_space<smem>>
      memref.store %squeeze3A_3361, %arg11[%swap3A_3364, %swap3A_3365] : memref<4x32xf32, #tpu.memory_space<smem>>
      %slice3A_3367 = vector.extract_strided_slice %sub3A_3087 {offsets = [9], sizes = [1], strides = [1]} : vector<16xf32> to vector<1xf32>
      %squeeze3A_3368 = vector.extract %slice3A_3367[0] : f32 from vector<1xf32>
      %swap3A_3369 = arith.constant 3 : i32
      %swap3A_3370 = arith.constant 9 : i32
      %swap3A_3371 = arith.index_cast %swap3A_3369 : i32 to index
      %swap3A_3372 = arith.index_cast %swap3A_3370 : i32 to index
      %swap3A_3373 = memref.load %arg11[%swap3A_3371, %swap3A_3372] : memref<4x32xf32, #tpu.memory_space<smem>>
      memref.store %squeeze3A_3368, %arg11[%swap3A_3371, %swap3A_3372] : memref<4x32xf32, #tpu.memory_space<smem>>
      %slice3A_3374 = vector.extract_strided_slice %mul3A_3090 {offsets = [10], sizes = [1], strides = [1]} : vector<16xi32> to vector<1xi32>
      %squeeze3A_3375 = vector.extract %slice3A_3374[0] : i32 from vector<1xi32>
      %swap3A_3376 = arith.constant 2 : i32
      %swap3A_3377 = arith.constant 10 : i32
      %swap3A_3378 = arith.index_cast %swap3A_3376 : i32 to index
      %swap3A_3379 = arith.index_cast %swap3A_3377 : i32 to index
      %swap3A_3380 = memref.load %arg10[%swap3A_3378, %swap3A_3379] : memref<4x32xi32, #tpu.memory_space<smem>>
      memref.store %squeeze3A_3375, %arg10[%swap3A_3378, %swap3A_3379] : memref<4x32xi32, #tpu.memory_space<smem>>
      %slice3A_3381 = vector.extract_strided_slice %mul3A_3093 {offsets = [10], sizes = [1], strides = [1]} : vector<16xi32> to vector<1xi32>
      %squeeze3A_3382 = vector.extract %slice3A_3381[0] : i32 from vector<1xi32>
      %swap3A_3383 = arith.constant 3 : i32
      %swap3A_3384 = arith.constant 10 : i32
      %swap3A_3385 = arith.index_cast %swap3A_3383 : i32 to index
      %swap3A_3386 = arith.index_cast %swap3A_3384 : i32 to index
      %swap3A_3387 = memref.load %arg10[%swap3A_3385, %swap3A_3386] : memref<4x32xi32, #tpu.memory_space<smem>>
      memref.store %squeeze3A_3382, %arg10[%swap3A_3385, %swap3A_3386] : memref<4x32xi32, #tpu.memory_space<smem>>
      %slice3A_3388 = vector.extract_strided_slice %sub3A_3085 {offsets = [10], sizes = [1], strides = [1]} : vector<16xf32> to vector<1xf32>
      %squeeze3A_3389 = vector.extract %slice3A_3388[0] : f32 from vector<1xf32>
      %swap3A_3390 = arith.constant 2 : i32
      %swap3A_3391 = arith.constant 10 : i32
      %swap3A_3392 = arith.index_cast %swap3A_3390 : i32 to index
      %swap3A_3393 = arith.index_cast %swap3A_3391 : i32 to index
      %swap3A_3394 = memref.load %arg11[%swap3A_3392, %swap3A_3393] : memref<4x32xf32, #tpu.memory_space<smem>>
      memref.store %squeeze3A_3389, %arg11[%swap3A_3392, %swap3A_3393] : memref<4x32xf32, #tpu.memory_space<smem>>
      %slice3A_3395 = vector.extract_strided_slice %sub3A_3087 {offsets = [10], sizes = [1], strides = [1]} : vector<16xf32> to vector<1xf32>
      %squeeze3A_3396 = vector.extract %slice3A_3395[0] : f32 from vector<1xf32>
      %swap3A_3397 = arith.constant 3 : i32
      %swap3A_3398 = arith.constant 10 : i32
      %swap3A_3399 = arith.index_cast %swap3A_3397 : i32 to index
      %swap3A_3400 = arith.index_cast %swap3A_3398 : i32 to index
      %swap3A_3401 = memref.load %arg11[%swap3A_3399, %swap3A_3400] : memref<4x32xf32, #tpu.memory_space<smem>>
      memref.store %squeeze3A_3396, %arg11[%swap3A_3399, %swap3A_3400] : memref<4x32xf32, #tpu.memory_space<smem>>
      %slice3A_3402 = vector.extract_strided_slice %mul3A_3090 {offsets = [11], sizes = [1], strides = [1]} : vector<16xi32> to vector<1xi32>
      %squeeze3A_3403 = vector.extract %slice3A_3402[0] : i32 from vector<1xi32>
      %swap3A_3404 = arith.constant 2 : i32
      %swap3A_3405 = arith.constant 11 : i32
      %swap3A_3406 = arith.index_cast %swap3A_3404 : i32 to index
      %swap3A_3407 = arith.index_cast %swap3A_3405 : i32 to index
      %swap3A_3408 = memref.load %arg10[%swap3A_3406, %swap3A_3407] : memref<4x32xi32, #tpu.memory_space<smem>>
      memref.store %squeeze3A_3403, %arg10[%swap3A_3406, %swap3A_3407] : memref<4x32xi32, #tpu.memory_space<smem>>
      %slice3A_3409 = vector.extract_strided_slice %mul3A_3093 {offsets = [11], sizes = [1], strides = [1]} : vector<16xi32> to vector<1xi32>
      %squeeze3A_3410 = vector.extract %slice3A_3409[0] : i32 from vector<1xi32>
      %swap3A_3411 = arith.constant 3 : i32
      %swap3A_3412 = arith.constant 11 : i32
      %swap3A_3413 = arith.index_cast %swap3A_3411 : i32 to index
      %swap3A_3414 = arith.index_cast %swap3A_3412 : i32 to index
      %swap3A_3415 = memref.load %arg10[%swap3A_3413, %swap3A_3414] : memref<4x32xi32, #tpu.memory_space<smem>>
      memref.store %squeeze3A_3410, %arg10[%swap3A_3413, %swap3A_3414] : memref<4x32xi32, #tpu.memory_space<smem>>
      %slice3A_3416 = vector.extract_strided_slice %sub3A_3085 {offsets = [11], sizes = [1], strides = [1]} : vector<16xf32> to vector<1xf32>
      %squeeze3A_3417 = vector.extract %slice3A_3416[0] : f32 from vector<1xf32>
      %swap3A_3418 = arith.constant 2 : i32
      %swap3A_3419 = arith.constant 11 : i32
      %swap3A_3420 = arith.index_cast %swap3A_3418 : i32 to index
      %swap3A_3421 = arith.index_cast %swap3A_3419 : i32 to index
      %swap3A_3422 = memref.load %arg11[%swap3A_3420, %swap3A_3421] : memref<4x32xf32, #tpu.memory_space<smem>>
      memref.store %squeeze3A_3417, %arg11[%swap3A_3420, %swap3A_3421] : memref<4x32xf32, #tpu.memory_space<smem>>
      %slice3A_3423 = vector.extract_strided_slice %sub3A_3087 {offsets = [11], sizes = [1], strides = [1]} : vector<16xf32> to vector<1xf32>
      %squeeze3A_3424 = vector.extract %slice3A_3423[0] : f32 from vector<1xf32>
      %swap3A_3425 = arith.constant 3 : i32
      %swap3A_3426 = arith.constant 11 : i32
      %swap3A_3427 = arith.index_cast %swap3A_3425 : i32 to index
      %swap3A_3428 = arith.index_cast %swap3A_3426 : i32 to index
      %swap3A_3429 = memref.load %arg11[%swap3A_3427, %swap3A_3428] : memref<4x32xf32, #tpu.memory_space<smem>>
      memref.store %squeeze3A_3424, %arg11[%swap3A_3427, %swap3A_3428] : memref<4x32xf32, #tpu.memory_space<smem>>
      %slice3A_3430 = vector.extract_strided_slice %mul3A_3090 {offsets = [12], sizes = [1], strides = [1]} : vector<16xi32> to vector<1xi32>
      %squeeze3A_3431 = vector.extract %slice3A_3430[0] : i32 from vector<1xi32>
      %swap3A_3432 = arith.constant 2 : i32
      %swap3A_3433 = arith.constant 12 : i32
      %swap3A_3434 = arith.index_cast %swap3A_3432 : i32 to index
      %swap3A_3435 = arith.index_cast %swap3A_3433 : i32 to index
      %swap3A_3436 = memref.load %arg10[%swap3A_3434, %swap3A_3435] : memref<4x32xi32, #tpu.memory_space<smem>>
      memref.store %squeeze3A_3431, %arg10[%swap3A_3434, %swap3A_3435] : memref<4x32xi32, #tpu.memory_space<smem>>
      %slice3A_3437 = vector.extract_strided_slice %mul3A_3093 {offsets = [12], sizes = [1], strides = [1]} : vector<16xi32> to vector<1xi32>
      %squeeze3A_3438 = vector.extract %slice3A_3437[0] : i32 from vector<1xi32>
      %swap3A_3439 = arith.constant 3 : i32
      %swap3A_3440 = arith.constant 12 : i32
      %swap3A_3441 = arith.index_cast %swap3A_3439 : i32 to index
      %swap3A_3442 = arith.index_cast %swap3A_3440 : i32 to index
      %swap3A_3443 = memref.load %arg10[%swap3A_3441, %swap3A_3442] : memref<4x32xi32, #tpu.memory_space<smem>>
      memref.store %squeeze3A_3438, %arg10[%swap3A_3441, %swap3A_3442] : memref<4x32xi32, #tpu.memory_space<smem>>
      %slice3A_3444 = vector.extract_strided_slice %sub3A_3085 {offsets = [12], sizes = [1], strides = [1]} : vector<16xf32> to vector<1xf32>
      %squeeze3A_3445 = vector.extract %slice3A_3444[0] : f32 from vector<1xf32>
      %swap3A_3446 = arith.constant 2 : i32
      %swap3A_3447 = arith.constant 12 : i32
      %swap3A_3448 = arith.index_cast %swap3A_3446 : i32 to index
      %swap3A_3449 = arith.index_cast %swap3A_3447 : i32 to index
      %swap3A_3450 = memref.load %arg11[%swap3A_3448, %swap3A_3449] : memref<4x32xf32, #tpu.memory_space<smem>>
      memref.store %squeeze3A_3445, %arg11[%swap3A_3448, %swap3A_3449] : memref<4x32xf32, #tpu.memory_space<smem>>
      %slice3A_3451 = vector.extract_strided_slice %sub3A_3087 {offsets = [12], sizes = [1], strides = [1]} : vector<16xf32> to vector<1xf32>
      %squeeze3A_3452 = vector.extract %slice3A_3451[0] : f32 from vector<1xf32>
      %swap3A_3453 = arith.constant 3 : i32
      %swap3A_3454 = arith.constant 12 : i32
      %swap3A_3455 = arith.index_cast %swap3A_3453 : i32 to index
      %swap3A_3456 = arith.index_cast %swap3A_3454 : i32 to index
      %swap3A_3457 = memref.load %arg11[%swap3A_3455, %swap3A_3456] : memref<4x32xf32, #tpu.memory_space<smem>>
      memref.store %squeeze3A_3452, %arg11[%swap3A_3455, %swap3A_3456] : memref<4x32xf32, #tpu.memory_space<smem>>
      %slice3A_3458 = vector.extract_strided_slice %mul3A_3090 {offsets = [13], sizes = [1], strides = [1]} : vector<16xi32> to vector<1xi32>
      %squeeze3A_3459 = vector.extract %slice3A_3458[0] : i32 from vector<1xi32>
      %swap3A_3460 = arith.constant 2 : i32
      %swap3A_3461 = arith.constant 13 : i32
      %swap3A_3462 = arith.index_cast %swap3A_3460 : i32 to index
      %swap3A_3463 = arith.index_cast %swap3A_3461 : i32 to index
      %swap3A_3464 = memref.load %arg10[%swap3A_3462, %swap3A_3463] : memref<4x32xi32, #tpu.memory_space<smem>>
      memref.store %squeeze3A_3459, %arg10[%swap3A_3462, %swap3A_3463] : memref<4x32xi32, #tpu.memory_space<smem>>
      %slice3A_3465 = vector.extract_strided_slice %mul3A_3093 {offsets = [13], sizes = [1], strides = [1]} : vector<16xi32> to vector<1xi32>
      %squeeze3A_3466 = vector.extract %slice3A_3465[0] : i32 from vector<1xi32>
      %swap3A_3467 = arith.constant 3 : i32
      %swap3A_3468 = arith.constant 13 : i32
      %swap3A_3469 = arith.index_cast %swap3A_3467 : i32 to index
      %swap3A_3470 = arith.index_cast %swap3A_3468 : i32 to index
      %swap3A_3471 = memref.load %arg10[%swap3A_3469, %swap3A_3470] : memref<4x32xi32, #tpu.memory_space<smem>>
      memref.store %squeeze3A_3466, %arg10[%swap3A_3469, %swap3A_3470] : memref<4x32xi32, #tpu.memory_space<smem>>
      %slice3A_3472 = vector.extract_strided_slice %sub3A_3085 {offsets = [13], sizes = [1], strides = [1]} : vector<16xf32> to vector<1xf32>
      %squeeze3A_3473 = vector.extract %slice3A_3472[0] : f32 from vector<1xf32>
      %swap3A_3474 = arith.constant 2 : i32
      %swap3A_3475 = arith.constant 13 : i32
      %swap3A_3476 = arith.index_cast %swap3A_3474 : i32 to index
      %swap3A_3477 = arith.index_cast %swap3A_3475 : i32 to index
      %swap3A_3478 = memref.load %arg11[%swap3A_3476, %swap3A_3477] : memref<4x32xf32, #tpu.memory_space<smem>>
      memref.store %squeeze3A_3473, %arg11[%swap3A_3476, %swap3A_3477] : memref<4x32xf32, #tpu.memory_space<smem>>
      %slice3A_3479 = vector.extract_strided_slice %sub3A_3087 {offsets = [13], sizes = [1], strides = [1]} : vector<16xf32> to vector<1xf32>
      %squeeze3A_3480 = vector.extract %slice3A_3479[0] : f32 from vector<1xf32>
      %swap3A_3481 = arith.constant 3 : i32
      %swap3A_3482 = arith.constant 13 : i32
      %swap3A_3483 = arith.index_cast %swap3A_3481 : i32 to index
      %swap3A_3484 = arith.index_cast %swap3A_3482 : i32 to index
      %swap3A_3485 = memref.load %arg11[%swap3A_3483, %swap3A_3484] : memref<4x32xf32, #tpu.memory_space<smem>>
      memref.store %squeeze3A_3480, %arg11[%swap3A_3483, %swap3A_3484] : memref<4x32xf32, #tpu.memory_space<smem>>
      %slice3A_3486 = vector.extract_strided_slice %mul3A_3090 {offsets = [14], sizes = [1], strides = [1]} : vector<16xi32> to vector<1xi32>
      %squeeze3A_3487 = vector.extract %slice3A_3486[0] : i32 from vector<1xi32>
      %swap3A_3488 = arith.constant 2 : i32
      %swap3A_3489 = arith.constant 14 : i32
      %swap3A_3490 = arith.index_cast %swap3A_3488 : i32 to index
      %swap3A_3491 = arith.index_cast %swap3A_3489 : i32 to index
      %swap3A_3492 = memref.load %arg10[%swap3A_3490, %swap3A_3491] : memref<4x32xi32, #tpu.memory_space<smem>>
      memref.store %squeeze3A_3487, %arg10[%swap3A_3490, %swap3A_3491] : memref<4x32xi32, #tpu.memory_space<smem>>
      %slice3A_3493 = vector.extract_strided_slice %mul3A_3093 {offsets = [14], sizes = [1], strides = [1]} : vector<16xi32> to vector<1xi32>
      %squeeze3A_3494 = vector.extract %slice3A_3493[0] : i32 from vector<1xi32>
      %swap3A_3495 = arith.constant 3 : i32
      %swap3A_3496 = arith.constant 14 : i32
      %swap3A_3497 = arith.index_cast %swap3A_3495 : i32 to index
      %swap3A_3498 = arith.index_cast %swap3A_3496 : i32 to index
      %swap3A_3499 = memref.load %arg10[%swap3A_3497, %swap3A_3498] : memref<4x32xi32, #tpu.memory_space<smem>>
      memref.store %squeeze3A_3494, %arg10[%swap3A_3497, %swap3A_3498] : memref<4x32xi32, #tpu.memory_space<smem>>
      %slice3A_3500 = vector.extract_strided_slice %sub3A_3085 {offsets = [14], sizes = [1], strides = [1]} : vector<16xf32> to vector<1xf32>
      %squeeze3A_3501 = vector.extract %slice3A_3500[0] : f32 from vector<1xf32>
      %swap3A_3502 = arith.constant 2 : i32
      %swap3A_3503 = arith.constant 14 : i32
      %swap3A_3504 = arith.index_cast %swap3A_3502 : i32 to index
      %swap3A_3505 = arith.index_cast %swap3A_3503 : i32 to index
      %swap3A_3506 = memref.load %arg11[%swap3A_3504, %swap3A_3505] : memref<4x32xf32, #tpu.memory_space<smem>>
      memref.store %squeeze3A_3501, %arg11[%swap3A_3504, %swap3A_3505] : memref<4x32xf32, #tpu.memory_space<smem>>
      %slice3A_3507 = vector.extract_strided_slice %sub3A_3087 {offsets = [14], sizes = [1], strides = [1]} : vector<16xf32> to vector<1xf32>
      %squeeze3A_3508 = vector.extract %slice3A_3507[0] : f32 from vector<1xf32>
      %swap3A_3509 = arith.constant 3 : i32
      %swap3A_3510 = arith.constant 14 : i32
      %swap3A_3511 = arith.index_cast %swap3A_3509 : i32 to index
      %swap3A_3512 = arith.index_cast %swap3A_3510 : i32 to index
      %swap3A_3513 = memref.load %arg11[%swap3A_3511, %swap3A_3512] : memref<4x32xf32, #tpu.memory_space<smem>>
      memref.store %squeeze3A_3508, %arg11[%swap3A_3511, %swap3A_3512] : memref<4x32xf32, #tpu.memory_space<smem>>
      %slice3A_3514 = vector.extract_strided_slice %mul3A_3090 {offsets = [15], sizes = [1], strides = [1]} : vector<16xi32> to vector<1xi32>
      %squeeze3A_3515 = vector.extract %slice3A_3514[0] : i32 from vector<1xi32>
      %swap3A_3516 = arith.constant 2 : i32
      %swap3A_3517 = arith.constant 15 : i32
      %swap3A_3518 = arith.index_cast %swap3A_3516 : i32 to index
      %swap3A_3519 = arith.index_cast %swap3A_3517 : i32 to index
      %swap3A_3520 = memref.load %arg10[%swap3A_3518, %swap3A_3519] : memref<4x32xi32, #tpu.memory_space<smem>>
      memref.store %squeeze3A_3515, %arg10[%swap3A_3518, %swap3A_3519] : memref<4x32xi32, #tpu.memory_space<smem>>
      %slice3A_3521 = vector.extract_strided_slice %mul3A_3093 {offsets = [15], sizes = [1], strides = [1]} : vector<16xi32> to vector<1xi32>
      %squeeze3A_3522 = vector.extract %slice3A_3521[0] : i32 from vector<1xi32>
      %swap3A_3523 = arith.constant 3 : i32
      %swap3A_3524 = arith.constant 15 : i32
      %swap3A_3525 = arith.index_cast %swap3A_3523 : i32 to index
      %swap3A_3526 = arith.index_cast %swap3A_3524 : i32 to index
      %swap3A_3527 = memref.load %arg10[%swap3A_3525, %swap3A_3526] : memref<4x32xi32, #tpu.memory_space<smem>>
      memref.store %squeeze3A_3522, %arg10[%swap3A_3525, %swap3A_3526] : memref<4x32xi32, #tpu.memory_space<smem>>
      %slice3A_3528 = vector.extract_strided_slice %sub3A_3085 {offsets = [15], sizes = [1], strides = [1]} : vector<16xf32> to vector<1xf32>
      %squeeze3A_3529 = vector.extract %slice3A_3528[0] : f32 from vector<1xf32>
      %swap3A_3530 = arith.constant 2 : i32
      %swap3A_3531 = arith.constant 15 : i32
      %swap3A_3532 = arith.index_cast %swap3A_3530 : i32 to index
      %swap3A_3533 = arith.index_cast %swap3A_3531 : i32 to index
      %swap3A_3534 = memref.load %arg11[%swap3A_3532, %swap3A_3533] : memref<4x32xf32, #tpu.memory_space<smem>>
      memref.store %squeeze3A_3529, %arg11[%swap3A_3532, %swap3A_3533] : memref<4x32xf32, #tpu.memory_space<smem>>
      %slice3A_3535 = vector.extract_strided_slice %sub3A_3087 {offsets = [15], sizes = [1], strides = [1]} : vector<16xf32> to vector<1xf32>
      %squeeze3A_3536 = vector.extract %slice3A_3535[0] : f32 from vector<1xf32>
      %swap3A_3537 = arith.constant 3 : i32
      %swap3A_3538 = arith.constant 15 : i32
      %swap3A_3539 = arith.index_cast %swap3A_3537 : i32 to index
      %swap3A_3540 = arith.index_cast %swap3A_3538 : i32 to index
      %swap3A_3541 = memref.load %arg11[%swap3A_3539, %swap3A_3540] : memref<4x32xf32, #tpu.memory_space<smem>>
      memref.store %squeeze3A_3536, %arg11[%swap3A_3539, %swap3A_3540] : memref<4x32xf32, #tpu.memory_space<smem>>
      %mul3A_3542 = arith.constant 64 : i32
      %mul3A_3543 = arith.muli %add3A_2044, %mul3A_3542 : i32
      %add3A_3544 = arith.constant 32 : i32
      %add3A_3545 = arith.addi %mul3A_3543, %add3A_3544 : i32
      %add3A_3546 = arith.constant 16 : i32
      %add3A_3547 = arith.addi %add3A_3545, %add3A_3546 : i32
      %get3A_3548 = arith.index_cast %add3A_3547 : i32 to index
      %get3A_3549 = tpu.vector_load %arg9[%get3A_3548] {strides = array<i32>} : memref<4096xf32, #tpu.memory_space<vmem>>, vector<16xf32>,
      %get3A_3550 = vector.shape_cast %get3A_3549 : vector<16xf32> to vector<16xf32>
      %add3A_3551 = arith.constant 1.000000e+00 : f32
      %add3A_3552 = vector.broadcast %add3A_3551 : f32 to vector<16xf32>
      %add3A_3553 = arith.addf %get3A_3550, %add3A_3552 : vector<16xf32>
      %mul3A_3554 = arith.constant 1.600000e+01 : f32
      %mul3A_3555 = vector.broadcast %mul3A_3554 : f32 to vector<16xf32>
      %mul3A_3556 = arith.mulf %add3A_3553, %mul3A_3555 : vector<16xf32>
      %convert_element_type3A_3557 = arith.fptosi %mul3A_3556 : vector<16xf32> to vector<16xi32>
      %convert_element_type3A_3558 = arith.sitofp %convert_element_type3A_3557 : vector<16xi32> to vector<16xf32>
      %gt3A_3559 = arith.cmpf ogt, %convert_element_type3A_3558, %mul3A_3556 : vector<16xf32>
      %sub3A_3560 = arith.constant 1 : i32
      %sub3A_3561 = vector.broadcast %sub3A_3560 : i32 to vector<16xi32>
      %sub3A_3562 = arith.subi %convert_element_type3A_3557, %sub3A_3561 : vector<16xi32>
      %select_n3A_3563 = arith.select %gt3A_3559, %sub3A_3562, %convert_element_type3A_3557 : vector<16xi1>, vector<16xi32>
      %jit3A_3564 = arith.constant 0 : i32
      %jit3A_3565 = arith.constant 31 : i32
      %max3A_3566 = vector.broadcast %jit3A_3564 : i32 to vector<16xi32>
      %max3A_3567 = arith.maxsi %max3A_3566, %select_n3A_3563 : vector<16xi32>
      %min3A_3568 = vector.broadcast %jit3A_3565 : i32 to vector<16xi32>
      %min3A_3569 = arith.minsi %min3A_3568, %max3A_3567 : vector<16xi32>
      %add3A_3570 = arith.constant 1 : i32
      %add3A_3571 = vector.broadcast %add3A_3570 : i32 to vector<16xi32>
      %add3A_3572 = arith.addi %select_n3A_3563, %add3A_3571 : vector<16xi32>
      %jit3A_3573 = arith.constant 0 : i32
      %jit3A_3574 = arith.constant 31 : i32
      %max3A_3575 = vector.broadcast %jit3A_3573 : i32 to vector<16xi32>
      %max3A_3576 = arith.maxsi %max3A_3575, %add3A_3572 : vector<16xi32>
      %min3A_3577 = vector.broadcast %jit3A_3574 : i32 to vector<16xi32>
      %min3A_3578 = arith.minsi %min3A_3577, %max3A_3576 : vector<16xi32>
      %convert_element_type3A_3579 = arith.sitofp %min3A_3578 : vector<16xi32> to vector<16xf32>
      %sub3A_3580 = arith.subf %convert_element_type3A_3579, %mul3A_3556 : vector<16xf32>
      %convert_element_type3A_3581 = arith.sitofp %min3A_3569 : vector<16xi32> to vector<16xf32>
      %sub3A_3582 = arith.subf %mul3A_3556, %convert_element_type3A_3581 : vector<16xf32>
      %mul3A_3583 = arith.constant 512 : i32
      %mul3A_3584 = vector.broadcast %mul3A_3583 : i32 to vector<16xi32>
      %mul3A_3585 = arith.muli %min3A_3569, %mul3A_3584 : vector<16xi32>
      %mul3A_3586 = arith.constant 512 : i32
      %mul3A_3587 = vector.broadcast %mul3A_3586 : i32 to vector<16xi32>
      %mul3A_3588 = arith.muli %min3A_3578, %mul3A_3587 : vector<16xi32>
      %slice3A_3589 = vector.extract_strided_slice %mul3A_3585 {offsets = [0], sizes = [1], strides = [1]} : vector<16xi32> to vector<1xi32>
      %squeeze3A_3590 = vector.extract %slice3A_3589[0] : i32 from vector<1xi32>
      %swap3A_3591 = arith.constant 2 : i32
      %swap3A_3592 = arith.constant 16 : i32
      %swap3A_3593 = arith.index_cast %swap3A_3591 : i32 to index
      %swap3A_3594 = arith.index_cast %swap3A_3592 : i32 to index
      %swap3A_3595 = memref.load %arg10[%swap3A_3593, %swap3A_3594] : memref<4x32xi32, #tpu.memory_space<smem>>
      memref.store %squeeze3A_3590, %arg10[%swap3A_3593, %swap3A_3594] : memref<4x32xi32, #tpu.memory_space<smem>>
      %slice3A_3596 = vector.extract_strided_slice %mul3A_3588 {offsets = [0], sizes = [1], strides = [1]} : vector<16xi32> to vector<1xi32>
      %squeeze3A_3597 = vector.extract %slice3A_3596[0] : i32 from vector<1xi32>
      %swap3A_3598 = arith.constant 3 : i32
      %swap3A_3599 = arith.constant 16 : i32
      %swap3A_3600 = arith.index_cast %swap3A_3598 : i32 to index
      %swap3A_3601 = arith.index_cast %swap3A_3599 : i32 to index
      %swap3A_3602 = memref.load %arg10[%swap3A_3600, %swap3A_3601] : memref<4x32xi32, #tpu.memory_space<smem>>
      memref.store %squeeze3A_3597, %arg10[%swap3A_3600, %swap3A_3601] : memref<4x32xi32, #tpu.memory_space<smem>>
      %slice3A_3603 = vector.extract_strided_slice %sub3A_3580 {offsets = [0], sizes = [1], strides = [1]} : vector<16xf32> to vector<1xf32>
      %squeeze3A_3604 = vector.extract %slice3A_3603[0] : f32 from vector<1xf32>
      %swap3A_3605 = arith.constant 2 : i32
      %swap3A_3606 = arith.constant 16 : i32
      %swap3A_3607 = arith.index_cast %swap3A_3605 : i32 to index
      %swap3A_3608 = arith.index_cast %swap3A_3606 : i32 to index
      %swap3A_3609 = memref.load %arg11[%swap3A_3607, %swap3A_3608] : memref<4x32xf32, #tpu.memory_space<smem>>
      memref.store %squeeze3A_3604, %arg11[%swap3A_3607, %swap3A_3608] : memref<4x32xf32, #tpu.memory_space<smem>>
      %slice3A_3610 = vector.extract_strided_slice %sub3A_3582 {offsets = [0], sizes = [1], strides = [1]} : vector<16xf32> to vector<1xf32>
      %squeeze3A_3611 = vector.extract %slice3A_3610[0] : f32 from vector<1xf32>
      %swap3A_3612 = arith.constant 3 : i32
      %swap3A_3613 = arith.constant 16 : i32
      %swap3A_3614 = arith.index_cast %swap3A_3612 : i32 to index
      %swap3A_3615 = arith.index_cast %swap3A_3613 : i32 to index
      %swap3A_3616 = memref.load %arg11[%swap3A_3614, %swap3A_3615] : memref<4x32xf32, #tpu.memory_space<smem>>
      memref.store %squeeze3A_3611, %arg11[%swap3A_3614, %swap3A_3615] : memref<4x32xf32, #tpu.memory_space<smem>>
      %slice3A_3617 = vector.extract_strided_slice %mul3A_3585 {offsets = [1], sizes = [1], strides = [1]} : vector<16xi32> to vector<1xi32>
      %squeeze3A_3618 = vector.extract %slice3A_3617[0] : i32 from vector<1xi32>
      %swap3A_3619 = arith.constant 2 : i32
      %swap3A_3620 = arith.constant 17 : i32
      %swap3A_3621 = arith.index_cast %swap3A_3619 : i32 to index
      %swap3A_3622 = arith.index_cast %swap3A_3620 : i32 to index
      %swap3A_3623 = memref.load %arg10[%swap3A_3621, %swap3A_3622] : memref<4x32xi32, #tpu.memory_space<smem>>
      memref.store %squeeze3A_3618, %arg10[%swap3A_3621, %swap3A_3622] : memref<4x32xi32, #tpu.memory_space<smem>>
      %slice3A_3624 = vector.extract_strided_slice %mul3A_3588 {offsets = [1], sizes = [1], strides = [1]} : vector<16xi32> to vector<1xi32>
      %squeeze3A_3625 = vector.extract %slice3A_3624[0] : i32 from vector<1xi32>
      %swap3A_3626 = arith.constant 3 : i32
      %swap3A_3627 = arith.constant 17 : i32
      %swap3A_3628 = arith.index_cast %swap3A_3626 : i32 to index
      %swap3A_3629 = arith.index_cast %swap3A_3627 : i32 to index
      %swap3A_3630 = memref.load %arg10[%swap3A_3628, %swap3A_3629] : memref<4x32xi32, #tpu.memory_space<smem>>
      memref.store %squeeze3A_3625, %arg10[%swap3A_3628, %swap3A_3629] : memref<4x32xi32, #tpu.memory_space<smem>>
      %slice3A_3631 = vector.extract_strided_slice %sub3A_3580 {offsets = [1], sizes = [1], strides = [1]} : vector<16xf32> to vector<1xf32>
      %squeeze3A_3632 = vector.extract %slice3A_3631[0] : f32 from vector<1xf32>
      %swap3A_3633 = arith.constant 2 : i32
      %swap3A_3634 = arith.constant 17 : i32
      %swap3A_3635 = arith.index_cast %swap3A_3633 : i32 to index
      %swap3A_3636 = arith.index_cast %swap3A_3634 : i32 to index
      %swap3A_3637 = memref.load %arg11[%swap3A_3635, %swap3A_3636] : memref<4x32xf32, #tpu.memory_space<smem>>
      memref.store %squeeze3A_3632, %arg11[%swap3A_3635, %swap3A_3636] : memref<4x32xf32, #tpu.memory_space<smem>>
      %slice3A_3638 = vector.extract_strided_slice %sub3A_3582 {offsets = [1], sizes = [1], strides = [1]} : vector<16xf32> to vector<1xf32>
      %squeeze3A_3639 = vector.extract %slice3A_3638[0] : f32 from vector<1xf32>
      %swap3A_3640 = arith.constant 3 : i32
      %swap3A_3641 = arith.constant 17 : i32
      %swap3A_3642 = arith.index_cast %swap3A_3640 : i32 to index
      %swap3A_3643 = arith.index_cast %swap3A_3641 : i32 to index
      %swap3A_3644 = memref.load %arg11[%swap3A_3642, %swap3A_3643] : memref<4x32xf32, #tpu.memory_space<smem>>
      memref.store %squeeze3A_3639, %arg11[%swap3A_3642, %swap3A_3643] : memref<4x32xf32, #tpu.memory_space<smem>>
      %slice3A_3645 = vector.extract_strided_slice %mul3A_3585 {offsets = [2], sizes = [1], strides = [1]} : vector<16xi32> to vector<1xi32>
      %squeeze3A_3646 = vector.extract %slice3A_3645[0] : i32 from vector<1xi32>
      %swap3A_3647 = arith.constant 2 : i32
      %swap3A_3648 = arith.constant 18 : i32
      %swap3A_3649 = arith.index_cast %swap3A_3647 : i32 to index
      %swap3A_3650 = arith.index_cast %swap3A_3648 : i32 to index
      %swap3A_3651 = memref.load %arg10[%swap3A_3649, %swap3A_3650] : memref<4x32xi32, #tpu.memory_space<smem>>
      memref.store %squeeze3A_3646, %arg10[%swap3A_3649, %swap3A_3650] : memref<4x32xi32, #tpu.memory_space<smem>>
      %slice3A_3652 = vector.extract_strided_slice %mul3A_3588 {offsets = [2], sizes = [1], strides = [1]} : vector<16xi32> to vector<1xi32>
      %squeeze3A_3653 = vector.extract %slice3A_3652[0] : i32 from vector<1xi32>
      %swap3A_3654 = arith.constant 3 : i32
      %swap3A_3655 = arith.constant 18 : i32
      %swap3A_3656 = arith.index_cast %swap3A_3654 : i32 to index
      %swap3A_3657 = arith.index_cast %swap3A_3655 : i32 to index
      %swap3A_3658 = memref.load %arg10[%swap3A_3656, %swap3A_3657] : memref<4x32xi32, #tpu.memory_space<smem>>
      memref.store %squeeze3A_3653, %arg10[%swap3A_3656, %swap3A_3657] : memref<4x32xi32, #tpu.memory_space<smem>>
      %slice3A_3659 = vector.extract_strided_slice %sub3A_3580 {offsets = [2], sizes = [1], strides = [1]} : vector<16xf32> to vector<1xf32>
      %squeeze3A_3660 = vector.extract %slice3A_3659[0] : f32 from vector<1xf32>
      %swap3A_3661 = arith.constant 2 : i32
      %swap3A_3662 = arith.constant 18 : i32
      %swap3A_3663 = arith.index_cast %swap3A_3661 : i32 to index
      %swap3A_3664 = arith.index_cast %swap3A_3662 : i32 to index
      %swap3A_3665 = memref.load %arg11[%swap3A_3663, %swap3A_3664] : memref<4x32xf32, #tpu.memory_space<smem>>
      memref.store %squeeze3A_3660, %arg11[%swap3A_3663, %swap3A_3664] : memref<4x32xf32, #tpu.memory_space<smem>>
      %slice3A_3666 = vector.extract_strided_slice %sub3A_3582 {offsets = [2], sizes = [1], strides = [1]} : vector<16xf32> to vector<1xf32>
      %squeeze3A_3667 = vector.extract %slice3A_3666[0] : f32 from vector<1xf32>
      %swap3A_3668 = arith.constant 3 : i32
      %swap3A_3669 = arith.constant 18 : i32
      %swap3A_3670 = arith.index_cast %swap3A_3668 : i32 to index
      %swap3A_3671 = arith.index_cast %swap3A_3669 : i32 to index
      %swap3A_3672 = memref.load %arg11[%swap3A_3670, %swap3A_3671] : memref<4x32xf32, #tpu.memory_space<smem>>
      memref.store %squeeze3A_3667, %arg11[%swap3A_3670, %swap3A_3671] : memref<4x32xf32, #tpu.memory_space<smem>>
      %slice3A_3673 = vector.extract_strided_slice %mul3A_3585 {offsets = [3], sizes = [1], strides = [1]} : vector<16xi32> to vector<1xi32>
      %squeeze3A_3674 = vector.extract %slice3A_3673[0] : i32 from vector<1xi32>
      %swap3A_3675 = arith.constant 2 : i32
      %swap3A_3676 = arith.constant 19 : i32
      %swap3A_3677 = arith.index_cast %swap3A_3675 : i32 to index
      %swap3A_3678 = arith.index_cast %swap3A_3676 : i32 to index
      %swap3A_3679 = memref.load %arg10[%swap3A_3677, %swap3A_3678] : memref<4x32xi32, #tpu.memory_space<smem>>
      memref.store %squeeze3A_3674, %arg10[%swap3A_3677, %swap3A_3678] : memref<4x32xi32, #tpu.memory_space<smem>>
      %slice3A_3680 = vector.extract_strided_slice %mul3A_3588 {offsets = [3], sizes = [1], strides = [1]} : vector<16xi32> to vector<1xi32>
      %squeeze3A_3681 = vector.extract %slice3A_3680[0] : i32 from vector<1xi32>
      %swap3A_3682 = arith.constant 3 : i32
      %swap3A_3683 = arith.constant 19 : i32
      %swap3A_3684 = arith.index_cast %swap3A_3682 : i32 to index
      %swap3A_3685 = arith.index_cast %swap3A_3683 : i32 to index
      %swap3A_3686 = memref.load %arg10[%swap3A_3684, %swap3A_3685] : memref<4x32xi32, #tpu.memory_space<smem>>
      memref.store %squeeze3A_3681, %arg10[%swap3A_3684, %swap3A_3685] : memref<4x32xi32, #tpu.memory_space<smem>>
      %slice3A_3687 = vector.extract_strided_slice %sub3A_3580 {offsets = [3], sizes = [1], strides = [1]} : vector<16xf32> to vector<1xf32>
      %squeeze3A_3688 = vector.extract %slice3A_3687[0] : f32 from vector<1xf32>
      %swap3A_3689 = arith.constant 2 : i32
      %swap3A_3690 = arith.constant 19 : i32
      %swap3A_3691 = arith.index_cast %swap3A_3689 : i32 to index
      %swap3A_3692 = arith.index_cast %swap3A_3690 : i32 to index
      %swap3A_3693 = memref.load %arg11[%swap3A_3691, %swap3A_3692] : memref<4x32xf32, #tpu.memory_space<smem>>
      memref.store %squeeze3A_3688, %arg11[%swap3A_3691, %swap3A_3692] : memref<4x32xf32, #tpu.memory_space<smem>>
      %slice3A_3694 = vector.extract_strided_slice %sub3A_3582 {offsets = [3], sizes = [1], strides = [1]} : vector<16xf32> to vector<1xf32>
      %squeeze3A_3695 = vector.extract %slice3A_3694[0] : f32 from vector<1xf32>
      %swap3A_3696 = arith.constant 3 : i32
      %swap3A_3697 = arith.constant 19 : i32
      %swap3A_3698 = arith.index_cast %swap3A_3696 : i32 to index
      %swap3A_3699 = arith.index_cast %swap3A_3697 : i32 to index
      %swap3A_3700 = memref.load %arg11[%swap3A_3698, %swap3A_3699] : memref<4x32xf32, #tpu.memory_space<smem>>
      memref.store %squeeze3A_3695, %arg11[%swap3A_3698, %swap3A_3699] : memref<4x32xf32, #tpu.memory_space<smem>>
      %slice3A_3701 = vector.extract_strided_slice %mul3A_3585 {offsets = [4], sizes = [1], strides = [1]} : vector<16xi32> to vector<1xi32>
      %squeeze3A_3702 = vector.extract %slice3A_3701[0] : i32 from vector<1xi32>
      %swap3A_3703 = arith.constant 2 : i32
      %swap3A_3704 = arith.constant 20 : i32
      %swap3A_3705 = arith.index_cast %swap3A_3703 : i32 to index
      %swap3A_3706 = arith.index_cast %swap3A_3704 : i32 to index
      %swap3A_3707 = memref.load %arg10[%swap3A_3705, %swap3A_3706] : memref<4x32xi32, #tpu.memory_space<smem>>
      memref.store %squeeze3A_3702, %arg10[%swap3A_3705, %swap3A_3706] : memref<4x32xi32, #tpu.memory_space<smem>>
      %slice3A_3708 = vector.extract_strided_slice %mul3A_3588 {offsets = [4], sizes = [1], strides = [1]} : vector<16xi32> to vector<1xi32>
      %squeeze3A_3709 = vector.extract %slice3A_3708[0] : i32 from vector<1xi32>
      %swap3A_3710 = arith.constant 3 : i32
      %swap3A_3711 = arith.constant 20 : i32
      %swap3A_3712 = arith.index_cast %swap3A_3710 : i32 to index
      %swap3A_3713 = arith.index_cast %swap3A_3711 : i32 to index
      %swap3A_3714 = memref.load %arg10[%swap3A_3712, %swap3A_3713] : memref<4x32xi32, #tpu.memory_space<smem>>
      memref.store %squeeze3A_3709, %arg10[%swap3A_3712, %swap3A_3713] : memref<4x32xi32, #tpu.memory_space<smem>>
      %slice3A_3715 = vector.extract_strided_slice %sub3A_3580 {offsets = [4], sizes = [1], strides = [1]} : vector<16xf32> to vector<1xf32>
      %squeeze3A_3716 = vector.extract %slice3A_3715[0] : f32 from vector<1xf32>
      %swap3A_3717 = arith.constant 2 : i32
      %swap3A_3718 = arith.constant 20 : i32
      %swap3A_3719 = arith.index_cast %swap3A_3717 : i32 to index
      %swap3A_3720 = arith.index_cast %swap3A_3718 : i32 to index
      %swap3A_3721 = memref.load %arg11[%swap3A_3719, %swap3A_3720] : memref<4x32xf32, #tpu.memory_space<smem>>
      memref.store %squeeze3A_3716, %arg11[%swap3A_3719, %swap3A_3720] : memref<4x32xf32, #tpu.memory_space<smem>>
      %slice3A_3722 = vector.extract_strided_slice %sub3A_3582 {offsets = [4], sizes = [1], strides = [1]} : vector<16xf32> to vector<1xf32>
      %squeeze3A_3723 = vector.extract %slice3A_3722[0] : f32 from vector<1xf32>
      %swap3A_3724 = arith.constant 3 : i32
      %swap3A_3725 = arith.constant 20 : i32
      %swap3A_3726 = arith.index_cast %swap3A_3724 : i32 to index
      %swap3A_3727 = arith.index_cast %swap3A_3725 : i32 to index
      %swap3A_3728 = memref.load %arg11[%swap3A_3726, %swap3A_3727] : memref<4x32xf32, #tpu.memory_space<smem>>
      memref.store %squeeze3A_3723, %arg11[%swap3A_3726, %swap3A_3727] : memref<4x32xf32, #tpu.memory_space<smem>>
      %slice3A_3729 = vector.extract_strided_slice %mul3A_3585 {offsets = [5], sizes = [1], strides = [1]} : vector<16xi32> to vector<1xi32>
      %squeeze3A_3730 = vector.extract %slice3A_3729[0] : i32 from vector<1xi32>
      %swap3A_3731 = arith.constant 2 : i32
      %swap3A_3732 = arith.constant 21 : i32
      %swap3A_3733 = arith.index_cast %swap3A_3731 : i32 to index
      %swap3A_3734 = arith.index_cast %swap3A_3732 : i32 to index
      %swap3A_3735 = memref.load %arg10[%swap3A_3733, %swap3A_3734] : memref<4x32xi32, #tpu.memory_space<smem>>
      memref.store %squeeze3A_3730, %arg10[%swap3A_3733, %swap3A_3734] : memref<4x32xi32, #tpu.memory_space<smem>>
      %slice3A_3736 = vector.extract_strided_slice %mul3A_3588 {offsets = [5], sizes = [1], strides = [1]} : vector<16xi32> to vector<1xi32>
      %squeeze3A_3737 = vector.extract %slice3A_3736[0] : i32 from vector<1xi32>
      %swap3A_3738 = arith.constant 3 : i32
      %swap3A_3739 = arith.constant 21 : i32
      %swap3A_3740 = arith.index_cast %swap3A_3738 : i32 to index
      %swap3A_3741 = arith.index_cast %swap3A_3739 : i32 to index
      %swap3A_3742 = memref.load %arg10[%swap3A_3740, %swap3A_3741] : memref<4x32xi32, #tpu.memory_space<smem>>
      memref.store %squeeze3A_3737, %arg10[%swap3A_3740, %swap3A_3741] : memref<4x32xi32, #tpu.memory_space<smem>>
      %slice3A_3743 = vector.extract_strided_slice %sub3A_3580 {offsets = [5], sizes = [1], strides = [1]} : vector<16xf32> to vector<1xf32>
      %squeeze3A_3744 = vector.extract %slice3A_3743[0] : f32 from vector<1xf32>
      %swap3A_3745 = arith.constant 2 : i32
      %swap3A_3746 = arith.constant 21 : i32
      %swap3A_3747 = arith.index_cast %swap3A_3745 : i32 to index
      %swap3A_3748 = arith.index_cast %swap3A_3746 : i32 to index
      %swap3A_3749 = memref.load %arg11[%swap3A_3747, %swap3A_3748] : memref<4x32xf32, #tpu.memory_space<smem>>
      memref.store %squeeze3A_3744, %arg11[%swap3A_3747, %swap3A_3748] : memref<4x32xf32, #tpu.memory_space<smem>>
      %slice3A_3750 = vector.extract_strided_slice %sub3A_3582 {offsets = [5], sizes = [1], strides = [1]} : vector<16xf32> to vector<1xf32>
      %squeeze3A_3751 = vector.extract %slice3A_3750[0] : f32 from vector<1xf32>
      %swap3A_3752 = arith.constant 3 : i32
      %swap3A_3753 = arith.constant 21 : i32
      %swap3A_3754 = arith.index_cast %swap3A_3752 : i32 to index
      %swap3A_3755 = arith.index_cast %swap3A_3753 : i32 to index
      %swap3A_3756 = memref.load %arg11[%swap3A_3754, %swap3A_3755] : memref<4x32xf32, #tpu.memory_space<smem>>
      memref.store %squeeze3A_3751, %arg11[%swap3A_3754, %swap3A_3755] : memref<4x32xf32, #tpu.memory_space<smem>>
      %slice3A_3757 = vector.extract_strided_slice %mul3A_3585 {offsets = [6], sizes = [1], strides = [1]} : vector<16xi32> to vector<1xi32>
      %squeeze3A_3758 = vector.extract %slice3A_3757[0] : i32 from vector<1xi32>
      %swap3A_3759 = arith.constant 2 : i32
      %swap3A_3760 = arith.constant 22 : i32
      %swap3A_3761 = arith.index_cast %swap3A_3759 : i32 to index
      %swap3A_3762 = arith.index_cast %swap3A_3760 : i32 to index
      %swap3A_3763 = memref.load %arg10[%swap3A_3761, %swap3A_3762] : memref<4x32xi32, #tpu.memory_space<smem>>
      memref.store %squeeze3A_3758, %arg10[%swap3A_3761, %swap3A_3762] : memref<4x32xi32, #tpu.memory_space<smem>>
      %slice3A_3764 = vector.extract_strided_slice %mul3A_3588 {offsets = [6], sizes = [1], strides = [1]} : vector<16xi32> to vector<1xi32>
      %squeeze3A_3765 = vector.extract %slice3A_3764[0] : i32 from vector<1xi32>
      %swap3A_3766 = arith.constant 3 : i32
      %swap3A_3767 = arith.constant 22 : i32
      %swap3A_3768 = arith.index_cast %swap3A_3766 : i32 to index
      %swap3A_3769 = arith.index_cast %swap3A_3767 : i32 to index
      %swap3A_3770 = memref.load %arg10[%swap3A_3768, %swap3A_3769] : memref<4x32xi32, #tpu.memory_space<smem>>
      memref.store %squeeze3A_3765, %arg10[%swap3A_3768, %swap3A_3769] : memref<4x32xi32, #tpu.memory_space<smem>>
      %slice3A_3771 = vector.extract_strided_slice %sub3A_3580 {offsets = [6], sizes = [1], strides = [1]} : vector<16xf32> to vector<1xf32>
      %squeeze3A_3772 = vector.extract %slice3A_3771[0] : f32 from vector<1xf32>
      %swap3A_3773 = arith.constant 2 : i32
      %swap3A_3774 = arith.constant 22 : i32
      %swap3A_3775 = arith.index_cast %swap3A_3773 : i32 to index
      %swap3A_3776 = arith.index_cast %swap3A_3774 : i32 to index
      %swap3A_3777 = memref.load %arg11[%swap3A_3775, %swap3A_3776] : memref<4x32xf32, #tpu.memory_space<smem>>
      memref.store %squeeze3A_3772, %arg11[%swap3A_3775, %swap3A_3776] : memref<4x32xf32, #tpu.memory_space<smem>>
      %slice3A_3778 = vector.extract_strided_slice %sub3A_3582 {offsets = [6], sizes = [1], strides = [1]} : vector<16xf32> to vector<1xf32>
      %squeeze3A_3779 = vector.extract %slice3A_3778[0] : f32 from vector<1xf32>
      %swap3A_3780 = arith.constant 3 : i32
      %swap3A_3781 = arith.constant 22 : i32
      %swap3A_3782 = arith.index_cast %swap3A_3780 : i32 to index
      %swap3A_3783 = arith.index_cast %swap3A_3781 : i32 to index
      %swap3A_3784 = memref.load %arg11[%swap3A_3782, %swap3A_3783] : memref<4x32xf32, #tpu.memory_space<smem>>
      memref.store %squeeze3A_3779, %arg11[%swap3A_3782, %swap3A_3783] : memref<4x32xf32, #tpu.memory_space<smem>>
      %slice3A_3785 = vector.extract_strided_slice %mul3A_3585 {offsets = [7], sizes = [1], strides = [1]} : vector<16xi32> to vector<1xi32>
      %squeeze3A_3786 = vector.extract %slice3A_3785[0] : i32 from vector<1xi32>
      %swap3A_3787 = arith.constant 2 : i32
      %swap3A_3788 = arith.constant 23 : i32
      %swap3A_3789 = arith.index_cast %swap3A_3787 : i32 to index
      %swap3A_3790 = arith.index_cast %swap3A_3788 : i32 to index
      %swap3A_3791 = memref.load %arg10[%swap3A_3789, %swap3A_3790] : memref<4x32xi32, #tpu.memory_space<smem>>
      memref.store %squeeze3A_3786, %arg10[%swap3A_3789, %swap3A_3790] : memref<4x32xi32, #tpu.memory_space<smem>>
      %slice3A_3792 = vector.extract_strided_slice %mul3A_3588 {offsets = [7], sizes = [1], strides = [1]} : vector<16xi32> to vector<1xi32>
      %squeeze3A_3793 = vector.extract %slice3A_3792[0] : i32 from vector<1xi32>
      %swap3A_3794 = arith.constant 3 : i32
      %swap3A_3795 = arith.constant 23 : i32
      %swap3A_3796 = arith.index_cast %swap3A_3794 : i32 to index
      %swap3A_3797 = arith.index_cast %swap3A_3795 : i32 to index
      %swap3A_3798 = memref.load %arg10[%swap3A_3796, %swap3A_3797] : memref<4x32xi32, #tpu.memory_space<smem>>
      memref.store %squeeze3A_3793, %arg10[%swap3A_3796, %swap3A_3797] : memref<4x32xi32, #tpu.memory_space<smem>>
      %slice3A_3799 = vector.extract_strided_slice %sub3A_3580 {offsets = [7], sizes = [1], strides = [1]} : vector<16xf32> to vector<1xf32>
      %squeeze3A_3800 = vector.extract %slice3A_3799[0] : f32 from vector<1xf32>
      %swap3A_3801 = arith.constant 2 : i32
      %swap3A_3802 = arith.constant 23 : i32
      %swap3A_3803 = arith.index_cast %swap3A_3801 : i32 to index
      %swap3A_3804 = arith.index_cast %swap3A_3802 : i32 to index
      %swap3A_3805 = memref.load %arg11[%swap3A_3803, %swap3A_3804] : memref<4x32xf32, #tpu.memory_space<smem>>
      memref.store %squeeze3A_3800, %arg11[%swap3A_3803, %swap3A_3804] : memref<4x32xf32, #tpu.memory_space<smem>>
      %slice3A_3806 = vector.extract_strided_slice %sub3A_3582 {offsets = [7], sizes = [1], strides = [1]} : vector<16xf32> to vector<1xf32>
      %squeeze3A_3807 = vector.extract %slice3A_3806[0] : f32 from vector<1xf32>
      %swap3A_3808 = arith.constant 3 : i32
      %swap3A_3809 = arith.constant 23 : i32
      %swap3A_3810 = arith.index_cast %swap3A_3808 : i32 to index
      %swap3A_3811 = arith.index_cast %swap3A_3809 : i32 to index
      %swap3A_3812 = memref.load %arg11[%swap3A_3810, %swap3A_3811] : memref<4x32xf32, #tpu.memory_space<smem>>
      memref.store %squeeze3A_3807, %arg11[%swap3A_3810, %swap3A_3811] : memref<4x32xf32, #tpu.memory_space<smem>>
      %slice3A_3813 = vector.extract_strided_slice %mul3A_3585 {offsets = [8], sizes = [1], strides = [1]} : vector<16xi32> to vector<1xi32>
      %squeeze3A_3814 = vector.extract %slice3A_3813[0] : i32 from vector<1xi32>
      %swap3A_3815 = arith.constant 2 : i32
      %swap3A_3816 = arith.constant 24 : i32
      %swap3A_3817 = arith.index_cast %swap3A_3815 : i32 to index
      %swap3A_3818 = arith.index_cast %swap3A_3816 : i32 to index
      %swap3A_3819 = memref.load %arg10[%swap3A_3817, %swap3A_3818] : memref<4x32xi32, #tpu.memory_space<smem>>
      memref.store %squeeze3A_3814, %arg10[%swap3A_3817, %swap3A_3818] : memref<4x32xi32, #tpu.memory_space<smem>>
      %slice3A_3820 = vector.extract_strided_slice %mul3A_3588 {offsets = [8], sizes = [1], strides = [1]} : vector<16xi32> to vector<1xi32>
      %squeeze3A_3821 = vector.extract %slice3A_3820[0] : i32 from vector<1xi32>
      %swap3A_3822 = arith.constant 3 : i32
      %swap3A_3823 = arith.constant 24 : i32
      %swap3A_3824 = arith.index_cast %swap3A_3822 : i32 to index
      %swap3A_3825 = arith.index_cast %swap3A_3823 : i32 to index
      %swap3A_3826 = memref.load %arg10[%swap3A_3824, %swap3A_3825] : memref<4x32xi32, #tpu.memory_space<smem>>
      memref.store %squeeze3A_3821, %arg10[%swap3A_3824, %swap3A_3825] : memref<4x32xi32, #tpu.memory_space<smem>>
      %slice3A_3827 = vector.extract_strided_slice %sub3A_3580 {offsets = [8], sizes = [1], strides = [1]} : vector<16xf32> to vector<1xf32>
      %squeeze3A_3828 = vector.extract %slice3A_3827[0] : f32 from vector<1xf32>
      %swap3A_3829 = arith.constant 2 : i32
      %swap3A_3830 = arith.constant 24 : i32
      %swap3A_3831 = arith.index_cast %swap3A_3829 : i32 to index
      %swap3A_3832 = arith.index_cast %swap3A_3830 : i32 to index
      %swap3A_3833 = memref.load %arg11[%swap3A_3831, %swap3A_3832] : memref<4x32xf32, #tpu.memory_space<smem>>
      memref.store %squeeze3A_3828, %arg11[%swap3A_3831, %swap3A_3832] : memref<4x32xf32, #tpu.memory_space<smem>>
      %slice3A_3834 = vector.extract_strided_slice %sub3A_3582 {offsets = [8], sizes = [1], strides = [1]} : vector<16xf32> to vector<1xf32>
      %squeeze3A_3835 = vector.extract %slice3A_3834[0] : f32 from vector<1xf32>
      %swap3A_3836 = arith.constant 3 : i32
      %swap3A_3837 = arith.constant 24 : i32
      %swap3A_3838 = arith.index_cast %swap3A_3836 : i32 to index
      %swap3A_3839 = arith.index_cast %swap3A_3837 : i32 to index
      %swap3A_3840 = memref.load %arg11[%swap3A_3838, %swap3A_3839] : memref<4x32xf32, #tpu.memory_space<smem>>
      memref.store %squeeze3A_3835, %arg11[%swap3A_3838, %swap3A_3839] : memref<4x32xf32, #tpu.memory_space<smem>>
      %slice3A_3841 = vector.extract_strided_slice %mul3A_3585 {offsets = [9], sizes = [1], strides = [1]} : vector<16xi32> to vector<1xi32>
      %squeeze3A_3842 = vector.extract %slice3A_3841[0] : i32 from vector<1xi32>
      %swap3A_3843 = arith.constant 2 : i32
      %swap3A_3844 = arith.constant 25 : i32
      %swap3A_3845 = arith.index_cast %swap3A_3843 : i32 to index
      %swap3A_3846 = arith.index_cast %swap3A_3844 : i32 to index
      %swap3A_3847 = memref.load %arg10[%swap3A_3845, %swap3A_3846] : memref<4x32xi32, #tpu.memory_space<smem>>
      memref.store %squeeze3A_3842, %arg10[%swap3A_3845, %swap3A_3846] : memref<4x32xi32, #tpu.memory_space<smem>>
      %slice3A_3848 = vector.extract_strided_slice %mul3A_3588 {offsets = [9], sizes = [1], strides = [1]} : vector<16xi32> to vector<1xi32>
      %squeeze3A_3849 = vector.extract %slice3A_3848[0] : i32 from vector<1xi32>
      %swap3A_3850 = arith.constant 3 : i32
      %swap3A_3851 = arith.constant 25 : i32
      %swap3A_3852 = arith.index_cast %swap3A_3850 : i32 to index
      %swap3A_3853 = arith.index_cast %swap3A_3851 : i32 to index
      %swap3A_3854 = memref.load %arg10[%swap3A_3852, %swap3A_3853] : memref<4x32xi32, #tpu.memory_space<smem>>
      memref.store %squeeze3A_3849, %arg10[%swap3A_3852, %swap3A_3853] : memref<4x32xi32, #tpu.memory_space<smem>>
      %slice3A_3855 = vector.extract_strided_slice %sub3A_3580 {offsets = [9], sizes = [1], strides = [1]} : vector<16xf32> to vector<1xf32>
      %squeeze3A_3856 = vector.extract %slice3A_3855[0] : f32 from vector<1xf32>
      %swap3A_3857 = arith.constant 2 : i32
      %swap3A_3858 = arith.constant 25 : i32
      %swap3A_3859 = arith.index_cast %swap3A_3857 : i32 to index
      %swap3A_3860 = arith.index_cast %swap3A_3858 : i32 to index
      %swap3A_3861 = memref.load %arg11[%swap3A_3859, %swap3A_3860] : memref<4x32xf32, #tpu.memory_space<smem>>
      memref.store %squeeze3A_3856, %arg11[%swap3A_3859, %swap3A_3860] : memref<4x32xf32, #tpu.memory_space<smem>>
      %slice3A_3862 = vector.extract_strided_slice %sub3A_3582 {offsets = [9], sizes = [1], strides = [1]} : vector<16xf32> to vector<1xf32>
      %squeeze3A_3863 = vector.extract %slice3A_3862[0] : f32 from vector<1xf32>
      %swap3A_3864 = arith.constant 3 : i32
      %swap3A_3865 = arith.constant 25 : i32
      %swap3A_3866 = arith.index_cast %swap3A_3864 : i32 to index
      %swap3A_3867 = arith.index_cast %swap3A_3865 : i32 to index
      %swap3A_3868 = memref.load %arg11[%swap3A_3866, %swap3A_3867] : memref<4x32xf32, #tpu.memory_space<smem>>
      memref.store %squeeze3A_3863, %arg11[%swap3A_3866, %swap3A_3867] : memref<4x32xf32, #tpu.memory_space<smem>>
      %slice3A_3869 = vector.extract_strided_slice %mul3A_3585 {offsets = [10], sizes = [1], strides = [1]} : vector<16xi32> to vector<1xi32>
      %squeeze3A_3870 = vector.extract %slice3A_3869[0] : i32 from vector<1xi32>
      %swap3A_3871 = arith.constant 2 : i32
      %swap3A_3872 = arith.constant 26 : i32
      %swap3A_3873 = arith.index_cast %swap3A_3871 : i32 to index
      %swap3A_3874 = arith.index_cast %swap3A_3872 : i32 to index
      %swap3A_3875 = memref.load %arg10[%swap3A_3873, %swap3A_3874] : memref<4x32xi32, #tpu.memory_space<smem>>
      memref.store %squeeze3A_3870, %arg10[%swap3A_3873, %swap3A_3874] : memref<4x32xi32, #tpu.memory_space<smem>>
      %slice3A_3876 = vector.extract_strided_slice %mul3A_3588 {offsets = [10], sizes = [1], strides = [1]} : vector<16xi32> to vector<1xi32>
      %squeeze3A_3877 = vector.extract %slice3A_3876[0] : i32 from vector<1xi32>
      %swap3A_3878 = arith.constant 3 : i32
      %swap3A_3879 = arith.constant 26 : i32
      %swap3A_3880 = arith.index_cast %swap3A_3878 : i32 to index
      %swap3A_3881 = arith.index_cast %swap3A_3879 : i32 to index
      %swap3A_3882 = memref.load %arg10[%swap3A_3880, %swap3A_3881] : memref<4x32xi32, #tpu.memory_space<smem>>
      memref.store %squeeze3A_3877, %arg10[%swap3A_3880, %swap3A_3881] : memref<4x32xi32, #tpu.memory_space<smem>>
      %slice3A_3883 = vector.extract_strided_slice %sub3A_3580 {offsets = [10], sizes = [1], strides = [1]} : vector<16xf32> to vector<1xf32>
      %squeeze3A_3884 = vector.extract %slice3A_3883[0] : f32 from vector<1xf32>
      %swap3A_3885 = arith.constant 2 : i32
      %swap3A_3886 = arith.constant 26 : i32
      %swap3A_3887 = arith.index_cast %swap3A_3885 : i32 to index
      %swap3A_3888 = arith.index_cast %swap3A_3886 : i32 to index
      %swap3A_3889 = memref.load %arg11[%swap3A_3887, %swap3A_3888] : memref<4x32xf32, #tpu.memory_space<smem>>
      memref.store %squeeze3A_3884, %arg11[%swap3A_3887, %swap3A_3888] : memref<4x32xf32, #tpu.memory_space<smem>>
      %slice3A_3890 = vector.extract_strided_slice %sub3A_3582 {offsets = [10], sizes = [1], strides = [1]} : vector<16xf32> to vector<1xf32>
      %squeeze3A_3891 = vector.extract %slice3A_3890[0] : f32 from vector<1xf32>
      %swap3A_3892 = arith.constant 3 : i32
      %swap3A_3893 = arith.constant 26 : i32
      %swap3A_3894 = arith.index_cast %swap3A_3892 : i32 to index
      %swap3A_3895 = arith.index_cast %swap3A_3893 : i32 to index
      %swap3A_3896 = memref.load %arg11[%swap3A_3894, %swap3A_3895] : memref<4x32xf32, #tpu.memory_space<smem>>
      memref.store %squeeze3A_3891, %arg11[%swap3A_3894, %swap3A_3895] : memref<4x32xf32, #tpu.memory_space<smem>>
      %slice3A_3897 = vector.extract_strided_slice %mul3A_3585 {offsets = [11], sizes = [1], strides = [1]} : vector<16xi32> to vector<1xi32>
      %squeeze3A_3898 = vector.extract %slice3A_3897[0] : i32 from vector<1xi32>
      %swap3A_3899 = arith.constant 2 : i32
      %swap3A_3900 = arith.constant 27 : i32
      %swap3A_3901 = arith.index_cast %swap3A_3899 : i32 to index
      %swap3A_3902 = arith.index_cast %swap3A_3900 : i32 to index
      %swap3A_3903 = memref.load %arg10[%swap3A_3901, %swap3A_3902] : memref<4x32xi32, #tpu.memory_space<smem>>
      memref.store %squeeze3A_3898, %arg10[%swap3A_3901, %swap3A_3902] : memref<4x32xi32, #tpu.memory_space<smem>>
      %slice3A_3904 = vector.extract_strided_slice %mul3A_3588 {offsets = [11], sizes = [1], strides = [1]} : vector<16xi32> to vector<1xi32>
      %squeeze3A_3905 = vector.extract %slice3A_3904[0] : i32 from vector<1xi32>
      %swap3A_3906 = arith.constant 3 : i32
      %swap3A_3907 = arith.constant 27 : i32
      %swap3A_3908 = arith.index_cast %swap3A_3906 : i32 to index
      %swap3A_3909 = arith.index_cast %swap3A_3907 : i32 to index
      %swap3A_3910 = memref.load %arg10[%swap3A_3908, %swap3A_3909] : memref<4x32xi32, #tpu.memory_space<smem>>
      memref.store %squeeze3A_3905, %arg10[%swap3A_3908, %swap3A_3909] : memref<4x32xi32, #tpu.memory_space<smem>>
      %slice3A_3911 = vector.extract_strided_slice %sub3A_3580 {offsets = [11], sizes = [1], strides = [1]} : vector<16xf32> to vector<1xf32>
      %squeeze3A_3912 = vector.extract %slice3A_3911[0] : f32 from vector<1xf32>
      %swap3A_3913 = arith.constant 2 : i32
      %swap3A_3914 = arith.constant 27 : i32
      %swap3A_3915 = arith.index_cast %swap3A_3913 : i32 to index
      %swap3A_3916 = arith.index_cast %swap3A_3914 : i32 to index
      %swap3A_3917 = memref.load %arg11[%swap3A_3915, %swap3A_3916] : memref<4x32xf32, #tpu.memory_space<smem>>
      memref.store %squeeze3A_3912, %arg11[%swap3A_3915, %swap3A_3916] : memref<4x32xf32, #tpu.memory_space<smem>>
      %slice3A_3918 = vector.extract_strided_slice %sub3A_3582 {offsets = [11], sizes = [1], strides = [1]} : vector<16xf32> to vector<1xf32>
      %squeeze3A_3919 = vector.extract %slice3A_3918[0] : f32 from vector<1xf32>
      %swap3A_3920 = arith.constant 3 : i32
      %swap3A_3921 = arith.constant 27 : i32
      %swap3A_3922 = arith.index_cast %swap3A_3920 : i32 to index
      %swap3A_3923 = arith.index_cast %swap3A_3921 : i32 to index
      %swap3A_3924 = memref.load %arg11[%swap3A_3922, %swap3A_3923] : memref<4x32xf32, #tpu.memory_space<smem>>
      memref.store %squeeze3A_3919, %arg11[%swap3A_3922, %swap3A_3923] : memref<4x32xf32, #tpu.memory_space<smem>>
      %slice3A_3925 = vector.extract_strided_slice %mul3A_3585 {offsets = [12], sizes = [1], strides = [1]} : vector<16xi32> to vector<1xi32>
      %squeeze3A_3926 = vector.extract %slice3A_3925[0] : i32 from vector<1xi32>
      %swap3A_3927 = arith.constant 2 : i32
      %swap3A_3928 = arith.constant 28 : i32
      %swap3A_3929 = arith.index_cast %swap3A_3927 : i32 to index
      %swap3A_3930 = arith.index_cast %swap3A_3928 : i32 to index
      %swap3A_3931 = memref.load %arg10[%swap3A_3929, %swap3A_3930] : memref<4x32xi32, #tpu.memory_space<smem>>
      memref.store %squeeze3A_3926, %arg10[%swap3A_3929, %swap3A_3930] : memref<4x32xi32, #tpu.memory_space<smem>>
      %slice3A_3932 = vector.extract_strided_slice %mul3A_3588 {offsets = [12], sizes = [1], strides = [1]} : vector<16xi32> to vector<1xi32>
      %squeeze3A_3933 = vector.extract %slice3A_3932[0] : i32 from vector<1xi32>
      %swap3A_3934 = arith.constant 3 : i32
      %swap3A_3935 = arith.constant 28 : i32
      %swap3A_3936 = arith.index_cast %swap3A_3934 : i32 to index
      %swap3A_3937 = arith.index_cast %swap3A_3935 : i32 to index
      %swap3A_3938 = memref.load %arg10[%swap3A_3936, %swap3A_3937] : memref<4x32xi32, #tpu.memory_space<smem>>
      memref.store %squeeze3A_3933, %arg10[%swap3A_3936, %swap3A_3937] : memref<4x32xi32, #tpu.memory_space<smem>>
      %slice3A_3939 = vector.extract_strided_slice %sub3A_3580 {offsets = [12], sizes = [1], strides = [1]} : vector<16xf32> to vector<1xf32>
      %squeeze3A_3940 = vector.extract %slice3A_3939[0] : f32 from vector<1xf32>
      %swap3A_3941 = arith.constant 2 : i32
      %swap3A_3942 = arith.constant 28 : i32
      %swap3A_3943 = arith.index_cast %swap3A_3941 : i32 to index
      %swap3A_3944 = arith.index_cast %swap3A_3942 : i32 to index
      %swap3A_3945 = memref.load %arg11[%swap3A_3943, %swap3A_3944] : memref<4x32xf32, #tpu.memory_space<smem>>
      memref.store %squeeze3A_3940, %arg11[%swap3A_3943, %swap3A_3944] : memref<4x32xf32, #tpu.memory_space<smem>>
      %slice3A_3946 = vector.extract_strided_slice %sub3A_3582 {offsets = [12], sizes = [1], strides = [1]} : vector<16xf32> to vector<1xf32>
      %squeeze3A_3947 = vector.extract %slice3A_3946[0] : f32 from vector<1xf32>
      %swap3A_3948 = arith.constant 3 : i32
      %swap3A_3949 = arith.constant 28 : i32
      %swap3A_3950 = arith.index_cast %swap3A_3948 : i32 to index
      %swap3A_3951 = arith.index_cast %swap3A_3949 : i32 to index
      %swap3A_3952 = memref.load %arg11[%swap3A_3950, %swap3A_3951] : memref<4x32xf32, #tpu.memory_space<smem>>
      memref.store %squeeze3A_3947, %arg11[%swap3A_3950, %swap3A_3951] : memref<4x32xf32, #tpu.memory_space<smem>>
      %slice3A_3953 = vector.extract_strided_slice %mul3A_3585 {offsets = [13], sizes = [1], strides = [1]} : vector<16xi32> to vector<1xi32>
      %squeeze3A_3954 = vector.extract %slice3A_3953[0] : i32 from vector<1xi32>
      %swap3A_3955 = arith.constant 2 : i32
      %swap3A_3956 = arith.constant 29 : i32
      %swap3A_3957 = arith.index_cast %swap3A_3955 : i32 to index
      %swap3A_3958 = arith.index_cast %swap3A_3956 : i32 to index
      %swap3A_3959 = memref.load %arg10[%swap3A_3957, %swap3A_3958] : memref<4x32xi32, #tpu.memory_space<smem>>
      memref.store %squeeze3A_3954, %arg10[%swap3A_3957, %swap3A_3958] : memref<4x32xi32, #tpu.memory_space<smem>>
      %slice3A_3960 = vector.extract_strided_slice %mul3A_3588 {offsets = [13], sizes = [1], strides = [1]} : vector<16xi32> to vector<1xi32>
      %squeeze3A_3961 = vector.extract %slice3A_3960[0] : i32 from vector<1xi32>
      %swap3A_3962 = arith.constant 3 : i32
      %swap3A_3963 = arith.constant 29 : i32
      %swap3A_3964 = arith.index_cast %swap3A_3962 : i32 to index
      %swap3A_3965 = arith.index_cast %swap3A_3963 : i32 to index
      %swap3A_3966 = memref.load %arg10[%swap3A_3964, %swap3A_3965] : memref<4x32xi32, #tpu.memory_space<smem>>
      memref.store %squeeze3A_3961, %arg10[%swap3A_3964, %swap3A_3965] : memref<4x32xi32, #tpu.memory_space<smem>>
      %slice3A_3967 = vector.extract_strided_slice %sub3A_3580 {offsets = [13], sizes = [1], strides = [1]} : vector<16xf32> to vector<1xf32>
      %squeeze3A_3968 = vector.extract %slice3A_3967[0] : f32 from vector<1xf32>
      %swap3A_3969 = arith.constant 2 : i32
      %swap3A_3970 = arith.constant 29 : i32
      %swap3A_3971 = arith.index_cast %swap3A_3969 : i32 to index
      %swap3A_3972 = arith.index_cast %swap3A_3970 : i32 to index
      %swap3A_3973 = memref.load %arg11[%swap3A_3971, %swap3A_3972] : memref<4x32xf32, #tpu.memory_space<smem>>
      memref.store %squeeze3A_3968, %arg11[%swap3A_3971, %swap3A_3972] : memref<4x32xf32, #tpu.memory_space<smem>>
      %slice3A_3974 = vector.extract_strided_slice %sub3A_3582 {offsets = [13], sizes = [1], strides = [1]} : vector<16xf32> to vector<1xf32>
      %squeeze3A_3975 = vector.extract %slice3A_3974[0] : f32 from vector<1xf32>
      %swap3A_3976 = arith.constant 3 : i32
      %swap3A_3977 = arith.constant 29 : i32
      %swap3A_3978 = arith.index_cast %swap3A_3976 : i32 to index
      %swap3A_3979 = arith.index_cast %swap3A_3977 : i32 to index
      %swap3A_3980 = memref.load %arg11[%swap3A_3978, %swap3A_3979] : memref<4x32xf32, #tpu.memory_space<smem>>
      memref.store %squeeze3A_3975, %arg11[%swap3A_3978, %swap3A_3979] : memref<4x32xf32, #tpu.memory_space<smem>>
      %slice3A_3981 = vector.extract_strided_slice %mul3A_3585 {offsets = [14], sizes = [1], strides = [1]} : vector<16xi32> to vector<1xi32>
      %squeeze3A_3982 = vector.extract %slice3A_3981[0] : i32 from vector<1xi32>
      %swap3A_3983 = arith.constant 2 : i32
      %swap3A_3984 = arith.constant 30 : i32
      %swap3A_3985 = arith.index_cast %swap3A_3983 : i32 to index
      %swap3A_3986 = arith.index_cast %swap3A_3984 : i32 to index
      %swap3A_3987 = memref.load %arg10[%swap3A_3985, %swap3A_3986] : memref<4x32xi32, #tpu.memory_space<smem>>
      memref.store %squeeze3A_3982, %arg10[%swap3A_3985, %swap3A_3986] : memref<4x32xi32, #tpu.memory_space<smem>>
      %slice3A_3988 = vector.extract_strided_slice %mul3A_3588 {offsets = [14], sizes = [1], strides = [1]} : vector<16xi32> to vector<1xi32>
      %squeeze3A_3989 = vector.extract %slice3A_3988[0] : i32 from vector<1xi32>
      %swap3A_3990 = arith.constant 3 : i32
      %swap3A_3991 = arith.constant 30 : i32
      %swap3A_3992 = arith.index_cast %swap3A_3990 : i32 to index
      %swap3A_3993 = arith.index_cast %swap3A_3991 : i32 to index
      %swap3A_3994 = memref.load %arg10[%swap3A_3992, %swap3A_3993] : memref<4x32xi32, #tpu.memory_space<smem>>
      memref.store %squeeze3A_3989, %arg10[%swap3A_3992, %swap3A_3993] : memref<4x32xi32, #tpu.memory_space<smem>>
      %slice3A_3995 = vector.extract_strided_slice %sub3A_3580 {offsets = [14], sizes = [1], strides = [1]} : vector<16xf32> to vector<1xf32>
      %squeeze3A_3996 = vector.extract %slice3A_3995[0] : f32 from vector<1xf32>
      %swap3A_3997 = arith.constant 2 : i32
      %swap3A_3998 = arith.constant 30 : i32
      %swap3A_3999 = arith.index_cast %swap3A_3997 : i32 to index
      %swap3A_4000 = arith.index_cast %swap3A_3998 : i32 to index
      %swap3A_4001 = memref.load %arg11[%swap3A_3999, %swap3A_4000] : memref<4x32xf32, #tpu.memory_space<smem>>
      memref.store %squeeze3A_3996, %arg11[%swap3A_3999, %swap3A_4000] : memref<4x32xf32, #tpu.memory_space<smem>>
      %slice3A_4002 = vector.extract_strided_slice %sub3A_3582 {offsets = [14], sizes = [1], strides = [1]} : vector<16xf32> to vector<1xf32>
      %squeeze3A_4003 = vector.extract %slice3A_4002[0] : f32 from vector<1xf32>
      %swap3A_4004 = arith.constant 3 : i32
      %swap3A_4005 = arith.constant 30 : i32
      %swap3A_4006 = arith.index_cast %swap3A_4004 : i32 to index
      %swap3A_4007 = arith.index_cast %swap3A_4005 : i32 to index
      %swap3A_4008 = memref.load %arg11[%swap3A_4006, %swap3A_4007] : memref<4x32xf32, #tpu.memory_space<smem>>
      memref.store %squeeze3A_4003, %arg11[%swap3A_4006, %swap3A_4007] : memref<4x32xf32, #tpu.memory_space<smem>>
      %slice3A_4009 = vector.extract_strided_slice %mul3A_3585 {offsets = [15], sizes = [1], strides = [1]} : vector<16xi32> to vector<1xi32>
      %squeeze3A_4010 = vector.extract %slice3A_4009[0] : i32 from vector<1xi32>
      %swap3A_4011 = arith.constant 2 : i32
      %swap3A_4012 = arith.constant 31 : i32
      %swap3A_4013 = arith.index_cast %swap3A_4011 : i32 to index
      %swap3A_4014 = arith.index_cast %swap3A_4012 : i32 to index
      %swap3A_4015 = memref.load %arg10[%swap3A_4013, %swap3A_4014] : memref<4x32xi32, #tpu.memory_space<smem>>
      memref.store %squeeze3A_4010, %arg10[%swap3A_4013, %swap3A_4014] : memref<4x32xi32, #tpu.memory_space<smem>>
      %slice3A_4016 = vector.extract_strided_slice %mul3A_3588 {offsets = [15], sizes = [1], strides = [1]} : vector<16xi32> to vector<1xi32>
      %squeeze3A_4017 = vector.extract %slice3A_4016[0] : i32 from vector<1xi32>
      %swap3A_4018 = arith.constant 3 : i32
      %swap3A_4019 = arith.constant 31 : i32
      %swap3A_4020 = arith.index_cast %swap3A_4018 : i32 to index
      %swap3A_4021 = arith.index_cast %swap3A_4019 : i32 to index
      %swap3A_4022 = memref.load %arg10[%swap3A_4020, %swap3A_4021] : memref<4x32xi32, #tpu.memory_space<smem>>
      memref.store %squeeze3A_4017, %arg10[%swap3A_4020, %swap3A_4021] : memref<4x32xi32, #tpu.memory_space<smem>>
      %slice3A_4023 = vector.extract_strided_slice %sub3A_3580 {offsets = [15], sizes = [1], strides = [1]} : vector<16xf32> to vector<1xf32>
      %squeeze3A_4024 = vector.extract %slice3A_4023[0] : f32 from vector<1xf32>
      %swap3A_4025 = arith.constant 2 : i32
      %swap3A_4026 = arith.constant 31 : i32
      %swap3A_4027 = arith.index_cast %swap3A_4025 : i32 to index
      %swap3A_4028 = arith.index_cast %swap3A_4026 : i32 to index
      %swap3A_4029 = memref.load %arg11[%swap3A_4027, %swap3A_4028] : memref<4x32xf32, #tpu.memory_space<smem>>
      memref.store %squeeze3A_4024, %arg11[%swap3A_4027, %swap3A_4028] : memref<4x32xf32, #tpu.memory_space<smem>>
      %slice3A_4030 = vector.extract_strided_slice %sub3A_3582 {offsets = [15], sizes = [1], strides = [1]} : vector<16xf32> to vector<1xf32>
      %squeeze3A_4031 = vector.extract %slice3A_4030[0] : f32 from vector<1xf32>
      %swap3A_4032 = arith.constant 3 : i32
      %swap3A_4033 = arith.constant 31 : i32
      %swap3A_4034 = arith.index_cast %swap3A_4032 : i32 to index
      %swap3A_4035 = arith.index_cast %swap3A_4033 : i32 to index
      %swap3A_4036 = memref.load %arg11[%swap3A_4034, %swap3A_4035] : memref<4x32xf32, #tpu.memory_space<smem>>
      memref.store %squeeze3A_4031, %arg11[%swap3A_4034, %swap3A_4035] : memref<4x32xf32, #tpu.memory_space<smem>>
      %scan3A_4037 = arith.constant 0 : i32
      %scan3A_4038 = arith.constant 0 : i32
      %scan3A_4039 = arith.constant 32 : i32
      %scan3A_4040 = arith.addi %scan3A_4038, %scan3A_4039 : i32
      %scan3A_4041 = arith.constant 2 : i32
      scf.for %scan3A_4054 = %scan3A_4038 to %scan3A_4040 step %scan3A_4041  : i32 {
        %get3A_4055 = arith.constant 2 : i32
        %get3A_4056 = arith.index_cast %get3A_4055 : i32 to index
        %get3A_4057 = arith.index_cast %scan3A_4054 : i32 to index
        %get3A_4058 = memref.load %arg10[%get3A_4056, %get3A_4057] : memref<4x32xi32, #tpu.memory_space<smem>>
        %get3A_4059 = arith.constant 3 : i32
        %get3A_4060 = arith.index_cast %get3A_4059 : i32 to index
        %get3A_4061 = arith.index_cast %scan3A_4054 : i32 to index
        %get3A_4062 = memref.load %arg10[%get3A_4060, %get3A_4061] : memref<4x32xi32, #tpu.memory_space<smem>>
        %get3A_4063 = arith.constant 2 : i32
        %get3A_4064 = arith.index_cast %get3A_4063 : i32 to index
        %get3A_4065 = arith.index_cast %scan3A_4054 : i32 to index
        %get3A_4066 = memref.load %arg11[%get3A_4064, %get3A_4065] : memref<4x32xf32, #tpu.memory_space<smem>>
        %get3A_4067 = arith.constant 3 : i32
        %get3A_4068 = arith.index_cast %get3A_4067 : i32 to index
        %get3A_4069 = arith.index_cast %scan3A_4054 : i32 to index
        %get3A_4070 = memref.load %arg11[%get3A_4068, %get3A_4069] : memref<4x32xf32, #tpu.memory_space<smem>>
        %mul3A_4071 = arith.constant 512 : i32
        %mul3A_4072 = arith.muli %scan3A_4054, %mul3A_4071 : i32
        %parallel_loop3A = arith.constant 0 : i32
        %parallel_loop3A_4073 = arith.constant 32 : i32
        %parallel_loop3A_4074 = arith.constant 1 : i32
        scf.for %parallel_loop3A_4098 = %parallel_loop3A to %parallel_loop3A_4073 step %parallel_loop3A_4074  : i32 {
          %parallel_loop3A_4099 = arith.constant 0 : i32
          %parallel_loop3A_4100 = arith.index_cast %parallel_loop3A_4099 : i32 to index
          %parallel_loop3A_4101 = arith.index_cast %parallel_loop3A_4098 : i32 to index
          %parallel_loop3A_4102 = memref.load %arg10[%parallel_loop3A_4100, %parallel_loop3A_4101] : memref<4x32xi32, #tpu.memory_space<smem>>
          %parallel_loop3A_4103 = arith.constant 1 : i32
          %parallel_loop3A_4104 = arith.index_cast %parallel_loop3A_4103 : i32 to index
          %parallel_loop3A_4105 = arith.index_cast %parallel_loop3A_4098 : i32 to index
          %parallel_loop3A_4106 = memref.load %arg10[%parallel_loop3A_4104, %parallel_loop3A_4105] : memref<4x32xi32, #tpu.memory_space<smem>>
          %parallel_loop3A_4107 = arith.constant 0 : i32
          %parallel_loop3A_4108 = arith.index_cast %parallel_loop3A_4107 : i32 to index
          %parallel_loop3A_4109 = arith.index_cast %parallel_loop3A_4098 : i32 to index
          %parallel_loop3A_4110 = memref.load %arg11[%parallel_loop3A_4108, %parallel_loop3A_4109] : memref<4x32xf32, #tpu.memory_space<smem>>
          %parallel_loop3A_4111 = arith.constant 1 : i32
          %parallel_loop3A_4112 = arith.index_cast %parallel_loop3A_4111 : i32 to index
          %parallel_loop3A_4113 = arith.index_cast %parallel_loop3A_4098 : i32 to index
          %parallel_loop3A_4114 = memref.load %arg11[%parallel_loop3A_4112, %parallel_loop3A_4113] : memref<4x32xf32, #tpu.memory_space<smem>>
          %parallel_loop3A_4115 = arith.addi %get3A_4058, %parallel_loop3A_4102 : i32
          %parallel_loop3A_4116 = arith.index_cast %parallel_loop3A_4115 : i32 to index
          %parallel_loop3A_4117 = tpu.vector_load %arg6[%parallel_loop3A_4116] {strides = array<i32>} : memref<16384xf32, #tpu.memory_space<vmem>>, vector<16xf32>,
          %parallel_loop3A_4118 = vector.shape_cast %parallel_loop3A_4117 : vector<16xf32> to vector<16xf32>
          %parallel_loop3A_4119 = arith.addi %get3A_4062, %parallel_loop3A_4102 : i32
          %parallel_loop3A_4120 = arith.index_cast %parallel_loop3A_4119 : i32 to index
          %parallel_loop3A_4121 = tpu.vector_load %arg6[%parallel_loop3A_4120] {strides = array<i32>} : memref<16384xf32, #tpu.memory_space<vmem>>, vector<16xf32>,
          %parallel_loop3A_4122 = vector.shape_cast %parallel_loop3A_4121 : vector<16xf32> to vector<16xf32>
          %parallel_loop3A_4123 = arith.addi %get3A_4058, %parallel_loop3A_4106 : i32
          %parallel_loop3A_4124 = arith.index_cast %parallel_loop3A_4123 : i32 to index
          %parallel_loop3A_4125 = tpu.vector_load %arg6[%parallel_loop3A_4124] {strides = array<i32>} : memref<16384xf32, #tpu.memory_space<vmem>>, vector<16xf32>,
          %parallel_loop3A_4126 = vector.shape_cast %parallel_loop3A_4125 : vector<16xf32> to vector<16xf32>
          %parallel_loop3A_4127 = arith.addi %get3A_4062, %parallel_loop3A_4106 : i32
          %parallel_loop3A_4128 = arith.index_cast %parallel_loop3A_4127 : i32 to index
          %parallel_loop3A_4129 = tpu.vector_load %arg6[%parallel_loop3A_4128] {strides = array<i32>} : memref<16384xf32, #tpu.memory_space<vmem>>, vector<16xf32>,
          %parallel_loop3A_4130 = vector.shape_cast %parallel_loop3A_4129 : vector<16xf32> to vector<16xf32>
          %parallel_loop3A_4131 = vector.broadcast %parallel_loop3A_4110 : f32 to vector<16xf32>
          %parallel_loop3A_4132 = arith.mulf %parallel_loop3A_4131, %parallel_loop3A_4118 : vector<16xf32>
          %parallel_loop3A_4133 = vector.broadcast %parallel_loop3A_4114 : f32 to vector<16xf32>
          %parallel_loop3A_4134 = arith.mulf %parallel_loop3A_4133, %parallel_loop3A_4126 : vector<16xf32>
          %parallel_loop3A_4135 = arith.addf %parallel_loop3A_4132, %parallel_loop3A_4134 : vector<16xf32>
          %parallel_loop3A_4136 = vector.broadcast %get3A_4066 : f32 to vector<16xf32>
          %parallel_loop3A_4137 = arith.mulf %parallel_loop3A_4136, %parallel_loop3A_4135 : vector<16xf32>
          %parallel_loop3A_4138 = vector.broadcast %parallel_loop3A_4110 : f32 to vector<16xf32>
          %parallel_loop3A_4139 = arith.mulf %parallel_loop3A_4138, %parallel_loop3A_4122 : vector<16xf32>
          %parallel_loop3A_4140 = vector.broadcast %parallel_loop3A_4114 : f32 to vector<16xf32>
          %parallel_loop3A_4141 = arith.mulf %parallel_loop3A_4140, %parallel_loop3A_4130 : vector<16xf32>
          %parallel_loop3A_4142 = arith.addf %parallel_loop3A_4139, %parallel_loop3A_4141 : vector<16xf32>
          %parallel_loop3A_4143 = vector.broadcast %get3A_4070 : f32 to vector<16xf32>
          %parallel_loop3A_4144 = arith.mulf %parallel_loop3A_4143, %parallel_loop3A_4142 : vector<16xf32>
          %parallel_loop3A_4145 = arith.addf %parallel_loop3A_4137, %parallel_loop3A_4144 : vector<16xf32>
          %parallel_loop3A_4146 = arith.constant 16 : i32
          %parallel_loop3A_4147 = arith.muli %parallel_loop3A_4098, %parallel_loop3A_4146 : i32
          %parallel_loop3A_4148 = arith.addi %mul3A_4072, %parallel_loop3A_4147 : i32
          %parallel_loop3A_4149 = arith.index_cast %parallel_loop3A_4148 : i32 to index
          %parallel_loop3A_4150 = tpu.vector_load %arg8[%parallel_loop3A_4149] {strides = array<i32>} : memref<16384xf32, #tpu.memory_space<vmem>>, vector<16xf32>,
          %parallel_loop3A_4151 = vector.shape_cast %parallel_loop3A_4150 : vector<16xf32> to vector<16xf32>
          %parallel_loop3A_4152 = vector.shape_cast %parallel_loop3A_4145 : vector<16xf32> to vector<16xf32>
          tpu.vector_store %arg8[%parallel_loop3A_4149], %parallel_loop3A_4152 {strides = array<i32>} : memref<16384xf32, #tpu.memory_space<vmem>>, vector<16xf32>,
        } {sc.loop_unroll_factor = 8 : i64, sc.parallel_access}
        %scan3A_4075 = arith.constant 1 : i32
        %scan3A_4076 = arith.addi %scan3A_4054, %scan3A_4075 : i32
        %get3A_4077 = arith.constant 2 : i32
        %get3A_4078 = arith.index_cast %get3A_4077 : i32 to index
        %get3A_4079 = arith.index_cast %scan3A_4076 : i32 to index
        %get3A_4080 = memref.load %arg10[%get3A_4078, %get3A_4079] : memref<4x32xi32, #tpu.memory_space<smem>>
        %get3A_4081 = arith.constant 3 : i32
        %get3A_4082 = arith.index_cast %get3A_4081 : i32 to index
        %get3A_4083 = arith.index_cast %scan3A_4076 : i32 to index
        %get3A_4084 = memref.load %arg10[%get3A_4082, %get3A_4083] : memref<4x32xi32, #tpu.memory_space<smem>>
        %get3A_4085 = arith.constant 2 : i32
        %get3A_4086 = arith.index_cast %get3A_4085 : i32 to index
        %get3A_4087 = arith.index_cast %scan3A_4076 : i32 to index
        %get3A_4088 = memref.load %arg11[%get3A_4086, %get3A_4087] : memref<4x32xf32, #tpu.memory_space<smem>>
        %get3A_4089 = arith.constant 3 : i32
        %get3A_4090 = arith.index_cast %get3A_4089 : i32 to index
        %get3A_4091 = arith.index_cast %scan3A_4076 : i32 to index
        %get3A_4092 = memref.load %arg11[%get3A_4090, %get3A_4091] : memref<4x32xf32, #tpu.memory_space<smem>>
        %mul3A_4093 = arith.constant 512 : i32
        %mul3A_4094 = arith.muli %scan3A_4076, %mul3A_4093 : i32
        %parallel_loop3A_4095 = arith.constant 0 : i32
        %parallel_loop3A_4096 = arith.constant 32 : i32
        %parallel_loop3A_4097 = arith.constant 1 : i32
        scf.for %parallel_loop3A_4098 = %parallel_loop3A_4095 to %parallel_loop3A_4096 step %parallel_loop3A_4097  : i32 {
          %parallel_loop3A_4099 = arith.constant 0 : i32
          %parallel_loop3A_4100 = arith.index_cast %parallel_loop3A_4099 : i32 to index
          %parallel_loop3A_4101 = arith.index_cast %parallel_loop3A_4098 : i32 to index
          %parallel_loop3A_4102 = memref.load %arg10[%parallel_loop3A_4100, %parallel_loop3A_4101] : memref<4x32xi32, #tpu.memory_space<smem>>
          %parallel_loop3A_4103 = arith.constant 1 : i32
          %parallel_loop3A_4104 = arith.index_cast %parallel_loop3A_4103 : i32 to index
          %parallel_loop3A_4105 = arith.index_cast %parallel_loop3A_4098 : i32 to index
          %parallel_loop3A_4106 = memref.load %arg10[%parallel_loop3A_4104, %parallel_loop3A_4105] : memref<4x32xi32, #tpu.memory_space<smem>>
          %parallel_loop3A_4107 = arith.constant 0 : i32
          %parallel_loop3A_4108 = arith.index_cast %parallel_loop3A_4107 : i32 to index
          %parallel_loop3A_4109 = arith.index_cast %parallel_loop3A_4098 : i32 to index
          %parallel_loop3A_4110 = memref.load %arg11[%parallel_loop3A_4108, %parallel_loop3A_4109] : memref<4x32xf32, #tpu.memory_space<smem>>
          %parallel_loop3A_4111 = arith.constant 1 : i32
          %parallel_loop3A_4112 = arith.index_cast %parallel_loop3A_4111 : i32 to index
          %parallel_loop3A_4113 = arith.index_cast %parallel_loop3A_4098 : i32 to index
          %parallel_loop3A_4114 = memref.load %arg11[%parallel_loop3A_4112, %parallel_loop3A_4113] : memref<4x32xf32, #tpu.memory_space<smem>>
          %parallel_loop3A_4115 = arith.addi %get3A_4080, %parallel_loop3A_4102 : i32
          %parallel_loop3A_4116 = arith.index_cast %parallel_loop3A_4115 : i32 to index
          %parallel_loop3A_4117 = tpu.vector_load %arg6[%parallel_loop3A_4116] {strides = array<i32>} : memref<16384xf32, #tpu.memory_space<vmem>>, vector<16xf32>,
          %parallel_loop3A_4118 = vector.shape_cast %parallel_loop3A_4117 : vector<16xf32> to vector<16xf32>
          %parallel_loop3A_4119 = arith.addi %get3A_4084, %parallel_loop3A_4102 : i32
          %parallel_loop3A_4120 = arith.index_cast %parallel_loop3A_4119 : i32 to index
          %parallel_loop3A_4121 = tpu.vector_load %arg6[%parallel_loop3A_4120] {strides = array<i32>} : memref<16384xf32, #tpu.memory_space<vmem>>, vector<16xf32>,
          %parallel_loop3A_4122 = vector.shape_cast %parallel_loop3A_4121 : vector<16xf32> to vector<16xf32>
          %parallel_loop3A_4123 = arith.addi %get3A_4080, %parallel_loop3A_4106 : i32
          %parallel_loop3A_4124 = arith.index_cast %parallel_loop3A_4123 : i32 to index
          %parallel_loop3A_4125 = tpu.vector_load %arg6[%parallel_loop3A_4124] {strides = array<i32>} : memref<16384xf32, #tpu.memory_space<vmem>>, vector<16xf32>,
          %parallel_loop3A_4126 = vector.shape_cast %parallel_loop3A_4125 : vector<16xf32> to vector<16xf32>
          %parallel_loop3A_4127 = arith.addi %get3A_4084, %parallel_loop3A_4106 : i32
          %parallel_loop3A_4128 = arith.index_cast %parallel_loop3A_4127 : i32 to index
          %parallel_loop3A_4129 = tpu.vector_load %arg6[%parallel_loop3A_4128] {strides = array<i32>} : memref<16384xf32, #tpu.memory_space<vmem>>, vector<16xf32>,
          %parallel_loop3A_4130 = vector.shape_cast %parallel_loop3A_4129 : vector<16xf32> to vector<16xf32>
          %parallel_loop3A_4131 = vector.broadcast %parallel_loop3A_4110 : f32 to vector<16xf32>
          %parallel_loop3A_4132 = arith.mulf %parallel_loop3A_4131, %parallel_loop3A_4118 : vector<16xf32>
          %parallel_loop3A_4133 = vector.broadcast %parallel_loop3A_4114 : f32 to vector<16xf32>
          %parallel_loop3A_4134 = arith.mulf %parallel_loop3A_4133, %parallel_loop3A_4126 : vector<16xf32>
          %parallel_loop3A_4135 = arith.addf %parallel_loop3A_4132, %parallel_loop3A_4134 : vector<16xf32>
          %parallel_loop3A_4136 = vector.broadcast %get3A_4088 : f32 to vector<16xf32>
          %parallel_loop3A_4137 = arith.mulf %parallel_loop3A_4136, %parallel_loop3A_4135 : vector<16xf32>
          %parallel_loop3A_4138 = vector.broadcast %parallel_loop3A_4110 : f32 to vector<16xf32>
          %parallel_loop3A_4139 = arith.mulf %parallel_loop3A_4138, %parallel_loop3A_4122 : vector<16xf32>
          %parallel_loop3A_4140 = vector.broadcast %parallel_loop3A_4114 : f32 to vector<16xf32>
          %parallel_loop3A_4141 = arith.mulf %parallel_loop3A_4140, %parallel_loop3A_4130 : vector<16xf32>
          %parallel_loop3A_4142 = arith.addf %parallel_loop3A_4139, %parallel_loop3A_4141 : vector<16xf32>
          %parallel_loop3A_4143 = vector.broadcast %get3A_4092 : f32 to vector<16xf32>
          %parallel_loop3A_4144 = arith.mulf %parallel_loop3A_4143, %parallel_loop3A_4142 : vector<16xf32>
          %parallel_loop3A_4145 = arith.addf %parallel_loop3A_4137, %parallel_loop3A_4144 : vector<16xf32>
          %parallel_loop3A_4146 = arith.constant 16 : i32
          %parallel_loop3A_4147 = arith.muli %parallel_loop3A_4098, %parallel_loop3A_4146 : i32
          %parallel_loop3A_4148 = arith.addi %mul3A_4094, %parallel_loop3A_4147 : i32
          %parallel_loop3A_4149 = arith.index_cast %parallel_loop3A_4148 : i32 to index
          %parallel_loop3A_4150 = tpu.vector_load %arg8[%parallel_loop3A_4149] {strides = array<i32>} : memref<16384xf32, #tpu.memory_space<vmem>>, vector<16xf32>,
          %parallel_loop3A_4151 = vector.shape_cast %parallel_loop3A_4150 : vector<16xf32> to vector<16xf32>
          %parallel_loop3A_4152 = vector.shape_cast %parallel_loop3A_4145 : vector<16xf32> to vector<16xf32>
          tpu.vector_store %arg8[%parallel_loop3A_4149], %parallel_loop3A_4152 {strides = array<i32>} : memref<16384xf32, #tpu.memory_space<vmem>>, vector<16xf32>,
        } {sc.loop_unroll_factor = 8 : i64, sc.parallel_access}
      }
      %scan3A_4042 = arith.constant 32 : i32
      %dma_start3A_4043 = arith.constant 0 : i32
      %dma_start3A_4044 = tpu.memref_slice %arg4[%add3A_2045, %dma_start3A_4043] : memref<2048x16384xf32, #tpu.memory_space<hbm>> -> memref<1x16384xf32, #tpu.memory_space<hbm>>
      %dma_start3A_4045 = tpu.memref_squeeze %dma_start3A_4044 : memref<1x16384xf32, #tpu.memory_space<hbm>> -> memref<16384xf32, #tpu.memory_space<hbm>>
      %dma_start3A_4046 = arith.constant 0 : i32
      %dma_start3A_4047 = tpu.memref_slice %arg4[%add3A_2045, %dma_start3A_4046] : memref<2048x16384xf32, #tpu.memory_space<hbm>> -> memref<1x16384xf32, #tpu.memory_space<hbm>>
      %dma_start3A_4048 = tpu.memref_squeeze %dma_start3A_4047 : memref<1x16384xf32, #tpu.memory_space<hbm>> -> memref<16384xf32, #tpu.memory_space<hbm>>
      tpu.enqueue_dma source(%arg8 : memref<16384xf32, #tpu.memory_space<vmem>>) target(%dma_start3A_4048 : memref<16384xf32, #tpu.memory_space<hbm>>) target_semaphore(%arg15 : memref<!tpu.dma_semaphore, #tpu.memory_space<semaphore_mem>>)
      %lt3A_4049 = arith.constant 31 : i32
      %lt3A_4050 = arith.cmpi slt, %scan3A_39, %lt3A_4049 : i32
      %convert_element_type3A_4051 = arith.extui %lt3A_4050 : i1 to i32
      %cond3A_4052 = arith.constant 0 : i32
      %cond3A_4053 = arith.cmpi ne, %convert_element_type3A_4051, %cond3A_4052 : i32
      scf.if %cond3A_4053 {
        %add3A_4054 = arith.constant 2 : i32
        %add3A_4055 = arith.addi %add3A_2045, %add3A_4054 : i32
        %dma_start3A_4056 = arith.constant 0 : i32
        %dma_start3A_4057 = tpu.memref_slice %arg2[%add3A_4055, %dma_start3A_4056] : memref<2048x16384xf32, #tpu.memory_space<hbm>> -> memref<1x16384xf32, #tpu.memory_space<hbm>>
        %dma_start3A_4058 = tpu.memref_squeeze %dma_start3A_4057 : memref<1x16384xf32, #tpu.memory_space<hbm>> -> memref<16384xf32, #tpu.memory_space<hbm>>
        %dma_start3A_4059 = arith.constant 0 : i32
        %dma_start3A_4060 = tpu.memref_slice %arg2[%add3A_4055, %dma_start3A_4059] : memref<2048x16384xf32, #tpu.memory_space<hbm>> -> memref<1x16384xf32, #tpu.memory_space<hbm>>
        %dma_start3A_4061 = tpu.memref_squeeze %dma_start3A_4060 : memref<1x16384xf32, #tpu.memory_space<hbm>> -> memref<16384xf32, #tpu.memory_space<hbm>>
        tpu.enqueue_dma source(%dma_start3A_4061 : memref<16384xf32, #tpu.memory_space<hbm>>) target(%arg6 : memref<16384xf32, #tpu.memory_space<vmem>>) target_semaphore(%arg13 : memref<!tpu.dma_semaphore, #tpu.memory_space<semaphore_mem>>)
      } else {
      }
    }
    %scan3A_22 = arith.constant 32 : i32
    %add3A_23 = arith.constant 64 : i32
    %add3A_24 = arith.addi %mul3A_2, %add3A_23 : i32
    %sub3A = arith.constant 2 : i32
    %sub3A_25 = arith.subi %add3A_24, %sub3A : i32
    %dma_wait3A = arith.constant 0 : i32
    %dma_wait3A_26 = tpu.memref_slice %arg4[%sub3A_25, %dma_wait3A] : memref<2048x16384xf32, #tpu.memory_space<hbm>> -> memref<1x16384xf32, #tpu.memory_space<hbm>>
    %dma_wait3A_27 = tpu.memref_squeeze %dma_wait3A_26 : memref<1x16384xf32, #tpu.memory_space<hbm>> -> memref<16384xf32, #tpu.memory_space<hbm>>
    %dma_wait3A_28 = arith.constant 0 : i32
    %dma_wait3A_29 = tpu.memref_slice %arg4[%sub3A_25, %dma_wait3A_28] : memref<2048x16384xf32, #tpu.memory_space<hbm>> -> memref<1x16384xf32, #tpu.memory_space<hbm>>
    %dma_wait3A_30 = tpu.memref_squeeze %dma_wait3A_29 : memref<1x16384xf32, #tpu.memory_space<hbm>> -> memref<16384xf32, #tpu.memory_space<hbm>>
    tpu.wait_dma2 semaphore(%arg14 : memref<!tpu.dma_semaphore, #tpu.memory_space<semaphore_mem>>) src(%arg7 : memref<16384xf32, #tpu.memory_space<vmem>>) dst(%dma_wait3A_30 : memref<16384xf32, #tpu.memory_space<hbm>>)
    %add3A_31 = arith.constant 1 : i32
    %add3A_32 = arith.addi %sub3A_25, %add3A_31 : i32
    %dma_wait3A_33 = arith.constant 0 : i32
    %dma_wait3A_34 = tpu.memref_slice %arg4[%add3A_32, %dma_wait3A_33] : memref<2048x16384xf32, #tpu.memory_space<hbm>> -> memref<1x16384xf32, #tpu.memory_space<hbm>>
    %dma_wait3A_35 = tpu.memref_squeeze %dma_wait3A_34 : memref<1x16384xf32, #tpu.memory_space<hbm>> -> memref<16384xf32, #tpu.memory_space<hbm>>
    %dma_wait3A_36 = arith.constant 0 : i32
    %dma_wait3A_37 = tpu.memref_slice %arg4[%add3A_32, %dma_wait3A_36] : memref<2048x16384xf32, #tpu.memory_space<hbm>> -> memref<1x16384xf32, #tpu.memory_space<hbm>>
    %dma_wait3A_38 = tpu.memref_squeeze %dma_wait3A_37 : memref<1x16384xf32, #tpu.memory_space<hbm>> -> memref<16384xf32, #tpu.memory_space<hbm>>
    tpu.wait_dma2 semaphore(%arg15 : memref<!tpu.dma_semaphore, #tpu.memory_space<semaphore_mem>>) src(%arg8 : memref<16384xf32, #tpu.memory_space<vmem>>) dst(%dma_wait3A_38 : memref<16384xf32, #tpu.memory_space<hbm>>)
    return
  }
}

</mosaic_0001>

<sc_bundles>
// kernel: kernel.3.cloned.1.call-start
scs
__scs_entry_jumppad:
0x0: {  	(pc) =	sbr.rel $0x88, $3  }
0x1: {  	(tag) =	ssettag $0x0;
	lr =	simm.s32 $0x1  }
0x2: {  	[smem:$0x3F9F] =	sst lr;
	_ =	strace $0xD0000000  }
0x3: {  	_ = 	snop  }
0x4: {  	_ = 	snop  }
0x5: {  	_ = 	snop  }
0x6: {  	_ = 	snop  }
0x7: {  	_ = 	snop  }
__scs_overlays_trampoline_lowered:
0x8: {  	[smem:$0x3FAE] =	sst s0  }
0x9: {  	[smem:$0x3FAF] =	sst s1  }
0xa: {  	[smem:$0x3FB0] =	sst s2  }
0xb: {  	[smem:$0x3FB1] =	sst s3  }
0xc: {  	[smem:$0x3FB2] =	sst s4  }
0xd: {  	[smem:$0x3FB3] =	sst s5  }
0xe: {  	[smem:$0x3FB4] =	sst s6  }
0xf: {  	[smem:$0x3FB5] =	sst s7  }
0x10: {  	[smem:$0x3FB6] =	sst s8  }
0x11: {  	[smem:$0x3FB7] =	sst s9;
	s0 =	simm.s32 @!p0 $0x0  }
0x12: {  	s1 =	sld [smem:$0x3F9D];
	s0 =	simm.s32 @p0 $0x1  }
0x13: {  	[smem:$0x3FB8] =	sst s0;
	s0 =	simm.s32 @!p1 $0x0  }
0x14: {  	s2 =	sld [smem:$0x3F9C];
	s0 =	simm.s32 @p1 $0x1  }
0x15: {  	[smem:$0x3FB9] =	sst s0;
	s0 =	simm.s32 @!p2 $0x0  }
0x16: {  	s3 =	sld [smem:$0x3FDB];
	s0 =	simm.s32 @p2 $0x1  }
0x17: {  	s4 =	simm.s32 $0x1BF5;
	[smem:$0x3FBB] =	sst s0  }
0x18: {  	s0 =	sld [smem:$0x3F9E];
	_ =	swait.ge [sflag:s4], $0x0  }
0x19: {  	s7 =	sld [smem:$0x3F9F]  }
0x1a: {  	s8 =	sadd.s32 $0xFFFFE003, lr  }
0x1b: {  	s9 =	sadd.s32 $0xFFFFFEF7, lr;
	s5 =	simm.s32 $0xFFFFFFFF;
	p2 =	slt.u32 s8, $0xFFFFF086  }
0x1c: {  	p1 =	slt.u32 s9, $0xF7A;
	s5 =	simm.s32 @!p2 $0x0  }
0x1d: {  	s5 =	simm.s32 @p1 $0x1;
	p0 =	seq.s32 s7, s2  }
0x1e: {  	s7 =	smul.u32 @!p0 $0xF7A, s2;
	p2 =	seq.s32 @!p0 s5, $0x0  }
0x1f: {  	s9 =	smul.u32 $0xF7A, s1;
	s8 =	simm.s32 @!p0 $0x1BF5;
	p2 =	por !p2, p0  }
0x20: {  	[sflag:s8] =	ssyncset.s32 @!p0 $0xFFFFF086;
	s6 =	sadd.s32 @!p0 s3, s7;
	s7 =	simm.s32 @!p0 $0x108  }
0x21: {  	s3 =	sadd.s32 s3, s9;
	s6 =	sadd.s32 @!p0 $0x88, s6;
	s7 =	simm.s32 @p2 $0x1082  }
0x22: {  	[simem:s7], [sflag:s8] =	dma.local @!p0 [hbm:s6], $0xF7A  }
0x23: {  	s9 =	sor.u32 $0xD0000000, s2;
	s6 =	simm.s32 $0x108;
	_ =	swait.ge @!p0 [sflag:s8], $0x0  }
0x24: {  	s3 =	sadd.s32 $0x88, s3;
	s6 =	simm.s32 @!p1 $0x1082;
	[sflag:s4] =	ssyncset.s32 $0xFFFFF086  }
0x25: {  	[simem:s6], [sflag:s4] =	dma.local [hbm:s3], $0xF7A  }
0x26: {  	[smem:$0x3F9F] =	sst s1;
	(tag) =	ssettag s2;
	_ =	strace s9  }
0x27: {  	s1 =	sld [smem:$0x3FAF]  }
0x28: {  	s2 =	sld [smem:$0x3FB0]  }
0x29: {  	s4 =	sld [smem:$0x3FB2]  }
0x2a: {  	p0 =	seq.s32 s5, $0x0;
	s5 =	sld [smem:$0x3FB3]  }
0x2b: {  	s6 =	sld [smem:$0x3FB4]  }
0x2c: {  	s7 =	sld [smem:$0x3FB5]  }
0x2d: {  	s3 =	simm.s32 $0x108;
	s8 =	sld [smem:$0x3FB6]  }
0x2e: {  	s3 =	simm.s32 @!p0 $0x1082;
	s9 =	sld [smem:$0x3FB7]  }
0x2f: {  	lr =	sadd.s32 s0, s3;
	s0 =	sld [smem:$0x3FAE]  }
0x30: {  	s3 =	sld [smem:$0x3FB1]  }
0x31: {  	[smem:$0x3FBA] =	sst s10  }
0x32: {  	s10 =	sld [smem:$0x3FB8];
	_ =	sdelay $0x3  }
0x33: {  	p0 =	seq.s32 s10, $0x1;
	s10 =	sld [smem:$0x3FBA];
	_ =	sdelay $0x3  }
0x34: {  	[smem:$0x3FBA] =	sst s10  }
0x35: {  	s10 =	sld [smem:$0x3FB9];
	_ =	sdelay $0x3  }
0x36: {  	p1 =	seq.s32 s10, $0x1;
	s10 =	sld [smem:$0x3FBA];
	_ =	sdelay $0x3  }
0x37: {  	[smem:$0x3FBA] =	sst s10  }
0x38: {  	s10 =	sld [smem:$0x3FBB]  }
0x39: {  	_ = 	snop;
	(pc) =	sbr.ind lr, $3  }
0x3a: {  	_ = 	snop  }
0x3b: {  	_ = 	snop  }
0x3c: {  	p2 =	seq.s32 s10, $0x1;
	s10 =	sld [smem:$0x3FBA]  }
0x3d: {  	_ =	shalt  }
0x3e: {  	_ =	shalt  }
0x3f: {  	_ =	shalt  }
0x40: {  	_ =	shalt  }
0x41: {  	_ =	shalt  }
0x42: {  	_ =	shalt  }
0x43: {  	_ =	shalt  }
0x44: {  	_ =	shalt  }
0x45: {  	_ =	shalt  }
0x46: {  	_ =	shalt  }
0x47: {  	_ =	shalt  }
0x48: {  	_ =	shalt  }
0x49: {  	_ =	shalt  }
0x4a: {  	_ =	shalt  }
0x4b: {  	_ =	shalt  }
0x4c: {  	_ =	shalt  }
0x4d: {  	_ =	shalt  }
0x4e: {  	_ =	shalt  }
0x4f: {  	_ =	shalt  }
0x50: {  	_ =	shalt  }
0x51: {  	_ =	shalt  }
0x52: {  	_ =	shalt  }
0x53: {  	_ =	shalt  }
0x54: {  	_ =	shalt  }
0x55: {  	_ =	shalt  }
0x56: {  	_ =	shalt  }
0x57: {  	_ =	shalt  }
0x58: {  	_ =	shalt  }
0x59: {  	_ =	shalt  }
0x5a: {  	_ =	shalt  }
0x5b: {  	_ =	shalt  }
0x5c: {  	_ =	shalt  }
0x5d: {  	_ =	shalt  }
0x5e: {  	_ =	shalt  }
0x5f: {  	_ =	shalt  }
0x60: {  	_ =	shalt  }
0x61: {  	_ =	shalt  }
0x62: {  	_ =	shalt  }
0x63: {  	_ =	shalt  }
0x64: {  	_ =	shalt  }
0x65: {  	_ =	shalt  }
0x66: {  	_ =	shalt  }
0x67: {  	_ =	shalt  }
0x68: {  	_ =	shalt  }
0x69: {  	_ =	shalt  }
0x6a: {  	_ =	shalt  }
0x6b: {  	_ =	shalt  }
0x6c: {  	_ =	shalt  }
0x6d: {  	_ =	shalt  }
0x6e: {  	_ =	shalt  }
0x6f: {  	_ =	shalt  }
0x70: {  	_ =	shalt  }
0x71: {  	_ =	shalt  }
0x72: {  	_ =	shalt  }
0x73: {  	_ =	shalt  }
0x74: {  	_ =	shalt  }
0x75: {  	_ =	shalt  }
0x76: {  	_ =	shalt  }
0x77: {  	_ =	shalt  }
0x78: {  	_ =	shalt  }
0x79: {  	_ =	shalt  }
0x7a: {  	_ =	shalt  }
0x7b: {  	_ =	shalt  }
0x7c: {  	_ =	shalt  }
0x7d: {  	_ =	shalt  }
0x7e: {  	_ =	shalt  }
0x7f: {  	_ =	shalt  }
0x80: {  	_ =	shalt  }
0x81: {  	_ =	shalt  }
0x82: {  	_ =	shalt  }
0x83: {  	_ =	shalt  }
0x84: {  	_ =	shalt  }
0x85: {  	_ =	shalt  }
0x86: {  	_ =	shalt  }
0x87: {  	_ =	shalt  }
.Lfunc_end0:
.L_simem_size_0:
called_computation_lowered:
.L_overlay_start_0:
0x88: {  	s2 =	sld [smem:$0x3FD9]  }
0x89: {  	s3 =	sld [smem:$0x3FFE];
	_ =	sdelay $0x1  }
0x8a: {  	s1 =	srdreg.scid  }
0x8b: {  	s0 =	sand.u32 $0x1, s1  }
0x8c: {  	s17 =	sshll.u32 s0, $0xA;
	s2 =	sadd.s32 s3, s2  }
0x8d: {  	s2 =	sadd.s32 s2, s17  }
0x8e: {  	[smem:$0x3FC6] =	sst s2  }
0x8f: {  	_ = 	snop  }
0x90: {  	s2 =	sld [smem:$0x3FD0];
	(tm) =	ssettm $0x1  }
0x91: {  	s18 =	sld [smem:$0x3FFB];
	_ =	sdelay $0x3  }
0x92: {  	_ =	strace s18  }
0x93: {  	s3 =	sld [smem:$0x3FFC];
	_ =	sdelay $0x3  }
0x94: {  	_ =	strace s3  }
0x95: {  	s3 =	sld [smem:$0x3FFD];
	_ =	sdelay $0x3  }
0x96: {  	_ =	strace s3  }
0x97: {  	_ =	strace $0x8FFFFFFF  }
0x98: {  	s19 =	sld [smem:$0x3FDB];
	_ =	sdelay $0x1  }
0x99: {  	s4 =	simm.s32 $_scs_section_size  }
0x9a: {  	s5 =	simm.s32 $_size__tile_overlayer_lowered;
	s6 =	simm.s32 $_tile_overlayer_lowered  }
0x9b: {  	s22 =	simm.s32 $0x1BFF;
	s21 =	sshll.u32 s6, $0x1;
	s3 =	sadd.s32 s4, s19  }
0x9c: {  	s7 =	simm.s32 $0x0;
	s20 =	sshll.u32 s5, $0x1;
	s5 =	sadd.s32 s21, s3  }
0x9d: {  	[timem:s7], [sflag:s22] =	dma.local [hbm:s5], s20  }
0x9e: {  	_ =	swait.ge [sflag:s22], s20  }
0x9f: {  	s4 =	ssub.s32 $0x0, s20;
	[sflag:s22] =	ssyncset.done $0x0  }
0xa0: {  	[sflag:s22] =	ssyncadd.s32 s4;
	_ =	sdelay $0x1  }
0xa1: {  	s23 =	simm.s32 $0x1B8B  }
0xa2: {  	_ =	swait.ge [sflag:s23], $0x1  }
0xa3: {  	[sflag:s23] =	ssyncset.done $0x0  }
0xa4: {  	s25 =	simm.s32 $0x1B8E;
	s24 =	sld [smem:$0x3FFE];
	[sflag:s23] =	ssyncadd.s32 $0xFFFFFFFF  }
0xa5: {  	s26 =	simm.s32 $execute0_lowered;
	[smem:$0x3FD2] =	sst s25  }
0xa6: {  	s5 =	sshll.u32 s26, $0x1;
	_ =	strace $0x80000046;
	[dreg:$0x1] =	wrdreg $0xFFFFFFFF  }
0xa7: {  	s28 =	simm.s32 $_size_execute0_lowered;
	s3 =	sadd.s32 s3, s5;
	[dreg:$0x0] =	wrdreg $0x0  }
0xa8: {  	s5 =	sshll.u32 s28, $0x1;
	[dreg:$0x2] =	wrdreg s3  }
0xa9: {  	[dreg:$0x3] =	wrdreg s5  }
0xaa: {  	[dreg:$0x4] =	wrdreg $0xC0  }
0xab: {  	_ =	task [dreg:s7], $0x5FFFF  }
0xac: {  	[dreg:$0x1] =	wrdreg $0xFFFFFFFF  }
0xad: {  	[dreg:$0x0] =	wrdreg $0x60  }
0xae: {  	[dreg:$0x2] =	wrdreg s2  }
0xaf: {  	[dreg:$0x3] =	wrdreg s24  }
0xb0: {  	[dreg:$0x4] =	wrdreg $0x9  }
0xb1: {  	_ =	task.clear_ibuf [dreg:s7], $0x5FFFF;
	_ =	strace $0x90000046  }
0xb2: {  	s29 =	simm.s32 $0x9;
	_ =	strace $0x80000048  }
0xb3: {  	_ =	swait.ge [sflag:s29], $0x1  }
0xb4: {  	[sflag:s29] =	ssyncadd.s32 $0xFFFFFFFF  }
0xb5: {  	_ =	strace $0x90000048  }
0xb6: {  	_ =	sfence  }
0xb7: {  	s30 =	sld [smem:$0x0];
	_ =	sdelay $0x2  }
0xb8: {  	s31 =	sshll.u32 s1, $0xD;
	s1 =	sshrl.u32 s1, $0x2  }
0xb9: {  	s3 =	sand.u32 $0x4000, s31;
	s1 =	sadd.s32 s1, s30  }
0xba: {  	s0 =	sor.u32 s3, s0;
	s1 =	sshll.u32 s1, $0x11  }
0xbb: {  	s0 =	sor.u32 s1, s0  }
0xbc: {  	s0 =	sadd.s32 $0x8F2B, s0  }
0xbd: {  	[sflag:s0] =	ssyncadd.remote.s32 $0x1  }
0xbe: {  	_ =	sfence.sel $0xFFFF  }
0xbf: {  	[dreg:$0x0] =	wrdreg $0xFFFFFFFF;
	(pc) =	sbr.abs _section_cstart, $3  }
0xc0: {  	[dreg:$0x1] =	wrdreg $0xFFFFFFFF  }
0xc1: {  	_ =	task.clear_ibuf [dreg:s7], $0x2FFFF;
	_ =	strace $0x9FFFFFFF  }
0xc2: {  	(tm) =	ssettm $0x7FFFFFFF  }
0xc3: {  	_ =	shalt  }
tec
execute0_lowered:
.L_overlay_start_1:
0x0: {  	(tag) =	ssettag $0x1  }
0x1: {  	s2 =	rddreg [dreg:$0x0];
	s0 =	srdreg.scid  }
0x2: {  	s3 =	stileid.u32;
	s1 =	rddreg [dreg:$0x1];
	s4 =	simm.s32 $0x0  }
0x3: {  	s12 =	simm.s32 $0x80;
	s13 =	simm.s32 $0x400;
	s15 =	simm.s32 $0x1  }
0x4: {  	s0 =	sand.u32 $0x1, s0;
	s3 =	sshll.u32 s3, $0x1;
	[smem:$0x7FF] =	sst s4  }
0x5: {  	s4 =	sadd.s32 $0x4800, s1;
	s3 =	sor.u32 s0, s3;
	_ =	strace $0x80000047  }
0x6: {  	s0 =	ssub.s32 $0x2, s0;
	s28 =	sshll.u32 s3, $0x9;
	s7 =	sshll.u32 s3, $0x11  }
.Ltmp0:
0x7: {  	s6 =	sadd.s32 s28, s1;
	s30 =	sadd.s32 s2, s7;
	(pc) =	sbr.rel .LBB2_1-.Ltmp0, $4  }
0x8: {  	s29 =	sshrl.u32 s0, $0x1;
	s31 =	sadd.s32 $0x800, s6;
	[dreg:$0x3] =	wrdreg s30  }
0x9: {  	s0 =	ssub.s32 s0, s29;
	s1 =	sadd.s32 $0x10, s30;
	[dreg:$0x4] =	wrdreg s31  }
0xa: {  	s17 =	simm.s32 $0x2;
	s0 =	smax.u32 s0, $0x1;
	[dreg:$0x5] =	wrdreg s1  }
0xb: {  	v0 =	vimm.s32 $0x0;
	s5 =	sshll.u32 s3, $0x6;
	s3 =	simm.s32 $0x0;
	[dreg:$0x6] =	wrdreg s0  }
.LBB2_16:
0xc: {  	s0 =	simm.s32 $0x3  }
0xd: {  	_ =	swait.ge [sflag:s0], $0x4000  }
0xe: {  	[sflag:s0] =	ssyncset.done $0x0  }
0xf: {  	s1 =	simm.s32 $0x4;
	[sflag:s0] =	ssyncadd.s32 $0xFFFFC000  }
0x10: {  	_ =	swait.ge [sflag:s1], $0x4000  }
0x11: {  	s3 =	rddreg [dreg:$0x7]  }
0x12: {  	s31 =	rddreg [dreg:$0x6];
	s3 =	sadd.s32 $0x1, s3  }
0x13: {  	p0 =	sne.s32 s3, s31  }
.Ltmp1:
0x14: {  	_ = 	snop;
	(pc) =	sbr.rel @!p0 .LBB2_17-.Ltmp1, $3  }
0x15: {  	_ =	sdelay $0x1  }
0x16: {  	[sflag:s1] =	ssyncset.done $0x0  }
0x17: {  	[sflag:s1] =	ssyncadd.s32 $0xFFFFC000  }
.LBB2_1:
0x18: {  	[dreg:$0x7] =	wrdreg s3;
	s0 =	simm.s32 $0x0  }
0x19: {  	s1 =	rddreg [dreg:$0x4];
	s26 =	simm.s32 $0x10000;
	s28 =	simm.s32 $0x5  }
0x1a: {  	[tilespmem:s26], [sflag:$0x5] =	stream.linear.gather [hbm4b:s1+s0], $0x1000, $0x38;
	[tilespmem:$0x11000] =	vst v63  }
0x1b: {  	_ =	swait.ge [sflag:s28], $0x1000  }
0x1c: {  	[sflag:s28] =	ssyncset.done $0x0  }
0x1d: {  	s29 =	rddreg [dreg:$0x3];
	[sflag:s28] =	ssyncadd.s32 $0xFFFFF000  }
0x1e: {  	[tilespmem:s0], [sflag:$0x1] =	stream.strided.gather [hbm4b:s29+s12], $0x4000, s13, s12, $0x38;
	[tilespmem:$0x11000] =	vst v63  }
0x1f: {  	s31 =	simm.s32 $0x4000;
	s22 =	simm.s32 $0x0;
	s30 =	rddreg [dreg:$0x5]  }
0x20: {  	[tilespmem:s31], [sflag:$0x2] =	stream.strided.gather [hbm4b:s30+s12], $0x4000, s13, s12, $0x38;
	[tilespmem:$0x11000] =	vst v63  }
.LBB2_2:
0x21: {  	_ =	swait.ge [sflag:s15], $0x4000  }
0x22: {  	p0 =	seq.s32 s22, $0x0;
	[sflag:s15] =	ssyncset.done $0x0  }
0x23: {  	s0 =	simm.s32 @!p0 $0x3;
	[sflag:s15] =	ssyncadd.s32 $0xFFFFC000  }
0x24: {  	_ =	swait.ge @!p0 [sflag:s0], $0x4000  }
0x25: {  	s1 =	sshll.u32 s22, $0x7;
	[sflag:s0] =	ssyncset.done @!p0 $0x0  }
0x26: {  	s23 =	sand.u32 $0x3FFFFF80, s1;
	[sflag:s0] =	ssyncadd.s32 @!p0 $0xFFFFC000  }
0x27: {  	v1 =	vld [tilespmem:s23+$0x10000];
	_ =	sdelay $0x4  }
0x28: {  	v1 =	vadd.f32 $1.000000000e+00, v1;
	_ =	sdelay $0x1  }
0x29: {  	v1 =	vmul.f32 $1.600000000e+01, v1;
	_ =	sdelay $0x1  }
0x2a: {  	v2 =	vtrunc.f32 v1  }
0x2b: {  	v3 =	vcvt.f32.s32 v2;
	vm0 =	vlt.f32 v1, v2  }
0x2c: {  	v2 =	vsel vm0, $0xFFFFFFFF, v0  }
0x2d: {  	v2 =	vadd.s32 v3, v2  }
0x2e: {  	v3 =	vadd.s32 $0x1, v2  }
0x2f: {  	vm5 =	vgt.s32 v3, $0x0  }
0x30: {  	vm6 =	vgt.s32 v2, $0x0;
	v3 =	vnsel vm5, $0x0, v3  }
0x31: {  	v2 =	vnsel vm6, $0x0, v2;
	v3 =	vmin.u32 v3, $0x1F  }
0x32: {  	v2 =	vmin.u32 v2, $0x1F;
	v5 =	vcvt.s32.f32 v3  }
0x33: {  	v6 =	vcvt.s32.f32 v2;
	v4 =	vshll.u32 v2, $0x4  }
0x34: {  	v3 =	vshll.u32 v3, $0x4;
	(v2sf) =	vpush v4, $0x0;
	v2 =	vsub.f32 v5, v1  }
0x35: {  	(v2sf) =	vpush v3, $0x0;
	v1 =	vsub.f32 v1, v6  }
0x36: {  	(v2sf) =	vpush v2, $0x0  }
0x37: {  	(v2sf) =	vpush v1, $0x0  }
0x38: {  	(v2sf) =	vpush v4, $0x1  }
0x39: {  	(v2sf) =	vpush v3, $0x1  }
0x3a: {  	(v2sf) =	vpush v2, $0x1  }
0x3b: {  	(v2sf) =	vpush v1, $0x1  }
0x3c: {  	(v2sf) =	vpush v4, $0x2  }
0x3d: {  	(v2sf) =	vpush v3, $0x2  }
0x3e: {  	(v2sf) =	vpush v2, $0x2  }
0x3f: {  	(v2sf) =	vpush v1, $0x2  }
0x40: {  	(v2sf) =	vpush v4, $0x3  }
0x41: {  	(v2sf) =	vpush v3, $0x3  }
0x42: {  	(v2sf) =	vpush v2, $0x3  }
0x43: {  	s31 =	spop (v2sf);
	(v2sf) =	vpush v1, $0x3  }
0x44: {  	[smem:$0x0] =	sst s31;
	s1 =	spop (v2sf);
	(v2sf) =	vpush v4, $0x4  }
0x45: {  	[smem:$0x80] =	sst s1;
	s3 =	spop (v2sf);
	(v2sf) =	vpush v3, $0x4  }
0x46: {  	[smem:$0x200] =	sst s3;
	s6 =	spop (v2sf);
	(v2sf) =	vpush v2, $0x4  }
0x47: {  	[smem:$0x280] =	sst s6;
	s7 =	spop (v2sf);
	(v2sf) =	vpush v1, $0x4  }
0x48: {  	[smem:$0x1] =	sst s7;
	s8 =	spop (v2sf);
	(v2sf) =	vpush v4, $0x5  }
0x49: {  	[smem:$0x81] =	sst s8;
	s9 =	spop (v2sf);
	(v2sf) =	vpush v3, $0x5  }
0x4a: {  	[smem:$0x201] =	sst s9;
	s10 =	spop (v2sf);
	(v2sf) =	vpush v2, $0x5  }
0x4b: {  	[smem:$0x281] =	sst s10;
	s11 =	spop (v2sf);
	(v2sf) =	vpush v1, $0x5  }
0x4c: {  	[smem:$0x2] =	sst s11;
	s14 =	spop (v2sf);
	(v2sf) =	vpush v4, $0x6  }
0x4d: {  	[smem:$0x82] =	sst s14;
	s16 =	spop (v2sf);
	(v2sf) =	vpush v3, $0x6  }
0x4e: {  	[smem:$0x202] =	sst s16;
	s18 =	spop (v2sf);
	(v2sf) =	vpush v2, $0x6  }
0x4f: {  	[smem:$0x282] =	sst s18;
	s19 =	spop (v2sf);
	(v2sf) =	vpush v1, $0x6  }
0x50: {  	[smem:$0x3] =	sst s19;
	s20 =	spop (v2sf);
	(v2sf) =	vpush v4, $0x7  }
0x51: {  	[smem:$0x83] =	sst s20;
	s21 =	spop (v2sf);
	(v2sf) =	vpush v3, $0x7  }
0x52: {  	[smem:$0x203] =	sst s21;
	s24 =	spop (v2sf);
	(v2sf) =	vpush v2, $0x7  }
0x53: {  	[smem:$0x283] =	sst s24;
	s25 =	spop (v2sf);
	(v2sf) =	vpush v1, $0x7  }
0x54: {  	[smem:$0x4] =	sst s25;
	s26 =	spop (v2sf);
	(v2sf) =	vpush v4, $0x8  }
0x55: {  	[smem:$0x84] =	sst s26;
	s31 =	spop (v2sf);
	(v2sf) =	vpush v3, $0x8  }
0x56: {  	[smem:$0x204] =	sst s31;
	s1 =	spop (v2sf);
	(v2sf) =	vpush v2, $0x8  }
0x57: {  	[smem:$0x284] =	sst s1;
	s3 =	spop (v2sf);
	(v2sf) =	vpush v1, $0x8  }
0x58: {  	[smem:$0x5] =	sst s3;
	s6 =	spop (v2sf);
	(v2sf) =	vpush v4, $0x9  }
0x59: {  	[smem:$0x85] =	sst s6;
	s7 =	spop (v2sf);
	(v2sf) =	vpush v3, $0x9  }
0x5a: {  	[smem:$0x205] =	sst s7;
	s8 =	spop (v2sf);
	(v2sf) =	vpush v2, $0x9  }
0x5b: {  	[smem:$0x285] =	sst s8;
	s9 =	spop (v2sf);
	(v2sf) =	vpush v1, $0x9  }
0x5c: {  	[smem:$0x6] =	sst s9;
	s10 =	spop (v2sf);
	(v2sf) =	vpush v4, $0xA  }
0x5d: {  	[smem:$0x86] =	sst s10;
	s11 =	spop (v2sf);
	(v2sf) =	vpush v3, $0xA  }
0x5e: {  	[smem:$0x206] =	sst s11;
	s14 =	spop (v2sf);
	(v2sf) =	vpush v2, $0xA  }
0x5f: {  	[smem:$0x286] =	sst s14;
	s16 =	spop (v2sf);
	(v2sf) =	vpush v1, $0xA  }
0x60: {  	[smem:$0x7] =	sst s16;
	s18 =	spop (v2sf);
	(v2sf) =	vpush v4, $0xB  }
0x61: {  	v47 =	vld [tilespmem:s23+$0x10010];
	[smem:$0x87] =	sst s18;
	s19 =	spop (v2sf);
	(v2sf) =	vpush v3, $0xB  }
0x62: {  	[smem:$0x207] =	sst s19;
	s20 =	spop (v2sf);
	(v2sf) =	vpush v2, $0xB  }
0x63: {  	[smem:$0x287] =	sst s20;
	s21 =	spop (v2sf);
	(v2sf) =	vpush v1, $0xB  }
0x64: {  	[smem:$0x8] =	sst s21;
	s24 =	spop (v2sf);
	(v2sf) =	vpush v4, $0xC  }
0x65: {  	[smem:$0x88] =	sst s24;
	s25 =	spop (v2sf);
	(v2sf) =	vpush v3, $0xC  }
0x66: {  	v5 =	vadd.f32 $1.000000000e+00, v47;
	[smem:$0x208] =	sst s25;
	s26 =	spop (v2sf);
	(v2sf) =	vpush v2, $0xC  }
0x67: {  	[smem:$0x288] =	sst s26;
	s31 =	spop (v2sf);
	(v2sf) =	vpush v1, $0xC  }
0x68: {  	v5 =	vmul.f32 $1.600000000e+01, v5;
	[smem:$0x9] =	sst s31;
	s1 =	spop (v2sf);
	(v2sf) =	vpush v4, $0xD  }
0x69: {  	[smem:$0x89] =	sst s1;
	s3 =	spop (v2sf);
	(v2sf) =	vpush v3, $0xD  }
0x6a: {  	v48 =	vtrunc.f32 v5;
	[smem:$0x209] =	sst s3;
	s6 =	spop (v2sf);
	(v2sf) =	vpush v2, $0xD  }
0x6b: {  	v7 =	vcvt.f32.s32 v48;
	vm7 =	vlt.f32 v5, v48;
	[smem:$0x289] =	sst s6;
	s7 =	spop (v2sf);
	(v2sf) =	vpush v1, $0xD  }
0x6c: {  	v6 =	vsel vm7, $0xFFFFFFFF, v0;
	[smem:$0xA] =	sst s7;
	s8 =	spop (v2sf);
	(v2sf) =	vpush v4, $0xE  }
0x6d: {  	v6 =	vadd.s32 v7, v6;
	[smem:$0x8A] =	sst s8;
	s9 =	spop (v2sf);
	(v2sf) =	vpush v3, $0xE  }
0x6e: {  	v7 =	vadd.s32 $0x1, v6;
	[smem:$0x20A] =	sst s9;
	s10 =	spop (v2sf);
	(v2sf) =	vpush v2, $0xE  }
0x6f: {  	vm8 =	vgt.s32 v7, $0x0;
	[smem:$0x28A] =	sst s10;
	s11 =	spop (v2sf);
	(v2sf) =	vpush v1, $0xE  }
0x70: {  	vm9 =	vgt.s32 v6, $0x0;
	v49 =	vnsel vm8, $0x0, v7;
	[smem:$0xB] =	sst s11;
	s14 =	spop (v2sf);
	(v2sf) =	vpush v4, $0xF  }
0x71: {  	v50 =	vmin.u32 v49, $0x1F;
	[smem:$0x8B] =	sst s14;
	s16 =	spop (v2sf);
	(v2sf) =	vpush v3, $0xF;
	v3 =	vnsel vm9, $0x0, v6  }
0x72: {  	[smem:$0x20B] =	sst s16;
	s18 =	spop (v2sf);
	(v2sf) =	vpush v2, $0xF;
	v2 =	vmin.u32 v3, $0x1F;
	v3 =	vcvt.s32.f32 v50  }
0x73: {  	[smem:$0x28B] =	sst s18;
	s19 =	spop (v2sf);
	(v2sf) =	vpush v1, $0xF;
	v51 =	vcvt.s32.f32 v2;
	v52 =	vshll.u32 v2, $0x4  }
0x74: {  	[smem:$0xC] =	sst s19;
	s20 =	spop (v2sf);
	v1 =	vsub.f32 v3, v5;
	v3 =	vshll.u32 v50, $0x4;
	(v2sf) =	vpush v52, $0x0  }
0x75: {  	[smem:$0x8C] =	sst s20;
	s21 =	spop (v2sf);
	v2 =	vsub.f32 v5, v51;
	(v2sf) =	vpush v3, $0x0  }
0x76: {  	[smem:$0x20C] =	sst s21;
	s24 =	spop (v2sf);
	(v2sf) =	vpush v1, $0x0  }
0x77: {  	[smem:$0x28C] =	sst s24;
	s25 =	spop (v2sf);
	(v2sf) =	vpush v2, $0x0  }
0x78: {  	[smem:$0xD] =	sst s25;
	s26 =	spop (v2sf);
	(v2sf) =	vpush v52, $0x1  }
0x79: {  	[smem:$0x8D] =	sst s26;
	s31 =	spop (v2sf);
	(v2sf) =	vpush v3, $0x1  }
0x7a: {  	[smem:$0x20D] =	sst s31;
	s1 =	spop (v2sf);
	(v2sf) =	vpush v1, $0x1  }
0x7b: {  	[smem:$0x28D] =	sst s1;
	s3 =	spop (v2sf);
	(v2sf) =	vpush v2, $0x1  }
0x7c: {  	[smem:$0xE] =	sst s3;
	s6 =	spop (v2sf);
	(v2sf) =	vpush v52, $0x2  }
0x7d: {  	[smem:$0x8E] =	sst s6;
	s7 =	spop (v2sf);
	(v2sf) =	vpush v3, $0x2  }
0x7e: {  	[smem:$0x20E] =	sst s7;
	s8 =	spop (v2sf);
	(v2sf) =	vpush v1, $0x2  }
0x7f: {  	[smem:$0x28E] =	sst s8;
	s9 =	spop (v2sf);
	(v2sf) =	vpush v2, $0x2  }
0x80: {  	[smem:$0xF] =	sst s9;
	s10 =	spop (v2sf);
	(v2sf) =	vpush v52, $0x3  }
0x81: {  	[smem:$0x8F] =	sst s10;
	s11 =	spop (v2sf);
	(v2sf) =	vpush v3, $0x3  }
0x82: {  	[smem:$0x20F] =	sst s11;
	s14 =	spop (v2sf);
	(v2sf) =	vpush v1, $0x3  }
0x83: {  	[smem:$0x28F] =	sst s14;
	s16 =	spop (v2sf);
	(v2sf) =	vpush v2, $0x3  }
0x84: {  	[smem:$0x10] =	sst s16;
	s18 =	spop (v2sf);
	(v2sf) =	vpush v52, $0x4  }
0x85: {  	[smem:$0x90] =	sst s18;
	s19 =	spop (v2sf);
	(v2sf) =	vpush v3, $0x4  }
0x86: {  	[smem:$0x210] =	sst s19;
	s20 =	spop (v2sf);
	(v2sf) =	vpush v1, $0x4  }
0x87: {  	[smem:$0x290] =	sst s20;
	s21 =	spop (v2sf);
	(v2sf) =	vpush v2, $0x4  }
0x88: {  	[smem:$0x11] =	sst s21;
	s24 =	spop (v2sf);
	(v2sf) =	vpush v52, $0x5  }
0x89: {  	[smem:$0x91] =	sst s24;
	s25 =	spop (v2sf);
	(v2sf) =	vpush v3, $0x5  }
0x8a: {  	[smem:$0x211] =	sst s25;
	s26 =	spop (v2sf);
	(v2sf) =	vpush v1, $0x5  }
0x8b: {  	[smem:$0x291] =	sst s26;
	s31 =	spop (v2sf);
	(v2sf) =	vpush v2, $0x5  }
0x8c: {  	[smem:$0x12] =	sst s31;
	s1 =	spop (v2sf);
	(v2sf) =	vpush v52, $0x6  }
0x8d: {  	[smem:$0x92] =	sst s1;
	s3 =	spop (v2sf);
	(v2sf) =	vpush v3, $0x6  }
0x8e: {  	[smem:$0x212] =	sst s3;
	s6 =	spop (v2sf)  }
0x8f: {  	[smem:$0x292] =	sst s6;
	s7 =	spop (v2sf)  }
0x90: {  	[smem:$0x13] =	sst s7;
	s8 =	spop (v2sf)  }
0x91: {  	[smem:$0x93] =	sst s8;
	s9 =	spop (v2sf)  }
0x92: {  	[smem:$0x213] =	sst s9;
	s10 =	spop (v2sf)  }
0x93: {  	[smem:$0x293] =	sst s10;
	s11 =	spop (v2sf)  }
0x94: {  	[smem:$0x14] =	sst s11;
	s14 =	spop (v2sf)  }
0x95: {  	[smem:$0x94] =	sst s14;
	s16 =	spop (v2sf)  }
0x96: {  	[smem:$0x214] =	sst s16;
	s18 =	spop (v2sf)  }
0x97: {  	[smem:$0x294] =	sst s18;
	s19 =	spop (v2sf)  }
0x98: {  	[smem:$0x15] =	sst s19;
	s20 =	spop (v2sf)  }
0x99: {  	[smem:$0x95] =	sst s20;
	s21 =	spop (v2sf)  }
0x9a: {  	[smem:$0x215] =	sst s21;
	s24 =	spop (v2sf)  }
0x9b: {  	[smem:$0x295] =	sst s24;
	s25 =	spop (v2sf)  }
0x9c: {  	[smem:$0x16] =	sst s25;
	s26 =	spop (v2sf)  }
0x9d: {  	[smem:$0x96] =	sst s26  }
0x9e: {  	(v2sf) =	vpush v1, $0x6  }
0x9f: {  	(v2sf) =	vpush v2, $0x6  }
0xa0: {  	(v2sf) =	vpush v52, $0x7  }
0xa1: {  	(v2sf) =	vpush v3, $0x7  }
0xa2: {  	(v2sf) =	vpush v1, $0x7  }
0xa3: {  	(v2sf) =	vpush v2, $0x7  }
0xa4: {  	(v2sf) =	vpush v52, $0x8  }
0xa5: {  	(v2sf) =	vpush v3, $0x8  }
0xa6: {  	(v2sf) =	vpush v1, $0x8  }
0xa7: {  	(v2sf) =	vpush v2, $0x8  }
0xa8: {  	(v2sf) =	vpush v52, $0x9  }
0xa9: {  	(v2sf) =	vpush v3, $0x9  }
0xaa: {  	(v2sf) =	vpush v1, $0x9  }
0xab: {  	(v2sf) =	vpush v2, $0x9  }
0xac: {  	(v2sf) =	vpush v52, $0xA  }
0xad: {  	s31 =	spop (v2sf);
	(v2sf) =	vpush v3, $0xA  }
0xae: {  	[smem:$0x216] =	sst s31;
	s1 =	spop (v2sf);
	(v2sf) =	vpush v1, $0xA  }
0xaf: {  	[smem:$0x296] =	sst s1;
	s3 =	spop (v2sf);
	(v2sf) =	vpush v2, $0xA  }
0xb0: {  	[smem:$0x17] =	sst s3;
	s6 =	spop (v2sf);
	(v2sf) =	vpush v52, $0xB  }
0xb1: {  	v53 =	vld [tilespmem:s23+$0x10020];
	[smem:$0x97] =	sst s6;
	s7 =	spop (v2sf);
	(v2sf) =	vpush v3, $0xB  }
0xb2: {  	[smem:$0x217] =	sst s7;
	s8 =	spop (v2sf);
	(v2sf) =	vpush v1, $0xB  }
0xb3: {  	[smem:$0x297] =	sst s8;
	s9 =	spop (v2sf);
	(v2sf) =	vpush v2, $0xB  }
0xb4: {  	[smem:$0x18] =	sst s9;
	s10 =	spop (v2sf);
	(v2sf) =	vpush v52, $0xC  }
0xb5: {  	[smem:$0x98] =	sst s10;
	s11 =	spop (v2sf);
	(v2sf) =	vpush v3, $0xC  }
0xb6: {  	v5 =	vadd.f32 $1.000000000e+00, v53;
	[smem:$0x218] =	sst s11;
	s14 =	spop (v2sf);
	(v2sf) =	vpush v1, $0xC  }
0xb7: {  	[smem:$0x298] =	sst s14;
	s16 =	spop (v2sf);
	(v2sf) =	vpush v2, $0xC  }
0xb8: {  	v5 =	vmul.f32 $1.600000000e+01, v5;
	[smem:$0x19] =	sst s16;
	s18 =	spop (v2sf);
	(v2sf) =	vpush v52, $0xD  }
0xb9: {  	[smem:$0x99] =	sst s18;
	s19 =	spop (v2sf);
	(v2sf) =	vpush v3, $0xD  }
0xba: {  	v54 =	vtrunc.f32 v5;
	[smem:$0x219] =	sst s19;
	s20 =	spop (v2sf);
	(v2sf) =	vpush v1, $0xD  }
0xbb: {  	v55 =	vcvt.f32.s32 v54;
	vm10 =	vlt.f32 v5, v54;
	[smem:$0x299] =	sst s20;
	s21 =	spop (v2sf);
	(v2sf) =	vpush v2, $0xD  }
0xbc: {  	v6 =	vsel vm10, $0xFFFFFFFF, v0;
	[smem:$0x1A] =	sst s21;
	s24 =	spop (v2sf);
	(v2sf) =	vpush v52, $0xE  }
0xbd: {  	v6 =	vadd.s32 v55, v6;
	[smem:$0x9A] =	sst s24;
	s25 =	spop (v2sf);
	(v2sf) =	vpush v3, $0xE  }
0xbe: {  	v7 =	vadd.s32 $0x1, v6;
	[smem:$0x21A] =	sst s25;
	s26 =	spop (v2sf);
	(v2sf) =	vpush v1, $0xE  }
0xbf: {  	vm11 =	vgt.s32 v7, $0x0;
	[smem:$0x29A] =	sst s26;
	s31 =	spop (v2sf);
	(v2sf) =	vpush v2, $0xE  }
0xc0: {  	vm12 =	vgt.s32 v6, $0x0;
	v56 =	vnsel vm11, $0x0, v7;
	[smem:$0x1B] =	sst s31;
	s1 =	spop (v2sf);
	(v2sf) =	vpush v52, $0xF  }
0xc1: {  	v57 =	vmin.u32 v56, $0x1F;
	[smem:$0x9B] =	sst s1;
	s3 =	spop (v2sf);
	(v2sf) =	vpush v3, $0xF;
	v3 =	vnsel vm12, $0x0, v6  }
0xc2: {  	[smem:$0x21B] =	sst s3;
	s6 =	spop (v2sf);
	(v2sf) =	vpush v1, $0xF;
	v1 =	vmin.u32 v3, $0x1F;
	v3 =	vcvt.s32.f32 v57  }
0xc3: {  	[smem:$0x29B] =	sst s6;
	s7 =	spop (v2sf);
	(v2sf) =	vpush v2, $0xF;
	v2 =	vcvt.s32.f32 v1;
	v58 =	vshll.u32 v1, $0x9  }
0xc4: {  	[smem:$0x1C] =	sst s7;
	s8 =	spop (v2sf);
	v1 =	vsub.f32 v3, v5;
	v3 =	vshll.u32 v57, $0x9;
	(v2sf) =	vpush v58, $0x0  }
0xc5: {  	[smem:$0x9C] =	sst s8;
	s9 =	spop (v2sf);
	v2 =	vsub.f32 v5, v2;
	(v2sf) =	vpush v3, $0x0  }
0xc6: {  	[smem:$0x21C] =	sst s9;
	s10 =	spop (v2sf);
	(v2sf) =	vpush v1, $0x0  }
0xc7: {  	[smem:$0x29C] =	sst s10;
	s11 =	spop (v2sf);
	(v2sf) =	vpush v2, $0x0  }
0xc8: {  	[smem:$0x1D] =	sst s11;
	s14 =	spop (v2sf);
	(v2sf) =	vpush v58, $0x1  }
0xc9: {  	[smem:$0x9D] =	sst s14;
	s16 =	spop (v2sf);
	(v2sf) =	vpush v3, $0x1  }
0xca: {  	[smem:$0x21D] =	sst s16;
	s18 =	spop (v2sf);
	(v2sf) =	vpush v1, $0x1  }
0xcb: {  	[smem:$0x29D] =	sst s18;
	s19 =	spop (v2sf);
	(v2sf) =	vpush v2, $0x1  }
0xcc: {  	[smem:$0x1E] =	sst s19;
	s20 =	spop (v2sf);
	(v2sf) =	vpush v58, $0x2  }
0xcd: {  	[smem:$0x9E] =	sst s20;
	s21 =	spop (v2sf);
	(v2sf) =	vpush v3, $0x2  }
0xce: {  	[smem:$0x21E] =	sst s21;
	s24 =	spop (v2sf);
	(v2sf) =	vpush v1, $0x2  }
0xcf: {  	[smem:$0x29E] =	sst s24;
	s25 =	spop (v2sf);
	(v2sf) =	vpush v2, $0x2  }
0xd0: {  	[smem:$0x1F] =	sst s25;
	s26 =	spop (v2sf);
	(v2sf) =	vpush v58, $0x3  }
0xd1: {  	[smem:$0x9F] =	sst s26;
	s31 =	spop (v2sf);
	(v2sf) =	vpush v3, $0x3  }
0xd2: {  	[smem:$0x21F] =	sst s31;
	s1 =	spop (v2sf);
	(v2sf) =	vpush v1, $0x3  }
0xd3: {  	[smem:$0x29F] =	sst s1;
	s3 =	spop (v2sf);
	(v2sf) =	vpush v2, $0x3  }
0xd4: {  	[smem:$0x100] =	sst s3;
	s6 =	spop (v2sf);
	(v2sf) =	vpush v58, $0x4  }
0xd5: {  	[smem:$0x180] =	sst s6;
	s7 =	spop (v2sf);
	(v2sf) =	vpush v3, $0x4  }
0xd6: {  	[smem:$0x300] =	sst s7;
	s8 =	spop (v2sf);
	(v2sf) =	vpush v1, $0x4  }
0xd7: {  	[smem:$0x380] =	sst s8;
	s9 =	spop (v2sf);
	(v2sf) =	vpush v2, $0x4  }
0xd8: {  	[smem:$0x101] =	sst s9;
	s10 =	spop (v2sf);
	(v2sf) =	vpush v58, $0x5  }
0xd9: {  	[smem:$0x181] =	sst s10;
	s11 =	spop (v2sf);
	(v2sf) =	vpush v3, $0x5  }
0xda: {  	[smem:$0x301] =	sst s11;
	s14 =	spop (v2sf);
	(v2sf) =	vpush v1, $0x5  }
0xdb: {  	[smem:$0x381] =	sst s14;
	s16 =	spop (v2sf);
	(v2sf) =	vpush v2, $0x5  }
0xdc: {  	[smem:$0x102] =	sst s16;
	s18 =	spop (v2sf);
	(v2sf) =	vpush v58, $0x6  }
0xdd: {  	[smem:$0x182] =	sst s18;
	s19 =	spop (v2sf);
	(v2sf) =	vpush v3, $0x6  }
0xde: {  	[smem:$0x302] =	sst s19;
	s20 =	spop (v2sf);
	(v2sf) =	vpush v1, $0x6  }
0xdf: {  	[smem:$0x382] =	sst s20;
	s21 =	spop (v2sf);
	(v2sf) =	vpush v2, $0x6  }
0xe0: {  	[smem:$0x103] =	sst s21;
	s24 =	spop (v2sf);
	(v2sf) =	vpush v58, $0x7  }
0xe1: {  	[smem:$0x183] =	sst s24;
	s25 =	spop (v2sf);
	(v2sf) =	vpush v3, $0x7  }
0xe2: {  	[smem:$0x303] =	sst s25;
	s26 =	spop (v2sf);
	(v2sf) =	vpush v1, $0x7  }
0xe3: {  	[smem:$0x383] =	sst s26;
	s31 =	spop (v2sf);
	(v2sf) =	vpush v2, $0x7  }
0xe4: {  	[smem:$0x104] =	sst s31;
	s1 =	spop (v2sf);
	(v2sf) =	vpush v58, $0x8  }
0xe5: {  	[smem:$0x184] =	sst s1;
	s3 =	spop (v2sf);
	(v2sf) =	vpush v3, $0x8  }
0xe6: {  	[smem:$0x304] =	sst s3;
	s6 =	spop (v2sf);
	(v2sf) =	vpush v1, $0x8  }
0xe7: {  	[smem:$0x384] =	sst s6;
	s7 =	spop (v2sf);
	(v2sf) =	vpush v2, $0x8  }
0xe8: {  	[smem:$0x105] =	sst s7;
	s8 =	spop (v2sf);
	(v2sf) =	vpush v58, $0x9  }
0xe9: {  	[smem:$0x185] =	sst s8;
	s9 =	spop (v2sf);
	(v2sf) =	vpush v3, $0x9  }
0xea: {  	[smem:$0x305] =	sst s9;
	s10 =	spop (v2sf);
	(v2sf) =	vpush v1, $0x9  }
0xeb: {  	[smem:$0x385] =	sst s10;
	s11 =	spop (v2sf);
	(v2sf) =	vpush v2, $0x9  }
0xec: {  	[smem:$0x106] =	sst s11;
	s14 =	spop (v2sf);
	(v2sf) =	vpush v58, $0xA  }
0xed: {  	[smem:$0x186] =	sst s14;
	s16 =	spop (v2sf);
	(v2sf) =	vpush v3, $0xA  }
0xee: {  	[smem:$0x306] =	sst s16;
	s18 =	spop (v2sf);
	(v2sf) =	vpush v1, $0xA  }
0xef: {  	[smem:$0x386] =	sst s18;
	s19 =	spop (v2sf);
	(v2sf) =	vpush v2, $0xA  }
0xf0: {  	[smem:$0x107] =	sst s19;
	s20 =	spop (v2sf);
	(v2sf) =	vpush v58, $0xB  }
0xf1: {  	v59 =	vld [tilespmem:s23+$0x10030];
	[smem:$0x187] =	sst s20;
	s21 =	spop (v2sf);
	(v2sf) =	vpush v3, $0xB  }
0xf2: {  	[smem:$0x307] =	sst s21;
	s23 =	spop (v2sf);
	(v2sf) =	vpush v1, $0xB  }
0xf3: {  	[smem:$0x387] =	sst s23;
	s24 =	spop (v2sf);
	(v2sf) =	vpush v2, $0xB  }
0xf4: {  	[smem:$0x108] =	sst s24;
	s25 =	spop (v2sf);
	(v2sf) =	vpush v58, $0xC  }
0xf5: {  	[smem:$0x188] =	sst s25;
	s26 =	spop (v2sf);
	(v2sf) =	vpush v3, $0xC  }
0xf6: {  	v5 =	vadd.f32 $1.000000000e+00, v59;
	[smem:$0x308] =	sst s26;
	s31 =	spop (v2sf);
	(v2sf) =	vpush v1, $0xC  }
0xf7: {  	[smem:$0x388] =	sst s31;
	s1 =	spop (v2sf);
	(v2sf) =	vpush v2, $0xC  }
0xf8: {  	v5 =	vmul.f32 $1.600000000e+01, v5;
	[smem:$0x109] =	sst s1;
	s3 =	spop (v2sf);
	(v2sf) =	vpush v58, $0xD  }
0xf9: {  	[smem:$0x189] =	sst s3;
	s6 =	spop (v2sf);
	(v2sf) =	vpush v3, $0xD  }
0xfa: {  	v60 =	vtrunc.f32 v5;
	[smem:$0x309] =	sst s6;
	s7 =	spop (v2sf);
	(v2sf) =	vpush v1, $0xD  }
0xfb: {  	v61 =	vcvt.f32.s32 v60;
	vm13 =	vlt.f32 v5, v60;
	[smem:$0x389] =	sst s7;
	s8 =	spop (v2sf);
	(v2sf) =	vpush v2, $0xD  }
0xfc: {  	v6 =	vsel vm13, $0xFFFFFFFF, v0;
	[smem:$0x10A] =	sst s8;
	s9 =	spop (v2sf);
	(v2sf) =	vpush v58, $0xE  }
0xfd: {  	v6 =	vadd.s32 v61, v6;
	[smem:$0x18A] =	sst s9;
	s10 =	spop (v2sf);
	(v2sf) =	vpush v3, $0xE  }
0xfe: {  	v7 =	vadd.s32 $0x1, v6;
	[smem:$0x30A] =	sst s10;
	s11 =	spop (v2sf);
	(v2sf) =	vpush v1, $0xE  }
0xff: {  	vm14 =	vgt.s32 v7, $0x0;
	[smem:$0x38A] =	sst s11;
	s14 =	spop (v2sf);
	(v2sf) =	vpush v2, $0xE  }
0x100: {  	vm15 =	vgt.s32 v6, $0x0;
	v62 =	vnsel vm14, $0x0, v7;
	(v2sf) =	vpush v58, $0xF;
	[smem:$0x10B] =	sst s14;
	s16 =	spop (v2sf)  }
0x101: {  	v4 =	vmin.u32 v62, $0x1F;
	(v2sf) =	vpush v3, $0xF;
	s18 =	spop (v2sf);
	v3 =	vnsel vm15, $0x0, v6;
	[smem:$0x18B] =	sst s16  }
0x102: {  	v63 =	vcvt.s32.f32 v4;
	[smem:$0x30B] =	sst s18;
	s19 =	spop (v2sf);
	(v2sf) =	vpush v1, $0xF;
	v1 =	vmin.u32 v3, $0x1F  }
0x103: {  	[smem:$0x38B] =	sst s19;
	s20 =	spop (v2sf);
	(v2sf) =	vpush v2, $0xF;
	v2 =	vcvt.s32.f32 v1;
	v3 =	vshll.u32 v1, $0x9  }
0x104: {  	v4 =	vshll.u32 v4, $0x9;
	v1 =	vsub.f32 v63, v5;
	[smem:$0x10C] =	sst s20;
	s21 =	spop (v2sf);
	(v2sf) =	vpush v3, $0x0  }
0x105: {  	[smem:$0x18C] =	sst s21;
	s23 =	spop (v2sf);
	v2 =	vsub.f32 v5, v2;
	(v2sf) =	vpush v4, $0x0  }
0x106: {  	[smem:$0x30C] =	sst s23;
	s24 =	spop (v2sf);
	(v2sf) =	vpush v1, $0x0  }
0x107: {  	[smem:$0x38C] =	sst s24;
	s25 =	spop (v2sf);
	(v2sf) =	vpush v2, $0x0  }
0x108: {  	[smem:$0x10D] =	sst s25;
	s26 =	spop (v2sf);
	(v2sf) =	vpush v3, $0x1  }
0x109: {  	[smem:$0x18D] =	sst s26;
	s31 =	spop (v2sf);
	(v2sf) =	vpush v4, $0x1  }
0x10a: {  	[smem:$0x30D] =	sst s31;
	s1 =	spop (v2sf);
	(v2sf) =	vpush v1, $0x1  }
0x10b: {  	[smem:$0x38D] =	sst s1;
	s3 =	spop (v2sf);
	(v2sf) =	vpush v2, $0x1  }
0x10c: {  	[smem:$0x10E] =	sst s3;
	s6 =	spop (v2sf);
	(v2sf) =	vpush v3, $0x2  }
0x10d: {  	[smem:$0x18E] =	sst s6;
	s7 =	spop (v2sf);
	(v2sf) =	vpush v4, $0x2  }
0x10e: {  	[smem:$0x30E] =	sst s7;
	s8 =	spop (v2sf);
	(v2sf) =	vpush v1, $0x2  }
0x10f: {  	[smem:$0x38E] =	sst s8;
	s9 =	spop (v2sf);
	(v2sf) =	vpush v2, $0x2  }
0x110: {  	[smem:$0x10F] =	sst s9;
	s10 =	spop (v2sf);
	(v2sf) =	vpush v3, $0x3  }
0x111: {  	[smem:$0x18F] =	sst s10;
	s11 =	spop (v2sf);
	(v2sf) =	vpush v4, $0x3  }
0x112: {  	[smem:$0x30F] =	sst s11;
	s14 =	spop (v2sf);
	(v2sf) =	vpush v1, $0x3  }
0x113: {  	[smem:$0x38F] =	sst s14;
	s16 =	spop (v2sf);
	(v2sf) =	vpush v2, $0x3  }
0x114: {  	[smem:$0x110] =	sst s16;
	s18 =	spop (v2sf);
	(v2sf) =	vpush v3, $0x4  }
0x115: {  	[smem:$0x190] =	sst s18;
	s19 =	spop (v2sf);
	(v2sf) =	vpush v4, $0x4  }
0x116: {  	[smem:$0x310] =	sst s19;
	s20 =	spop (v2sf);
	(v2sf) =	vpush v1, $0x4  }
0x117: {  	[smem:$0x390] =	sst s20;
	s21 =	spop (v2sf);
	(v2sf) =	vpush v2, $0x4  }
0x118: {  	[smem:$0x111] =	sst s21;
	s23 =	spop (v2sf);
	(v2sf) =	vpush v3, $0x5  }
0x119: {  	[smem:$0x191] =	sst s23;
	s24 =	spop (v2sf);
	(v2sf) =	vpush v4, $0x5  }
0x11a: {  	[smem:$0x311] =	sst s24;
	s25 =	spop (v2sf);
	(v2sf) =	vpush v1, $0x5  }
0x11b: {  	[smem:$0x391] =	sst s25;
	s26 =	spop (v2sf);
	(v2sf) =	vpush v2, $0x5  }
0x11c: {  	[smem:$0x112] =	sst s26;
	s31 =	spop (v2sf);
	(v2sf) =	vpush v3, $0x6  }
0x11d: {  	[smem:$0x192] =	sst s31;
	s1 =	spop (v2sf);
	(v2sf) =	vpush v4, $0x6  }
0x11e: {  	[smem:$0x312] =	sst s1;
	s3 =	spop (v2sf);
	(v2sf) =	vpush v1, $0x6  }
0x11f: {  	[smem:$0x392] =	sst s3;
	s6 =	spop (v2sf);
	(v2sf) =	vpush v2, $0x6  }
0x120: {  	[smem:$0x113] =	sst s6;
	s7 =	spop (v2sf);
	(v2sf) =	vpush v3, $0x7  }
0x121: {  	[smem:$0x193] =	sst s7;
	s8 =	spop (v2sf);
	(v2sf) =	vpush v4, $0x7  }
0x122: {  	[smem:$0x313] =	sst s8;
	s9 =	spop (v2sf);
	(v2sf) =	vpush v1, $0x7  }
0x123: {  	[smem:$0x393] =	sst s9;
	s10 =	spop (v2sf);
	(v2sf) =	vpush v2, $0x7  }
0x124: {  	[smem:$0x114] =	sst s10;
	s11 =	spop (v2sf);
	(v2sf) =	vpush v3, $0x8  }
0x125: {  	[smem:$0x194] =	sst s11;
	s14 =	spop (v2sf);
	(v2sf) =	vpush v4, $0x8  }
0x126: {  	[smem:$0x314] =	sst s14;
	s16 =	spop (v2sf);
	(v2sf) =	vpush v1, $0x8  }
0x127: {  	[smem:$0x394] =	sst s16;
	s18 =	spop (v2sf);
	(v2sf) =	vpush v2, $0x8  }
0x128: {  	[smem:$0x115] =	sst s18;
	s19 =	spop (v2sf);
	(v2sf) =	vpush v3, $0x9  }
0x129: {  	[smem:$0x195] =	sst s19;
	s20 =	spop (v2sf);
	(v2sf) =	vpush v4, $0x9  }
0x12a: {  	[smem:$0x315] =	sst s20;
	s21 =	spop (v2sf);
	(v2sf) =	vpush v1, $0x9  }
0x12b: {  	[smem:$0x395] =	sst s21;
	s23 =	spop (v2sf);
	(v2sf) =	vpush v2, $0x9  }
0x12c: {  	[smem:$0x116] =	sst s23;
	s24 =	spop (v2sf);
	(v2sf) =	vpush v3, $0xA  }
0x12d: {  	[smem:$0x196] =	sst s24;
	s25 =	spop (v2sf);
	(v2sf) =	vpush v4, $0xA  }
0x12e: {  	[smem:$0x316] =	sst s25;
	s26 =	spop (v2sf);
	(v2sf) =	vpush v1, $0xA  }
0x12f: {  	[smem:$0x396] =	sst s26;
	s31 =	spop (v2sf);
	(v2sf) =	vpush v2, $0xA  }
0x130: {  	[smem:$0x117] =	sst s31;
	s1 =	spop (v2sf);
	(v2sf) =	vpush v3, $0xB  }
0x131: {  	[smem:$0x197] =	sst s1;
	s3 =	spop (v2sf);
	(v2sf) =	vpush v4, $0xB  }
0x132: {  	[smem:$0x317] =	sst s3;
	s6 =	spop (v2sf);
	(v2sf) =	vpush v1, $0xB  }
0x133: {  	[smem:$0x397] =	sst s6;
	s7 =	spop (v2sf);
	(v2sf) =	vpush v2, $0xB  }
0x134: {  	[smem:$0x118] =	sst s7;
	s8 =	spop (v2sf);
	(v2sf) =	vpush v3, $0xC  }
0x135: {  	[smem:$0x198] =	sst s8;
	s9 =	spop (v2sf);
	(v2sf) =	vpush v4, $0xC  }
0x136: {  	[smem:$0x318] =	sst s9;
	s10 =	spop (v2sf);
	(v2sf) =	vpush v1, $0xC  }
0x137: {  	[smem:$0x398] =	sst s10;
	s11 =	spop (v2sf);
	(v2sf) =	vpush v2, $0xC  }
0x138: {  	[smem:$0x119] =	sst s11;
	s14 =	spop (v2sf);
	(v2sf) =	vpush v3, $0xD  }
0x139: {  	[smem:$0x199] =	sst s14;
	s16 =	spop (v2sf);
	(v2sf) =	vpush v4, $0xD  }
0x13a: {  	[smem:$0x319] =	sst s16;
	s18 =	spop (v2sf);
	(v2sf) =	vpush v1, $0xD  }
0x13b: {  	[smem:$0x399] =	sst s18;
	s19 =	spop (v2sf);
	(v2sf) =	vpush v2, $0xD  }
0x13c: {  	[smem:$0x11A] =	sst s19;
	s20 =	spop (v2sf);
	(v2sf) =	vpush v3, $0xE  }
0x13d: {  	[smem:$0x19A] =	sst s20;
	s21 =	spop (v2sf);
	(v2sf) =	vpush v4, $0xE  }
0x13e: {  	[smem:$0x31A] =	sst s21;
	s23 =	spop (v2sf);
	(v2sf) =	vpush v1, $0xE  }
0x13f: {  	[smem:$0x39A] =	sst s23;
	s24 =	spop (v2sf);
	(v2sf) =	vpush v2, $0xE  }
0x140: {  	[smem:$0x11B] =	sst s24;
	s25 =	spop (v2sf);
	(v2sf) =	vpush v3, $0xF  }
0x141: {  	[smem:$0x19B] =	sst s25;
	s26 =	spop (v2sf);
	(v2sf) =	vpush v4, $0xF  }
0x142: {  	[smem:$0x31B] =	sst s26;
	s31 =	spop (v2sf);
	(v2sf) =	vpush v1, $0xF  }
0x143: {  	[smem:$0x39B] =	sst s31;
	s1 =	spop (v2sf);
	(v2sf) =	vpush v2, $0xF  }
0x144: {  	s3 =	spop (v2sf);
	[smem:$0x11C] =	sst s1  }
0x145: {  	s6 =	spop (v2sf);
	[smem:$0x19C] =	sst s3  }
0x146: {  	s7 =	spop (v2sf);
	[smem:$0x31C] =	sst s6  }
0x147: {  	s8 =	spop (v2sf);
	[smem:$0x39C] =	sst s7  }
0x148: {  	s9 =	spop (v2sf);
	[smem:$0x11D] =	sst s8  }
0x149: {  	s10 =	spop (v2sf);
	[smem:$0x19D] =	sst s9  }
0x14a: {  	s11 =	spop (v2sf);
	[smem:$0x31D] =	sst s10  }
0x14b: {  	s14 =	spop (v2sf);
	[smem:$0x39D] =	sst s11  }
0x14c: {  	s30 =	simm.s32 $0x0;
	s16 =	spop (v2sf);
	[smem:$0x11E] =	sst s14  }
0x14d: {  	s28 =	simm.s32 $0x8040;
	s18 =	spop (v2sf);
	[smem:$0x19E] =	sst s16  }
0x14e: {  	s29 =	simm.s32 $0x8270;
	s19 =	spop (v2sf);
	[smem:$0x31E] =	sst s18  }
0x14f: {  	s23 =	sshll.u32 s22, $0x1;
	s20 =	spop (v2sf);
	[smem:$0x39E] =	sst s19  }
0x150: {  	s24 =	sor.u32 s5, s23;
	s21 =	spop (v2sf);
	[smem:$0x11F] =	sst s20  }
0x151: {  	s26 =	sshll.u32 s22, $0x5;
	s25 =	spop (v2sf);
	[smem:$0x19F] =	sst s21  }
0x152: {  	s3 =	sshll.u32 s24, $0xB;
	[smem:$0x31F] =	sst s25;
	s31 =	spop (v2sf)  }
0x153: {  	s26 =	sand.u32 $0x60, s26;
	s25 =	sand.u32 $0xFFFC000, s3;
	[smem:$0x39F] =	sst s31  }
.LBB2_3:
0x154: {  	s0 =	sor.u32 $0x100, s30  }
0x155: {  	s1 =	sor.u32 $0x180, s30;
	s0 =	sld [smem:s0+$0x0]  }
0x156: {  	s1 =	sld [smem:s1+$0x0];
	_ =	sdelay $0x1  }
0x157: {  	s6 =	sld [smem:s30+$0x300];
	v2 =	vmov s0  }
0x158: {  	s8 =	sld [smem:s30+$0x380];
	v1 =	vmov s1  }
0x159: {  	s14 =	sld [smem:$0x7]  }
0x15a: {  	s16 =	sld [smem:$0x80]  }
0x15b: {  	s3 =	sld [smem:$0x87]  }
0x15c: {  	s7 =	sld [smem:$0x1];
	v3 =	vld.idx.msk [tilespmem:v2+s14+$0x0 ss:$0x1], $0xffff  }
0x15d: {  	s9 =	sld [smem:$0x81];
	v4 =	vld.idx.msk [tilespmem:v1+s14+$0x0 ss:$0x1], $0xffff  }
0x15e: {  	s0 =	sld [smem:$0x2];
	v5 =	vld.idx.msk [tilespmem:v2+s3+$0x0 ss:$0x1], $0xffff  }
0x15f: {  	s10 =	sld [smem:$0x82];
	v6 =	vld.idx.msk [tilespmem:v1+s3+$0x0 ss:$0x1], $0xffff  }
0x160: {  	v8 =	vld.idx.msk [tilespmem:v2+s16+$0x0 ss:$0x1], $0xffff;
	s11 =	sld [smem:$0x207]  }
0x161: {  	v9 =	vld.idx.msk [tilespmem:v1+s16+$0x0 ss:$0x1], $0xffff;
	s1 =	sld [smem:$0x287]  }
0x162: {  	v10 =	vld.idx.msk [tilespmem:v2+s7+$0x0 ss:$0x1], $0xffff;
	s19 =	sld [smem:$0x3]  }
0x163: {  	v11 =	vld.idx.msk [tilespmem:v1+s7+$0x0 ss:$0x1], $0xffff;
	s31 =	sld [smem:$0x83]  }
0x164: {  	v12 =	vld.idx.msk [tilespmem:v2+s9+$0x0 ss:$0x1], $0xffff;
	v3 =	vmul.f32 s11, v3;
	v4 =	vmul.f32 s11, v4;
	s20 =	sld [smem:$0x4]  }
0x165: {  	v13 =	vld.idx.msk [tilespmem:v1+s9+$0x0 ss:$0x1], $0xffff;
	v5 =	vmul.f32 s1, v5;
	v6 =	vmul.f32 s1, v6;
	s9 =	sld [smem:$0x84]  }
0x166: {  	v14 =	vld.idx.msk [tilespmem:v2+s0+$0x0 ss:$0x1], $0xffff;
	s21 =	sld [smem:$0x5]  }
0x167: {  	v15 =	vld.idx.msk [tilespmem:v1+s0+$0x0 ss:$0x1], $0xffff;
	v5 =	vadd.f32 v5, v3;
	v6 =	vadd.f32 v6, v4;
	s0 =	sld [smem:$0x85]  }
0x168: {  	v3 =	vmov s6;
	v4 =	vmov s8;
	v16 =	vld.idx.msk [tilespmem:v2+s10+$0x0 ss:$0x1], $0xffff;
	s7 =	sld [smem:$0x6]  }
0x169: {  	v17 =	vld.idx.msk [tilespmem:v1+s10+$0x0 ss:$0x1], $0xffff;
	v5 =	vmul.f32 v5, v3;
	v6 =	vmul.f32 v6, v4;
	s3 =	sld [smem:$0x86]  }
0x16a: {  	s18 =	sld [smem:$0x0];
	v18 =	vld.idx.msk [tilespmem:v2+s19+$0x0 ss:$0x1], $0xffff  }
0x16b: {  	v5 =	vadd.f32 v6, v5;
	s10 =	sld [smem:$0x200];
	v19 =	vld.idx.msk [tilespmem:v1+s19+$0x0 ss:$0x1], $0xffff  }
0x16c: {  	s8 =	sld [smem:$0x280];
	v20 =	vld.idx.msk [tilespmem:v2+s31+$0x0 ss:$0x1], $0xffff  }
0x16d: {  	v21 =	vld.idx.msk [tilespmem:v2+s18+$0x0 ss:$0x1], $0xffff;
	s11 =	sld [smem:$0x201];
	[tilespmem:s28+$0x30] =	vst v5  }
0x16e: {  	v5 =	vld.idx.msk [tilespmem:v1+s18+$0x0 ss:$0x1], $0xffff;
	s1 =	sld [smem:$0x281]  }
0x16f: {  	s14 =	sld [smem:$0x202];
	v22 =	vld.idx.msk [tilespmem:v1+s31+$0x0 ss:$0x1], $0xffff;
	v26 =	vmul.f32 s8, v8;
	v27 =	vmul.f32 s8, v9  }
0x170: {  	s31 =	sld [smem:$0x282];
	v23 =	vld.idx.msk [tilespmem:v2+s20+$0x0 ss:$0x1], $0xffff;
	v6 =	vmul.f32 s11, v10;
	v10 =	vmul.f32 s11, v11  }
0x171: {  	s16 =	sld [smem:$0x203];
	v24 =	vld.idx.msk [tilespmem:v1+s20+$0x0 ss:$0x1], $0xffff;
	v11 =	vmul.f32 s1, v12;
	v12 =	vmul.f32 s1, v13  }
0x172: {  	s20 =	sld [smem:$0x283];
	v25 =	vld.idx.msk [tilespmem:v2+s9+$0x0 ss:$0x1], $0xffff;
	v13 =	vmul.f32 s14, v14;
	v14 =	vmul.f32 s14, v15  }
0x173: {  	s18 =	sld [smem:$0x204];
	v7 =	vld.idx.msk [tilespmem:v1+s9+$0x0 ss:$0x1], $0xffff;
	v6 =	vadd.f32 v11, v6;
	v11 =	vmul.f32 s10, v21;
	v15 =	vmul.f32 s31, v16  }
0x174: {  	v21 =	vmul.f32 s10, v5;
	v5 =	vadd.f32 v12, v10;
	v12 =	vmul.f32 s31, v17;
	s19 =	sld [smem:$0x284];
	v8 =	vld.idx.msk [tilespmem:v2+s21+$0x0 ss:$0x1], $0xffff  }
0x175: {  	v63 =	vmul.f32 s16, v18;
	v19 =	vmul.f32 s16, v19;
	s11 =	sld [smem:$0x205];
	v9 =	vld.idx.msk [tilespmem:v1+s21+$0x0 ss:$0x1], $0xffff;
	v16 =	vadd.f32 v26, v11  }
0x176: {  	v28 =	vmul.f32 s20, v20;
	v17 =	vadd.f32 v27, v21;
	v21 =	vmul.f32 s20, v22;
	s9 =	sld [smem:$0x285];
	v10 =	vld.idx.msk [tilespmem:v2+s0+$0x0 ss:$0x1], $0xffff  }
0x177: {  	s1 =	simm.s32 $0x280;
	s10 =	simm.s32 $0x88;
	v13 =	vadd.f32 v15, v13;
	v14 =	vadd.f32 v12, v14;
	v11 =	vld.idx.msk [tilespmem:v1+s0+$0x0 ss:$0x1], $0xffff;
	v20 =	vmul.f32 s18, v23;
	s6 =	sld [smem:$0x206]  }
0x178: {  	s31 =	smov.u32 s28;
	v18 =	vmul.f32 s18, v24;
	s0 =	simm.s32 $0x0;
	v12 =	vadd.f32 v28, v63;
	v22 =	vmul.f32 s19, v25;
	s8 =	sld [smem:$0x286];
	v15 =	vld.idx.msk [tilespmem:v2+s7+$0x0 ss:$0x1], $0xffff  }
.LBB2_4:
0x179: {  	s14 =	sld [smem:s10+$0xFFFFFF87];
	v16 =	vmul.f32 v16, v3;
	v19 =	vadd.f32 v21, v19;
	v7 =	vmul.f32 s19, v7;
	v21 =	vld.idx.msk [tilespmem:v1+s7+$0x0 ss:$0x1], $0xffff  }
0x17a: {  	v17 =	vmul.f32 v17, v4;
	v8 =	vmul.f32 s11, v8;
	s7 =	sld [smem:s10+$0x0];
	v20 =	vadd.f32 v22, v20;
	v22 =	vld.idx.msk [tilespmem:v2+s3+$0x0 ss:$0x1], $0xffff  }
0x17b: {  	v6 =	vmul.f32 v6, v3;
	v9 =	vmul.f32 s11, v9;
	s16 =	sld [smem:s10+$0x7];
	v7 =	vadd.f32 v7, v18;
	v18 =	vld.idx.msk [tilespmem:v1+s3+$0x0 ss:$0x1], $0xffff  }
0x17c: {  	s0 =	sadd.s32 $0x8, s0;
	v5 =	vmul.f32 v5, v4;
	v16 =	vadd.f32 v17, v16;
	v10 =	vmul.f32 s9, v10;
	s3 =	sld [smem:s10+$0xFFFFFF81];
	v23 =	vld.idx.msk [tilespmem:v2+s14+$0x0 ss:$0x1], $0xffff  }
0x17d: {  	v13 =	vmul.f32 v13, v3;
	p1 =	slt.u32 s0, $0x18;
	v11 =	vmul.f32 s9, v11;
	s18 =	sld [smem:s10+$0x1];
	v17 =	vld.idx.msk [tilespmem:v1+s14+$0x0 ss:$0x1], $0xffff  }
0x17e: {  	v14 =	vmul.f32 v14, v4;
	v8 =	vadd.f32 v10, v8;
	v10 =	vmul.f32 s6, v15;
	s14 =	sld [smem:s10+$0xFFFFFF82];
	v24 =	vld.idx.msk [tilespmem:v2+s16+$0x0 ss:$0x1], $0xffff;
	[tilespmem:s31+$0xFFFFFFC0] =	vst v16  }
0x17f: {  	s1 =	sadd.s32 $0x8, s1;
	v12 =	vmul.f32 v12, v3;
	v9 =	vadd.f32 v11, v9;
	v11 =	vmul.f32 s6, v21;
	s20 =	sld [smem:s10+$0x2];
	v15 =	vld.idx.msk [tilespmem:v1+s16+$0x0 ss:$0x1], $0xffff  }
0x180: {  	v5 =	vadd.f32 v5, v6;
	v6 =	vmul.f32 v19, v4;
	v19 =	vmul.f32 s8, v22;
	v16 =	vld.idx.msk [tilespmem:v2+s7+$0x0 ss:$0x1], $0xffff;
	s6 =	sld [smem:s1+$0xFFFFFF87]  }
0x181: {  	v13 =	vadd.f32 v14, v13;
	v14 =	vmul.f32 v20, v3;
	v18 =	vmul.f32 s8, v18;
	v21 =	vld.idx.msk [tilespmem:v1+s7+$0x0 ss:$0x1], $0xffff;
	s7 =	sld [smem:s1+$0x7]  }
0x182: {  	v7 =	vmul.f32 v7, v4;
	v8 =	vmul.f32 v8, v3;
	v10 =	vadd.f32 v19, v10;
	v20 =	vld.idx.msk [tilespmem:v2+s3+$0x0 ss:$0x1], $0xffff;
	s16 =	sld [smem:s10+$0xFFFFFF83]  }
0x183: {  	v6 =	vadd.f32 v6, v12;
	v9 =	vmul.f32 v9, v4;
	v11 =	vadd.f32 v18, v11;
	v19 =	vld.idx.msk [tilespmem:v1+s3+$0x0 ss:$0x1], $0xffff;
	s19 =	sld [smem:s10+$0x3]  }
0x184: {  	v18 =	vmul.f32 s6, v23;
	v12 =	vld.idx.msk [tilespmem:v2+s18+$0x0 ss:$0x1], $0xffff;
	s11 =	sld [smem:s10+$0xFFFFFF84];
	v22 =	vmul.f32 s7, v24;
	[tilespmem:s31+$0xFFFFFFD0] =	vst v5;
	v5 =	vadd.f32 v7, v14  }
0x185: {  	v8 =	vadd.f32 v9, v8;
	v14 =	vmul.f32 s6, v17;
	v15 =	vmul.f32 s7, v15;
	v7 =	vld.idx.msk [tilespmem:v1+s18+$0x0 ss:$0x1], $0xffff;
	s9 =	sld [smem:s10+$0x4];
	[tilespmem:s31+$0xFFFFFFE0] =	vst v13  }
0x186: {  	v9 =	vld.idx.msk [tilespmem:v2+s14+$0x0 ss:$0x1], $0xffff;
	s8 =	sld [smem:s10+$0xFFFFFF85];
	[tilespmem:s31+$0xFFFFFFF0] =	vst v6;
	v6 =	vmul.f32 v10, v3;
	v10 =	vmul.f32 v11, v4  }
0x187: {  	v13 =	vadd.f32 v22, v18;
	v14 =	vadd.f32 v15, v14;
	v11 =	vld.idx.msk [tilespmem:v1+s14+$0x0 ss:$0x1], $0xffff;
	s6 =	sld [smem:s10+$0x5];
	[tilespmem:s31+$0x0] =	vst v5  }
0x188: {  	v5 =	vld.idx.msk [tilespmem:v2+s20+$0x0 ss:$0x1], $0xffff;
	s7 =	sld [smem:s10+$0xFFFFFF86];
	[tilespmem:s31+$0x10] =	vst v8;
	v6 =	vadd.f32 v10, v6  }
0x189: {  	v10 =	vmul.f32 v13, v3;
	v13 =	vmul.f32 v14, v4;
	v8 =	vld.idx.msk [tilespmem:v1+s20+$0x0 ss:$0x1], $0xffff;
	s3 =	sld [smem:s10+$0x6]  }
0x18a: {  	s14 =	sld [smem:s10+$0xFFFFFF80];
	v14 =	vld.idx.msk [tilespmem:v2+s16+$0x0 ss:$0x1], $0xffff;
	[tilespmem:s31+$0x20] =	vst v6  }
0x18b: {  	v6 =	vadd.f32 v13, v10;
	s18 =	sld [smem:s1+$0xFFFFFF80];
	v15 =	vld.idx.msk [tilespmem:v1+s16+$0x0 ss:$0x1], $0xffff  }
0x18c: {  	s31 =	sadd.s32 $0x80, s31;
	s16 =	sld [smem:s1+$0x0];
	v10 =	vld.idx.msk [tilespmem:v2+s19+$0x0 ss:$0x1], $0xffff  }
0x18d: {  	v13 =	vld.idx.msk [tilespmem:v2+s14+$0x0 ss:$0x1], $0xffff;
	s20 =	sld [smem:s1+$0xFFFFFF81];
	[tilespmem:s31+$0x30] =	vst v6  }
0x18e: {  	v17 =	vld.idx.msk [tilespmem:v1+s14+$0x0 ss:$0x1], $0xffff;
	s14 =	sld [smem:s1+$0x1]  }
0x18f: {  	v16 =	vmul.f32 s16, v16;
	v18 =	vmul.f32 s16, v21;
	s16 =	sld [smem:s1+$0xFFFFFF82];
	v21 =	vld.idx.msk [tilespmem:v1+s19+$0x0 ss:$0x1], $0xffff  }
0x190: {  	v6 =	vmul.f32 s20, v20;
	v19 =	vmul.f32 s20, v19;
	s19 =	sld [smem:s1+$0x2];
	v20 =	vld.idx.msk [tilespmem:v2+s11+$0x0 ss:$0x1], $0xffff  }
0x191: {  	v12 =	vmul.f32 s14, v12;
	v22 =	vmul.f32 s14, v7;
	s14 =	sld [smem:s1+$0xFFFFFF83];
	v23 =	vld.idx.msk [tilespmem:v1+s11+$0x0 ss:$0x1], $0xffff  }
0x192: {  	v24 =	vmul.f32 s16, v9;
	v25 =	vmul.f32 s16, v11;
	s16 =	sld [smem:s1+$0x3];
	v26 =	vld.idx.msk [tilespmem:v2+s9+$0x0 ss:$0x1], $0xffff  }
0x193: {  	v9 =	vmul.f32 s18, v13;
	v6 =	vadd.f32 v12, v6;
	v11 =	vmul.f32 s19, v5;
	s20 =	sld [smem:s1+$0xFFFFFF84];
	v7 =	vld.idx.msk [tilespmem:v1+s9+$0x0 ss:$0x1], $0xffff  }
.Ltmp2:
0x194: {  	v12 =	vmul.f32 s18, v17;
	v5 =	vadd.f32 v22, v19;
	v22 =	vmul.f32 s19, v8;
	s19 =	sld [smem:s1+$0x4];
	v8 =	vld.idx.msk [tilespmem:v2+s8+$0x0 ss:$0x1], $0xffff;
	(pc) =	sbr.rel @p1 .LBB2_4-.Ltmp2, $4  }
0x195: {  	v16 =	vadd.f32 v16, v9;
	v27 =	vmul.f32 s14, v14;
	v28 =	vmul.f32 s16, v10;
	s11 =	sld [smem:s1+$0xFFFFFF85];
	v9 =	vld.idx.msk [tilespmem:v1+s8+$0x0 ss:$0x1], $0xffff  }
0x196: {  	v19 =	vmul.f32 s14, v15;
	v17 =	vadd.f32 v18, v12;
	v21 =	vmul.f32 s16, v21;
	s9 =	sld [smem:s1+$0x5];
	v10 =	vld.idx.msk [tilespmem:v2+s6+$0x0 ss:$0x1], $0xffff  }
0x197: {  	v13 =	vadd.f32 v11, v24;
	v20 =	vmul.f32 s20, v20;
	v18 =	vmul.f32 s20, v23;
	v11 =	vld.idx.msk [tilespmem:v1+s6+$0x0 ss:$0x1], $0xffff;
	s6 =	sld [smem:s1+$0xFFFFFF86]  }
0x198: {  	s10 =	sadd.s32 $0x8, s10;
	v14 =	vadd.f32 v22, v25;
	v12 =	vadd.f32 v28, v27;
	v22 =	vmul.f32 s19, v26;
	s8 =	sld [smem:s1+$0x6];
	v15 =	vld.idx.msk [tilespmem:v2+s7+$0x0 ss:$0x1], $0xffff  }
0x199: {  	_ =	sdelay $0x2  }
0x19a: {  	v16 =	vmul.f32 v16, v3  }
0x19b: {  	v7 =	vmul.f32 s19, v7;
	v23 =	vld.idx.msk [tilespmem:v1+s7+$0x0 ss:$0x1], $0xffff;
	v17 =	vmul.f32 v17, v4  }
0x19c: {  	v8 =	vmul.f32 s11, v8;
	v2 =	vld.idx.msk [tilespmem:v2+s3+$0x0 ss:$0x1], $0xffff;
	v6 =	vmul.f32 v6, v3  }
0x19d: {  	v19 =	vadd.f32 v21, v19;
	v1 =	vld.idx.msk [tilespmem:v1+s3+$0x0 ss:$0x1], $0xffff;
	v5 =	vmul.f32 v5, v4;
	v13 =	vmul.f32 v13, v3  }
0x19e: {  	v20 =	vadd.f32 v22, v20;
	v9 =	vmul.f32 s11, v9;
	v10 =	vmul.f32 s9, v10  }
0x19f: {  	v14 =	vmul.f32 v14, v4;
	v7 =	vadd.f32 v7, v18;
	v11 =	vmul.f32 s9, v11  }
0x1a0: {  	v12 =	vmul.f32 v12, v3;
	v16 =	vadd.f32 v17, v16;
	v8 =	vadd.f32 v10, v8  }
0x1a1: {  	v10 =	vmul.f32 s6, v15;
	v9 =	vadd.f32 v11, v9;
	v11 =	vmul.f32 s6, v23  }
0x1a2: {  	v5 =	vadd.f32 v5, v6;
	v2 =	vmul.f32 s8, v2;
	v1 =	vmul.f32 s8, v1  }
0x1a3: {  	v6 =	vmul.f32 v19, v4;
	v13 =	vadd.f32 v14, v13;
	v14 =	vmul.f32 v20, v3  }
0x1a4: {  	[tilespmem:s31+$0xFFFFFFC0] =	vst v16;
	v7 =	vmul.f32 v7, v4;
	v2 =	vadd.f32 v2, v10;
	v1 =	vadd.f32 v1, v11  }
0x1a5: {  	s0 =	sor.u32 $0x101, s30;
	v6 =	vadd.f32 v6, v12;
	[tilespmem:s31+$0xFFFFFFD0] =	vst v5;
	v8 =	vmul.f32 v8, v3;
	v9 =	vmul.f32 v9, v4  }
0x1a6: {  	s1 =	sor.u32 $0x181, s30;
	s0 =	sld [smem:s0+$0x0];
	[tilespmem:s31+$0xFFFFFFE0] =	vst v13;
	v5 =	vadd.f32 v7, v14;
	v2 =	vmul.f32 v2, v3;
	v1 =	vmul.f32 v1, v4  }
0x1a7: {  	s1 =	sld [smem:s1+$0x0];
	[tilespmem:s31+$0xFFFFFFF0] =	vst v6;
	v3 =	vadd.f32 v9, v8  }
0x1a8: {  	[tilespmem:s31+$0x0] =	vst v5;
	v1 =	vadd.f32 v1, v2  }
0x1a9: {  	s6 =	sld [smem:s30+$0x301];
	[tilespmem:s31+$0x10] =	vst v3;
	v2 =	vmov s0  }
0x1aa: {  	s8 =	sld [smem:s30+$0x381];
	[tilespmem:s31+$0x20] =	vst v1;
	v1 =	vmov s1  }
0x1ab: {  	s20 =	sld [smem:$0x7]  }
0x1ac: {  	s21 =	sld [smem:$0x80]  }
0x1ad: {  	s7 =	sld [smem:$0x87]  }
0x1ae: {  	s9 =	sld [smem:$0x1];
	v3 =	vld.idx.msk [tilespmem:v2+s20+$0x0 ss:$0x1], $0xffff  }
0x1af: {  	s11 =	sld [smem:$0x81];
	v4 =	vld.idx.msk [tilespmem:v1+s20+$0x0 ss:$0x1], $0xffff  }
0x1b0: {  	s0 =	sld [smem:$0x2];
	v5 =	vld.idx.msk [tilespmem:v2+s7+$0x0 ss:$0x1], $0xffff  }
0x1b1: {  	s10 =	sld [smem:$0x82];
	v6 =	vld.idx.msk [tilespmem:v1+s7+$0x0 ss:$0x1], $0xffff  }
0x1b2: {  	v8 =	vld.idx.msk [tilespmem:v2+s21+$0x0 ss:$0x1], $0xffff;
	s19 =	sld [smem:$0x207]  }
0x1b3: {  	v9 =	vld.idx.msk [tilespmem:v1+s21+$0x0 ss:$0x1], $0xffff;
	s1 =	sld [smem:$0x287]  }
0x1b4: {  	v10 =	vld.idx.msk [tilespmem:v2+s9+$0x0 ss:$0x1], $0xffff;
	s14 =	sld [smem:$0x3]  }
0x1b5: {  	v11 =	vld.idx.msk [tilespmem:v1+s9+$0x0 ss:$0x1], $0xffff;
	s16 =	sld [smem:$0x83]  }
0x1b6: {  	v12 =	vld.idx.msk [tilespmem:v2+s11+$0x0 ss:$0x1], $0xffff;
	v3 =	vmul.f32 s19, v3;
	v4 =	vmul.f32 s19, v4;
	s18 =	sld [smem:$0x4]  }
0x1b7: {  	v13 =	vld.idx.msk [tilespmem:v1+s11+$0x0 ss:$0x1], $0xffff;
	v5 =	vmul.f32 s1, v5;
	v6 =	vmul.f32 s1, v6;
	s9 =	sld [smem:$0x84]  }
0x1b8: {  	v14 =	vld.idx.msk [tilespmem:v2+s0+$0x0 ss:$0x1], $0xffff;
	s20 =	sld [smem:$0x5]  }
0x1b9: {  	v15 =	vld.idx.msk [tilespmem:v1+s0+$0x0 ss:$0x1], $0xffff;
	v5 =	vadd.f32 v5, v3;
	v6 =	vadd.f32 v6, v4;
	s0 =	sld [smem:$0x85]  }
0x1ba: {  	v3 =	vmov s6;
	v4 =	vmov s8;
	v16 =	vld.idx.msk [tilespmem:v2+s10+$0x0 ss:$0x1], $0xffff;
	s7 =	sld [smem:$0x6]  }
0x1bb: {  	v17 =	vld.idx.msk [tilespmem:v1+s10+$0x0 ss:$0x1], $0xffff;
	v5 =	vmul.f32 v5, v3;
	v6 =	vmul.f32 v6, v4;
	s3 =	sld [smem:$0x86]  }
0x1bc: {  	s21 =	sld [smem:$0x0];
	v18 =	vld.idx.msk [tilespmem:v2+s14+$0x0 ss:$0x1], $0xffff  }
0x1bd: {  	v5 =	vadd.f32 v6, v5;
	s10 =	sld [smem:$0x200];
	v19 =	vld.idx.msk [tilespmem:v1+s14+$0x0 ss:$0x1], $0xffff  }
0x1be: {  	s8 =	sld [smem:$0x280];
	v20 =	vld.idx.msk [tilespmem:v2+s16+$0x0 ss:$0x1], $0xffff  }
0x1bf: {  	v21 =	vld.idx.msk [tilespmem:v2+s21+$0x0 ss:$0x1], $0xffff;
	s11 =	sld [smem:$0x201];
	[tilespmem:s29+$0x0] =	vst v5  }
0x1c0: {  	v5 =	vld.idx.msk [tilespmem:v1+s21+$0x0 ss:$0x1], $0xffff;
	s1 =	sld [smem:$0x281]  }
0x1c1: {  	s14 =	sld [smem:$0x202];
	v22 =	vld.idx.msk [tilespmem:v1+s16+$0x0 ss:$0x1], $0xffff;
	v26 =	vmul.f32 s8, v8;
	v27 =	vmul.f32 s8, v9  }
0x1c2: {  	s16 =	sld [smem:$0x282];
	v23 =	vld.idx.msk [tilespmem:v2+s18+$0x0 ss:$0x1], $0xffff;
	v6 =	vmul.f32 s11, v10;
	v10 =	vmul.f32 s11, v11  }
0x1c3: {  	s21 =	sld [smem:$0x203];
	v24 =	vld.idx.msk [tilespmem:v1+s18+$0x0 ss:$0x1], $0xffff;
	v11 =	vmul.f32 s1, v12;
	v12 =	vmul.f32 s1, v13  }
0x1c4: {  	s18 =	sld [smem:$0x283];
	v25 =	vld.idx.msk [tilespmem:v2+s9+$0x0 ss:$0x1], $0xffff;
	v13 =	vmul.f32 s14, v14;
	v14 =	vmul.f32 s14, v15  }
0x1c5: {  	s31 =	sld [smem:$0x204];
	v7 =	vld.idx.msk [tilespmem:v1+s9+$0x0 ss:$0x1], $0xffff;
	v6 =	vadd.f32 v11, v6;
	v11 =	vmul.f32 s10, v21;
	v15 =	vmul.f32 s16, v16  }
0x1c6: {  	v21 =	vmul.f32 s10, v5;
	v5 =	vadd.f32 v12, v10;
	v12 =	vmul.f32 s16, v17;
	s19 =	sld [smem:$0x284];
	v8 =	vld.idx.msk [tilespmem:v2+s20+$0x0 ss:$0x1], $0xffff  }
0x1c7: {  	v63 =	vmul.f32 s21, v18;
	v19 =	vmul.f32 s21, v19;
	s11 =	sld [smem:$0x205];
	v9 =	vld.idx.msk [tilespmem:v1+s20+$0x0 ss:$0x1], $0xffff;
	v16 =	vadd.f32 v26, v11  }
0x1c8: {  	v28 =	vmul.f32 s18, v20;
	v17 =	vadd.f32 v27, v21;
	v21 =	vmul.f32 s18, v22;
	s6 =	sld [smem:$0x285];
	v10 =	vld.idx.msk [tilespmem:v2+s0+$0x0 ss:$0x1], $0xffff  }
0x1c9: {  	s1 =	simm.s32 $0x280;
	s10 =	simm.s32 $0x88;
	v13 =	vadd.f32 v15, v13;
	v14 =	vadd.f32 v12, v14;
	v11 =	vld.idx.msk [tilespmem:v1+s0+$0x0 ss:$0x1], $0xffff;
	v20 =	vmul.f32 s31, v23;
	s9 =	sld [smem:$0x206]  }
0x1ca: {  	v18 =	vmul.f32 s31, v24;
	s0 =	simm.s32 $0x0;
	s31 =	smov.u32 s29;
	v12 =	vadd.f32 v28, v63;
	v22 =	vmul.f32 s19, v25;
	s8 =	sld [smem:$0x286];
	v15 =	vld.idx.msk [tilespmem:v2+s7+$0x0 ss:$0x1], $0xffff  }
.LBB2_6:
0x1cb: {  	s14 =	sld [smem:s10+$0xFFFFFF87];
	v16 =	vmul.f32 v16, v3;
	v19 =	vadd.f32 v21, v19;
	v7 =	vmul.f32 s19, v7;
	v21 =	vld.idx.msk [tilespmem:v1+s7+$0x0 ss:$0x1], $0xffff  }
0x1cc: {  	v17 =	vmul.f32 v17, v4;
	v8 =	vmul.f32 s11, v8;
	s7 =	sld [smem:s10+$0x0];
	v20 =	vadd.f32 v22, v20;
	v22 =	vld.idx.msk [tilespmem:v2+s3+$0x0 ss:$0x1], $0xffff  }
0x1cd: {  	v6 =	vmul.f32 v6, v3;
	v9 =	vmul.f32 s11, v9;
	s16 =	sld [smem:s10+$0x7];
	v7 =	vadd.f32 v7, v18;
	v18 =	vld.idx.msk [tilespmem:v1+s3+$0x0 ss:$0x1], $0xffff  }
0x1ce: {  	s0 =	sadd.s32 $0x8, s0;
	v5 =	vmul.f32 v5, v4;
	v16 =	vadd.f32 v17, v16;
	v10 =	vmul.f32 s6, v10;
	s3 =	sld [smem:s10+$0xFFFFFF81];
	v23 =	vld.idx.msk [tilespmem:v2+s14+$0x0 ss:$0x1], $0xffff  }
0x1cf: {  	v13 =	vmul.f32 v13, v3;
	p1 =	slt.u32 s0, $0x18;
	v11 =	vmul.f32 s6, v11;
	s18 =	sld [smem:s10+$0x1];
	v17 =	vld.idx.msk [tilespmem:v1+s14+$0x0 ss:$0x1], $0xffff  }
0x1d0: {  	v14 =	vmul.f32 v14, v4;
	v8 =	vadd.f32 v10, v8;
	v10 =	vmul.f32 s9, v15;
	s14 =	sld [smem:s10+$0xFFFFFF82];
	v24 =	vld.idx.msk [tilespmem:v2+s16+$0x0 ss:$0x1], $0xffff;
	[tilespmem:s31+$0xFFFFFF90] =	vst v16  }
0x1d1: {  	s1 =	sadd.s32 $0x8, s1;
	v12 =	vmul.f32 v12, v3;
	v9 =	vadd.f32 v11, v9;
	v11 =	vmul.f32 s9, v21;
	s20 =	sld [smem:s10+$0x2];
	v15 =	vld.idx.msk [tilespmem:v1+s16+$0x0 ss:$0x1], $0xffff  }
0x1d2: {  	v5 =	vadd.f32 v5, v6;
	v6 =	vmul.f32 v19, v4;
	v19 =	vmul.f32 s8, v22;
	v16 =	vld.idx.msk [tilespmem:v2+s7+$0x0 ss:$0x1], $0xffff;
	s6 =	sld [smem:s1+$0xFFFFFF87]  }
0x1d3: {  	v13 =	vadd.f32 v14, v13;
	v14 =	vmul.f32 v20, v3;
	v18 =	vmul.f32 s8, v18;
	v21 =	vld.idx.msk [tilespmem:v1+s7+$0x0 ss:$0x1], $0xffff;
	s7 =	sld [smem:s1+$0x7]  }
0x1d4: {  	v7 =	vmul.f32 v7, v4;
	v8 =	vmul.f32 v8, v3;
	v10 =	vadd.f32 v19, v10;
	v20 =	vld.idx.msk [tilespmem:v2+s3+$0x0 ss:$0x1], $0xffff;
	s16 =	sld [smem:s10+$0xFFFFFF83]  }
0x1d5: {  	v6 =	vadd.f32 v6, v12;
	v9 =	vmul.f32 v9, v4;
	v11 =	vadd.f32 v18, v11;
	v19 =	vld.idx.msk [tilespmem:v1+s3+$0x0 ss:$0x1], $0xffff;
	s19 =	sld [smem:s10+$0x3]  }
0x1d6: {  	v18 =	vmul.f32 s6, v23;
	v12 =	vld.idx.msk [tilespmem:v2+s18+$0x0 ss:$0x1], $0xffff;
	s11 =	sld [smem:s10+$0xFFFFFF84];
	v22 =	vmul.f32 s7, v24;
	[tilespmem:s31+$0xFFFFFFA0] =	vst v5;
	v5 =	vadd.f32 v7, v14  }
0x1d7: {  	v8 =	vadd.f32 v9, v8;
	v14 =	vmul.f32 s6, v17;
	v15 =	vmul.f32 s7, v15;
	v7 =	vld.idx.msk [tilespmem:v1+s18+$0x0 ss:$0x1], $0xffff;
	s9 =	sld [smem:s10+$0x4];
	[tilespmem:s31+$0xFFFFFFB0] =	vst v13  }
0x1d8: {  	v9 =	vld.idx.msk [tilespmem:v2+s14+$0x0 ss:$0x1], $0xffff;
	s6 =	sld [smem:s10+$0xFFFFFF85];
	[tilespmem:s31+$0xFFFFFFC0] =	vst v6;
	v6 =	vmul.f32 v10, v3;
	v10 =	vmul.f32 v11, v4  }
0x1d9: {  	v13 =	vadd.f32 v22, v18;
	v14 =	vadd.f32 v15, v14;
	v11 =	vld.idx.msk [tilespmem:v1+s14+$0x0 ss:$0x1], $0xffff;
	s8 =	sld [smem:s10+$0x5];
	[tilespmem:s31+$0xFFFFFFD0] =	vst v5  }
0x1da: {  	v5 =	vld.idx.msk [tilespmem:v2+s20+$0x0 ss:$0x1], $0xffff;
	s7 =	sld [smem:s10+$0xFFFFFF86];
	[tilespmem:s31+$0xFFFFFFE0] =	vst v8;
	v6 =	vadd.f32 v10, v6  }
0x1db: {  	v10 =	vmul.f32 v13, v3;
	v13 =	vmul.f32 v14, v4;
	v8 =	vld.idx.msk [tilespmem:v1+s20+$0x0 ss:$0x1], $0xffff;
	s3 =	sld [smem:s10+$0x6]  }
0x1dc: {  	s14 =	sld [smem:s10+$0xFFFFFF80];
	v14 =	vld.idx.msk [tilespmem:v2+s16+$0x0 ss:$0x1], $0xffff;
	[tilespmem:s31+$0xFFFFFFF0] =	vst v6  }
0x1dd: {  	v6 =	vadd.f32 v13, v10;
	s18 =	sld [smem:s1+$0xFFFFFF80];
	v15 =	vld.idx.msk [tilespmem:v1+s16+$0x0 ss:$0x1], $0xffff  }
0x1de: {  	s31 =	sadd.s32 $0x80, s31;
	s16 =	sld [smem:s1+$0x0];
	v10 =	vld.idx.msk [tilespmem:v2+s19+$0x0 ss:$0x1], $0xffff  }
0x1df: {  	v13 =	vld.idx.msk [tilespmem:v2+s14+$0x0 ss:$0x1], $0xffff;
	s20 =	sld [smem:s1+$0xFFFFFF81];
	[tilespmem:s31+$0x0] =	vst v6  }
0x1e0: {  	v17 =	vld.idx.msk [tilespmem:v1+s14+$0x0 ss:$0x1], $0xffff;
	s14 =	sld [smem:s1+$0x1]  }
0x1e1: {  	v16 =	vmul.f32 s16, v16;
	v18 =	vmul.f32 s16, v21;
	s16 =	sld [smem:s1+$0xFFFFFF82];
	v21 =	vld.idx.msk [tilespmem:v1+s19+$0x0 ss:$0x1], $0xffff  }
0x1e2: {  	v6 =	vmul.f32 s20, v20;
	v19 =	vmul.f32 s20, v19;
	s19 =	sld [smem:s1+$0x2];
	v20 =	vld.idx.msk [tilespmem:v2+s11+$0x0 ss:$0x1], $0xffff  }
0x1e3: {  	v12 =	vmul.f32 s14, v12;
	v22 =	vmul.f32 s14, v7;
	s14 =	sld [smem:s1+$0xFFFFFF83];
	v23 =	vld.idx.msk [tilespmem:v1+s11+$0x0 ss:$0x1], $0xffff  }
0x1e4: {  	v24 =	vmul.f32 s16, v9;
	v25 =	vmul.f32 s16, v11;
	s16 =	sld [smem:s1+$0x3];
	v26 =	vld.idx.msk [tilespmem:v2+s9+$0x0 ss:$0x1], $0xffff  }
0x1e5: {  	v9 =	vmul.f32 s18, v13;
	v6 =	vadd.f32 v12, v6;
	v11 =	vmul.f32 s19, v5;
	s20 =	sld [smem:s1+$0xFFFFFF84];
	v7 =	vld.idx.msk [tilespmem:v1+s9+$0x0 ss:$0x1], $0xffff  }
.Ltmp3:
0x1e6: {  	v12 =	vmul.f32 s18, v17;
	v5 =	vadd.f32 v22, v19;
	v22 =	vmul.f32 s19, v8;
	s19 =	sld [smem:s1+$0x4];
	v8 =	vld.idx.msk [tilespmem:v2+s6+$0x0 ss:$0x1], $0xffff;
	(pc) =	sbr.rel @p1 .LBB2_6-.Ltmp3, $4  }
0x1e7: {  	v16 =	vadd.f32 v16, v9;
	v27 =	vmul.f32 s14, v14;
	v28 =	vmul.f32 s16, v10;
	s11 =	sld [smem:s1+$0xFFFFFF85];
	v9 =	vld.idx.msk [tilespmem:v1+s6+$0x0 ss:$0x1], $0xffff  }
0x1e8: {  	v19 =	vmul.f32 s14, v15;
	v17 =	vadd.f32 v18, v12;
	v21 =	vmul.f32 s16, v21;
	s6 =	sld [smem:s1+$0x5];
	v10 =	vld.idx.msk [tilespmem:v2+s8+$0x0 ss:$0x1], $0xffff  }
0x1e9: {  	v13 =	vadd.f32 v11, v24;
	v20 =	vmul.f32 s20, v20;
	v18 =	vmul.f32 s20, v23;
	v11 =	vld.idx.msk [tilespmem:v1+s8+$0x0 ss:$0x1], $0xffff;
	s9 =	sld [smem:s1+$0xFFFFFF86]  }
0x1ea: {  	s10 =	sadd.s32 $0x8, s10;
	v14 =	vadd.f32 v22, v25;
	v12 =	vadd.f32 v28, v27;
	v22 =	vmul.f32 s19, v26;
	s8 =	sld [smem:s1+$0x6];
	v15 =	vld.idx.msk [tilespmem:v2+s7+$0x0 ss:$0x1], $0xffff  }
0x1eb: {  	_ =	sdelay $0x2  }
0x1ec: {  	v16 =	vmul.f32 v16, v3  }
0x1ed: {  	v7 =	vmul.f32 s19, v7;
	v23 =	vld.idx.msk [tilespmem:v1+s7+$0x0 ss:$0x1], $0xffff;
	v17 =	vmul.f32 v17, v4  }
0x1ee: {  	v8 =	vmul.f32 s11, v8;
	v2 =	vld.idx.msk [tilespmem:v2+s3+$0x0 ss:$0x1], $0xffff;
	v6 =	vmul.f32 v6, v3  }
0x1ef: {  	v19 =	vadd.f32 v21, v19;
	v1 =	vld.idx.msk [tilespmem:v1+s3+$0x0 ss:$0x1], $0xffff;
	v5 =	vmul.f32 v5, v4;
	v13 =	vmul.f32 v13, v3  }
0x1f0: {  	v20 =	vadd.f32 v22, v20;
	v9 =	vmul.f32 s11, v9;
	v14 =	vmul.f32 v14, v4  }
0x1f1: {  	v12 =	vmul.f32 v12, v3;
	v7 =	vadd.f32 v7, v18;
	v10 =	vmul.f32 s6, v10  }
0x1f2: {  	v16 =	vadd.f32 v17, v16;
	v61 =	vmul.f32 v19, v4;
	v11 =	vmul.f32 s6, v11  }
0x1f3: {  	v5 =	vadd.f32 v5, v6;
	v59 =	vmul.f32 s9, v15;
	v60 =	vmul.f32 s9, v23  }
0x1f4: {  	v13 =	vadd.f32 v14, v13;
	v2 =	vmul.f32 s8, v2;
	v1 =	vmul.f32 s8, v1  }
0x1f5: {  	v62 =	vmul.f32 v20, v3;
	v8 =	vadd.f32 v10, v8;
	v9 =	vadd.f32 v11, v9  }
0x1f6: {  	[tilespmem:s31+$0xFFFFFF90] =	vst v16;
	v7 =	vmul.f32 v7, v4;
	v2 =	vadd.f32 v2, v59;
	v1 =	vadd.f32 v1, v60  }
0x1f7: {  	p1 =	slt.u32 s30, $0x1E;
	v6 =	vadd.f32 v61, v12;
	[tilespmem:s31+$0xFFFFFFA0] =	vst v5;
	v8 =	vmul.f32 v8, v3;
	v9 =	vmul.f32 v9, v4  }
.Ltmp4:
0x1f8: {  	[tilespmem:s31+$0xFFFFFFB0] =	vst v13;
	v63 =	vadd.f32 v7, v62;
	v2 =	vmul.f32 v2, v3;
	v1 =	vmul.f32 v1, v4;
	(pc) =	sbr.rel @p1 .LBB2_3-.Ltmp4, $4  }
0x1f9: {  	[tilespmem:s31+$0xFFFFFFC0] =	vst v6;
	v3 =	vadd.f32 v9, v8  }
0x1fa: {  	[tilespmem:s31+$0xFFFFFFD0] =	vst v63;
	v1 =	vadd.f32 v1, v2  }
0x1fb: {  	s0 =	sadd.s32 $0x2, s30;
	[tilespmem:s31+$0xFFFFFFE0] =	vst v3  }
0x1fc: {  	s28 =	sadd.s32 $0x400, s28;
	s29 =	sadd.s32 $0x400, s29;
	s30 =	smov.u32 s0;
	[tilespmem:s31+$0xFFFFFFF0] =	vst v1  }
0x1fd: {  	s0 =	sadd.s32 s4, s26  }
0x1fe: {  	s1 =	simm.s32 $0x8000;
	p1 =	seq.s32 s22, $0x1F;
	s0 =	sadd.s32 s25, s0  }
0x1ff: {  	[hbm4b:s0+s12] =	stream.strided.scatter [tilespmem:s1], [sflag:$0x3], $0x4000, s13, s12, $0x38;
	[tilespmem:$0x11000] =	vst v63  }
0x200: {  	s0 =	sadd.s32 @!p1 $0x2, s24  }
0x201: {  	s1 =	sshll.u32 @!p1 s0, $0x4  }
0x202: {  	s0 =	sshll.u32 @!p1 s0, $0xB;
	s1 =	sand.u32 @!p1 $0x60, s1  }
0x203: {  	s3 =	simm.s32 @!p1 $0x400;
	s0 =	sand.u32 @!p1 $0xFFFC000, s0;
	s1 =	sadd.s32 @!p1 s2, s1  }
0x204: {  	s6 =	simm.s32 @!p1 $0x0;
	s0 =	sadd.s32 @!p1 s0, s1;
	s1 =	simm.s32 @!p1 $0x80  }
0x205: {  	[tilespmem:s6], [sflag:$0x1] =	stream.strided.gather @!p1 [hbm4b:s0+s1], $0x4000, s3, s1, $0x38;
	[tilespmem:$0x11000] =	vst v63  }
0x206: {  	_ =	swait.ge [sflag:s17], $0x4000  }
0x207: {  	[sflag:s17] =	ssyncset.done $0x0  }
0x208: {  	s0 =	simm.s32 @!p0 $0x4;
	[sflag:s17] =	ssyncadd.s32 $0xFFFFC000  }
0x209: {  	_ =	swait.ge @!p0 [sflag:s0], $0x4000  }
0x20a: {  	s23 =	sor.u32 $0x1, s23;
	[sflag:s0] =	ssyncset.done @!p0 $0x0  }
0x20b: {  	s24 =	sshll.u32 s23, $0x6;
	[sflag:s0] =	ssyncadd.s32 @!p0 $0xFFFFC000  }
0x20c: {  	v1 =	vld [tilespmem:s24+$0x10000];
	_ =	sdelay $0x4  }
0x20d: {  	v1 =	vadd.f32 $1.000000000e+00, v1;
	_ =	sdelay $0x1  }
0x20e: {  	v1 =	vmul.f32 $1.600000000e+01, v1;
	_ =	sdelay $0x1  }
0x20f: {  	v2 =	vtrunc.f32 v1  }
0x210: {  	v3 =	vcvt.f32.s32 v2;
	vm0 =	vlt.f32 v1, v2  }
0x211: {  	v2 =	vsel vm0, $0xFFFFFFFF, v0  }
0x212: {  	v2 =	vadd.s32 v3, v2  }
0x213: {  	v3 =	vadd.s32 $0x1, v2  }
0x214: {  	vm5 =	vgt.s32 v3, $0x0  }
0x215: {  	vm6 =	vgt.s32 v2, $0x0;
	v3 =	vnsel vm5, $0x0, v3  }
0x216: {  	v2 =	vnsel vm6, $0x0, v2;
	v3 =	vmin.u32 v3, $0x1F  }
0x217: {  	v2 =	vmin.u32 v2, $0x1F;
	v5 =	vcvt.s32.f32 v3  }
0x218: {  	v6 =	vcvt.s32.f32 v2;
	v4 =	vshll.u32 v2, $0x4  }
0x219: {  	v3 =	vshll.u32 v3, $0x4;
	(v2sf) =	vpush v4, $0x0;
	v2 =	vsub.f32 v5, v1  }
0x21a: {  	(v2sf) =	vpush v3, $0x0;
	v1 =	vsub.f32 v1, v6  }
0x21b: {  	(v2sf) =	vpush v2, $0x0  }
0x21c: {  	(v2sf) =	vpush v1, $0x0  }
0x21d: {  	(v2sf) =	vpush v4, $0x1  }
0x21e: {  	(v2sf) =	vpush v3, $0x1  }
0x21f: {  	(v2sf) =	vpush v2, $0x1  }
0x220: {  	(v2sf) =	vpush v1, $0x1  }
0x221: {  	(v2sf) =	vpush v4, $0x2  }
0x222: {  	(v2sf) =	vpush v3, $0x2  }
0x223: {  	(v2sf) =	vpush v2, $0x2  }
0x224: {  	(v2sf) =	vpush v1, $0x2  }
0x225: {  	(v2sf) =	vpush v4, $0x3  }
0x226: {  	(v2sf) =	vpush v3, $0x3  }
0x227: {  	(v2sf) =	vpush v2, $0x3  }
0x228: {  	s25 =	spop (v2sf);
	(v2sf) =	vpush v1, $0x3  }
0x229: {  	[smem:$0x0] =	sst s25;
	s26 =	spop (v2sf);
	(v2sf) =	vpush v4, $0x4  }
0x22a: {  	[smem:$0x80] =	sst s26;
	s30 =	spop (v2sf);
	(v2sf) =	vpush v3, $0x4  }
0x22b: {  	[smem:$0x200] =	sst s30;
	s31 =	spop (v2sf);
	(v2sf) =	vpush v2, $0x4  }
0x22c: {  	[smem:$0x280] =	sst s31;
	s1 =	spop (v2sf);
	(v2sf) =	vpush v1, $0x4  }
0x22d: {  	[smem:$0x1] =	sst s1;
	s3 =	spop (v2sf);
	(v2sf) =	vpush v4, $0x5  }
0x22e: {  	[smem:$0x81] =	sst s3;
	s6 =	spop (v2sf);
	(v2sf) =	vpush v3, $0x5  }
0x22f: {  	[smem:$0x201] =	sst s6;
	s7 =	spop (v2sf);
	(v2sf) =	vpush v2, $0x5  }
0x230: {  	[smem:$0x281] =	sst s7;
	s8 =	spop (v2sf);
	(v2sf) =	vpush v1, $0x5  }
0x231: {  	[smem:$0x2] =	sst s8;
	s9 =	spop (v2sf);
	(v2sf) =	vpush v4, $0x6  }
0x232: {  	[smem:$0x82] =	sst s9;
	s10 =	spop (v2sf);
	(v2sf) =	vpush v3, $0x6  }
0x233: {  	[smem:$0x202] =	sst s10;
	s11 =	spop (v2sf);
	(v2sf) =	vpush v2, $0x6  }
0x234: {  	[smem:$0x282] =	sst s11;
	s14 =	spop (v2sf);
	(v2sf) =	vpush v1, $0x6  }
0x235: {  	[smem:$0x3] =	sst s14;
	s16 =	spop (v2sf);
	(v2sf) =	vpush v4, $0x7  }
0x236: {  	[smem:$0x83] =	sst s16;
	s18 =	spop (v2sf);
	(v2sf) =	vpush v3, $0x7  }
0x237: {  	[smem:$0x203] =	sst s18;
	s19 =	spop (v2sf);
	(v2sf) =	vpush v2, $0x7  }
0x238: {  	[smem:$0x283] =	sst s19;
	s20 =	spop (v2sf);
	(v2sf) =	vpush v1, $0x7  }
0x239: {  	[smem:$0x4] =	sst s20;
	s21 =	spop (v2sf);
	(v2sf) =	vpush v4, $0x8  }
0x23a: {  	[smem:$0x84] =	sst s21;
	s25 =	spop (v2sf);
	(v2sf) =	vpush v3, $0x8  }
0x23b: {  	[smem:$0x204] =	sst s25;
	s26 =	spop (v2sf);
	(v2sf) =	vpush v2, $0x8  }
0x23c: {  	[smem:$0x284] =	sst s26;
	s30 =	spop (v2sf);
	(v2sf) =	vpush v1, $0x8  }
0x23d: {  	[smem:$0x5] =	sst s30;
	s31 =	spop (v2sf);
	(v2sf) =	vpush v4, $0x9  }
0x23e: {  	[smem:$0x85] =	sst s31;
	s1 =	spop (v2sf);
	(v2sf) =	vpush v3, $0x9  }
0x23f: {  	[smem:$0x205] =	sst s1;
	s3 =	spop (v2sf);
	(v2sf) =	vpush v2, $0x9  }
0x240: {  	[smem:$0x285] =	sst s3;
	s6 =	spop (v2sf);
	(v2sf) =	vpush v1, $0x9  }
0x241: {  	[smem:$0x6] =	sst s6;
	s7 =	spop (v2sf);
	(v2sf) =	vpush v4, $0xA  }
0x242: {  	[smem:$0x86] =	sst s7;
	s8 =	spop (v2sf);
	(v2sf) =	vpush v3, $0xA  }
0x243: {  	[smem:$0x206] =	sst s8;
	s9 =	spop (v2sf);
	(v2sf) =	vpush v2, $0xA  }
0x244: {  	[smem:$0x286] =	sst s9;
	s10 =	spop (v2sf);
	(v2sf) =	vpush v1, $0xA  }
0x245: {  	s14 =	sor.u32 $0x50, s24;
	[smem:$0x7] =	sst s10;
	s11 =	spop (v2sf);
	(v2sf) =	vpush v4, $0xB  }
0x246: {  	v47 =	vld [tilespmem:s14+$0x10000];
	[smem:$0x87] =	sst s11;
	s16 =	spop (v2sf);
	(v2sf) =	vpush v3, $0xB  }
0x247: {  	[smem:$0x207] =	sst s16;
	s18 =	spop (v2sf);
	(v2sf) =	vpush v2, $0xB  }
0x248: {  	[smem:$0x287] =	sst s18;
	s19 =	spop (v2sf);
	(v2sf) =	vpush v1, $0xB  }
0x249: {  	[smem:$0x8] =	sst s19;
	s20 =	spop (v2sf);
	(v2sf) =	vpush v4, $0xC  }
0x24a: {  	[smem:$0x88] =	sst s20;
	s21 =	spop (v2sf);
	(v2sf) =	vpush v3, $0xC  }
0x24b: {  	v5 =	vadd.f32 $1.000000000e+00, v47;
	[smem:$0x208] =	sst s21;
	s25 =	spop (v2sf);
	(v2sf) =	vpush v2, $0xC  }
0x24c: {  	[smem:$0x288] =	sst s25;
	s26 =	spop (v2sf);
	(v2sf) =	vpush v1, $0xC  }
0x24d: {  	v5 =	vmul.f32 $1.600000000e+01, v5;
	[smem:$0x9] =	sst s26;
	s30 =	spop (v2sf);
	(v2sf) =	vpush v4, $0xD  }
0x24e: {  	[smem:$0x89] =	sst s30;
	s31 =	spop (v2sf);
	(v2sf) =	vpush v3, $0xD  }
0x24f: {  	v48 =	vtrunc.f32 v5;
	[smem:$0x209] =	sst s31;
	s1 =	spop (v2sf);
	(v2sf) =	vpush v2, $0xD  }
0x250: {  	v7 =	vcvt.f32.s32 v48;
	vm7 =	vlt.f32 v5, v48;
	[smem:$0x289] =	sst s1;
	s3 =	spop (v2sf);
	(v2sf) =	vpush v1, $0xD  }
0x251: {  	v6 =	vsel vm7, $0xFFFFFFFF, v0;
	[smem:$0xA] =	sst s3;
	s6 =	spop (v2sf);
	(v2sf) =	vpush v4, $0xE  }
0x252: {  	v6 =	vadd.s32 v7, v6;
	[smem:$0x8A] =	sst s6;
	s7 =	spop (v2sf);
	(v2sf) =	vpush v3, $0xE  }
0x253: {  	v7 =	vadd.s32 $0x1, v6;
	[smem:$0x20A] =	sst s7;
	s8 =	spop (v2sf);
	(v2sf) =	vpush v2, $0xE  }
0x254: {  	vm8 =	vgt.s32 v7, $0x0;
	[smem:$0x28A] =	sst s8;
	s9 =	spop (v2sf);
	(v2sf) =	vpush v1, $0xE  }
0x255: {  	vm9 =	vgt.s32 v6, $0x0;
	v49 =	vnsel vm8, $0x0, v7;
	[smem:$0xB] =	sst s9;
	s10 =	spop (v2sf);
	(v2sf) =	vpush v4, $0xF  }
0x256: {  	v50 =	vmin.u32 v49, $0x1F;
	[smem:$0x8B] =	sst s10;
	s11 =	spop (v2sf);
	(v2sf) =	vpush v3, $0xF;
	v3 =	vnsel vm9, $0x0, v6  }
0x257: {  	[smem:$0x20B] =	sst s11;
	s14 =	spop (v2sf);
	(v2sf) =	vpush v2, $0xF;
	v2 =	vmin.u32 v3, $0x1F;
	v3 =	vcvt.s32.f32 v50  }
0x258: {  	[smem:$0x28B] =	sst s14;
	s16 =	spop (v2sf);
	(v2sf) =	vpush v1, $0xF;
	v51 =	vcvt.s32.f32 v2;
	v52 =	vshll.u32 v2, $0x4  }
0x259: {  	[smem:$0xC] =	sst s16;
	s18 =	spop (v2sf);
	v1 =	vsub.f32 v3, v5;
	v3 =	vshll.u32 v50, $0x4;
	(v2sf) =	vpush v52, $0x0  }
0x25a: {  	[smem:$0x8C] =	sst s18;
	s19 =	spop (v2sf);
	v2 =	vsub.f32 v5, v51;
	(v2sf) =	vpush v3, $0x0  }
0x25b: {  	[smem:$0x20C] =	sst s19;
	s20 =	spop (v2sf);
	(v2sf) =	vpush v1, $0x0  }
0x25c: {  	[smem:$0x28C] =	sst s20;
	s21 =	spop (v2sf);
	(v2sf) =	vpush v2, $0x0  }
0x25d: {  	[smem:$0xD] =	sst s21;
	s25 =	spop (v2sf);
	(v2sf) =	vpush v52, $0x1  }
0x25e: {  	[smem:$0x8D] =	sst s25;
	s26 =	spop (v2sf);
	(v2sf) =	vpush v3, $0x1  }
0x25f: {  	[smem:$0x20D] =	sst s26;
	s30 =	spop (v2sf);
	(v2sf) =	vpush v1, $0x1  }
0x260: {  	[smem:$0x28D] =	sst s30;
	s31 =	spop (v2sf);
	(v2sf) =	vpush v2, $0x1  }
0x261: {  	[smem:$0xE] =	sst s31;
	s1 =	spop (v2sf);
	(v2sf) =	vpush v52, $0x2  }
0x262: {  	[smem:$0x8E] =	sst s1;
	s3 =	spop (v2sf);
	(v2sf) =	vpush v3, $0x2  }
0x263: {  	[smem:$0x20E] =	sst s3;
	s6 =	spop (v2sf);
	(v2sf) =	vpush v1, $0x2  }
0x264: {  	[smem:$0x28E] =	sst s6;
	s7 =	spop (v2sf);
	(v2sf) =	vpush v2, $0x2  }
0x265: {  	[smem:$0xF] =	sst s7;
	s8 =	spop (v2sf);
	(v2sf) =	vpush v52, $0x3  }
0x266: {  	[smem:$0x8F] =	sst s8;
	s9 =	spop (v2sf);
	(v2sf) =	vpush v3, $0x3  }
0x267: {  	[smem:$0x20F] =	sst s9;
	s10 =	spop (v2sf);
	(v2sf) =	vpush v1, $0x3  }
0x268: {  	[smem:$0x28F] =	sst s10;
	s11 =	spop (v2sf);
	(v2sf) =	vpush v2, $0x3  }
0x269: {  	[smem:$0x10] =	sst s11;
	s14 =	spop (v2sf);
	(v2sf) =	vpush v52, $0x4  }
0x26a: {  	[smem:$0x90] =	sst s14;
	s16 =	spop (v2sf);
	(v2sf) =	vpush v3, $0x4  }
0x26b: {  	[smem:$0x210] =	sst s16;
	s18 =	spop (v2sf);
	(v2sf) =	vpush v1, $0x4  }
0x26c: {  	[smem:$0x290] =	sst s18;
	s19 =	spop (v2sf);
	(v2sf) =	vpush v2, $0x4  }
0x26d: {  	[smem:$0x11] =	sst s19;
	s20 =	spop (v2sf);
	(v2sf) =	vpush v52, $0x5  }
0x26e: {  	[smem:$0x91] =	sst s20;
	s21 =	spop (v2sf);
	(v2sf) =	vpush v3, $0x5  }
0x26f: {  	[smem:$0x211] =	sst s21;
	s25 =	spop (v2sf);
	(v2sf) =	vpush v1, $0x5  }
0x270: {  	[smem:$0x291] =	sst s25;
	s26 =	spop (v2sf);
	(v2sf) =	vpush v2, $0x5  }
0x271: {  	[smem:$0x12] =	sst s26;
	s30 =	spop (v2sf);
	(v2sf) =	vpush v52, $0x6  }
0x272: {  	[smem:$0x92] =	sst s30;
	s31 =	spop (v2sf);
	(v2sf) =	vpush v3, $0x6  }
0x273: {  	[smem:$0x212] =	sst s31;
	s1 =	spop (v2sf)  }
0x274: {  	[smem:$0x292] =	sst s1;
	s3 =	spop (v2sf)  }
0x275: {  	[smem:$0x13] =	sst s3;
	s6 =	spop (v2sf)  }
0x276: {  	[smem:$0x93] =	sst s6;
	s7 =	spop (v2sf)  }
0x277: {  	[smem:$0x213] =	sst s7;
	s8 =	spop (v2sf)  }
0x278: {  	[smem:$0x293] =	sst s8;
	s9 =	spop (v2sf)  }
0x279: {  	[smem:$0x14] =	sst s9;
	s10 =	spop (v2sf)  }
0x27a: {  	[smem:$0x94] =	sst s10;
	s11 =	spop (v2sf)  }
0x27b: {  	[smem:$0x214] =	sst s11;
	s14 =	spop (v2sf)  }
0x27c: {  	[smem:$0x294] =	sst s14;
	s16 =	spop (v2sf)  }
0x27d: {  	[smem:$0x15] =	sst s16;
	s18 =	spop (v2sf)  }
0x27e: {  	[smem:$0x95] =	sst s18;
	s19 =	spop (v2sf)  }
0x27f: {  	[smem:$0x215] =	sst s19;
	s20 =	spop (v2sf)  }
0x280: {  	[smem:$0x295] =	sst s20;
	s21 =	spop (v2sf)  }
0x281: {  	[smem:$0x16] =	sst s21;
	s25 =	spop (v2sf)  }
0x282: {  	[smem:$0x96] =	sst s25  }
0x283: {  	(v2sf) =	vpush v1, $0x6  }
0x284: {  	(v2sf) =	vpush v2, $0x6  }
0x285: {  	(v2sf) =	vpush v52, $0x7  }
0x286: {  	(v2sf) =	vpush v3, $0x7  }
0x287: {  	(v2sf) =	vpush v1, $0x7  }
0x288: {  	(v2sf) =	vpush v2, $0x7  }
0x289: {  	(v2sf) =	vpush v52, $0x8  }
0x28a: {  	(v2sf) =	vpush v3, $0x8  }
0x28b: {  	(v2sf) =	vpush v1, $0x8  }
0x28c: {  	(v2sf) =	vpush v2, $0x8  }
0x28d: {  	(v2sf) =	vpush v52, $0x9  }
0x28e: {  	(v2sf) =	vpush v3, $0x9  }
0x28f: {  	(v2sf) =	vpush v1, $0x9  }
0x290: {  	(v2sf) =	vpush v2, $0x9  }
0x291: {  	(v2sf) =	vpush v52, $0xA  }
0x292: {  	s26 =	spop (v2sf);
	(v2sf) =	vpush v3, $0xA  }
0x293: {  	[smem:$0x216] =	sst s26;
	s30 =	spop (v2sf);
	(v2sf) =	vpush v1, $0xA  }
0x294: {  	[smem:$0x296] =	sst s30;
	s31 =	spop (v2sf);
	(v2sf) =	vpush v2, $0xA  }
0x295: {  	s3 =	sor.u32 $0x60, s24;
	[smem:$0x17] =	sst s31;
	s1 =	spop (v2sf);
	(v2sf) =	vpush v52, $0xB  }
0x296: {  	v53 =	vld [tilespmem:s3+$0x10000];
	[smem:$0x97] =	sst s1;
	s6 =	spop (v2sf);
	(v2sf) =	vpush v3, $0xB  }
0x297: {  	[smem:$0x217] =	sst s6;
	s7 =	spop (v2sf);
	(v2sf) =	vpush v1, $0xB  }
0x298: {  	[smem:$0x297] =	sst s7;
	s8 =	spop (v2sf);
	(v2sf) =	vpush v2, $0xB  }
0x299: {  	[smem:$0x18] =	sst s8;
	s9 =	spop (v2sf);
	(v2sf) =	vpush v52, $0xC  }
0x29a: {  	[smem:$0x98] =	sst s9;
	s10 =	spop (v2sf);
	(v2sf) =	vpush v3, $0xC  }
0x29b: {  	v5 =	vadd.f32 $1.000000000e+00, v53;
	[smem:$0x218] =	sst s10;
	s11 =	spop (v2sf);
	(v2sf) =	vpush v1, $0xC  }
0x29c: {  	[smem:$0x298] =	sst s11;
	s14 =	spop (v2sf);
	(v2sf) =	vpush v2, $0xC  }
0x29d: {  	v5 =	vmul.f32 $1.600000000e+01, v5;
	[smem:$0x19] =	sst s14;
	s16 =	spop (v2sf);
	(v2sf) =	vpush v52, $0xD  }
0x29e: {  	[smem:$0x99] =	sst s16;
	s18 =	spop (v2sf);
	(v2sf) =	vpush v3, $0xD  }
0x29f: {  	v54 =	vtrunc.f32 v5;
	[smem:$0x219] =	sst s18;
	s19 =	spop (v2sf);
	(v2sf) =	vpush v1, $0xD  }
0x2a0: {  	v55 =	vcvt.f32.s32 v54;
	vm10 =	vlt.f32 v5, v54;
	[smem:$0x299] =	sst s19;
	s20 =	spop (v2sf);
	(v2sf) =	vpush v2, $0xD  }
0x2a1: {  	v6 =	vsel vm10, $0xFFFFFFFF, v0;
	[smem:$0x1A] =	sst s20;
	s21 =	spop (v2sf);
	(v2sf) =	vpush v52, $0xE  }
0x2a2: {  	v6 =	vadd.s32 v55, v6;
	[smem:$0x9A] =	sst s21;
	s25 =	spop (v2sf);
	(v2sf) =	vpush v3, $0xE  }
0x2a3: {  	v7 =	vadd.s32 $0x1, v6;
	[smem:$0x21A] =	sst s25;
	s26 =	spop (v2sf);
	(v2sf) =	vpush v1, $0xE  }
0x2a4: {  	vm11 =	vgt.s32 v7, $0x0;
	[smem:$0x29A] =	sst s26;
	s30 =	spop (v2sf);
	(v2sf) =	vpush v2, $0xE  }
0x2a5: {  	vm12 =	vgt.s32 v6, $0x0;
	v56 =	vnsel vm11, $0x0, v7;
	[smem:$0x1B] =	sst s30;
	s31 =	spop (v2sf);
	(v2sf) =	vpush v52, $0xF  }
0x2a6: {  	v57 =	vmin.u32 v56, $0x1F;
	[smem:$0x9B] =	sst s31;
	s1 =	spop (v2sf);
	(v2sf) =	vpush v3, $0xF;
	v3 =	vnsel vm12, $0x0, v6  }
0x2a7: {  	[smem:$0x21B] =	sst s1;
	s3 =	spop (v2sf);
	(v2sf) =	vpush v1, $0xF;
	v1 =	vmin.u32 v3, $0x1F;
	v3 =	vcvt.s32.f32 v57  }
0x2a8: {  	[smem:$0x29B] =	sst s3;
	s6 =	spop (v2sf);
	(v2sf) =	vpush v2, $0xF;
	v2 =	vcvt.s32.f32 v1;
	v58 =	vshll.u32 v1, $0x9  }
0x2a9: {  	[smem:$0x1C] =	sst s6;
	s7 =	spop (v2sf);
	v1 =	vsub.f32 v3, v5;
	v3 =	vshll.u32 v57, $0x9;
	(v2sf) =	vpush v58, $0x0  }
0x2aa: {  	[smem:$0x9C] =	sst s7;
	s8 =	spop (v2sf);
	v2 =	vsub.f32 v5, v2;
	(v2sf) =	vpush v3, $0x0  }
0x2ab: {  	[smem:$0x21C] =	sst s8;
	s9 =	spop (v2sf);
	(v2sf) =	vpush v1, $0x0  }
0x2ac: {  	[smem:$0x29C] =	sst s9;
	s10 =	spop (v2sf);
	(v2sf) =	vpush v2, $0x0  }
0x2ad: {  	[smem:$0x1D] =	sst s10;
	s11 =	spop (v2sf);
	(v2sf) =	vpush v58, $0x1  }
0x2ae: {  	[smem:$0x9D] =	sst s11;
	s14 =	spop (v2sf);
	(v2sf) =	vpush v3, $0x1  }
0x2af: {  	[smem:$0x21D] =	sst s14;
	s16 =	spop (v2sf);
	(v2sf) =	vpush v1, $0x1  }
0x2b0: {  	[smem:$0x29D] =	sst s16;
	s18 =	spop (v2sf);
	(v2sf) =	vpush v2, $0x1  }
0x2b1: {  	[smem:$0x1E] =	sst s18;
	s19 =	spop (v2sf);
	(v2sf) =	vpush v58, $0x2  }
0x2b2: {  	[smem:$0x9E] =	sst s19;
	s20 =	spop (v2sf);
	(v2sf) =	vpush v3, $0x2  }
0x2b3: {  	[smem:$0x21E] =	sst s20;
	s21 =	spop (v2sf);
	(v2sf) =	vpush v1, $0x2  }
0x2b4: {  	[smem:$0x29E] =	sst s21;
	s25 =	spop (v2sf);
	(v2sf) =	vpush v2, $0x2  }
0x2b5: {  	[smem:$0x1F] =	sst s25;
	s26 =	spop (v2sf);
	(v2sf) =	vpush v58, $0x3  }
0x2b6: {  	[smem:$0x9F] =	sst s26;
	s30 =	spop (v2sf);
	(v2sf) =	vpush v3, $0x3  }
0x2b7: {  	[smem:$0x21F] =	sst s30;
	s31 =	spop (v2sf);
	(v2sf) =	vpush v1, $0x3  }
0x2b8: {  	[smem:$0x29F] =	sst s31;
	s1 =	spop (v2sf);
	(v2sf) =	vpush v2, $0x3  }
0x2b9: {  	[smem:$0x100] =	sst s1;
	s3 =	spop (v2sf);
	(v2sf) =	vpush v58, $0x4  }
0x2ba: {  	[smem:$0x180] =	sst s3;
	s6 =	spop (v2sf);
	(v2sf) =	vpush v3, $0x4  }
0x2bb: {  	[smem:$0x300] =	sst s6;
	s7 =	spop (v2sf);
	(v2sf) =	vpush v1, $0x4  }
0x2bc: {  	[smem:$0x380] =	sst s7;
	s8 =	spop (v2sf);
	(v2sf) =	vpush v2, $0x4  }
0x2bd: {  	[smem:$0x101] =	sst s8;
	s9 =	spop (v2sf);
	(v2sf) =	vpush v58, $0x5  }
0x2be: {  	[smem:$0x181] =	sst s9;
	s10 =	spop (v2sf);
	(v2sf) =	vpush v3, $0x5  }
0x2bf: {  	[smem:$0x301] =	sst s10;
	s11 =	spop (v2sf);
	(v2sf) =	vpush v1, $0x5  }
0x2c0: {  	[smem:$0x381] =	sst s11;
	s14 =	spop (v2sf);
	(v2sf) =	vpush v2, $0x5  }
0x2c1: {  	[smem:$0x102] =	sst s14;
	s16 =	spop (v2sf);
	(v2sf) =	vpush v58, $0x6  }
0x2c2: {  	[smem:$0x182] =	sst s16;
	s18 =	spop (v2sf);
	(v2sf) =	vpush v3, $0x6  }
0x2c3: {  	[smem:$0x302] =	sst s18;
	s19 =	spop (v2sf);
	(v2sf) =	vpush v1, $0x6  }
0x2c4: {  	[smem:$0x382] =	sst s19;
	s20 =	spop (v2sf);
	(v2sf) =	vpush v2, $0x6  }
0x2c5: {  	[smem:$0x103] =	sst s20;
	s21 =	spop (v2sf);
	(v2sf) =	vpush v58, $0x7  }
0x2c6: {  	[smem:$0x183] =	sst s21;
	s25 =	spop (v2sf);
	(v2sf) =	vpush v3, $0x7  }
0x2c7: {  	[smem:$0x303] =	sst s25;
	s26 =	spop (v2sf);
	(v2sf) =	vpush v1, $0x7  }
0x2c8: {  	[smem:$0x383] =	sst s26;
	s30 =	spop (v2sf);
	(v2sf) =	vpush v2, $0x7  }
0x2c9: {  	[smem:$0x104] =	sst s30;
	s31 =	spop (v2sf);
	(v2sf) =	vpush v58, $0x8  }
0x2ca: {  	[smem:$0x184] =	sst s31;
	s1 =	spop (v2sf);
	(v2sf) =	vpush v3, $0x8  }
0x2cb: {  	[smem:$0x304] =	sst s1;
	s3 =	spop (v2sf);
	(v2sf) =	vpush v1, $0x8  }
0x2cc: {  	[smem:$0x384] =	sst s3;
	s6 =	spop (v2sf);
	(v2sf) =	vpush v2, $0x8  }
0x2cd: {  	[smem:$0x105] =	sst s6;
	s7 =	spop (v2sf);
	(v2sf) =	vpush v58, $0x9  }
0x2ce: {  	[smem:$0x185] =	sst s7;
	s8 =	spop (v2sf);
	(v2sf) =	vpush v3, $0x9  }
0x2cf: {  	[smem:$0x305] =	sst s8;
	s9 =	spop (v2sf);
	(v2sf) =	vpush v1, $0x9  }
0x2d0: {  	[smem:$0x385] =	sst s9;
	s10 =	spop (v2sf);
	(v2sf) =	vpush v2, $0x9  }
0x2d1: {  	[smem:$0x106] =	sst s10;
	s11 =	spop (v2sf);
	(v2sf) =	vpush v58, $0xA  }
0x2d2: {  	[smem:$0x186] =	sst s11;
	s14 =	spop (v2sf);
	(v2sf) =	vpush v3, $0xA  }
0x2d3: {  	[smem:$0x306] =	sst s14;
	s16 =	spop (v2sf);
	(v2sf) =	vpush v1, $0xA  }
0x2d4: {  	[smem:$0x386] =	sst s16;
	s18 =	spop (v2sf);
	(v2sf) =	vpush v2, $0xA  }
0x2d5: {  	s20 =	sor.u32 $0x70, s24;
	[smem:$0x107] =	sst s18;
	s19 =	spop (v2sf);
	(v2sf) =	vpush v58, $0xB  }
0x2d6: {  	v59 =	vld [tilespmem:s20+$0x10000];
	[smem:$0x187] =	sst s19;
	s21 =	spop (v2sf);
	(v2sf) =	vpush v3, $0xB  }
0x2d7: {  	[smem:$0x307] =	sst s21;
	s24 =	spop (v2sf);
	(v2sf) =	vpush v1, $0xB  }
0x2d8: {  	[smem:$0x387] =	sst s24;
	s25 =	spop (v2sf);
	(v2sf) =	vpush v2, $0xB  }
0x2d9: {  	[smem:$0x108] =	sst s25;
	s26 =	spop (v2sf);
	(v2sf) =	vpush v58, $0xC  }
0x2da: {  	[smem:$0x188] =	sst s26;
	s30 =	spop (v2sf);
	(v2sf) =	vpush v3, $0xC  }
0x2db: {  	v5 =	vadd.f32 $1.000000000e+00, v59;
	[smem:$0x308] =	sst s30;
	s31 =	spop (v2sf);
	(v2sf) =	vpush v1, $0xC  }
0x2dc: {  	[smem:$0x388] =	sst s31;
	s1 =	spop (v2sf);
	(v2sf) =	vpush v2, $0xC  }
0x2dd: {  	v5 =	vmul.f32 $1.600000000e+01, v5;
	[smem:$0x109] =	sst s1;
	s3 =	spop (v2sf);
	(v2sf) =	vpush v58, $0xD  }
0x2de: {  	[smem:$0x189] =	sst s3;
	s6 =	spop (v2sf);
	(v2sf) =	vpush v3, $0xD  }
0x2df: {  	v60 =	vtrunc.f32 v5;
	[smem:$0x309] =	sst s6;
	s7 =	spop (v2sf);
	(v2sf) =	vpush v1, $0xD  }
0x2e0: {  	v61 =	vcvt.f32.s32 v60;
	vm13 =	vlt.f32 v5, v60;
	[smem:$0x389] =	sst s7;
	s8 =	spop (v2sf);
	(v2sf) =	vpush v2, $0xD  }
0x2e1: {  	v6 =	vsel vm13, $0xFFFFFFFF, v0;
	[smem:$0x10A] =	sst s8;
	s9 =	spop (v2sf);
	(v2sf) =	vpush v58, $0xE  }
0x2e2: {  	v6 =	vadd.s32 v61, v6;
	[smem:$0x18A] =	sst s9;
	s10 =	spop (v2sf);
	(v2sf) =	vpush v3, $0xE  }
0x2e3: {  	v7 =	vadd.s32 $0x1, v6;
	[smem:$0x30A] =	sst s10;
	s11 =	spop (v2sf);
	(v2sf) =	vpush v1, $0xE  }
0x2e4: {  	vm14 =	vgt.s32 v7, $0x0;
	[smem:$0x38A] =	sst s11;
	s14 =	spop (v2sf);
	(v2sf) =	vpush v2, $0xE  }
0x2e5: {  	vm15 =	vgt.s32 v6, $0x0;
	v62 =	vnsel vm14, $0x0, v7;
	(v2sf) =	vpush v58, $0xF;
	[smem:$0x10B] =	sst s14;
	s16 =	spop (v2sf)  }
0x2e6: {  	v4 =	vmin.u32 v62, $0x1F;
	(v2sf) =	vpush v3, $0xF;
	s18 =	spop (v2sf);
	v3 =	vnsel vm15, $0x0, v6;
	[smem:$0x18B] =	sst s16  }
0x2e7: {  	v63 =	vcvt.s32.f32 v4;
	[smem:$0x30B] =	sst s18;
	s19 =	spop (v2sf);
	(v2sf) =	vpush v1, $0xF;
	v1 =	vmin.u32 v3, $0x1F  }
0x2e8: {  	[smem:$0x38B] =	sst s19;
	s20 =	spop (v2sf);
	(v2sf) =	vpush v2, $0xF;
	v2 =	vcvt.s32.f32 v1;
	v3 =	vshll.u32 v1, $0x9  }
0x2e9: {  	v4 =	vshll.u32 v4, $0x9;
	v1 =	vsub.f32 v63, v5;
	[smem:$0x10C] =	sst s20;
	s21 =	spop (v2sf);
	(v2sf) =	vpush v3, $0x0  }
0x2ea: {  	[smem:$0x18C] =	sst s21;
	s24 =	spop (v2sf);
	v2 =	vsub.f32 v5, v2;
	(v2sf) =	vpush v4, $0x0  }
0x2eb: {  	[smem:$0x30C] =	sst s24;
	s25 =	spop (v2sf);
	(v2sf) =	vpush v1, $0x0  }
0x2ec: {  	[smem:$0x38C] =	sst s25;
	s26 =	spop (v2sf);
	(v2sf) =	vpush v2, $0x0  }
0x2ed: {  	[smem:$0x10D] =	sst s26;
	s30 =	spop (v2sf);
	(v2sf) =	vpush v3, $0x1  }
0x2ee: {  	[smem:$0x18D] =	sst s30;
	s31 =	spop (v2sf);
	(v2sf) =	vpush v4, $0x1  }
0x2ef: {  	[smem:$0x30D] =	sst s31;
	s1 =	spop (v2sf);
	(v2sf) =	vpush v1, $0x1  }
0x2f0: {  	[smem:$0x38D] =	sst s1;
	s3 =	spop (v2sf);
	(v2sf) =	vpush v2, $0x1  }
0x2f1: {  	[smem:$0x10E] =	sst s3;
	s6 =	spop (v2sf);
	(v2sf) =	vpush v3, $0x2  }
0x2f2: {  	[smem:$0x18E] =	sst s6;
	s7 =	spop (v2sf);
	(v2sf) =	vpush v4, $0x2  }
0x2f3: {  	[smem:$0x30E] =	sst s7;
	s8 =	spop (v2sf);
	(v2sf) =	vpush v1, $0x2  }
0x2f4: {  	[smem:$0x38E] =	sst s8;
	s9 =	spop (v2sf);
	(v2sf) =	vpush v2, $0x2  }
0x2f5: {  	[smem:$0x10F] =	sst s9;
	s10 =	spop (v2sf);
	(v2sf) =	vpush v3, $0x3  }
0x2f6: {  	[smem:$0x18F] =	sst s10;
	s11 =	spop (v2sf);
	(v2sf) =	vpush v4, $0x3  }
0x2f7: {  	[smem:$0x30F] =	sst s11;
	s14 =	spop (v2sf);
	(v2sf) =	vpush v1, $0x3  }
0x2f8: {  	[smem:$0x38F] =	sst s14;
	s16 =	spop (v2sf);
	(v2sf) =	vpush v2, $0x3  }
0x2f9: {  	[smem:$0x110] =	sst s16;
	s18 =	spop (v2sf);
	(v2sf) =	vpush v3, $0x4  }
0x2fa: {  	[smem:$0x190] =	sst s18;
	s19 =	spop (v2sf);
	(v2sf) =	vpush v4, $0x4  }
0x2fb: {  	[smem:$0x310] =	sst s19;
	s20 =	spop (v2sf);
	(v2sf) =	vpush v1, $0x4  }
0x2fc: {  	[smem:$0x390] =	sst s20;
	s21 =	spop (v2sf);
	(v2sf) =	vpush v2, $0x4  }
0x2fd: {  	[smem:$0x111] =	sst s21;
	s24 =	spop (v2sf);
	(v2sf) =	vpush v3, $0x5  }
0x2fe: {  	[smem:$0x191] =	sst s24;
	s25 =	spop (v2sf);
	(v2sf) =	vpush v4, $0x5  }
0x2ff: {  	[smem:$0x311] =	sst s25;
	s26 =	spop (v2sf);
	(v2sf) =	vpush v1, $0x5  }
0x300: {  	[smem:$0x391] =	sst s26;
	s30 =	spop (v2sf);
	(v2sf) =	vpush v2, $0x5  }
0x301: {  	[smem:$0x112] =	sst s30;
	s31 =	spop (v2sf);
	(v2sf) =	vpush v3, $0x6  }
0x302: {  	[smem:$0x192] =	sst s31;
	s1 =	spop (v2sf);
	(v2sf) =	vpush v4, $0x6  }
0x303: {  	[smem:$0x312] =	sst s1;
	s3 =	spop (v2sf);
	(v2sf) =	vpush v1, $0x6  }
0x304: {  	[smem:$0x392] =	sst s3;
	s6 =	spop (v2sf);
	(v2sf) =	vpush v2, $0x6  }
0x305: {  	[smem:$0x113] =	sst s6;
	s7 =	spop (v2sf);
	(v2sf) =	vpush v3, $0x7  }
0x306: {  	[smem:$0x193] =	sst s7;
	s8 =	spop (v2sf);
	(v2sf) =	vpush v4, $0x7  }
0x307: {  	[smem:$0x313] =	sst s8;
	s9 =	spop (v2sf);
	(v2sf) =	vpush v1, $0x7  }
0x308: {  	[smem:$0x393] =	sst s9;
	s10 =	spop (v2sf);
	(v2sf) =	vpush v2, $0x7  }
0x309: {  	[smem:$0x114] =	sst s10;
	s11 =	spop (v2sf);
	(v2sf) =	vpush v3, $0x8  }
0x30a: {  	[smem:$0x194] =	sst s11;
	s14 =	spop (v2sf);
	(v2sf) =	vpush v4, $0x8  }
0x30b: {  	[smem:$0x314] =	sst s14;
	s16 =	spop (v2sf);
	(v2sf) =	vpush v1, $0x8  }
0x30c: {  	[smem:$0x394] =	sst s16;
	s18 =	spop (v2sf);
	(v2sf) =	vpush v2, $0x8  }
0x30d: {  	[smem:$0x115] =	sst s18;
	s19 =	spop (v2sf);
	(v2sf) =	vpush v3, $0x9  }
0x30e: {  	[smem:$0x195] =	sst s19;
	s20 =	spop (v2sf);
	(v2sf) =	vpush v4, $0x9  }
0x30f: {  	[smem:$0x315] =	sst s20;
	s21 =	spop (v2sf);
	(v2sf) =	vpush v1, $0x9  }
0x310: {  	[smem:$0x395] =	sst s21;
	s24 =	spop (v2sf);
	(v2sf) =	vpush v2, $0x9  }
0x311: {  	[smem:$0x116] =	sst s24;
	s25 =	spop (v2sf);
	(v2sf) =	vpush v3, $0xA  }
0x312: {  	[smem:$0x196] =	sst s25;
	s26 =	spop (v2sf);
	(v2sf) =	vpush v4, $0xA  }
0x313: {  	[smem:$0x316] =	sst s26;
	s30 =	spop (v2sf);
	(v2sf) =	vpush v1, $0xA  }
0x314: {  	[smem:$0x396] =	sst s30;
	s31 =	spop (v2sf);
	(v2sf) =	vpush v2, $0xA  }
0x315: {  	[smem:$0x117] =	sst s31;
	s1 =	spop (v2sf);
	(v2sf) =	vpush v3, $0xB  }
0x316: {  	[smem:$0x197] =	sst s1;
	s3 =	spop (v2sf);
	(v2sf) =	vpush v4, $0xB  }
0x317: {  	[smem:$0x317] =	sst s3;
	s6 =	spop (v2sf);
	(v2sf) =	vpush v1, $0xB  }
0x318: {  	[smem:$0x397] =	sst s6;
	s7 =	spop (v2sf);
	(v2sf) =	vpush v2, $0xB  }
0x319: {  	[smem:$0x118] =	sst s7;
	s8 =	spop (v2sf);
	(v2sf) =	vpush v3, $0xC  }
0x31a: {  	[smem:$0x198] =	sst s8;
	s9 =	spop (v2sf);
	(v2sf) =	vpush v4, $0xC  }
0x31b: {  	[smem:$0x318] =	sst s9;
	s10 =	spop (v2sf);
	(v2sf) =	vpush v1, $0xC  }
0x31c: {  	[smem:$0x398] =	sst s10;
	s11 =	spop (v2sf);
	(v2sf) =	vpush v2, $0xC  }
0x31d: {  	[smem:$0x119] =	sst s11;
	s14 =	spop (v2sf);
	(v2sf) =	vpush v3, $0xD  }
0x31e: {  	[smem:$0x199] =	sst s14;
	s16 =	spop (v2sf);
	(v2sf) =	vpush v4, $0xD  }
0x31f: {  	[smem:$0x319] =	sst s16;
	s18 =	spop (v2sf);
	(v2sf) =	vpush v1, $0xD  }
0x320: {  	[smem:$0x399] =	sst s18;
	s19 =	spop (v2sf);
	(v2sf) =	vpush v2, $0xD  }
0x321: {  	[smem:$0x11A] =	sst s19;
	s20 =	spop (v2sf);
	(v2sf) =	vpush v3, $0xE  }
0x322: {  	[smem:$0x19A] =	sst s20;
	s21 =	spop (v2sf);
	(v2sf) =	vpush v4, $0xE  }
0x323: {  	[smem:$0x31A] =	sst s21;
	s24 =	spop (v2sf);
	(v2sf) =	vpush v1, $0xE  }
0x324: {  	[smem:$0x39A] =	sst s24;
	s25 =	spop (v2sf);
	(v2sf) =	vpush v2, $0xE  }
0x325: {  	[smem:$0x11B] =	sst s25;
	s26 =	spop (v2sf);
	(v2sf) =	vpush v3, $0xF  }
0x326: {  	[smem:$0x19B] =	sst s26;
	s30 =	spop (v2sf);
	(v2sf) =	vpush v4, $0xF  }
0x327: {  	[smem:$0x31B] =	sst s30;
	s31 =	spop (v2sf);
	(v2sf) =	vpush v1, $0xF  }
0x328: {  	[smem:$0x39B] =	sst s31;
	s1 =	spop (v2sf);
	(v2sf) =	vpush v2, $0xF  }
0x329: {  	s3 =	spop (v2sf);
	[smem:$0x11C] =	sst s1  }
0x32a: {  	s6 =	spop (v2sf);
	[smem:$0x19C] =	sst s3  }
0x32b: {  	s7 =	spop (v2sf);
	[smem:$0x31C] =	sst s6  }
0x32c: {  	s8 =	spop (v2sf);
	[smem:$0x39C] =	sst s7  }
0x32d: {  	s9 =	spop (v2sf);
	[smem:$0x11D] =	sst s8  }
0x32e: {  	s10 =	spop (v2sf);
	[smem:$0x19D] =	sst s9  }
0x32f: {  	s11 =	spop (v2sf);
	[smem:$0x31D] =	sst s10  }
0x330: {  	s14 =	spop (v2sf);
	[smem:$0x39D] =	sst s11  }
0x331: {  	s16 =	spop (v2sf);
	[smem:$0x11E] =	sst s14  }
0x332: {  	s29 =	simm.s32 $0x0;
	s18 =	spop (v2sf);
	[smem:$0x19E] =	sst s16  }
0x333: {  	s28 =	simm.s32 $0xC270;
	s19 =	spop (v2sf);
	[smem:$0x31E] =	sst s18  }
0x334: {  	s24 =	sor.u32 s5, s23;
	s20 =	spop (v2sf);
	[smem:$0x39E] =	sst s19  }
0x335: {  	s26 =	sshll.u32 s24, $0xB;
	s21 =	spop (v2sf);
	[smem:$0x11F] =	sst s20  }
0x336: {  	s30 =	sshll.u32 s23, $0x4;
	s25 =	spop (v2sf);
	[smem:$0x19F] =	sst s21  }
0x337: {  	s23 =	sand.u32 $0xFFFC000, s26;
	[smem:$0x31F] =	sst s25;
	s31 =	spop (v2sf)  }
0x338: {  	s26 =	simm.s32 $0xC040;
	s25 =	sand.u32 $0x70, s30;
	[smem:$0x39F] =	sst s31  }
.LBB2_9:
0x339: {  	s0 =	sor.u32 $0x100, s29  }
0x33a: {  	s1 =	sor.u32 $0x180, s29;
	s0 =	sld [smem:s0+$0x0]  }
0x33b: {  	s1 =	sld [smem:s1+$0x0];
	_ =	sdelay $0x1  }
0x33c: {  	s0 =	sadd.s32 $0x4000, s0  }
0x33d: {  	s6 =	sld [smem:s29+$0x300];
	s19 =	sadd.s32 $0x4000, s1;
	v2 =	vmov s0  }
0x33e: {  	s8 =	sld [smem:s29+$0x380];
	v1 =	vmov s19  }
0x33f: {  	s20 =	sld [smem:$0x7]  }
0x340: {  	s21 =	sld [smem:$0x80]  }
0x341: {  	s3 =	sld [smem:$0x87]  }
0x342: {  	s7 =	sld [smem:$0x1];
	v3 =	vld.idx.msk [tilespmem:v2+s20+$0x0 ss:$0x1], $0xffff  }
0x343: {  	s9 =	sld [smem:$0x81];
	v4 =	vld.idx.msk [tilespmem:v1+s20+$0x0 ss:$0x1], $0xffff  }
0x344: {  	s1 =	sld [smem:$0x2];
	v5 =	vld.idx.msk [tilespmem:v2+s3+$0x0 ss:$0x1], $0xffff  }
0x345: {  	s10 =	sld [smem:$0x82];
	v6 =	vld.idx.msk [tilespmem:v1+s3+$0x0 ss:$0x1], $0xffff  }
0x346: {  	v8 =	vld.idx.msk [tilespmem:v2+s21+$0x0 ss:$0x1], $0xffff;
	s11 =	sld [smem:$0x207]  }
0x347: {  	v9 =	vld.idx.msk [tilespmem:v1+s21+$0x0 ss:$0x1], $0xffff;
	s0 =	sld [smem:$0x287]  }
0x348: {  	v10 =	vld.idx.msk [tilespmem:v2+s7+$0x0 ss:$0x1], $0xffff;
	s14 =	sld [smem:$0x3]  }
0x349: {  	v11 =	vld.idx.msk [tilespmem:v1+s7+$0x0 ss:$0x1], $0xffff;
	s16 =	sld [smem:$0x83]  }
0x34a: {  	v12 =	vld.idx.msk [tilespmem:v2+s9+$0x0 ss:$0x1], $0xffff;
	v3 =	vmul.f32 s11, v3;
	v4 =	vmul.f32 s11, v4;
	s18 =	sld [smem:$0x4]  }
0x34b: {  	v13 =	vld.idx.msk [tilespmem:v1+s9+$0x0 ss:$0x1], $0xffff;
	v5 =	vmul.f32 s0, v5;
	v6 =	vmul.f32 s0, v6;
	s9 =	sld [smem:$0x84]  }
0x34c: {  	v14 =	vld.idx.msk [tilespmem:v2+s1+$0x0 ss:$0x1], $0xffff;
	s20 =	sld [smem:$0x5]  }
0x34d: {  	v15 =	vld.idx.msk [tilespmem:v1+s1+$0x0 ss:$0x1], $0xffff;
	v5 =	vadd.f32 v5, v3;
	v6 =	vadd.f32 v6, v4;
	s1 =	sld [smem:$0x85]  }
0x34e: {  	v3 =	vmov s6;
	v4 =	vmov s8;
	v16 =	vld.idx.msk [tilespmem:v2+s10+$0x0 ss:$0x1], $0xffff;
	s7 =	sld [smem:$0x6]  }
0x34f: {  	v17 =	vld.idx.msk [tilespmem:v1+s10+$0x0 ss:$0x1], $0xffff;
	v5 =	vmul.f32 v5, v3;
	v6 =	vmul.f32 v6, v4;
	s3 =	sld [smem:$0x86]  }
0x350: {  	s31 =	sld [smem:$0x0];
	v18 =	vld.idx.msk [tilespmem:v2+s14+$0x0 ss:$0x1], $0xffff  }
0x351: {  	v5 =	vadd.f32 v6, v5;
	s10 =	sld [smem:$0x200];
	v19 =	vld.idx.msk [tilespmem:v1+s14+$0x0 ss:$0x1], $0xffff  }
0x352: {  	s11 =	sld [smem:$0x280];
	v20 =	vld.idx.msk [tilespmem:v2+s16+$0x0 ss:$0x1], $0xffff  }
0x353: {  	v21 =	vld.idx.msk [tilespmem:v2+s31+$0x0 ss:$0x1], $0xffff;
	s14 =	sld [smem:$0x201];
	[tilespmem:s26+$0x30] =	vst v5  }
0x354: {  	v5 =	vld.idx.msk [tilespmem:v1+s31+$0x0 ss:$0x1], $0xffff;
	s0 =	sld [smem:$0x281]  }
0x355: {  	s31 =	sld [smem:$0x202];
	v22 =	vld.idx.msk [tilespmem:v1+s16+$0x0 ss:$0x1], $0xffff;
	v26 =	vmul.f32 s11, v8;
	v27 =	vmul.f32 s11, v9  }
0x356: {  	s16 =	sld [smem:$0x282];
	v23 =	vld.idx.msk [tilespmem:v2+s18+$0x0 ss:$0x1], $0xffff;
	v6 =	vmul.f32 s14, v10;
	v10 =	vmul.f32 s14, v11  }
0x357: {  	s21 =	sld [smem:$0x203];
	v24 =	vld.idx.msk [tilespmem:v1+s18+$0x0 ss:$0x1], $0xffff;
	v11 =	vmul.f32 s0, v12;
	v12 =	vmul.f32 s0, v13  }
0x358: {  	s18 =	sld [smem:$0x283];
	v25 =	vld.idx.msk [tilespmem:v2+s9+$0x0 ss:$0x1], $0xffff;
	v13 =	vmul.f32 s31, v14;
	v14 =	vmul.f32 s31, v15  }
0x359: {  	s30 =	sld [smem:$0x204];
	v7 =	vld.idx.msk [tilespmem:v1+s9+$0x0 ss:$0x1], $0xffff;
	v6 =	vadd.f32 v11, v6;
	v11 =	vmul.f32 s10, v21;
	v15 =	vmul.f32 s16, v16  }
0x35a: {  	v21 =	vmul.f32 s10, v5;
	v5 =	vadd.f32 v12, v10;
	v12 =	vmul.f32 s16, v17;
	s19 =	sld [smem:$0x284];
	v8 =	vld.idx.msk [tilespmem:v2+s20+$0x0 ss:$0x1], $0xffff  }
0x35b: {  	v63 =	vmul.f32 s21, v18;
	v19 =	vmul.f32 s21, v19;
	s11 =	sld [smem:$0x205];
	v9 =	vld.idx.msk [tilespmem:v1+s20+$0x0 ss:$0x1], $0xffff;
	v16 =	vadd.f32 v26, v11  }
0x35c: {  	v28 =	vmul.f32 s18, v20;
	v17 =	vadd.f32 v27, v21;
	v21 =	vmul.f32 s18, v22;
	s6 =	sld [smem:$0x285];
	v10 =	vld.idx.msk [tilespmem:v2+s1+$0x0 ss:$0x1], $0xffff  }
0x35d: {  	s0 =	simm.s32 $0x0;
	s10 =	simm.s32 $0x88;
	v13 =	vadd.f32 v15, v13;
	v14 =	vadd.f32 v12, v14;
	v11 =	vld.idx.msk [tilespmem:v1+s1+$0x0 ss:$0x1], $0xffff;
	v20 =	vmul.f32 s30, v23;
	s9 =	sld [smem:$0x206]  }
0x35e: {  	v18 =	vmul.f32 s30, v24;
	s1 =	simm.s32 $0x280;
	s30 =	smov.u32 s26;
	v12 =	vadd.f32 v28, v63;
	v22 =	vmul.f32 s19, v25;
	s8 =	sld [smem:$0x286];
	v15 =	vld.idx.msk [tilespmem:v2+s7+$0x0 ss:$0x1], $0xffff  }
.LBB2_10:
0x35f: {  	s14 =	sld [smem:s10+$0xFFFFFF87];
	v16 =	vmul.f32 v16, v3;
	v19 =	vadd.f32 v21, v19;
	v7 =	vmul.f32 s19, v7;
	v21 =	vld.idx.msk [tilespmem:v1+s7+$0x0 ss:$0x1], $0xffff  }
0x360: {  	v17 =	vmul.f32 v17, v4;
	v8 =	vmul.f32 s11, v8;
	s7 =	sld [smem:s10+$0x0];
	v20 =	vadd.f32 v22, v20;
	v22 =	vld.idx.msk [tilespmem:v2+s3+$0x0 ss:$0x1], $0xffff  }
0x361: {  	v6 =	vmul.f32 v6, v3;
	v9 =	vmul.f32 s11, v9;
	s16 =	sld [smem:s10+$0x7];
	v7 =	vadd.f32 v7, v18;
	v18 =	vld.idx.msk [tilespmem:v1+s3+$0x0 ss:$0x1], $0xffff  }
0x362: {  	s0 =	sadd.s32 $0x8, s0;
	v5 =	vmul.f32 v5, v4;
	v16 =	vadd.f32 v17, v16;
	v10 =	vmul.f32 s6, v10;
	s3 =	sld [smem:s10+$0xFFFFFF81];
	v23 =	vld.idx.msk [tilespmem:v2+s14+$0x0 ss:$0x1], $0xffff  }
0x363: {  	v13 =	vmul.f32 v13, v3;
	p0 =	slt.u32 s0, $0x18;
	v11 =	vmul.f32 s6, v11;
	s18 =	sld [smem:s10+$0x1];
	v17 =	vld.idx.msk [tilespmem:v1+s14+$0x0 ss:$0x1], $0xffff  }
0x364: {  	v14 =	vmul.f32 v14, v4;
	v8 =	vadd.f32 v10, v8;
	v10 =	vmul.f32 s9, v15;
	s14 =	sld [smem:s10+$0xFFFFFF82];
	v24 =	vld.idx.msk [tilespmem:v2+s16+$0x0 ss:$0x1], $0xffff;
	[tilespmem:s30+$0xFFFFFFC0] =	vst v16  }
0x365: {  	s1 =	sadd.s32 $0x8, s1;
	v12 =	vmul.f32 v12, v3;
	v9 =	vadd.f32 v11, v9;
	v11 =	vmul.f32 s9, v21;
	s20 =	sld [smem:s10+$0x2];
	v15 =	vld.idx.msk [tilespmem:v1+s16+$0x0 ss:$0x1], $0xffff  }
0x366: {  	v5 =	vadd.f32 v5, v6;
	v6 =	vmul.f32 v19, v4;
	v19 =	vmul.f32 s8, v22;
	v16 =	vld.idx.msk [tilespmem:v2+s7+$0x0 ss:$0x1], $0xffff;
	s6 =	sld [smem:s1+$0xFFFFFF87]  }
0x367: {  	v13 =	vadd.f32 v14, v13;
	v14 =	vmul.f32 v20, v3;
	v18 =	vmul.f32 s8, v18;
	v21 =	vld.idx.msk [tilespmem:v1+s7+$0x0 ss:$0x1], $0xffff;
	s7 =	sld [smem:s1+$0x7]  }
0x368: {  	v7 =	vmul.f32 v7, v4;
	v8 =	vmul.f32 v8, v3;
	v10 =	vadd.f32 v19, v10;
	v20 =	vld.idx.msk [tilespmem:v2+s3+$0x0 ss:$0x1], $0xffff;
	s16 =	sld [smem:s10+$0xFFFFFF83]  }
0x369: {  	v6 =	vadd.f32 v6, v12;
	v9 =	vmul.f32 v9, v4;
	v11 =	vadd.f32 v18, v11;
	v19 =	vld.idx.msk [tilespmem:v1+s3+$0x0 ss:$0x1], $0xffff;
	s19 =	sld [smem:s10+$0x3]  }
0x36a: {  	v18 =	vmul.f32 s6, v23;
	v12 =	vld.idx.msk [tilespmem:v2+s18+$0x0 ss:$0x1], $0xffff;
	s11 =	sld [smem:s10+$0xFFFFFF84];
	v22 =	vmul.f32 s7, v24;
	[tilespmem:s30+$0xFFFFFFD0] =	vst v5;
	v5 =	vadd.f32 v7, v14  }
0x36b: {  	v8 =	vadd.f32 v9, v8;
	v14 =	vmul.f32 s6, v17;
	v15 =	vmul.f32 s7, v15;
	v7 =	vld.idx.msk [tilespmem:v1+s18+$0x0 ss:$0x1], $0xffff;
	s9 =	sld [smem:s10+$0x4];
	[tilespmem:s30+$0xFFFFFFE0] =	vst v13  }
0x36c: {  	v9 =	vld.idx.msk [tilespmem:v2+s14+$0x0 ss:$0x1], $0xffff;
	s6 =	sld [smem:s10+$0xFFFFFF85];
	[tilespmem:s30+$0xFFFFFFF0] =	vst v6;
	v6 =	vmul.f32 v10, v3;
	v10 =	vmul.f32 v11, v4  }
0x36d: {  	v13 =	vadd.f32 v22, v18;
	v14 =	vadd.f32 v15, v14;
	v11 =	vld.idx.msk [tilespmem:v1+s14+$0x0 ss:$0x1], $0xffff;
	s8 =	sld [smem:s10+$0x5];
	[tilespmem:s30+$0x0] =	vst v5  }
0x36e: {  	v5 =	vld.idx.msk [tilespmem:v2+s20+$0x0 ss:$0x1], $0xffff;
	s7 =	sld [smem:s10+$0xFFFFFF86];
	[tilespmem:s30+$0x10] =	vst v8;
	v6 =	vadd.f32 v10, v6  }
0x36f: {  	v10 =	vmul.f32 v13, v3;
	v13 =	vmul.f32 v14, v4;
	v8 =	vld.idx.msk [tilespmem:v1+s20+$0x0 ss:$0x1], $0xffff;
	s3 =	sld [smem:s10+$0x6]  }
0x370: {  	s14 =	sld [smem:s10+$0xFFFFFF80];
	v14 =	vld.idx.msk [tilespmem:v2+s16+$0x0 ss:$0x1], $0xffff;
	[tilespmem:s30+$0x20] =	vst v6  }
0x371: {  	v6 =	vadd.f32 v13, v10;
	s18 =	sld [smem:s1+$0xFFFFFF80];
	v15 =	vld.idx.msk [tilespmem:v1+s16+$0x0 ss:$0x1], $0xffff  }
0x372: {  	s30 =	sadd.s32 $0x80, s30;
	s16 =	sld [smem:s1+$0x0];
	v10 =	vld.idx.msk [tilespmem:v2+s19+$0x0 ss:$0x1], $0xffff  }
0x373: {  	v13 =	vld.idx.msk [tilespmem:v2+s14+$0x0 ss:$0x1], $0xffff;
	s20 =	sld [smem:s1+$0xFFFFFF81];
	[tilespmem:s30+$0x30] =	vst v6  }
0x374: {  	v17 =	vld.idx.msk [tilespmem:v1+s14+$0x0 ss:$0x1], $0xffff;
	s14 =	sld [smem:s1+$0x1]  }
0x375: {  	v16 =	vmul.f32 s16, v16;
	v18 =	vmul.f32 s16, v21;
	s16 =	sld [smem:s1+$0xFFFFFF82];
	v21 =	vld.idx.msk [tilespmem:v1+s19+$0x0 ss:$0x1], $0xffff  }
0x376: {  	v6 =	vmul.f32 s20, v20;
	v19 =	vmul.f32 s20, v19;
	s19 =	sld [smem:s1+$0x2];
	v20 =	vld.idx.msk [tilespmem:v2+s11+$0x0 ss:$0x1], $0xffff  }
0x377: {  	v12 =	vmul.f32 s14, v12;
	v22 =	vmul.f32 s14, v7;
	s14 =	sld [smem:s1+$0xFFFFFF83];
	v23 =	vld.idx.msk [tilespmem:v1+s11+$0x0 ss:$0x1], $0xffff  }
0x378: {  	v24 =	vmul.f32 s16, v9;
	v25 =	vmul.f32 s16, v11;
	s16 =	sld [smem:s1+$0x3];
	v26 =	vld.idx.msk [tilespmem:v2+s9+$0x0 ss:$0x1], $0xffff  }
0x379: {  	v9 =	vmul.f32 s18, v13;
	v6 =	vadd.f32 v12, v6;
	v11 =	vmul.f32 s19, v5;
	s20 =	sld [smem:s1+$0xFFFFFF84];
	v7 =	vld.idx.msk [tilespmem:v1+s9+$0x0 ss:$0x1], $0xffff  }
.Ltmp5:
0x37a: {  	v12 =	vmul.f32 s18, v17;
	v5 =	vadd.f32 v22, v19;
	v22 =	vmul.f32 s19, v8;
	s19 =	sld [smem:s1+$0x4];
	v8 =	vld.idx.msk [tilespmem:v2+s6+$0x0 ss:$0x1], $0xffff;
	(pc) =	sbr.rel @p0 .LBB2_10-.Ltmp5, $4  }
0x37b: {  	v16 =	vadd.f32 v16, v9;
	v27 =	vmul.f32 s14, v14;
	v28 =	vmul.f32 s16, v10;
	s11 =	sld [smem:s1+$0xFFFFFF85];
	v9 =	vld.idx.msk [tilespmem:v1+s6+$0x0 ss:$0x1], $0xffff  }
0x37c: {  	v19 =	vmul.f32 s14, v15;
	v17 =	vadd.f32 v18, v12;
	v21 =	vmul.f32 s16, v21;
	s6 =	sld [smem:s1+$0x5];
	v10 =	vld.idx.msk [tilespmem:v2+s8+$0x0 ss:$0x1], $0xffff  }
0x37d: {  	v13 =	vadd.f32 v11, v24;
	v20 =	vmul.f32 s20, v20;
	v18 =	vmul.f32 s20, v23;
	v11 =	vld.idx.msk [tilespmem:v1+s8+$0x0 ss:$0x1], $0xffff;
	s9 =	sld [smem:s1+$0xFFFFFF86]  }
0x37e: {  	s10 =	sadd.s32 $0x8, s10;
	v14 =	vadd.f32 v22, v25;
	v12 =	vadd.f32 v28, v27;
	v22 =	vmul.f32 s19, v26;
	s8 =	sld [smem:s1+$0x6];
	v15 =	vld.idx.msk [tilespmem:v2+s7+$0x0 ss:$0x1], $0xffff  }
0x37f: {  	_ =	sdelay $0x2  }
0x380: {  	v16 =	vmul.f32 v16, v3  }
0x381: {  	v7 =	vmul.f32 s19, v7;
	v23 =	vld.idx.msk [tilespmem:v1+s7+$0x0 ss:$0x1], $0xffff;
	v17 =	vmul.f32 v17, v4  }
0x382: {  	v8 =	vmul.f32 s11, v8;
	v2 =	vld.idx.msk [tilespmem:v2+s3+$0x0 ss:$0x1], $0xffff;
	v6 =	vmul.f32 v6, v3  }
0x383: {  	v19 =	vadd.f32 v21, v19;
	v1 =	vld.idx.msk [tilespmem:v1+s3+$0x0 ss:$0x1], $0xffff;
	v5 =	vmul.f32 v5, v4;
	v13 =	vmul.f32 v13, v3  }
0x384: {  	v20 =	vadd.f32 v22, v20;
	v9 =	vmul.f32 s11, v9;
	v10 =	vmul.f32 s6, v10  }
0x385: {  	v14 =	vmul.f32 v14, v4;
	v7 =	vadd.f32 v7, v18;
	v11 =	vmul.f32 s6, v11  }
0x386: {  	v12 =	vmul.f32 v12, v3;
	v16 =	vadd.f32 v17, v16;
	v8 =	vadd.f32 v10, v8  }
0x387: {  	v10 =	vmul.f32 s9, v15;
	v9 =	vadd.f32 v11, v9;
	v11 =	vmul.f32 s9, v23  }
0x388: {  	v5 =	vadd.f32 v5, v6;
	v2 =	vmul.f32 s8, v2;
	v1 =	vmul.f32 s8, v1  }
0x389: {  	v6 =	vmul.f32 v19, v4;
	v13 =	vadd.f32 v14, v13;
	v14 =	vmul.f32 v20, v3  }
0x38a: {  	s0 =	sor.u32 $0x101, s29;
	[tilespmem:s30+$0xFFFFFFC0] =	vst v16;
	v7 =	vmul.f32 v7, v4;
	v2 =	vadd.f32 v2, v10;
	v1 =	vadd.f32 v1, v11  }
0x38b: {  	s1 =	sor.u32 $0x181, s29;
	s0 =	sld [smem:s0+$0x0];
	v6 =	vadd.f32 v6, v12;
	[tilespmem:s30+$0xFFFFFFD0] =	vst v5;
	v8 =	vmul.f32 v8, v3;
	v9 =	vmul.f32 v9, v4  }
0x38c: {  	s1 =	sld [smem:s1+$0x0];
	[tilespmem:s30+$0xFFFFFFE0] =	vst v13;
	v5 =	vadd.f32 v7, v14;
	v2 =	vmul.f32 v2, v3;
	v1 =	vmul.f32 v1, v4  }
0x38d: {  	[tilespmem:s30+$0xFFFFFFF0] =	vst v6;
	v3 =	vadd.f32 v9, v8  }
0x38e: {  	s0 =	sadd.s32 $0x4000, s0;
	[tilespmem:s30+$0x0] =	vst v5;
	v1 =	vadd.f32 v1, v2  }
0x38f: {  	s6 =	sld [smem:s29+$0x301];
	s11 =	sadd.s32 $0x4000, s1;
	[tilespmem:s30+$0x10] =	vst v3;
	v2 =	vmov s0  }
0x390: {  	s8 =	sld [smem:s29+$0x381];
	[tilespmem:s30+$0x20] =	vst v1;
	v1 =	vmov s11  }
0x391: {  	s14 =	sld [smem:$0x7]  }
0x392: {  	s16 =	sld [smem:$0x80]  }
0x393: {  	s18 =	sld [smem:$0x87]  }
0x394: {  	s19 =	sld [smem:$0x1];
	v3 =	vld.idx.msk [tilespmem:v2+s14+$0x0 ss:$0x1], $0xffff  }
0x395: {  	s20 =	sld [smem:$0x81];
	v4 =	vld.idx.msk [tilespmem:v1+s14+$0x0 ss:$0x1], $0xffff  }
0x396: {  	s1 =	sld [smem:$0x2];
	v5 =	vld.idx.msk [tilespmem:v2+s18+$0x0 ss:$0x1], $0xffff  }
0x397: {  	s10 =	sld [smem:$0x82];
	v6 =	vld.idx.msk [tilespmem:v1+s18+$0x0 ss:$0x1], $0xffff  }
0x398: {  	v8 =	vld.idx.msk [tilespmem:v2+s16+$0x0 ss:$0x1], $0xffff;
	s21 =	sld [smem:$0x207]  }
0x399: {  	v9 =	vld.idx.msk [tilespmem:v1+s16+$0x0 ss:$0x1], $0xffff;
	s0 =	sld [smem:$0x287]  }
0x39a: {  	v10 =	vld.idx.msk [tilespmem:v2+s19+$0x0 ss:$0x1], $0xffff;
	s14 =	sld [smem:$0x3]  }
0x39b: {  	v11 =	vld.idx.msk [tilespmem:v1+s19+$0x0 ss:$0x1], $0xffff;
	s16 =	sld [smem:$0x83]  }
0x39c: {  	v12 =	vld.idx.msk [tilespmem:v2+s20+$0x0 ss:$0x1], $0xffff;
	v3 =	vmul.f32 s21, v3;
	v4 =	vmul.f32 s21, v4;
	s18 =	sld [smem:$0x4]  }
0x39d: {  	v13 =	vld.idx.msk [tilespmem:v1+s20+$0x0 ss:$0x1], $0xffff;
	v5 =	vmul.f32 s0, v5;
	v6 =	vmul.f32 s0, v6;
	s9 =	sld [smem:$0x84]  }
0x39e: {  	v14 =	vld.idx.msk [tilespmem:v2+s1+$0x0 ss:$0x1], $0xffff;
	s20 =	sld [smem:$0x5]  }
0x39f: {  	v15 =	vld.idx.msk [tilespmem:v1+s1+$0x0 ss:$0x1], $0xffff;
	v5 =	vadd.f32 v5, v3;
	v6 =	vadd.f32 v6, v4;
	s1 =	sld [smem:$0x85]  }
0x3a0: {  	v3 =	vmov s6;
	v4 =	vmov s8;
	v16 =	vld.idx.msk [tilespmem:v2+s10+$0x0 ss:$0x1], $0xffff;
	s7 =	sld [smem:$0x6]  }
0x3a1: {  	v17 =	vld.idx.msk [tilespmem:v1+s10+$0x0 ss:$0x1], $0xffff;
	v5 =	vmul.f32 v5, v3;
	v6 =	vmul.f32 v6, v4;
	s3 =	sld [smem:$0x86]  }
0x3a2: {  	s31 =	sld [smem:$0x0];
	v18 =	vld.idx.msk [tilespmem:v2+s14+$0x0 ss:$0x1], $0xffff  }
0x3a3: {  	v5 =	vadd.f32 v6, v5;
	s10 =	sld [smem:$0x200];
	v19 =	vld.idx.msk [tilespmem:v1+s14+$0x0 ss:$0x1], $0xffff  }
0x3a4: {  	s11 =	sld [smem:$0x280];
	v20 =	vld.idx.msk [tilespmem:v2+s16+$0x0 ss:$0x1], $0xffff  }
0x3a5: {  	v21 =	vld.idx.msk [tilespmem:v2+s31+$0x0 ss:$0x1], $0xffff;
	s14 =	sld [smem:$0x201];
	[tilespmem:s28+$0x0] =	vst v5  }
0x3a6: {  	v5 =	vld.idx.msk [tilespmem:v1+s31+$0x0 ss:$0x1], $0xffff;
	s0 =	sld [smem:$0x281]  }
0x3a7: {  	s31 =	sld [smem:$0x202];
	v22 =	vld.idx.msk [tilespmem:v1+s16+$0x0 ss:$0x1], $0xffff;
	v26 =	vmul.f32 s11, v8;
	v27 =	vmul.f32 s11, v9  }
0x3a8: {  	s16 =	sld [smem:$0x282];
	v23 =	vld.idx.msk [tilespmem:v2+s18+$0x0 ss:$0x1], $0xffff;
	v6 =	vmul.f32 s14, v10;
	v10 =	vmul.f32 s14, v11  }
0x3a9: {  	s21 =	sld [smem:$0x203];
	v24 =	vld.idx.msk [tilespmem:v1+s18+$0x0 ss:$0x1], $0xffff;
	v11 =	vmul.f32 s0, v12;
	v12 =	vmul.f32 s0, v13  }
0x3aa: {  	s18 =	sld [smem:$0x283];
	v25 =	vld.idx.msk [tilespmem:v2+s9+$0x0 ss:$0x1], $0xffff;
	v13 =	vmul.f32 s31, v14;
	v14 =	vmul.f32 s31, v15  }
0x3ab: {  	s30 =	sld [smem:$0x204];
	v7 =	vld.idx.msk [tilespmem:v1+s9+$0x0 ss:$0x1], $0xffff;
	v6 =	vadd.f32 v11, v6;
	v11 =	vmul.f32 s10, v21;
	v15 =	vmul.f32 s16, v16  }
0x3ac: {  	v21 =	vmul.f32 s10, v5;
	v5 =	vadd.f32 v12, v10;
	v12 =	vmul.f32 s16, v17;
	s19 =	sld [smem:$0x284];
	v8 =	vld.idx.msk [tilespmem:v2+s20+$0x0 ss:$0x1], $0xffff  }
0x3ad: {  	v63 =	vmul.f32 s21, v18;
	v19 =	vmul.f32 s21, v19;
	s11 =	sld [smem:$0x205];
	v9 =	vld.idx.msk [tilespmem:v1+s20+$0x0 ss:$0x1], $0xffff;
	v16 =	vadd.f32 v26, v11  }
0x3ae: {  	v28 =	vmul.f32 s18, v20;
	v17 =	vadd.f32 v27, v21;
	v21 =	vmul.f32 s18, v22;
	s6 =	sld [smem:$0x285];
	v10 =	vld.idx.msk [tilespmem:v2+s1+$0x0 ss:$0x1], $0xffff  }
0x3af: {  	s0 =	simm.s32 $0x0;
	s10 =	simm.s32 $0x88;
	v13 =	vadd.f32 v15, v13;
	v14 =	vadd.f32 v12, v14;
	v11 =	vld.idx.msk [tilespmem:v1+s1+$0x0 ss:$0x1], $0xffff;
	v20 =	vmul.f32 s30, v23;
	s9 =	sld [smem:$0x206]  }
0x3b0: {  	v18 =	vmul.f32 s30, v24;
	s1 =	simm.s32 $0x280;
	s30 =	smov.u32 s28;
	v12 =	vadd.f32 v28, v63;
	v22 =	vmul.f32 s19, v25;
	s8 =	sld [smem:$0x286];
	v15 =	vld.idx.msk [tilespmem:v2+s7+$0x0 ss:$0x1], $0xffff  }
.LBB2_12:
0x3b1: {  	s14 =	sld [smem:s10+$0xFFFFFF87];
	v16 =	vmul.f32 v16, v3;
	v19 =	vadd.f32 v21, v19;
	v7 =	vmul.f32 s19, v7;
	v21 =	vld.idx.msk [tilespmem:v1+s7+$0x0 ss:$0x1], $0xffff  }
0x3b2: {  	v17 =	vmul.f32 v17, v4;
	v8 =	vmul.f32 s11, v8;
	s7 =	sld [smem:s10+$0x0];
	v20 =	vadd.f32 v22, v20;
	v22 =	vld.idx.msk [tilespmem:v2+s3+$0x0 ss:$0x1], $0xffff  }
0x3b3: {  	v6 =	vmul.f32 v6, v3;
	v9 =	vmul.f32 s11, v9;
	s16 =	sld [smem:s10+$0x7];
	v7 =	vadd.f32 v7, v18;
	v18 =	vld.idx.msk [tilespmem:v1+s3+$0x0 ss:$0x1], $0xffff  }
0x3b4: {  	s0 =	sadd.s32 $0x8, s0;
	v5 =	vmul.f32 v5, v4;
	v16 =	vadd.f32 v17, v16;
	v10 =	vmul.f32 s6, v10;
	s3 =	sld [smem:s10+$0xFFFFFF81];
	v23 =	vld.idx.msk [tilespmem:v2+s14+$0x0 ss:$0x1], $0xffff  }
0x3b5: {  	v13 =	vmul.f32 v13, v3;
	p0 =	slt.u32 s0, $0x18;
	v11 =	vmul.f32 s6, v11;
	s18 =	sld [smem:s10+$0x1];
	v17 =	vld.idx.msk [tilespmem:v1+s14+$0x0 ss:$0x1], $0xffff  }
0x3b6: {  	v14 =	vmul.f32 v14, v4;
	v8 =	vadd.f32 v10, v8;
	v10 =	vmul.f32 s9, v15;
	s14 =	sld [smem:s10+$0xFFFFFF82];
	v24 =	vld.idx.msk [tilespmem:v2+s16+$0x0 ss:$0x1], $0xffff;
	[tilespmem:s30+$0xFFFFFF90] =	vst v16  }
0x3b7: {  	s1 =	sadd.s32 $0x8, s1;
	v12 =	vmul.f32 v12, v3;
	v9 =	vadd.f32 v11, v9;
	v11 =	vmul.f32 s9, v21;
	s20 =	sld [smem:s10+$0x2];
	v15 =	vld.idx.msk [tilespmem:v1+s16+$0x0 ss:$0x1], $0xffff  }
0x3b8: {  	v5 =	vadd.f32 v5, v6;
	v6 =	vmul.f32 v19, v4;
	v19 =	vmul.f32 s8, v22;
	v16 =	vld.idx.msk [tilespmem:v2+s7+$0x0 ss:$0x1], $0xffff;
	s6 =	sld [smem:s1+$0xFFFFFF87]  }
0x3b9: {  	v13 =	vadd.f32 v14, v13;
	v14 =	vmul.f32 v20, v3;
	v18 =	vmul.f32 s8, v18;
	v21 =	vld.idx.msk [tilespmem:v1+s7+$0x0 ss:$0x1], $0xffff;
	s7 =	sld [smem:s1+$0x7]  }
0x3ba: {  	v7 =	vmul.f32 v7, v4;
	v8 =	vmul.f32 v8, v3;
	v10 =	vadd.f32 v19, v10;
	v20 =	vld.idx.msk [tilespmem:v2+s3+$0x0 ss:$0x1], $0xffff;
	s16 =	sld [smem:s10+$0xFFFFFF83]  }
0x3bb: {  	v6 =	vadd.f32 v6, v12;
	v9 =	vmul.f32 v9, v4;
	v11 =	vadd.f32 v18, v11;
	v19 =	vld.idx.msk [tilespmem:v1+s3+$0x0 ss:$0x1], $0xffff;
	s19 =	sld [smem:s10+$0x3]  }
0x3bc: {  	v18 =	vmul.f32 s6, v23;
	v12 =	vld.idx.msk [tilespmem:v2+s18+$0x0 ss:$0x1], $0xffff;
	s11 =	sld [smem:s10+$0xFFFFFF84];
	v22 =	vmul.f32 s7, v24;
	[tilespmem:s30+$0xFFFFFFA0] =	vst v5;
	v5 =	vadd.f32 v7, v14  }
0x3bd: {  	v8 =	vadd.f32 v9, v8;
	v14 =	vmul.f32 s6, v17;
	v15 =	vmul.f32 s7, v15;
	v7 =	vld.idx.msk [tilespmem:v1+s18+$0x0 ss:$0x1], $0xffff;
	s9 =	sld [smem:s10+$0x4];
	[tilespmem:s30+$0xFFFFFFB0] =	vst v13  }
0x3be: {  	v9 =	vld.idx.msk [tilespmem:v2+s14+$0x0 ss:$0x1], $0xffff;
	s6 =	sld [smem:s10+$0xFFFFFF85];
	[tilespmem:s30+$0xFFFFFFC0] =	vst v6;
	v6 =	vmul.f32 v10, v3;
	v10 =	vmul.f32 v11, v4  }
0x3bf: {  	v13 =	vadd.f32 v22, v18;
	v14 =	vadd.f32 v15, v14;
	v11 =	vld.idx.msk [tilespmem:v1+s14+$0x0 ss:$0x1], $0xffff;
	s8 =	sld [smem:s10+$0x5];
	[tilespmem:s30+$0xFFFFFFD0] =	vst v5  }
0x3c0: {  	v5 =	vld.idx.msk [tilespmem:v2+s20+$0x0 ss:$0x1], $0xffff;
	s7 =	sld [smem:s10+$0xFFFFFF86];
	[tilespmem:s30+$0xFFFFFFE0] =	vst v8;
	v6 =	vadd.f32 v10, v6  }
0x3c1: {  	v10 =	vmul.f32 v13, v3;
	v13 =	vmul.f32 v14, v4;
	v8 =	vld.idx.msk [tilespmem:v1+s20+$0x0 ss:$0x1], $0xffff;
	s3 =	sld [smem:s10+$0x6]  }
0x3c2: {  	s14 =	sld [smem:s10+$0xFFFFFF80];
	v14 =	vld.idx.msk [tilespmem:v2+s16+$0x0 ss:$0x1], $0xffff;
	[tilespmem:s30+$0xFFFFFFF0] =	vst v6  }
0x3c3: {  	v6 =	vadd.f32 v13, v10;
	s18 =	sld [smem:s1+$0xFFFFFF80];
	v15 =	vld.idx.msk [tilespmem:v1+s16+$0x0 ss:$0x1], $0xffff  }
0x3c4: {  	s30 =	sadd.s32 $0x80, s30;
	s16 =	sld [smem:s1+$0x0];
	v10 =	vld.idx.msk [tilespmem:v2+s19+$0x0 ss:$0x1], $0xffff  }
0x3c5: {  	v13 =	vld.idx.msk [tilespmem:v2+s14+$0x0 ss:$0x1], $0xffff;
	s20 =	sld [smem:s1+$0xFFFFFF81];
	[tilespmem:s30+$0x0] =	vst v6  }
0x3c6: {  	v17 =	vld.idx.msk [tilespmem:v1+s14+$0x0 ss:$0x1], $0xffff;
	s14 =	sld [smem:s1+$0x1]  }
0x3c7: {  	v16 =	vmul.f32 s16, v16;
	v18 =	vmul.f32 s16, v21;
	s16 =	sld [smem:s1+$0xFFFFFF82];
	v21 =	vld.idx.msk [tilespmem:v1+s19+$0x0 ss:$0x1], $0xffff  }
0x3c8: {  	v6 =	vmul.f32 s20, v20;
	v19 =	vmul.f32 s20, v19;
	s19 =	sld [smem:s1+$0x2];
	v20 =	vld.idx.msk [tilespmem:v2+s11+$0x0 ss:$0x1], $0xffff  }
0x3c9: {  	v12 =	vmul.f32 s14, v12;
	v22 =	vmul.f32 s14, v7;
	s14 =	sld [smem:s1+$0xFFFFFF83];
	v23 =	vld.idx.msk [tilespmem:v1+s11+$0x0 ss:$0x1], $0xffff  }
0x3ca: {  	v24 =	vmul.f32 s16, v9;
	v25 =	vmul.f32 s16, v11;
	s16 =	sld [smem:s1+$0x3];
	v26 =	vld.idx.msk [tilespmem:v2+s9+$0x0 ss:$0x1], $0xffff  }
0x3cb: {  	v9 =	vmul.f32 s18, v13;
	v6 =	vadd.f32 v12, v6;
	v11 =	vmul.f32 s19, v5;
	s20 =	sld [smem:s1+$0xFFFFFF84];
	v7 =	vld.idx.msk [tilespmem:v1+s9+$0x0 ss:$0x1], $0xffff  }
.Ltmp6:
0x3cc: {  	v12 =	vmul.f32 s18, v17;
	v5 =	vadd.f32 v22, v19;
	v22 =	vmul.f32 s19, v8;
	s19 =	sld [smem:s1+$0x4];
	v8 =	vld.idx.msk [tilespmem:v2+s6+$0x0 ss:$0x1], $0xffff;
	(pc) =	sbr.rel @p0 .LBB2_12-.Ltmp6, $4  }
0x3cd: {  	v16 =	vadd.f32 v16, v9;
	v27 =	vmul.f32 s14, v14;
	v28 =	vmul.f32 s16, v10;
	s11 =	sld [smem:s1+$0xFFFFFF85];
	v9 =	vld.idx.msk [tilespmem:v1+s6+$0x0 ss:$0x1], $0xffff  }
0x3ce: {  	v19 =	vmul.f32 s14, v15;
	v17 =	vadd.f32 v18, v12;
	v21 =	vmul.f32 s16, v21;
	s6 =	sld [smem:s1+$0x5];
	v10 =	vld.idx.msk [tilespmem:v2+s8+$0x0 ss:$0x1], $0xffff  }
0x3cf: {  	v13 =	vadd.f32 v11, v24;
	v20 =	vmul.f32 s20, v20;
	v18 =	vmul.f32 s20, v23;
	v11 =	vld.idx.msk [tilespmem:v1+s8+$0x0 ss:$0x1], $0xffff;
	s9 =	sld [smem:s1+$0xFFFFFF86]  }
0x3d0: {  	s10 =	sadd.s32 $0x8, s10;
	v14 =	vadd.f32 v22, v25;
	v12 =	vadd.f32 v28, v27;
	v22 =	vmul.f32 s19, v26;
	s8 =	sld [smem:s1+$0x6];
	v15 =	vld.idx.msk [tilespmem:v2+s7+$0x0 ss:$0x1], $0xffff  }
0x3d1: {  	_ =	sdelay $0x2  }
0x3d2: {  	v16 =	vmul.f32 v16, v3  }
0x3d3: {  	v7 =	vmul.f32 s19, v7;
	v23 =	vld.idx.msk [tilespmem:v1+s7+$0x0 ss:$0x1], $0xffff;
	v17 =	vmul.f32 v17, v4  }
0x3d4: {  	v8 =	vmul.f32 s11, v8;
	v2 =	vld.idx.msk [tilespmem:v2+s3+$0x0 ss:$0x1], $0xffff;
	v6 =	vmul.f32 v6, v3  }
0x3d5: {  	v19 =	vadd.f32 v21, v19;
	v1 =	vld.idx.msk [tilespmem:v1+s3+$0x0 ss:$0x1], $0xffff;
	v5 =	vmul.f32 v5, v4;
	v13 =	vmul.f32 v13, v3  }
0x3d6: {  	v20 =	vadd.f32 v22, v20;
	v9 =	vmul.f32 s11, v9;
	v14 =	vmul.f32 v14, v4  }
0x3d7: {  	v12 =	vmul.f32 v12, v3;
	v7 =	vadd.f32 v7, v18;
	v10 =	vmul.f32 s6, v10  }
0x3d8: {  	v16 =	vadd.f32 v17, v16;
	v61 =	vmul.f32 v19, v4;
	v11 =	vmul.f32 s6, v11  }
0x3d9: {  	v5 =	vadd.f32 v5, v6;
	v59 =	vmul.f32 s9, v15;
	v60 =	vmul.f32 s9, v23  }
0x3da: {  	v13 =	vadd.f32 v14, v13;
	v2 =	vmul.f32 s8, v2;
	v1 =	vmul.f32 s8, v1  }
0x3db: {  	v62 =	vmul.f32 v20, v3;
	v8 =	vadd.f32 v10, v8;
	v9 =	vadd.f32 v11, v9  }
0x3dc: {  	[tilespmem:s30+$0xFFFFFF90] =	vst v16;
	v7 =	vmul.f32 v7, v4;
	v2 =	vadd.f32 v2, v59;
	v1 =	vadd.f32 v1, v60  }
0x3dd: {  	p0 =	slt.u32 s29, $0x1E;
	v6 =	vadd.f32 v61, v12;
	[tilespmem:s30+$0xFFFFFFA0] =	vst v5;
	v8 =	vmul.f32 v8, v3;
	v9 =	vmul.f32 v9, v4  }
.Ltmp7:
0x3de: {  	[tilespmem:s30+$0xFFFFFFB0] =	vst v13;
	v63 =	vadd.f32 v7, v62;
	v2 =	vmul.f32 v2, v3;
	v1 =	vmul.f32 v1, v4;
	(pc) =	sbr.rel @p0 .LBB2_9-.Ltmp7, $4  }
0x3df: {  	[tilespmem:s30+$0xFFFFFFC0] =	vst v6;
	v3 =	vadd.f32 v9, v8  }
0x3e0: {  	[tilespmem:s30+$0xFFFFFFD0] =	vst v63;
	v1 =	vadd.f32 v1, v2  }
0x3e1: {  	s0 =	sadd.s32 $0x2, s29;
	[tilespmem:s30+$0xFFFFFFE0] =	vst v3  }
0x3e2: {  	s26 =	sadd.s32 $0x400, s26;
	s28 =	sadd.s32 $0x400, s28;
	s29 =	smov.u32 s0;
	[tilespmem:s30+$0xFFFFFFF0] =	vst v1  }
.Ltmp8:
0x3e3: {  	(pc) =	sbr.rel @p1 .LBB2_16-.Ltmp8, $4  }
0x3e4: {  	_ = 	snop  }
0x3e5: {  	s0 =	sadd.s32 s4, s25  }
0x3e6: {  	s1 =	simm.s32 $0xC000;
	s0 =	sadd.s32 s23, s0  }
0x3e7: {  	[hbm4b:s0+s12] =	stream.strided.scatter [tilespmem:s1], [sflag:$0x4], $0x4000, s13, s12, $0x38;
	[tilespmem:$0x11000] =	vst v63  }
0x3e8: {  	s0 =	sadd.s32 $0x2, s24  }
.Ltmp9:
0x3e9: {  	s1 =	sshll.u32 s0, $0x4;
	(pc) =	sbr.rel .LBB2_2-.Ltmp9, $4  }
0x3ea: {  	s0 =	sshll.u32 s0, $0xB;
	s1 =	sand.u32 $0x70, s1  }
0x3eb: {  	s0 =	sand.u32 $0xFFFC000, s0;
	s1 =	sadd.s32 s2, s1  }
0x3ec: {  	s31 =	simm.s32 $0x4000;
	s22 =	sadd.s32 $0x1, s22;
	s0 =	sadd.s32 s0, s1  }
0x3ed: {  	[tilespmem:s31], [sflag:$0x2] =	stream.strided.gather [hbm4b:s0+s12], $0x4000, s13, s12, $0x38;
	[tilespmem:$0x11000] =	vst v63  }
.LBB2_17:
0x3ee: {  	_ =	sfence.sel $0x180000  }
0x3ef: {  	[bflag:$0x0] =	sbarrier.arrive $0xFFFF  }
0x3f0: {  	_ =	strace $0x90000047  }
0x3f1: {  	s0 =	stileid.u32;
	[bflag:$0x2] =	sbarrier.arrive $0xFFFF  }
0x3f2: {  	p0 =	sne.s32 s0, $0x0;
	s0 =	rddreg [dreg:$0x2]  }
0x3f3: {  	s0 =	sadd.s32 @!p0 $0x100000, s0  }
0x3f4: {  	[sflag:s0] =	ssyncadd.tile.s32 @!p0 $0x1;
	_ =	shalt  }
.Lfunc_end2:
_tile_overlayer_lowered:
.L_overlay_start_2:
0x3f5: {  	(tag) =	ssettag $0x2  }
0x3f6: {  	s0 =	rddreg [dreg:$0x0];
	s2 =	stileid.u32  }
0x3f7: {  	s1 =	rddreg [dreg:$0x1];
	p0 =	sne.s32 s2, $0x0  }
0x3f8: {  	s3 =	rddreg [dreg:$0x2];
	[bflag:$0x3] =	sbarrier.arrive $0xFFFF;
	s2 =	simm.s32 @!p0 $0x1C05  }
0x3f9: {  	[timem:s3], [sflag:s2] =	dma.local @!p0 [hbm:s0], s1  }
0x3fa: {  	s0 =	simm.s32 @!p0 $0x5  }
0x3fb: {  	_ =	swait.ge @!p0 [sflag:s0], s1  }
0x3fc: {  	s1 =	ssub.s32 @!p0 $0x0, s1;
	[sflag:s0] =	ssyncset.done @!p0 $0x0  }
0x3fd: {  	[sflag:s0] =	ssyncadd.s32 @!p0 s1  }
0x3fe: {  	[bflag:$0x3] =	sbarrier.arrive $0xFFFF  }
0x3ff: {  	_ =	shalt  }

</sc_bundles>
